<compile_context>
chip_gen: v7x
topology: tpu7x:2x2x1
jax: 0.10.2.dev20260603
libtpu: 0.0.44.dev20260713+nightly
codegen_flags: <defaults>
</compile_context>

<pallas_src>
import functools

import jax
import jax.numpy as jnp
from jax import lax
from jax.experimental import pallas as pl
from jax.experimental.pallas import tpu as pltpu
from jax.experimental.pallas import tpu_sc as plsc

N = 10000
NPAD = 10240
D = 128
OUT = 64
NGRAPH = 64
K = 30
E = 320000
NC, NS = 2, 16
NW = NC * NS
CHUNK = 100
NCHUNK = 100
RPT = NPAD // NS
NEG = -3.4e38
BIGI = 2 ** 30

_SC_MESH = plsc.VectorSubcoreMesh(
    core_axis_name="c", subcore_axis_name="s", num_cores=NC, num_subcores=NS)
_SC_PARAMS = pltpu.CompilerParams(use_tc_tiling_on_sc=False)



def _make_hist():
    @functools.partial(
        pl.kernel,
        out_type=[jax.ShapeDtypeStruct((NC, NPAD, 16), jnp.float32),
                  jax.ShapeDtypeStruct((NC, 128, 16), jnp.float32)],
        mesh=_SC_MESH,
        compiler_params=_SC_PARAMS,
        scratch_types=[
            pltpu.VMEM((NCHUNK, CHUNK), jnp.int32),
            pltpu.VMEM((4, 80), jnp.int32),
            pltpu.VMEM((CHUNK, 16), jnp.float32),
            pltpu.VMEM_SHARED((NPAD, 16), jnp.float32),
            pltpu.VMEM_SHARED((128, 16), jnp.float32),
        ],
    )
    def hist(dsts_hbm, batch_hbm, zeros_hbm, ones_hbm, out_hbm, gout_hbm,
             dst_v, bat_v, ones_v, cnt, gcnt):
        cid = lax.axis_index("c")
        sid = lax.axis_index("s")
        wid = cid * NS + sid
        pltpu.sync_copy(zeros_hbm, cnt.at[pl.ds(sid * RPT, RPT)])

        @pl.when(sid == 0)
        def _():
            pltpu.sync_copy(zeros_hbm.at[pl.ds(0, 128)], gcnt)

        pltpu.sync_copy(ones_hbm, ones_v)
        pltpu.sync_copy(dsts_hbm.at[wid], dst_v)
        pltpu.sync_copy(batch_hbm.at[wid], bat_v)
        plsc.subcore_barrier()

        def body(c, carry):
            pltpu.sync_copy(ones_v, cnt.at[dst_v.at[c]], add=True)
            return carry

        lax.fori_loop(0, NCHUNK, body, 0)
        for j in range(4):
            pltpu.sync_copy(ones_v.at[pl.ds(0, 80)], gcnt.at[bat_v.at[j]],
                            add=True)
        plsc.subcore_barrier()
        pltpu.sync_copy(cnt.at[pl.ds(sid * RPT, RPT)],
                        out_hbm.at[cid, pl.ds(sid * RPT, RPT)])

        @pl.when(sid == 0)
        def _():
            pltpu.sync_copy(gcnt, gout_hbm.at[cid])

    return hist


def _make_edge_scatter(width):
    @functools.partial(
        pl.kernel,
        out_type=jax.ShapeDtypeStruct((NC, NPAD, width), jnp.float32),
        mesh=_SC_MESH,
        compiler_params=_SC_PARAMS,
        scratch_types=[
            pltpu.VMEM((NCHUNK, CHUNK), jnp.int32),
            pltpu.VMEM((NCHUNK, CHUNK), jnp.int32),
            pltpu.VMEM((CHUNK, width), jnp.float32),
            pltpu.VMEM((CHUNK, width), jnp.float32),
            pltpu.VMEM_SHARED((NPAD, width), jnp.float32),
            pltpu.SemaphoreType.DMA,
            pltpu.SemaphoreType.DMA,
        ],
    )
    def scat(g_hbm, srcs_hbm, dsts_hbm, zeros_hbm, out_hbm,
             src_v, dst_v, buf0, buf1, acc, sem0, sem1):
        cid = lax.axis_index("c")
        sid = lax.axis_index("s")
        wid = cid * NS + sid
        pltpu.sync_copy(zeros_hbm, acc.at[pl.ds(sid * RPT, RPT)])
        pltpu.sync_copy(srcs_hbm.at[wid], src_v)
        pltpu.sync_copy(dsts_hbm.at[wid], dst_v)
        plsc.subcore_barrier()

        pltpu.async_copy(g_hbm.at[src_v.at[0]], buf0, sem0)

        def body(it, carry):
            c = 2 * it
            pltpu.async_copy(g_hbm.at[src_v.at[c + 1]], buf1, sem1)
            pltpu.make_async_copy(g_hbm.at[src_v.at[c]], buf0, sem0).wait()
            pltpu.sync_copy(buf0, acc.at[dst_v.at[c]], add=True)

            @pl.when(c + 2 < NCHUNK)
            def _():
                pltpu.async_copy(g_hbm.at[src_v.at[c + 2]], buf0, sem0)

            pltpu.make_async_copy(g_hbm.at[src_v.at[c + 1]], buf1, sem1).wait()
            pltpu.sync_copy(buf1, acc.at[dst_v.at[c + 1]], add=True)
            return carry

        lax.fori_loop(0, NCHUNK // 2, body, 0)
        plsc.subcore_barrier()
        pltpu.sync_copy(acc.at[pl.ds(sid * RPT, RPT)],
                        out_hbm.at[cid, pl.ds(sid * RPT, RPT)])

    return scat


WC = 5
WIN = WC * 128
WMAX = WIN - 8


def _make_win_gather():
    @functools.partial(
        pl.kernel,
        out_type=jax.ShapeDtypeStruct((NGRAPH, WIN), jnp.float32),
        mesh=_SC_MESH,
        compiler_params=_SC_PARAMS,
        scratch_types=[
            pltpu.VMEM((128,), jnp.int32),
            pltpu.VMEM((128,), jnp.float32),
            pltpu.SemaphoreType.DMA,
        ],
    )
    def wgat(last_hbm, widx_hbm, out_hbm, idx_v, buf, sem):
        cid = lax.axis_index("c")
        sid = lax.axis_index("s")
        wid = cid * NS + sid
        for j in range(2):
            g = 2 * wid + j
            for c in range(WC):
                pltpu.sync_copy(widx_hbm.at[c, g], idx_v)
                pltpu.async_copy(last_hbm.at[idx_v], buf, sem).wait()
                pltpu.sync_copy(buf, out_hbm.at[g, pl.ds(c * 128, 128)])

    return wgat


def _make_row_gather(n_per_w):
    @functools.partial(
        pl.kernel,
        out_type=jax.ShapeDtypeStruct((NW * n_per_w, OUT), jnp.float32),
        mesh=_SC_MESH,
        compiler_params=_SC_PARAMS,
        scratch_types=[
            pltpu.VMEM((n_per_w,), jnp.int32),
            pltpu.VMEM((n_per_w, OUT), jnp.float32),
            pltpu.SemaphoreType.DMA,
        ],
    )
    def gat(h3_hbm, idx_hbm, out_hbm, idx_v, rows_v, sem):
        cid = lax.axis_index("c")
        sid = lax.axis_index("s")
        wid = cid * NS + sid
        pltpu.sync_copy(idx_hbm.at[wid], idx_v)
        pltpu.async_copy(h3_hbm.at[idx_v], rows_v, sem).wait()
        pltpu.sync_copy(rows_v, out_hbm.at[pl.ds(wid * n_per_w, n_per_w)])

    return gat



_BLK = 1024
_GRID = NPAD // _BLK


def _a0_kernel(x_ref, w_ref, p_ref, g_ref, dv_ref):
    deg = 1.0 + p_ref[0, :, 0:1] + p_ref[1, :, 0:1]
    dv = jnp.broadcast_to(lax.rsqrt(deg), (_BLK, D))
    dv_ref[...] = dv
    xw = jnp.dot(x_ref[...], w_ref[...], preferred_element_type=jnp.float32)
    g_ref[...] = dv * xw


def _a0(x, w, parts):
    return pl.pallas_call(
        _a0_kernel,
        grid=(_GRID,),
        in_specs=[
            pl.BlockSpec((_BLK, D), lambda i: (i, 0)),
            pl.BlockSpec((D, D), lambda i: (0, 0)),
            pl.BlockSpec((NC, _BLK, 16), lambda i: (0, i, 0)),
        ],
        out_specs=[pl.BlockSpec((_BLK, D), lambda i: (i, 0)),
                   pl.BlockSpec((_BLK, D), lambda i: (i, 0))],
        out_shape=[jax.ShapeDtypeStruct((NPAD, D), jnp.float32),
                   jax.ShapeDtypeStruct((NPAD, D), jnp.float32)],
    )(x, w, parts)


def _make_a_mid(wout):
    def a_kernel(acc_ref, g_ref, dv_ref, b_ref, w_ref, o_ref):
        i = pl.program_id(0)
        rows = i * _BLK + lax.broadcasted_iota(jnp.int32, (_BLK, 1), 0)
        t = dv_ref[...] * (acc_ref[0] + acc_ref[1] + g_ref[...]) + b_ref[...]
        t = jnp.where(rows < N, jax.nn.relu(t), 0.0)
        tw = jnp.dot(t, w_ref[...], preferred_element_type=jnp.float32)
        o_ref[...] = dv_ref[:, :wout] * tw

    def run(acc, g, dinvb, b, w):
        return pl.pallas_call(
            a_kernel,
            grid=(_GRID,),
            in_specs=[
                pl.BlockSpec((NC, _BLK, D), lambda i: (0, i, 0)),
                pl.BlockSpec((_BLK, D), lambda i: (i, 0)),
                pl.BlockSpec((_BLK, D), lambda i: (i, 0)),
                pl.BlockSpec((1, D), lambda i: (0, 0)),
                pl.BlockSpec((D, wout), lambda i: (0, 0)),
            ],
            out_specs=pl.BlockSpec((_BLK, wout), lambda i: (i, 0)),
            out_shape=jax.ShapeDtypeStruct((NPAD, wout), jnp.float32),
        )(acc, g, dinvb, b, w)

    return run


def _prep_kernel(acc_ref, g_ref, dv_ref, b_ref, gp_ref,
                 h3_ref, last_ref, widx_ref, lo_ref, hi_ref, ws_ref, ovf_ref):
    rows = lax.broadcasted_iota(jnp.int32, (NPAD, 1), 0)
    t = dv_ref[:, :OUT] * (acc_ref[0] + acc_ref[1] + g_ref[...]) + b_ref[...]
    h3 = jnp.where(rows < N, t, 0.0)
    h3_ref[...] = h3
    last_ref[...] = h3[:, OUT - 1:OUT]

    cnt = gp_ref[0, :NGRAPH, 0:1] + gp_ref[1, :NGRAPH, 0:1]
    gi = lax.broadcasted_iota(jnp.int32, (NGRAPH, NGRAPH), 0)
    gj = lax.broadcasted_iota(jnp.int32, (NGRAPH, NGRAPH), 1)
    lower = jnp.where(gi > gj, 1.0, 0.0)
    starts = jnp.dot(lower, cnt, preferred_element_type=jnp.float32)
    starts_i = starts.astype(jnp.int32)
    cnt_i = cnt.astype(jnp.int32)
    ws = jnp.bitwise_and(starts_i, -8)
    lo_ref[...] = starts_i - ws
    hi_ref[...] = starts_i - ws + cnt_i
    ws_ref[...] = ws
    ovf_ref[...] = jnp.max(cnt_i, keepdims=True).reshape(1, 1) > WMAX
    lane = lax.broadcasted_iota(jnp.int32, (NGRAPH, 128), 1)
    for c in range(WC):
        widx_ref[c] = jnp.minimum(ws + c * 128 + lane, NPAD - 1)


def _prep(acc, g, dinvb, b, gparts):
    return pl.pallas_call(
        _prep_kernel,
        in_specs=[
            pl.BlockSpec((NC, NPAD, OUT), lambda: (0, 0, 0)),
            pl.BlockSpec((NPAD, OUT), lambda: (0, 0)),
            pl.BlockSpec((NPAD, D), lambda: (0, 0)),
            pl.BlockSpec((1, OUT), lambda: (0, 0)),
            pl.BlockSpec((NC, 128, 16), lambda: (0, 0, 0)),
        ],
        out_specs=[pl.BlockSpec((NPAD, OUT), lambda: (0, 0)),
                   pl.BlockSpec((NPAD, 1), lambda: (0, 0)),
                   pl.BlockSpec((WC, NGRAPH, 128), lambda: (0, 0, 0)),
                   pl.BlockSpec((NGRAPH, 1), lambda: (0, 0)),
                   pl.BlockSpec((NGRAPH, 1), lambda: (0, 0)),
                   pl.BlockSpec((NGRAPH, 1), lambda: (0, 0)),
                   pl.BlockSpec((1, 1), lambda: (0, 0))],
        out_shape=[jax.ShapeDtypeStruct((NPAD, OUT), jnp.float32),
                   jax.ShapeDtypeStruct((NPAD, 1), jnp.float32),
                   jax.ShapeDtypeStruct((WC, NGRAPH, 128), jnp.int32),
                   jax.ShapeDtypeStruct((NGRAPH, 1), jnp.int32),
                   jax.ShapeDtypeStruct((NGRAPH, 1), jnp.int32),
                   jax.ShapeDtypeStruct((NGRAPH, 1), jnp.int32),
                   jax.ShapeDtypeStruct((1, 1), jnp.bool_)],
    )(acc, g, dinvb, b, gparts)


def _select_kernel(win_ref, lo_ref, hi_ref, ws_ref, idx_ref, scores_ref):
    lane = lax.broadcasted_iota(jnp.int32, (NGRAPH, WIN), 1)
    valid = (lane >= lo_ref[...]) & (lane < hi_ref[...])
    scores_ref[...] = jnp.where(valid, win_ref[...], NEG)
    tcol = lax.broadcasted_iota(jnp.int32, (NGRAPH, 32), 1)

    def body(t, carry):
        prev_ix, acc_idx = carry
        s = jnp.where(lane == prev_ix, NEG, scores_ref[...])
        scores_ref[...] = s
        m = jnp.max(s, axis=1, keepdims=True)
        cand = jnp.where(s >= m, lane, BIGI)
        ix = jnp.min(cand, axis=1, keepdims=True)
        node = jnp.where(m > -1e38, ws_ref[...] + ix, N)
        acc_idx = jnp.where(tcol == t, node, acc_idx)
        return ix, acc_idx

    _, acc_idx = lax.fori_loop(
        0, 32, body,
        (jnp.full((NGRAPH, 1), -1, jnp.int32),
         jnp.zeros((NGRAPH, 32), jnp.int32)))
    idx_ref[...] = acc_idx


def _select(win, lo, hi, ws):
    return pl.pallas_call(
        _select_kernel,
        in_specs=[
            pl.BlockSpec((NGRAPH, WIN), lambda: (0, 0)),
            pl.BlockSpec((NGRAPH, 1), lambda: (0, 0)),
            pl.BlockSpec((NGRAPH, 1), lambda: (0, 0)),
            pl.BlockSpec((NGRAPH, 1), lambda: (0, 0)),
        ],
        out_specs=pl.BlockSpec((NGRAPH, 32), lambda: (0, 0)),
        out_shape=jax.ShapeDtypeStruct((NGRAPH, 32), jnp.int32),
        scratch_shapes=[pltpu.VMEM((NGRAPH, WIN), jnp.float32)],
    )(win, lo, hi, ws)


def _topk_full_kernel(h3_ref, batch_ref, idx_ref, scores_ref):
    iota_g = lax.broadcasted_iota(jnp.int32, (NPAD, NGRAPH), 1)
    iota_n = lax.broadcasted_iota(jnp.int32, (NPAD, NGRAPH), 0)
    last = h3_ref[:, OUT - 1:OUT]
    eq = batch_ref[...] == iota_g
    scores_ref[...] = jnp.where(eq, jnp.broadcast_to(last, (NPAD, NGRAPH)), NEG)

    def body(t, prev_ix):
        s = jnp.where(iota_n == prev_ix, NEG, scores_ref[...])
        scores_ref[...] = s
        m = jnp.max(s, axis=0, keepdims=True)
        cand = jnp.where(s >= m, iota_n, BIGI)
        ix = jnp.min(cand, axis=0, keepdims=True)
        idx_ref[pl.ds(t, 1), :] = jnp.where(m > -1e38, ix, N)
        return ix

    lax.fori_loop(0, 32, body, jnp.full((1, NGRAPH), -1, jnp.int32))


def _topk_full(h3, batch2d):
    return pl.pallas_call(
        _topk_full_kernel,
        in_specs=[
            pl.BlockSpec((NPAD, OUT), lambda: (0, 0)),
            pl.BlockSpec((NPAD, 1), lambda: (0, 0)),
        ],
        out_specs=pl.BlockSpec((32, NGRAPH), lambda: (0, 0)),
        out_shape=jax.ShapeDtypeStruct((32, NGRAPH), jnp.int32),
        scratch_shapes=[pltpu.VMEM((NPAD, NGRAPH), jnp.float32)],
    )(h3, batch2d)



def kernel(x, edge_index, batch, W0, b0, W1, b1, W2, b2):
    xp = jnp.pad(x, ((0, NPAD - N), (0, 0)))
    npad_tail = NPAD - N
    srcs = edge_index[0].reshape(NW, NCHUNK, CHUNK)
    dsts = edge_index[1].reshape(NW, NCHUNK, CHUNK)
    batch2d = jnp.pad(batch, (0, NPAD - N), constant_values=NGRAPH)[:, None]
    z16 = jnp.zeros((RPT, 16), jnp.float32)
    z128 = jnp.zeros((RPT, D), jnp.float32)
    z64 = jnp.zeros((RPT, OUT), jnp.float32)
    ones16 = jnp.ones((CHUNK, 16), jnp.float32)

    batch_pad = jnp.concatenate(
        [batch, NGRAPH + (jnp.arange(NPAD - N, dtype=jnp.int32) % NGRAPH)])
    batch_chunks = batch_pad.reshape(NW, 4, 80)

    deg_parts, g_parts = _make_hist()(dsts, batch_chunks, z16, ones16)

    scat128 = _make_edge_scatter(D)
    g0, dinvb = _a0(xp, W0, deg_parts)
    acc0 = scat128(g0, srcs, dsts, z128)
    g1 = _make_a_mid(D)(acc0, g0, dinvb, b0.reshape(1, D), W1)
    acc1 = scat128(g1, srcs, dsts, z128)
    g2 = _make_a_mid(OUT)(acc1, g1, dinvb, b1.reshape(1, D), W2)
    acc2 = _make_edge_scatter(OUT)(g2, srcs, dsts, z64)

    h3, lastc, widx, lo, hi, ws, ovf = _prep(
        acc2, g2, dinvb, b2.reshape(1, OUT), g_parts)
    win = _make_win_gather()(lastc.reshape(NPAD), widx)

    def fast(_):
        return _select(win, lo, hi, ws)

    def slow(_):
        return _topk_full(h3, batch2d).T

    idx_gk = lax.cond(ovf[0, 0], slow, fast, 0)
    idx_flat = idx_gk[:, :K].reshape(-1)
    n_per_w = 64
    dummy = N + (jnp.arange(NW * n_per_w - NGRAPH * K, dtype=jnp.int32) % npad_tail)
    idx_pad = jnp.concatenate([idx_flat, dummy]).reshape(NW, n_per_w)
    rows = _make_row_gather(n_per_w)(h3, idx_pad)
    return rows[:NGRAPH * K].reshape(NGRAPH, K * OUT)

# --- scband reference (transcript-rebuilt; emitter-appended) ---
"""Pipeline reference for scband-swap-pred-gnn-25494925869555 (READ-ONLY COPY).

The authoritative reference and input builder live on the scoring server;
editing this copy changes nothing except your own understanding.
"""

import jax, jax.numpy as jnp
import numpy as np

N_NODES = 10000
N_EDGES = 320000
D_FEAT = 128
HIDDEN = [128, 128]
OUT_CH = 64
POOL_K = 30
N_GRAPHS = 64


def _glorot(k, shape):
    lim = (6.0 / (shape[0] + shape[1])) ** 0.5
    return jax.random.uniform(k, shape, jnp.float32, -lim, lim)


def setup_inputs(seed: int = 0) -> dict:
    key = jax.random.key(seed)
    ks = jax.random.split(key, 8)
    x = jax.random.normal(ks[0], (N_NODES, D_FEAT), dtype=jnp.float32)
    edge_index = jax.random.randint(ks[1], (2, N_EDGES), 0, N_NODES, dtype=jnp.int32)
    batch = jnp.sort(jax.random.randint(ks[2], (N_NODES,), 0, N_GRAPHS, dtype=jnp.int32))
    W0 = _glorot(ks[3], (D_FEAT, HIDDEN[0]))
    b0 = jnp.zeros((HIDDEN[0],), jnp.float32)
    W1 = _glorot(ks[4], (HIDDEN[0], HIDDEN[1]))
    b1 = jnp.zeros((HIDDEN[1],), jnp.float32)
    W2 = _glorot(ks[5], (HIDDEN[1], OUT_CH))
    b2 = jnp.zeros((OUT_CH,), jnp.float32)
    return {"x": x, "edge_index": edge_index, "batch": batch,
            "W0": W0, "b0": b0, "W1": W1, "b1": b1, "W2": W2, "b2": b2}


def _gcn(x, W, b, src, dst, n):
    # PyG GCNConv: x' = D^{-1/2} (A + I) D^{-1/2} (x W) + b  (self-loops already in src/dst)
    h = x @ W
    deg = jnp.zeros((n,), h.dtype).at[dst].add(1.0)
    dinv = jnp.where(deg > 0, jax.lax.rsqrt(deg), 0.0)
    norm = (dinv[src] * dinv[dst])[:, None]
    out = jnp.zeros((n, h.shape[1]), h.dtype).at[dst].add(h[src] * norm)
    return out + b


def _global_sort_pool(x, batch, k, num_graphs):
    # PyG global_sort_pool: per-graph sort nodes descending by last channel,
    # keep top-k nodes (zero-pad graphs with fewer than k nodes), flatten.
    n, d = x.shape
    last = x[:, -1]
    order = jnp.lexsort((-last, batch))  # primary: batch asc, secondary: last channel desc
    xs = x[order]
    bs = batch[order]
    counts = jnp.bincount(batch, length=num_graphs)
    starts = jnp.concatenate([jnp.zeros((1,), counts.dtype), jnp.cumsum(counts)[:-1]])
    pos = jnp.arange(n) - starts[bs]
    mask = (pos < k)[:, None]
    pos_c = jnp.minimum(pos, k - 1)
    dense = jnp.zeros((num_graphs, k, d), x.dtype).at[bs, pos_c].add(jnp.where(mask, xs, 0.0))
    return dense.reshape(num_graphs, k * d)


def reference(x, edge_index, batch, W0, b0, W1, b1, W2, b2):
    n = x.shape[0]
    loops = jnp.arange(n, dtype=edge_index.dtype)
    src = jnp.concatenate([edge_index[0], loops])
    dst = jnp.concatenate([edge_index[1], loops])
    h = jax.nn.relu(_gcn(x, W0, b0, src, dst, n))
    h = jax.nn.relu(_gcn(h, W1, b1, src, dst, n))
    h = _gcn(h, W2, b2, src, dst, n)
    return _global_sort_pool(h, batch, POOL_K, N_GRAPHS)

if __name__ == "__main__":
    import jax
    _d = setup_inputs()
    print(jax.jit(kernel)(*tuple(_d.values())))

</pallas_src>

<mosaic_0001>
#map = affine_map<(d0, d1) -> (0, 0)>
#map1 = affine_map<(d0, d1) -> (0, 0, 0)>
module attributes {stable_mosaic.version = 14 : i64} {
  func.func @scat(%arg0: i32, %arg1: i32, %arg2: memref<10240x128xf32, #tpu.memory_space<hbm>>, %arg3: memref<32x100x100xi32, #tpu.memory_space<hbm>>, %arg4: memref<32x100x100xi32, #tpu.memory_space<hbm>>, %arg5: memref<640x128xf32, #tpu.memory_space<hbm>>, %arg6: memref<2x10240x128xf32, #tpu.memory_space<hbm>>, %arg7: memref<100x100xi32, #tpu.memory_space<vmem>>, %arg8: memref<100x100xi32, #tpu.memory_space<vmem>>, %arg9: memref<100x128xf32, #tpu.memory_space<vmem>>, %arg10: memref<100x128xf32, #tpu.memory_space<vmem>>, %arg11: memref<10240x128xf32, #tpu.memory_space<vmem_shared>>, %arg12: memref<!tpu.dma_semaphore, #tpu.memory_space<semaphore_mem>>, %arg13: memref<!tpu.dma_semaphore, #tpu.memory_space<semaphore_mem>>) attributes {dimension_semantics = [#tpu.dimension_semantics<core_parallel>, #tpu.dimension_semantics<subcore_parallel>], iteration_bounds = array<i64: 2, 16>, scalar_prefetch = 0 : i64, scratch_operands = 7 : i64, tpu.core_type = #tpu.core_type<sc_vector_subcore>, window_params = [{transform_indices = #map}, {transform_indices = #map1}, {transform_indices = #map1}, {transform_indices = #map}, {transform_indices = #map1}]} {
    %mul3A = arith.constant 16 : i32
    %mul3A_0 = arith.muli %arg0, %mul3A : i32
    %add3A = arith.addi %mul3A_0, %arg1 : i32
    %mul3A_1 = arith.constant 640 : i32
    %mul3A_2 = arith.muli %arg1, %mul3A_1 : i32
    "tpu.region"() ({
      %run_scoped3A = tpu.sem_alloc : memref<!tpu.dma_semaphore, #tpu.memory_space<semaphore_mem>>
      %dma_start3A_19 = arith.constant 0 : i32
      %dma_start3A_20 = tpu.memref_slice %arg11[%mul3A_2, %dma_start3A_19] : memref<10240x128xf32, #tpu.memory_space<vmem_shared>> -> memref<640x128xf32, #tpu.memory_space<vmem_shared>>
      tpu.enqueue_dma source(%arg5 : memref<640x128xf32, #tpu.memory_space<hbm>>) target(%dma_start3A_20 : memref<640x128xf32, #tpu.memory_space<vmem_shared>>) target_semaphore(%run_scoped3A : memref<!tpu.dma_semaphore, #tpu.memory_space<semaphore_mem>>)
      %dma_wait3A = arith.constant 0 : i32
      %dma_wait3A_21 = tpu.memref_slice %arg11[%mul3A_2, %dma_wait3A] : memref<10240x128xf32, #tpu.memory_space<vmem_shared>> -> memref<640x128xf32, #tpu.memory_space<vmem_shared>>
      tpu.wait_dma2 semaphore(%run_scoped3A : memref<!tpu.dma_semaphore, #tpu.memory_space<semaphore_mem>>) src(%arg5 : memref<640x128xf32, #tpu.memory_space<hbm>>) dst(%dma_wait3A_21 : memref<640x128xf32, #tpu.memory_space<vmem_shared>>)
      tpu.yield
    }) : () -> ()
    "tpu.region"() ({
      %run_scoped3A = tpu.sem_alloc : memref<!tpu.dma_semaphore, #tpu.memory_space<semaphore_mem>>
      %dma_start3A_19 = arith.constant 0 : i32
      %dma_start3A_20 = arith.constant 0 : i32
      %dma_start3A_21 = tpu.memref_slice %arg3[%add3A, %dma_start3A_19, %dma_start3A_20] : memref<32x100x100xi32, #tpu.memory_space<hbm>> -> memref<1x100x100xi32, #tpu.memory_space<hbm>>
      %dma_start3A_22 = tpu.memref_squeeze %dma_start3A_21 : memref<1x100x100xi32, #tpu.memory_space<hbm>> -> memref<100x100xi32, #tpu.memory_space<hbm>>
      %dma_start3A_23 = arith.constant 0 : i32
      %dma_start3A_24 = arith.constant 0 : i32
      %dma_start3A_25 = tpu.memref_slice %arg3[%add3A, %dma_start3A_23, %dma_start3A_24] : memref<32x100x100xi32, #tpu.memory_space<hbm>> -> memref<1x100x100xi32, #tpu.memory_space<hbm>>
      %dma_start3A_26 = tpu.memref_squeeze %dma_start3A_25 : memref<1x100x100xi32, #tpu.memory_space<hbm>> -> memref<100x100xi32, #tpu.memory_space<hbm>>
      tpu.enqueue_dma source(%dma_start3A_26 : memref<100x100xi32, #tpu.memory_space<hbm>>) target(%arg7 : memref<100x100xi32, #tpu.memory_space<vmem>>) target_semaphore(%run_scoped3A : memref<!tpu.dma_semaphore, #tpu.memory_space<semaphore_mem>>)
      %dma_wait3A = arith.constant 0 : i32
      %dma_wait3A_27 = arith.constant 0 : i32
      %dma_wait3A_28 = tpu.memref_slice %arg3[%add3A, %dma_wait3A, %dma_wait3A_27] : memref<32x100x100xi32, #tpu.memory_space<hbm>> -> memref<1x100x100xi32, #tpu.memory_space<hbm>>
      %dma_wait3A_29 = tpu.memref_squeeze %dma_wait3A_28 : memref<1x100x100xi32, #tpu.memory_space<hbm>> -> memref<100x100xi32, #tpu.memory_space<hbm>>
      %dma_wait3A_30 = arith.constant 0 : i32
      %dma_wait3A_31 = arith.constant 0 : i32
      %dma_wait3A_32 = tpu.memref_slice %arg3[%add3A, %dma_wait3A_30, %dma_wait3A_31] : memref<32x100x100xi32, #tpu.memory_space<hbm>> -> memref<1x100x100xi32, #tpu.memory_space<hbm>>
      %dma_wait3A_33 = tpu.memref_squeeze %dma_wait3A_32 : memref<1x100x100xi32, #tpu.memory_space<hbm>> -> memref<100x100xi32, #tpu.memory_space<hbm>>
      tpu.wait_dma2 semaphore(%run_scoped3A : memref<!tpu.dma_semaphore, #tpu.memory_space<semaphore_mem>>) src(%dma_wait3A_33 : memref<100x100xi32, #tpu.memory_space<hbm>>) dst(%arg7 : memref<100x100xi32, #tpu.memory_space<vmem>>)
      tpu.yield
    }) : () -> ()
    "tpu.region"() ({
      %run_scoped3A = tpu.sem_alloc : memref<!tpu.dma_semaphore, #tpu.memory_space<semaphore_mem>>
      %dma_start3A_19 = arith.constant 0 : i32
      %dma_start3A_20 = arith.constant 0 : i32
      %dma_start3A_21 = tpu.memref_slice %arg4[%add3A, %dma_start3A_19, %dma_start3A_20] : memref<32x100x100xi32, #tpu.memory_space<hbm>> -> memref<1x100x100xi32, #tpu.memory_space<hbm>>
      %dma_start3A_22 = tpu.memref_squeeze %dma_start3A_21 : memref<1x100x100xi32, #tpu.memory_space<hbm>> -> memref<100x100xi32, #tpu.memory_space<hbm>>
      %dma_start3A_23 = arith.constant 0 : i32
      %dma_start3A_24 = arith.constant 0 : i32
      %dma_start3A_25 = tpu.memref_slice %arg4[%add3A, %dma_start3A_23, %dma_start3A_24] : memref<32x100x100xi32, #tpu.memory_space<hbm>> -> memref<1x100x100xi32, #tpu.memory_space<hbm>>
      %dma_start3A_26 = tpu.memref_squeeze %dma_start3A_25 : memref<1x100x100xi32, #tpu.memory_space<hbm>> -> memref<100x100xi32, #tpu.memory_space<hbm>>
      tpu.enqueue_dma source(%dma_start3A_26 : memref<100x100xi32, #tpu.memory_space<hbm>>) target(%arg8 : memref<100x100xi32, #tpu.memory_space<vmem>>) target_semaphore(%run_scoped3A : memref<!tpu.dma_semaphore, #tpu.memory_space<semaphore_mem>>)
      %dma_wait3A = arith.constant 0 : i32
      %dma_wait3A_27 = arith.constant 0 : i32
      %dma_wait3A_28 = tpu.memref_slice %arg4[%add3A, %dma_wait3A, %dma_wait3A_27] : memref<32x100x100xi32, #tpu.memory_space<hbm>> -> memref<1x100x100xi32, #tpu.memory_space<hbm>>
      %dma_wait3A_29 = tpu.memref_squeeze %dma_wait3A_28 : memref<1x100x100xi32, #tpu.memory_space<hbm>> -> memref<100x100xi32, #tpu.memory_space<hbm>>
      %dma_wait3A_30 = arith.constant 0 : i32
      %dma_wait3A_31 = arith.constant 0 : i32
      %dma_wait3A_32 = tpu.memref_slice %arg4[%add3A, %dma_wait3A_30, %dma_wait3A_31] : memref<32x100x100xi32, #tpu.memory_space<hbm>> -> memref<1x100x100xi32, #tpu.memory_space<hbm>>
      %dma_wait3A_33 = tpu.memref_squeeze %dma_wait3A_32 : memref<1x100x100xi32, #tpu.memory_space<hbm>> -> memref<100x100xi32, #tpu.memory_space<hbm>>
      tpu.wait_dma2 semaphore(%run_scoped3A : memref<!tpu.dma_semaphore, #tpu.memory_space<semaphore_mem>>) src(%dma_wait3A_33 : memref<100x100xi32, #tpu.memory_space<hbm>>) dst(%arg8 : memref<100x100xi32, #tpu.memory_space<vmem>>)
      tpu.yield
    }) : () -> ()
    %barrier3A = arith.constant 0 : index
    tpu.barrier barrier_id(%barrier3A)
    %dma_start3A = arith.constant 0 : i32
    %dma_start3A_3 = arith.constant 0 : i32
    %dma_start3A_4 = tpu.memref_slice %arg7[%dma_start3A, %dma_start3A_3] : memref<100x100xi32, #tpu.memory_space<vmem>> -> memref<1x100xi32, #tpu.memory_space<vmem>>
    %dma_start3A_5 = tpu.memref_squeeze %dma_start3A_4 : memref<1x100xi32, #tpu.memory_space<vmem>> -> memref<100xi32, #tpu.memory_space<vmem>>
    %dma_start3A_6 = arith.constant 0 : i32
    %dma_start3A_7 = arith.constant 0 : i32
    %dma_start3A_8 = tpu.memref_slice %arg2[%dma_start3A_6, %dma_start3A_7] : memref<10240x128xf32, #tpu.memory_space<hbm>> -> memref<10240x128xf32, #tpu.memory_space<hbm>>
    tpu.enqueue_indirect_dma source(%dma_start3A_8 : memref<10240x128xf32, #tpu.memory_space<hbm>>) target(%arg9 : memref<100x128xf32, #tpu.memory_space<vmem>>) offsets(%dma_start3A_5 : memref<100xi32, #tpu.memory_space<vmem>>) semaphore(%arg12 : memref<!tpu.dma_semaphore, #tpu.memory_space<semaphore_mem>>)
    %scan3A = arith.constant 0 : i32
    %scan3A_9 = arith.constant 0 : i32
    %scan3A_10 = arith.constant 50 : i32
    %scan3A_11 = arith.addi %scan3A_9, %scan3A_10 : i32
    %scan3A_12 = arith.constant 1 : i32
    scf.for %scan3A_19 = %scan3A_9 to %scan3A_11 step %scan3A_12  : i32 {
      %mul3A_20 = arith.constant 2 : i32
      %mul3A_21 = arith.muli %mul3A_20, %scan3A_19 : i32
      %add3A_22 = arith.constant 1 : i32
      %add3A_23 = arith.addi %mul3A_21, %add3A_22 : i32
      %dma_start3A_24 = arith.constant 0 : i32
      %dma_start3A_25 = tpu.memref_slice %arg7[%add3A_23, %dma_start3A_24] : memref<100x100xi32, #tpu.memory_space<vmem>> -> memref<1x100xi32, #tpu.memory_space<vmem>>
      %dma_start3A_26 = tpu.memref_squeeze %dma_start3A_25 : memref<1x100xi32, #tpu.memory_space<vmem>> -> memref<100xi32, #tpu.memory_space<vmem>>
      %dma_start3A_27 = arith.constant 0 : i32
      %dma_start3A_28 = arith.constant 0 : i32
      %dma_start3A_29 = tpu.memref_slice %arg2[%dma_start3A_27, %dma_start3A_28] : memref<10240x128xf32, #tpu.memory_space<hbm>> -> memref<10240x128xf32, #tpu.memory_space<hbm>>
      tpu.enqueue_indirect_dma source(%dma_start3A_29 : memref<10240x128xf32, #tpu.memory_space<hbm>>) target(%arg10 : memref<100x128xf32, #tpu.memory_space<vmem>>) offsets(%dma_start3A_26 : memref<100xi32, #tpu.memory_space<vmem>>) semaphore(%arg13 : memref<!tpu.dma_semaphore, #tpu.memory_space<semaphore_mem>>)
      %dma_wait3A = arith.constant 0 : i32
      %dma_wait3A_30 = tpu.memref_slice %arg7[%mul3A_21, %dma_wait3A] : memref<100x100xi32, #tpu.memory_space<vmem>> -> memref<1x100xi32, #tpu.memory_space<vmem>>
      %dma_wait3A_31 = tpu.memref_squeeze %dma_wait3A_30 : memref<1x100xi32, #tpu.memory_space<vmem>> -> memref<100xi32, #tpu.memory_space<vmem>>
      %dma_wait3A_32 = arith.constant 0 : i32
      %dma_wait3A_33 = arith.constant 0 : i32
      %dma_wait3A_34 = tpu.memref_slice %arg2[%dma_wait3A_32, %dma_wait3A_33] : memref<10240x128xf32, #tpu.memory_space<hbm>> -> memref<10240x128xf32, #tpu.memory_space<hbm>>
      tpu.wait_indirect_dma semaphore(%arg12 : memref<!tpu.dma_semaphore, #tpu.memory_space<semaphore_mem>>) src(%dma_wait3A_34 : memref<10240x128xf32, #tpu.memory_space<hbm>>) dst(%arg9 : memref<100x128xf32, #tpu.memory_space<vmem>>)
      "tpu.region"() ({
        %run_scoped3A = tpu.sem_alloc : memref<!tpu.dma_semaphore, #tpu.memory_space<semaphore_mem>>
        %dma_start3A_49 = arith.constant 0 : i32
        %dma_start3A_50 = tpu.memref_slice %arg8[%mul3A_21, %dma_start3A_49] : memref<100x100xi32, #tpu.memory_space<vmem>> -> memref<1x100xi32, #tpu.memory_space<vmem>>
        %dma_start3A_51 = tpu.memref_squeeze %dma_start3A_50 : memref<1x100xi32, #tpu.memory_space<vmem>> -> memref<100xi32, #tpu.memory_space<vmem>>
        %dma_start3A_52 = arith.constant 0 : i32
        %dma_start3A_53 = arith.constant 0 : i32
        %dma_start3A_54 = tpu.memref_slice %arg11[%dma_start3A_52, %dma_start3A_53] : memref<10240x128xf32, #tpu.memory_space<vmem_shared>> -> memref<10240x128xf32, #tpu.memory_space<vmem_shared>>
        tpu.enqueue_indirect_dma source(%arg9 : memref<100x128xf32, #tpu.memory_space<vmem>>) target(%dma_start3A_54 : memref<10240x128xf32, #tpu.memory_space<vmem_shared>>) offsets(%dma_start3A_51 : memref<100xi32, #tpu.memory_space<vmem>>) semaphore(%run_scoped3A : memref<!tpu.dma_semaphore, #tpu.memory_space<semaphore_mem>>) {add = true}
        %dma_wait3A_55 = arith.constant 0 : i32
        %dma_wait3A_56 = tpu.memref_slice %arg8[%mul3A_21, %dma_wait3A_55] : memref<100x100xi32, #tpu.memory_space<vmem>> -> memref<1x100xi32, #tpu.memory_space<vmem>>
        %dma_wait3A_57 = tpu.memref_squeeze %dma_wait3A_56 : memref<1x100xi32, #tpu.memory_space<vmem>> -> memref<100xi32, #tpu.memory_space<vmem>>
        %dma_wait3A_58 = arith.constant 0 : i32
        %dma_wait3A_59 = arith.constant 0 : i32
        %dma_wait3A_60 = tpu.memref_slice %arg11[%dma_wait3A_58, %dma_wait3A_59] : memref<10240x128xf32, #tpu.memory_space<vmem_shared>> -> memref<10240x128xf32, #tpu.memory_space<vmem_shared>>
        tpu.wait_indirect_dma semaphore(%run_scoped3A : memref<!tpu.dma_semaphore, #tpu.memory_space<semaphore_mem>>) src(%arg9 : memref<100x128xf32, #tpu.memory_space<vmem>>) dst(%dma_wait3A_60 : memref<10240x128xf32, #tpu.memory_space<vmem_shared>>)
        tpu.yield
      }) : () -> ()
      %add3A_35 = arith.constant 2 : i32
      %add3A_36 = arith.addi %mul3A_21, %add3A_35 : i32
      %lt3A = arith.constant 100 : i32
      %lt3A_37 = arith.cmpi slt, %add3A_36, %lt3A : i32
      %convert_element_type3A = arith.extui %lt3A_37 : i1 to i32
      %cond3A = arith.constant 0 : i32
      %cond3A_38 = arith.cmpi ne, %convert_element_type3A, %cond3A : i32
      scf.if %cond3A_38 {
        %add3A_49 = arith.constant 2 : i32
        %add3A_50 = arith.addi %mul3A_21, %add3A_49 : i32
        %dma_start3A_51 = arith.constant 0 : i32
        %dma_start3A_52 = tpu.memref_slice %arg7[%add3A_50, %dma_start3A_51] : memref<100x100xi32, #tpu.memory_space<vmem>> -> memref<1x100xi32, #tpu.memory_space<vmem>>
        %dma_start3A_53 = tpu.memref_squeeze %dma_start3A_52 : memref<1x100xi32, #tpu.memory_space<vmem>> -> memref<100xi32, #tpu.memory_space<vmem>>
        %dma_start3A_54 = arith.constant 0 : i32
        %dma_start3A_55 = arith.constant 0 : i32
        %dma_start3A_56 = tpu.memref_slice %arg2[%dma_start3A_54, %dma_start3A_55] : memref<10240x128xf32, #tpu.memory_space<hbm>> -> memref<10240x128xf32, #tpu.memory_space<hbm>>
        tpu.enqueue_indirect_dma source(%dma_start3A_56 : memref<10240x128xf32, #tpu.memory_space<hbm>>) target(%arg9 : memref<100x128xf32, #tpu.memory_space<vmem>>) offsets(%dma_start3A_53 : memref<100xi32, #tpu.memory_space<vmem>>) semaphore(%arg12 : memref<!tpu.dma_semaphore, #tpu.memory_space<semaphore_mem>>)
      } else {
      }
      %add3A_39 = arith.constant 1 : i32
      %add3A_40 = arith.addi %mul3A_21, %add3A_39 : i32
      %dma_wait3A_41 = arith.constant 0 : i32
      %dma_wait3A_42 = tpu.memref_slice %arg7[%add3A_40, %dma_wait3A_41] : memref<100x100xi32, #tpu.memory_space<vmem>> -> memref<1x100xi32, #tpu.memory_space<vmem>>
      %dma_wait3A_43 = tpu.memref_squeeze %dma_wait3A_42 : memref<1x100xi32, #tpu.memory_space<vmem>> -> memref<100xi32, #tpu.memory_space<vmem>>
      %dma_wait3A_44 = arith.constant 0 : i32
      %dma_wait3A_45 = arith.constant 0 : i32
      %dma_wait3A_46 = tpu.memref_slice %arg2[%dma_wait3A_44, %dma_wait3A_45] : memref<10240x128xf32, #tpu.memory_space<hbm>> -> memref<10240x128xf32, #tpu.memory_space<hbm>>
      tpu.wait_indirect_dma semaphore(%arg13 : memref<!tpu.dma_semaphore, #tpu.memory_space<semaphore_mem>>) src(%dma_wait3A_46 : memref<10240x128xf32, #tpu.memory_space<hbm>>) dst(%arg10 : memref<100x128xf32, #tpu.memory_space<vmem>>)
      %add3A_47 = arith.constant 1 : i32
      %add3A_48 = arith.addi %mul3A_21, %add3A_47 : i32
      "tpu.region"() ({
        %run_scoped3A = tpu.sem_alloc : memref<!tpu.dma_semaphore, #tpu.memory_space<semaphore_mem>>
        %dma_start3A_49 = arith.constant 0 : i32
        %dma_start3A_50 = tpu.memref_slice %arg8[%add3A_48, %dma_start3A_49] : memref<100x100xi32, #tpu.memory_space<vmem>> -> memref<1x100xi32, #tpu.memory_space<vmem>>
        %dma_start3A_51 = tpu.memref_squeeze %dma_start3A_50 : memref<1x100xi32, #tpu.memory_space<vmem>> -> memref<100xi32, #tpu.memory_space<vmem>>
        %dma_start3A_52 = arith.constant 0 : i32
        %dma_start3A_53 = arith.constant 0 : i32
        %dma_start3A_54 = tpu.memref_slice %arg11[%dma_start3A_52, %dma_start3A_53] : memref<10240x128xf32, #tpu.memory_space<vmem_shared>> -> memref<10240x128xf32, #tpu.memory_space<vmem_shared>>
        tpu.enqueue_indirect_dma source(%arg10 : memref<100x128xf32, #tpu.memory_space<vmem>>) target(%dma_start3A_54 : memref<10240x128xf32, #tpu.memory_space<vmem_shared>>) offsets(%dma_start3A_51 : memref<100xi32, #tpu.memory_space<vmem>>) semaphore(%run_scoped3A : memref<!tpu.dma_semaphore, #tpu.memory_space<semaphore_mem>>) {add = true}
        %dma_wait3A_55 = arith.constant 0 : i32
        %dma_wait3A_56 = tpu.memref_slice %arg8[%add3A_48, %dma_wait3A_55] : memref<100x100xi32, #tpu.memory_space<vmem>> -> memref<1x100xi32, #tpu.memory_space<vmem>>
        %dma_wait3A_57 = tpu.memref_squeeze %dma_wait3A_56 : memref<1x100xi32, #tpu.memory_space<vmem>> -> memref<100xi32, #tpu.memory_space<vmem>>
        %dma_wait3A_58 = arith.constant 0 : i32
        %dma_wait3A_59 = arith.constant 0 : i32
        %dma_wait3A_60 = tpu.memref_slice %arg11[%dma_wait3A_58, %dma_wait3A_59] : memref<10240x128xf32, #tpu.memory_space<vmem_shared>> -> memref<10240x128xf32, #tpu.memory_space<vmem_shared>>
        tpu.wait_indirect_dma semaphore(%run_scoped3A : memref<!tpu.dma_semaphore, #tpu.memory_space<semaphore_mem>>) src(%arg10 : memref<100x128xf32, #tpu.memory_space<vmem>>) dst(%dma_wait3A_60 : memref<10240x128xf32, #tpu.memory_space<vmem_shared>>)
        tpu.yield
      }) : () -> ()
    }
    %scan3A_13 = arith.constant 50 : i32
    %barrier3A_14 = arith.constant 0 : index
    tpu.barrier barrier_id(%barrier3A_14)
    %mul3A_15 = arith.constant 640 : i32
    %mul3A_16 = arith.muli %arg1, %mul3A_15 : i32
    %mul3A_17 = arith.constant 640 : i32
    %mul3A_18 = arith.muli %arg1, %mul3A_17 : i32
    "tpu.region"() ({
      %run_scoped3A = tpu.sem_alloc : memref<!tpu.dma_semaphore, #tpu.memory_space<semaphore_mem>>
      %dma_start3A_19 = arith.constant 0 : i32
      %dma_start3A_20 = tpu.memref_slice %arg6[%arg0, %mul3A_18, %dma_start3A_19] : memref<2x10240x128xf32, #tpu.memory_space<hbm>> -> memref<1x640x128xf32, #tpu.memory_space<hbm>>
      %dma_start3A_21 = tpu.memref_squeeze %dma_start3A_20 : memref<1x640x128xf32, #tpu.memory_space<hbm>> -> memref<640x128xf32, #tpu.memory_space<hbm>>
      %dma_start3A_22 = arith.constant 0 : i32
      %dma_start3A_23 = tpu.memref_slice %arg11[%mul3A_16, %dma_start3A_22] : memref<10240x128xf32, #tpu.memory_space<vmem_shared>> -> memref<640x128xf32, #tpu.memory_space<vmem_shared>>
      tpu.enqueue_dma source(%dma_start3A_23 : memref<640x128xf32, #tpu.memory_space<vmem_shared>>) target(%dma_start3A_21 : memref<640x128xf32, #tpu.memory_space<hbm>>) target_semaphore(%run_scoped3A : memref<!tpu.dma_semaphore, #tpu.memory_space<semaphore_mem>>)
      %dma_wait3A = arith.constant 0 : i32
      %dma_wait3A_24 = tpu.memref_slice %arg6[%arg0, %mul3A_18, %dma_wait3A] : memref<2x10240x128xf32, #tpu.memory_space<hbm>> -> memref<1x640x128xf32, #tpu.memory_space<hbm>>
      %dma_wait3A_25 = tpu.memref_squeeze %dma_wait3A_24 : memref<1x640x128xf32, #tpu.memory_space<hbm>> -> memref<640x128xf32, #tpu.memory_space<hbm>>
      %dma_wait3A_26 = arith.constant 0 : i32
      %dma_wait3A_27 = tpu.memref_slice %arg11[%mul3A_16, %dma_wait3A_26] : memref<10240x128xf32, #tpu.memory_space<vmem_shared>> -> memref<640x128xf32, #tpu.memory_space<vmem_shared>>
      tpu.wait_dma2 semaphore(%run_scoped3A : memref<!tpu.dma_semaphore, #tpu.memory_space<semaphore_mem>>) src(%dma_wait3A_27 : memref<640x128xf32, #tpu.memory_space<vmem_shared>>) dst(%dma_wait3A_25 : memref<640x128xf32, #tpu.memory_space<hbm>>)
      tpu.yield
    }) : () -> ()
    return
  }
}

#map = affine_map<(d0, d1) -> (0, 0)>
#map1 = affine_map<(d0, d1) -> (0, 0, 0)>
module attributes {stable_mosaic.version = 14 : i64} {
  func.func @scat(%arg0: i32, %arg1: i32, %arg2: memref<10240x64xf32, #tpu.memory_space<hbm>>, %arg3: memref<32x100x100xi32, #tpu.memory_space<hbm>>, %arg4: memref<32x100x100xi32, #tpu.memory_space<hbm>>, %arg5: memref<640x64xf32, #tpu.memory_space<hbm>>, %arg6: memref<2x10240x64xf32, #tpu.memory_space<hbm>>, %arg7: memref<100x100xi32, #tpu.memory_space<vmem>>, %arg8: memref<100x100xi32, #tpu.memory_space<vmem>>, %arg9: memref<100x64xf32, #tpu.memory_space<vmem>>, %arg10: memref<100x64xf32, #tpu.memory_space<vmem>>, %arg11: memref<10240x64xf32, #tpu.memory_space<vmem_shared>>, %arg12: memref<!tpu.dma_semaphore, #tpu.memory_space<semaphore_mem>>, %arg13: memref<!tpu.dma_semaphore, #tpu.memory_space<semaphore_mem>>) attributes {dimension_semantics = [#tpu.dimension_semantics<core_parallel>, #tpu.dimension_semantics<subcore_parallel>], iteration_bounds = array<i64: 2, 16>, scalar_prefetch = 0 : i64, scratch_operands = 7 : i64, tpu.core_type = #tpu.core_type<sc_vector_subcore>, window_params = [{transform_indices = #map}, {transform_indices = #map1}, {transform_indices = #map1}, {transform_indices = #map}, {transform_indices = #map1}]} {
    %mul3A = arith.constant 16 : i32
    %mul3A_0 = arith.muli %arg0, %mul3A : i32
    %add3A = arith.addi %mul3A_0, %arg1 : i32
    %mul3A_1 = arith.constant 640 : i32
    %mul3A_2 = arith.muli %arg1, %mul3A_1 : i32
    "tpu.region"() ({
      %run_scoped3A = tpu.sem_alloc : memref<!tpu.dma_semaphore, #tpu.memory_space<semaphore_mem>>
      %dma_start3A_19 = arith.constant 0 : i32
      %dma_start3A_20 = tpu.memref_slice %arg11[%mul3A_2, %dma_start3A_19] : memref<10240x64xf32, #tpu.memory_space<vmem_shared>> -> memref<640x64xf32, #tpu.memory_space<vmem_shared>>
      tpu.enqueue_dma source(%arg5 : memref<640x64xf32, #tpu.memory_space<hbm>>) target(%dma_start3A_20 : memref<640x64xf32, #tpu.memory_space<vmem_shared>>) target_semaphore(%run_scoped3A : memref<!tpu.dma_semaphore, #tpu.memory_space<semaphore_mem>>)
      %dma_wait3A = arith.constant 0 : i32
      %dma_wait3A_21 = tpu.memref_slice %arg11[%mul3A_2, %dma_wait3A] : memref<10240x64xf32, #tpu.memory_space<vmem_shared>> -> memref<640x64xf32, #tpu.memory_space<vmem_shared>>
      tpu.wait_dma2 semaphore(%run_scoped3A : memref<!tpu.dma_semaphore, #tpu.memory_space<semaphore_mem>>) src(%arg5 : memref<640x64xf32, #tpu.memory_space<hbm>>) dst(%dma_wait3A_21 : memref<640x64xf32, #tpu.memory_space<vmem_shared>>)
      tpu.yield
    }) : () -> ()
    "tpu.region"() ({
      %run_scoped3A = tpu.sem_alloc : memref<!tpu.dma_semaphore, #tpu.memory_space<semaphore_mem>>
      %dma_start3A_19 = arith.constant 0 : i32
      %dma_start3A_20 = arith.constant 0 : i32
      %dma_start3A_21 = tpu.memref_slice %arg3[%add3A, %dma_start3A_19, %dma_start3A_20] : memref<32x100x100xi32, #tpu.memory_space<hbm>> -> memref<1x100x100xi32, #tpu.memory_space<hbm>>
      %dma_start3A_22 = tpu.memref_squeeze %dma_start3A_21 : memref<1x100x100xi32, #tpu.memory_space<hbm>> -> memref<100x100xi32, #tpu.memory_space<hbm>>
      %dma_start3A_23 = arith.constant 0 : i32
      %dma_start3A_24 = arith.constant 0 : i32
      %dma_start3A_25 = tpu.memref_slice %arg3[%add3A, %dma_start3A_23, %dma_start3A_24] : memref<32x100x100xi32, #tpu.memory_space<hbm>> -> memref<1x100x100xi32, #tpu.memory_space<hbm>>
      %dma_start3A_26 = tpu.memref_squeeze %dma_start3A_25 : memref<1x100x100xi32, #tpu.memory_space<hbm>> -> memref<100x100xi32, #tpu.memory_space<hbm>>
      tpu.enqueue_dma source(%dma_start3A_26 : memref<100x100xi32, #tpu.memory_space<hbm>>) target(%arg7 : memref<100x100xi32, #tpu.memory_space<vmem>>) target_semaphore(%run_scoped3A : memref<!tpu.dma_semaphore, #tpu.memory_space<semaphore_mem>>)
      %dma_wait3A = arith.constant 0 : i32
      %dma_wait3A_27 = arith.constant 0 : i32
      %dma_wait3A_28 = tpu.memref_slice %arg3[%add3A, %dma_wait3A, %dma_wait3A_27] : memref<32x100x100xi32, #tpu.memory_space<hbm>> -> memref<1x100x100xi32, #tpu.memory_space<hbm>>
      %dma_wait3A_29 = tpu.memref_squeeze %dma_wait3A_28 : memref<1x100x100xi32, #tpu.memory_space<hbm>> -> memref<100x100xi32, #tpu.memory_space<hbm>>
      %dma_wait3A_30 = arith.constant 0 : i32
      %dma_wait3A_31 = arith.constant 0 : i32
      %dma_wait3A_32 = tpu.memref_slice %arg3[%add3A, %dma_wait3A_30, %dma_wait3A_31] : memref<32x100x100xi32, #tpu.memory_space<hbm>> -> memref<1x100x100xi32, #tpu.memory_space<hbm>>
      %dma_wait3A_33 = tpu.memref_squeeze %dma_wait3A_32 : memref<1x100x100xi32, #tpu.memory_space<hbm>> -> memref<100x100xi32, #tpu.memory_space<hbm>>
      tpu.wait_dma2 semaphore(%run_scoped3A : memref<!tpu.dma_semaphore, #tpu.memory_space<semaphore_mem>>) src(%dma_wait3A_33 : memref<100x100xi32, #tpu.memory_space<hbm>>) dst(%arg7 : memref<100x100xi32, #tpu.memory_space<vmem>>)
      tpu.yield
    }) : () -> ()
    "tpu.region"() ({
      %run_scoped3A = tpu.sem_alloc : memref<!tpu.dma_semaphore, #tpu.memory_space<semaphore_mem>>
      %dma_start3A_19 = arith.constant 0 : i32
      %dma_start3A_20 = arith.constant 0 : i32
      %dma_start3A_21 = tpu.memref_slice %arg4[%add3A, %dma_start3A_19, %dma_start3A_20] : memref<32x100x100xi32, #tpu.memory_space<hbm>> -> memref<1x100x100xi32, #tpu.memory_space<hbm>>
      %dma_start3A_22 = tpu.memref_squeeze %dma_start3A_21 : memref<1x100x100xi32, #tpu.memory_space<hbm>> -> memref<100x100xi32, #tpu.memory_space<hbm>>
      %dma_start3A_23 = arith.constant 0 : i32
      %dma_start3A_24 = arith.constant 0 : i32
      %dma_start3A_25 = tpu.memref_slice %arg4[%add3A, %dma_start3A_23, %dma_start3A_24] : memref<32x100x100xi32, #tpu.memory_space<hbm>> -> memref<1x100x100xi32, #tpu.memory_space<hbm>>
      %dma_start3A_26 = tpu.memref_squeeze %dma_start3A_25 : memref<1x100x100xi32, #tpu.memory_space<hbm>> -> memref<100x100xi32, #tpu.memory_space<hbm>>
      tpu.enqueue_dma source(%dma_start3A_26 : memref<100x100xi32, #tpu.memory_space<hbm>>) target(%arg8 : memref<100x100xi32, #tpu.memory_space<vmem>>) target_semaphore(%run_scoped3A : memref<!tpu.dma_semaphore, #tpu.memory_space<semaphore_mem>>)
      %dma_wait3A = arith.constant 0 : i32
      %dma_wait3A_27 = arith.constant 0 : i32
      %dma_wait3A_28 = tpu.memref_slice %arg4[%add3A, %dma_wait3A, %dma_wait3A_27] : memref<32x100x100xi32, #tpu.memory_space<hbm>> -> memref<1x100x100xi32, #tpu.memory_space<hbm>>
      %dma_wait3A_29 = tpu.memref_squeeze %dma_wait3A_28 : memref<1x100x100xi32, #tpu.memory_space<hbm>> -> memref<100x100xi32, #tpu.memory_space<hbm>>
      %dma_wait3A_30 = arith.constant 0 : i32
      %dma_wait3A_31 = arith.constant 0 : i32
      %dma_wait3A_32 = tpu.memref_slice %arg4[%add3A, %dma_wait3A_30, %dma_wait3A_31] : memref<32x100x100xi32, #tpu.memory_space<hbm>> -> memref<1x100x100xi32, #tpu.memory_space<hbm>>
      %dma_wait3A_33 = tpu.memref_squeeze %dma_wait3A_32 : memref<1x100x100xi32, #tpu.memory_space<hbm>> -> memref<100x100xi32, #tpu.memory_space<hbm>>
      tpu.wait_dma2 semaphore(%run_scoped3A : memref<!tpu.dma_semaphore, #tpu.memory_space<semaphore_mem>>) src(%dma_wait3A_33 : memref<100x100xi32, #tpu.memory_space<hbm>>) dst(%arg8 : memref<100x100xi32, #tpu.memory_space<vmem>>)
      tpu.yield
    }) : () -> ()
    %barrier3A = arith.constant 0 : index
    tpu.barrier barrier_id(%barrier3A)
    %dma_start3A = arith.constant 0 : i32
    %dma_start3A_3 = arith.constant 0 : i32
    %dma_start3A_4 = tpu.memref_slice %arg7[%dma_start3A, %dma_start3A_3] : memref<100x100xi32, #tpu.memory_space<vmem>> -> memref<1x100xi32, #tpu.memory_space<vmem>>
    %dma_start3A_5 = tpu.memref_squeeze %dma_start3A_4 : memref<1x100xi32, #tpu.memory_space<vmem>> -> memref<100xi32, #tpu.memory_space<vmem>>
    %dma_start3A_6 = arith.constant 0 : i32
    %dma_start3A_7 = arith.constant 0 : i32
    %dma_start3A_8 = tpu.memref_slice %arg2[%dma_start3A_6, %dma_start3A_7] : memref<10240x64xf32, #tpu.memory_space<hbm>> -> memref<10240x64xf32, #tpu.memory_space<hbm>>
    tpu.enqueue_indirect_dma source(%dma_start3A_8 : memref<10240x64xf32, #tpu.memory_space<hbm>>) target(%arg9 : memref<100x64xf32, #tpu.memory_space<vmem>>) offsets(%dma_start3A_5 : memref<100xi32, #tpu.memory_space<vmem>>) semaphore(%arg12 : memref<!tpu.dma_semaphore, #tpu.memory_space<semaphore_mem>>)
    %scan3A = arith.constant 0 : i32
    %scan3A_9 = arith.constant 0 : i32
    %scan3A_10 = arith.constant 50 : i32
    %scan3A_11 = arith.addi %scan3A_9, %scan3A_10 : i32
    %scan3A_12 = arith.constant 1 : i32
    scf.for %scan3A_19 = %scan3A_9 to %scan3A_11 step %scan3A_12  : i32 {
      %mul3A_20 = arith.constant 2 : i32
      %mul3A_21 = arith.muli %mul3A_20, %scan3A_19 : i32
      %add3A_22 = arith.constant 1 : i32
      %add3A_23 = arith.addi %mul3A_21, %add3A_22 : i32
      %dma_start3A_24 = arith.constant 0 : i32
      %dma_start3A_25 = tpu.memref_slice %arg7[%add3A_23, %dma_start3A_24] : memref<100x100xi32, #tpu.memory_space<vmem>> -> memref<1x100xi32, #tpu.memory_space<vmem>>
      %dma_start3A_26 = tpu.memref_squeeze %dma_start3A_25 : memref<1x100xi32, #tpu.memory_space<vmem>> -> memref<100xi32, #tpu.memory_space<vmem>>
      %dma_start3A_27 = arith.constant 0 : i32
      %dma_start3A_28 = arith.constant 0 : i32
      %dma_start3A_29 = tpu.memref_slice %arg2[%dma_start3A_27, %dma_start3A_28] : memref<10240x64xf32, #tpu.memory_space<hbm>> -> memref<10240x64xf32, #tpu.memory_space<hbm>>
      tpu.enqueue_indirect_dma source(%dma_start3A_29 : memref<10240x64xf32, #tpu.memory_space<hbm>>) target(%arg10 : memref<100x64xf32, #tpu.memory_space<vmem>>) offsets(%dma_start3A_26 : memref<100xi32, #tpu.memory_space<vmem>>) semaphore(%arg13 : memref<!tpu.dma_semaphore, #tpu.memory_space<semaphore_mem>>)
      %dma_wait3A = arith.constant 0 : i32
      %dma_wait3A_30 = tpu.memref_slice %arg7[%mul3A_21, %dma_wait3A] : memref<100x100xi32, #tpu.memory_space<vmem>> -> memref<1x100xi32, #tpu.memory_space<vmem>>
      %dma_wait3A_31 = tpu.memref_squeeze %dma_wait3A_30 : memref<1x100xi32, #tpu.memory_space<vmem>> -> memref<100xi32, #tpu.memory_space<vmem>>
      %dma_wait3A_32 = arith.constant 0 : i32
      %dma_wait3A_33 = arith.constant 0 : i32
      %dma_wait3A_34 = tpu.memref_slice %arg2[%dma_wait3A_32, %dma_wait3A_33] : memref<10240x64xf32, #tpu.memory_space<hbm>> -> memref<10240x64xf32, #tpu.memory_space<hbm>>
      tpu.wait_indirect_dma semaphore(%arg12 : memref<!tpu.dma_semaphore, #tpu.memory_space<semaphore_mem>>) src(%dma_wait3A_34 : memref<10240x64xf32, #tpu.memory_space<hbm>>) dst(%arg9 : memref<100x64xf32, #tpu.memory_space<vmem>>)
      "tpu.region"() ({
        %run_scoped3A = tpu.sem_alloc : memref<!tpu.dma_semaphore, #tpu.memory_space<semaphore_mem>>
        %dma_start3A_49 = arith.constant 0 : i32
        %dma_start3A_50 = tpu.memref_slice %arg8[%mul3A_21, %dma_start3A_49] : memref<100x100xi32, #tpu.memory_space<vmem>> -> memref<1x100xi32, #tpu.memory_space<vmem>>
        %dma_start3A_51 = tpu.memref_squeeze %dma_start3A_50 : memref<1x100xi32, #tpu.memory_space<vmem>> -> memref<100xi32, #tpu.memory_space<vmem>>
        %dma_start3A_52 = arith.constant 0 : i32
        %dma_start3A_53 = arith.constant 0 : i32
        %dma_start3A_54 = tpu.memref_slice %arg11[%dma_start3A_52, %dma_start3A_53] : memref<10240x64xf32, #tpu.memory_space<vmem_shared>> -> memref<10240x64xf32, #tpu.memory_space<vmem_shared>>
        tpu.enqueue_indirect_dma source(%arg9 : memref<100x64xf32, #tpu.memory_space<vmem>>) target(%dma_start3A_54 : memref<10240x64xf32, #tpu.memory_space<vmem_shared>>) offsets(%dma_start3A_51 : memref<100xi32, #tpu.memory_space<vmem>>) semaphore(%run_scoped3A : memref<!tpu.dma_semaphore, #tpu.memory_space<semaphore_mem>>) {add = true}
        %dma_wait3A_55 = arith.constant 0 : i32
        %dma_wait3A_56 = tpu.memref_slice %arg8[%mul3A_21, %dma_wait3A_55] : memref<100x100xi32, #tpu.memory_space<vmem>> -> memref<1x100xi32, #tpu.memory_space<vmem>>
        %dma_wait3A_57 = tpu.memref_squeeze %dma_wait3A_56 : memref<1x100xi32, #tpu.memory_space<vmem>> -> memref<100xi32, #tpu.memory_space<vmem>>
        %dma_wait3A_58 = arith.constant 0 : i32
        %dma_wait3A_59 = arith.constant 0 : i32
        %dma_wait3A_60 = tpu.memref_slice %arg11[%dma_wait3A_58, %dma_wait3A_59] : memref<10240x64xf32, #tpu.memory_space<vmem_shared>> -> memref<10240x64xf32, #tpu.memory_space<vmem_shared>>
        tpu.wait_indirect_dma semaphore(%run_scoped3A : memref<!tpu.dma_semaphore, #tpu.memory_space<semaphore_mem>>) src(%arg9 : memref<100x64xf32, #tpu.memory_space<vmem>>) dst(%dma_wait3A_60 : memref<10240x64xf32, #tpu.memory_space<vmem_shared>>)
        tpu.yield
      }) : () -> ()
      %add3A_35 = arith.constant 2 : i32
      %add3A_36 = arith.addi %mul3A_21, %add3A_35 : i32
      %lt3A = arith.constant 100 : i32
      %lt3A_37 = arith.cmpi slt, %add3A_36, %lt3A : i32
      %convert_element_type3A = arith.extui %lt3A_37 : i1 to i32
      %cond3A = arith.constant 0 : i32
      %cond3A_38 = arith.cmpi ne, %convert_element_type3A, %cond3A : i32
      scf.if %cond3A_38 {
        %add3A_49 = arith.constant 2 : i32
        %add3A_50 = arith.addi %mul3A_21, %add3A_49 : i32
        %dma_start3A_51 = arith.constant 0 : i32
        %dma_start3A_52 = tpu.memref_slice %arg7[%add3A_50, %dma_start3A_51] : memref<100x100xi32, #tpu.memory_space<vmem>> -> memref<1x100xi32, #tpu.memory_space<vmem>>
        %dma_start3A_53 = tpu.memref_squeeze %dma_start3A_52 : memref<1x100xi32, #tpu.memory_space<vmem>> -> memref<100xi32, #tpu.memory_space<vmem>>
        %dma_start3A_54 = arith.constant 0 : i32
        %dma_start3A_55 = arith.constant 0 : i32
        %dma_start3A_56 = tpu.memref_slice %arg2[%dma_start3A_54, %dma_start3A_55] : memref<10240x64xf32, #tpu.memory_space<hbm>> -> memref<10240x64xf32, #tpu.memory_space<hbm>>
        tpu.enqueue_indirect_dma source(%dma_start3A_56 : memref<10240x64xf32, #tpu.memory_space<hbm>>) target(%arg9 : memref<100x64xf32, #tpu.memory_space<vmem>>) offsets(%dma_start3A_53 : memref<100xi32, #tpu.memory_space<vmem>>) semaphore(%arg12 : memref<!tpu.dma_semaphore, #tpu.memory_space<semaphore_mem>>)
      } else {
      }
      %add3A_39 = arith.constant 1 : i32
      %add3A_40 = arith.addi %mul3A_21, %add3A_39 : i32
      %dma_wait3A_41 = arith.constant 0 : i32
      %dma_wait3A_42 = tpu.memref_slice %arg7[%add3A_40, %dma_wait3A_41] : memref<100x100xi32, #tpu.memory_space<vmem>> -> memref<1x100xi32, #tpu.memory_space<vmem>>
      %dma_wait3A_43 = tpu.memref_squeeze %dma_wait3A_42 : memref<1x100xi32, #tpu.memory_space<vmem>> -> memref<100xi32, #tpu.memory_space<vmem>>
      %dma_wait3A_44 = arith.constant 0 : i32
      %dma_wait3A_45 = arith.constant 0 : i32
      %dma_wait3A_46 = tpu.memref_slice %arg2[%dma_wait3A_44, %dma_wait3A_45] : memref<10240x64xf32, #tpu.memory_space<hbm>> -> memref<10240x64xf32, #tpu.memory_space<hbm>>
      tpu.wait_indirect_dma semaphore(%arg13 : memref<!tpu.dma_semaphore, #tpu.memory_space<semaphore_mem>>) src(%dma_wait3A_46 : memref<10240x64xf32, #tpu.memory_space<hbm>>) dst(%arg10 : memref<100x64xf32, #tpu.memory_space<vmem>>)
      %add3A_47 = arith.constant 1 : i32
      %add3A_48 = arith.addi %mul3A_21, %add3A_47 : i32
      "tpu.region"() ({
        %run_scoped3A = tpu.sem_alloc : memref<!tpu.dma_semaphore, #tpu.memory_space<semaphore_mem>>
        %dma_start3A_49 = arith.constant 0 : i32
        %dma_start3A_50 = tpu.memref_slice %arg8[%add3A_48, %dma_start3A_49] : memref<100x100xi32, #tpu.memory_space<vmem>> -> memref<1x100xi32, #tpu.memory_space<vmem>>
        %dma_start3A_51 = tpu.memref_squeeze %dma_start3A_50 : memref<1x100xi32, #tpu.memory_space<vmem>> -> memref<100xi32, #tpu.memory_space<vmem>>
        %dma_start3A_52 = arith.constant 0 : i32
        %dma_start3A_53 = arith.constant 0 : i32
        %dma_start3A_54 = tpu.memref_slice %arg11[%dma_start3A_52, %dma_start3A_53] : memref<10240x64xf32, #tpu.memory_space<vmem_shared>> -> memref<10240x64xf32, #tpu.memory_space<vmem_shared>>
        tpu.enqueue_indirect_dma source(%arg10 : memref<100x64xf32, #tpu.memory_space<vmem>>) target(%dma_start3A_54 : memref<10240x64xf32, #tpu.memory_space<vmem_shared>>) offsets(%dma_start3A_51 : memref<100xi32, #tpu.memory_space<vmem>>) semaphore(%run_scoped3A : memref<!tpu.dma_semaphore, #tpu.memory_space<semaphore_mem>>) {add = true}
        %dma_wait3A_55 = arith.constant 0 : i32
        %dma_wait3A_56 = tpu.memref_slice %arg8[%add3A_48, %dma_wait3A_55] : memref<100x100xi32, #tpu.memory_space<vmem>> -> memref<1x100xi32, #tpu.memory_space<vmem>>
        %dma_wait3A_57 = tpu.memref_squeeze %dma_wait3A_56 : memref<1x100xi32, #tpu.memory_space<vmem>> -> memref<100xi32, #tpu.memory_space<vmem>>
        %dma_wait3A_58 = arith.constant 0 : i32
        %dma_wait3A_59 = arith.constant 0 : i32
        %dma_wait3A_60 = tpu.memref_slice %arg11[%dma_wait3A_58, %dma_wait3A_59] : memref<10240x64xf32, #tpu.memory_space<vmem_shared>> -> memref<10240x64xf32, #tpu.memory_space<vmem_shared>>
        tpu.wait_indirect_dma semaphore(%run_scoped3A : memref<!tpu.dma_semaphore, #tpu.memory_space<semaphore_mem>>) src(%arg10 : memref<100x64xf32, #tpu.memory_space<vmem>>) dst(%dma_wait3A_60 : memref<10240x64xf32, #tpu.memory_space<vmem_shared>>)
        tpu.yield
      }) : () -> ()
    }
    %scan3A_13 = arith.constant 50 : i32
    %barrier3A_14 = arith.constant 0 : index
    tpu.barrier barrier_id(%barrier3A_14)
    %mul3A_15 = arith.constant 640 : i32
    %mul3A_16 = arith.muli %arg1, %mul3A_15 : i32
    %mul3A_17 = arith.constant 640 : i32
    %mul3A_18 = arith.muli %arg1, %mul3A_17 : i32
    "tpu.region"() ({
      %run_scoped3A = tpu.sem_alloc : memref<!tpu.dma_semaphore, #tpu.memory_space<semaphore_mem>>
      %dma_start3A_19 = arith.constant 0 : i32
      %dma_start3A_20 = tpu.memref_slice %arg6[%arg0, %mul3A_18, %dma_start3A_19] : memref<2x10240x64xf32, #tpu.memory_space<hbm>> -> memref<1x640x64xf32, #tpu.memory_space<hbm>>
      %dma_start3A_21 = tpu.memref_squeeze %dma_start3A_20 : memref<1x640x64xf32, #tpu.memory_space<hbm>> -> memref<640x64xf32, #tpu.memory_space<hbm>>
      %dma_start3A_22 = arith.constant 0 : i32
      %dma_start3A_23 = tpu.memref_slice %arg11[%mul3A_16, %dma_start3A_22] : memref<10240x64xf32, #tpu.memory_space<vmem_shared>> -> memref<640x64xf32, #tpu.memory_space<vmem_shared>>
      tpu.enqueue_dma source(%dma_start3A_23 : memref<640x64xf32, #tpu.memory_space<vmem_shared>>) target(%dma_start3A_21 : memref<640x64xf32, #tpu.memory_space<hbm>>) target_semaphore(%run_scoped3A : memref<!tpu.dma_semaphore, #tpu.memory_space<semaphore_mem>>)
      %dma_wait3A = arith.constant 0 : i32
      %dma_wait3A_24 = tpu.memref_slice %arg6[%arg0, %mul3A_18, %dma_wait3A] : memref<2x10240x64xf32, #tpu.memory_space<hbm>> -> memref<1x640x64xf32, #tpu.memory_space<hbm>>
      %dma_wait3A_25 = tpu.memref_squeeze %dma_wait3A_24 : memref<1x640x64xf32, #tpu.memory_space<hbm>> -> memref<640x64xf32, #tpu.memory_space<hbm>>
      %dma_wait3A_26 = arith.constant 0 : i32
      %dma_wait3A_27 = tpu.memref_slice %arg11[%mul3A_16, %dma_wait3A_26] : memref<10240x64xf32, #tpu.memory_space<vmem_shared>> -> memref<640x64xf32, #tpu.memory_space<vmem_shared>>
      tpu.wait_dma2 semaphore(%run_scoped3A : memref<!tpu.dma_semaphore, #tpu.memory_space<semaphore_mem>>) src(%dma_wait3A_27 : memref<640x64xf32, #tpu.memory_space<vmem_shared>>) dst(%dma_wait3A_25 : memref<640x64xf32, #tpu.memory_space<hbm>>)
      tpu.yield
    }) : () -> ()
    return
  }
}

#map = affine_map<(d0, d1) -> (0, 0)>
#map1 = affine_map<(d0, d1) -> (0, 0, 0)>
module attributes {stable_mosaic.version = 14 : i64} {
  func.func @scat(%arg0: i32, %arg1: i32, %arg2: memref<10240x128xf32, #tpu.memory_space<hbm>>, %arg3: memref<32x100x100xi32, #tpu.memory_space<hbm>>, %arg4: memref<32x100x100xi32, #tpu.memory_space<hbm>>, %arg5: memref<640x128xf32, #tpu.memory_space<hbm>>, %arg6: memref<2x10240x128xf32, #tpu.memory_space<hbm>>, %arg7: memref<100x100xi32, #tpu.memory_space<vmem>>, %arg8: memref<100x100xi32, #tpu.memory_space<vmem>>, %arg9: memref<100x128xf32, #tpu.memory_space<vmem>>, %arg10: memref<100x128xf32, #tpu.memory_space<vmem>>, %arg11: memref<10240x128xf32, #tpu.memory_space<vmem_shared>>, %arg12: memref<!tpu.dma_semaphore, #tpu.memory_space<semaphore_mem>>, %arg13: memref<!tpu.dma_semaphore, #tpu.memory_space<semaphore_mem>>) attributes {dimension_semantics = [#tpu.dimension_semantics<core_parallel>, #tpu.dimension_semantics<subcore_parallel>], iteration_bounds = array<i64: 2, 16>, scalar_prefetch = 0 : i64, scratch_operands = 7 : i64, tpu.core_type = #tpu.core_type<sc_vector_subcore>, window_params = [{transform_indices = #map}, {transform_indices = #map1}, {transform_indices = #map1}, {transform_indices = #map}, {transform_indices = #map1}]} {
    %mul3A = arith.constant 16 : i32
    %mul3A_0 = arith.muli %arg0, %mul3A : i32
    %add3A = arith.addi %mul3A_0, %arg1 : i32
    %mul3A_1 = arith.constant 640 : i32
    %mul3A_2 = arith.muli %arg1, %mul3A_1 : i32
    "tpu.region"() ({
      %run_scoped3A = tpu.sem_alloc : memref<!tpu.dma_semaphore, #tpu.memory_space<semaphore_mem>>
      %dma_start3A_19 = arith.constant 0 : i32
      %dma_start3A_20 = tpu.memref_slice %arg11[%mul3A_2, %dma_start3A_19] : memref<10240x128xf32, #tpu.memory_space<vmem_shared>> -> memref<640x128xf32, #tpu.memory_space<vmem_shared>>
      tpu.enqueue_dma source(%arg5 : memref<640x128xf32, #tpu.memory_space<hbm>>) target(%dma_start3A_20 : memref<640x128xf32, #tpu.memory_space<vmem_shared>>) target_semaphore(%run_scoped3A : memref<!tpu.dma_semaphore, #tpu.memory_space<semaphore_mem>>)
      %dma_wait3A = arith.constant 0 : i32
      %dma_wait3A_21 = tpu.memref_slice %arg11[%mul3A_2, %dma_wait3A] : memref<10240x128xf32, #tpu.memory_space<vmem_shared>> -> memref<640x128xf32, #tpu.memory_space<vmem_shared>>
      tpu.wait_dma2 semaphore(%run_scoped3A : memref<!tpu.dma_semaphore, #tpu.memory_space<semaphore_mem>>) src(%arg5 : memref<640x128xf32, #tpu.memory_space<hbm>>) dst(%dma_wait3A_21 : memref<640x128xf32, #tpu.memory_space<vmem_shared>>)
      tpu.yield
    }) : () -> ()
    "tpu.region"() ({
      %run_scoped3A = tpu.sem_alloc : memref<!tpu.dma_semaphore, #tpu.memory_space<semaphore_mem>>
      %dma_start3A_19 = arith.constant 0 : i32
      %dma_start3A_20 = arith.constant 0 : i32
      %dma_start3A_21 = tpu.memref_slice %arg3[%add3A, %dma_start3A_19, %dma_start3A_20] : memref<32x100x100xi32, #tpu.memory_space<hbm>> -> memref<1x100x100xi32, #tpu.memory_space<hbm>>
      %dma_start3A_22 = tpu.memref_squeeze %dma_start3A_21 : memref<1x100x100xi32, #tpu.memory_space<hbm>> -> memref<100x100xi32, #tpu.memory_space<hbm>>
      %dma_start3A_23 = arith.constant 0 : i32
      %dma_start3A_24 = arith.constant 0 : i32
      %dma_start3A_25 = tpu.memref_slice %arg3[%add3A, %dma_start3A_23, %dma_start3A_24] : memref<32x100x100xi32, #tpu.memory_space<hbm>> -> memref<1x100x100xi32, #tpu.memory_space<hbm>>
      %dma_start3A_26 = tpu.memref_squeeze %dma_start3A_25 : memref<1x100x100xi32, #tpu.memory_space<hbm>> -> memref<100x100xi32, #tpu.memory_space<hbm>>
      tpu.enqueue_dma source(%dma_start3A_26 : memref<100x100xi32, #tpu.memory_space<hbm>>) target(%arg7 : memref<100x100xi32, #tpu.memory_space<vmem>>) target_semaphore(%run_scoped3A : memref<!tpu.dma_semaphore, #tpu.memory_space<semaphore_mem>>)
      %dma_wait3A = arith.constant 0 : i32
      %dma_wait3A_27 = arith.constant 0 : i32
      %dma_wait3A_28 = tpu.memref_slice %arg3[%add3A, %dma_wait3A, %dma_wait3A_27] : memref<32x100x100xi32, #tpu.memory_space<hbm>> -> memref<1x100x100xi32, #tpu.memory_space<hbm>>
      %dma_wait3A_29 = tpu.memref_squeeze %dma_wait3A_28 : memref<1x100x100xi32, #tpu.memory_space<hbm>> -> memref<100x100xi32, #tpu.memory_space<hbm>>
      %dma_wait3A_30 = arith.constant 0 : i32
      %dma_wait3A_31 = arith.constant 0 : i32
      %dma_wait3A_32 = tpu.memref_slice %arg3[%add3A, %dma_wait3A_30, %dma_wait3A_31] : memref<32x100x100xi32, #tpu.memory_space<hbm>> -> memref<1x100x100xi32, #tpu.memory_space<hbm>>
      %dma_wait3A_33 = tpu.memref_squeeze %dma_wait3A_32 : memref<1x100x100xi32, #tpu.memory_space<hbm>> -> memref<100x100xi32, #tpu.memory_space<hbm>>
      tpu.wait_dma2 semaphore(%run_scoped3A : memref<!tpu.dma_semaphore, #tpu.memory_space<semaphore_mem>>) src(%dma_wait3A_33 : memref<100x100xi32, #tpu.memory_space<hbm>>) dst(%arg7 : memref<100x100xi32, #tpu.memory_space<vmem>>)
      tpu.yield
    }) : () -> ()
    "tpu.region"() ({
      %run_scoped3A = tpu.sem_alloc : memref<!tpu.dma_semaphore, #tpu.memory_space<semaphore_mem>>
      %dma_start3A_19 = arith.constant 0 : i32
      %dma_start3A_20 = arith.constant 0 : i32
      %dma_start3A_21 = tpu.memref_slice %arg4[%add3A, %dma_start3A_19, %dma_start3A_20] : memref<32x100x100xi32, #tpu.memory_space<hbm>> -> memref<1x100x100xi32, #tpu.memory_space<hbm>>
      %dma_start3A_22 = tpu.memref_squeeze %dma_start3A_21 : memref<1x100x100xi32, #tpu.memory_space<hbm>> -> memref<100x100xi32, #tpu.memory_space<hbm>>
      %dma_start3A_23 = arith.constant 0 : i32
      %dma_start3A_24 = arith.constant 0 : i32
      %dma_start3A_25 = tpu.memref_slice %arg4[%add3A, %dma_start3A_23, %dma_start3A_24] : memref<32x100x100xi32, #tpu.memory_space<hbm>> -> memref<1x100x100xi32, #tpu.memory_space<hbm>>
      %dma_start3A_26 = tpu.memref_squeeze %dma_start3A_25 : memref<1x100x100xi32, #tpu.memory_space<hbm>> -> memref<100x100xi32, #tpu.memory_space<hbm>>
      tpu.enqueue_dma source(%dma_start3A_26 : memref<100x100xi32, #tpu.memory_space<hbm>>) target(%arg8 : memref<100x100xi32, #tpu.memory_space<vmem>>) target_semaphore(%run_scoped3A : memref<!tpu.dma_semaphore, #tpu.memory_space<semaphore_mem>>)
      %dma_wait3A = arith.constant 0 : i32
      %dma_wait3A_27 = arith.constant 0 : i32
      %dma_wait3A_28 = tpu.memref_slice %arg4[%add3A, %dma_wait3A, %dma_wait3A_27] : memref<32x100x100xi32, #tpu.memory_space<hbm>> -> memref<1x100x100xi32, #tpu.memory_space<hbm>>
      %dma_wait3A_29 = tpu.memref_squeeze %dma_wait3A_28 : memref<1x100x100xi32, #tpu.memory_space<hbm>> -> memref<100x100xi32, #tpu.memory_space<hbm>>
      %dma_wait3A_30 = arith.constant 0 : i32
      %dma_wait3A_31 = arith.constant 0 : i32
      %dma_wait3A_32 = tpu.memref_slice %arg4[%add3A, %dma_wait3A_30, %dma_wait3A_31] : memref<32x100x100xi32, #tpu.memory_space<hbm>> -> memref<1x100x100xi32, #tpu.memory_space<hbm>>
      %dma_wait3A_33 = tpu.memref_squeeze %dma_wait3A_32 : memref<1x100x100xi32, #tpu.memory_space<hbm>> -> memref<100x100xi32, #tpu.memory_space<hbm>>
      tpu.wait_dma2 semaphore(%run_scoped3A : memref<!tpu.dma_semaphore, #tpu.memory_space<semaphore_mem>>) src(%dma_wait3A_33 : memref<100x100xi32, #tpu.memory_space<hbm>>) dst(%arg8 : memref<100x100xi32, #tpu.memory_space<vmem>>)
      tpu.yield
    }) : () -> ()
    %barrier3A = arith.constant 0 : index
    tpu.barrier barrier_id(%barrier3A)
    %dma_start3A = arith.constant 0 : i32
    %dma_start3A_3 = arith.constant 0 : i32
    %dma_start3A_4 = tpu.memref_slice %arg7[%dma_start3A, %dma_start3A_3] : memref<100x100xi32, #tpu.memory_space<vmem>> -> memref<1x100xi32, #tpu.memory_space<vmem>>
    %dma_start3A_5 = tpu.memref_squeeze %dma_start3A_4 : memref<1x100xi32, #tpu.memory_space<vmem>> -> memref<100xi32, #tpu.memory_space<vmem>>
    %dma_start3A_6 = arith.constant 0 : i32
    %dma_start3A_7 = arith.constant 0 : i32
    %dma_start3A_8 = tpu.memref_slice %arg2[%dma_start3A_6, %dma_start3A_7] : memref<10240x128xf32, #tpu.memory_space<hbm>> -> memref<10240x128xf32, #tpu.memory_space<hbm>>
    tpu.enqueue_indirect_dma source(%dma_start3A_8 : memref<10240x128xf32, #tpu.memory_space<hbm>>) target(%arg9 : memref<100x128xf32, #tpu.memory_space<vmem>>) offsets(%dma_start3A_5 : memref<100xi32, #tpu.memory_space<vmem>>) semaphore(%arg12 : memref<!tpu.dma_semaphore, #tpu.memory_space<semaphore_mem>>)
    %scan3A = arith.constant 0 : i32
    %scan3A_9 = arith.constant 0 : i32
    %scan3A_10 = arith.constant 50 : i32
    %scan3A_11 = arith.addi %scan3A_9, %scan3A_10 : i32
    %scan3A_12 = arith.constant 1 : i32
    scf.for %scan3A_19 = %scan3A_9 to %scan3A_11 step %scan3A_12  : i32 {
      %mul3A_20 = arith.constant 2 : i32
      %mul3A_21 = arith.muli %mul3A_20, %scan3A_19 : i32
      %add3A_22 = arith.constant 1 : i32
      %add3A_23 = arith.addi %mul3A_21, %add3A_22 : i32
      %dma_start3A_24 = arith.constant 0 : i32
      %dma_start3A_25 = tpu.memref_slice %arg7[%add3A_23, %dma_start3A_24] : memref<100x100xi32, #tpu.memory_space<vmem>> -> memref<1x100xi32, #tpu.memory_space<vmem>>
      %dma_start3A_26 = tpu.memref_squeeze %dma_start3A_25 : memref<1x100xi32, #tpu.memory_space<vmem>> -> memref<100xi32, #tpu.memory_space<vmem>>
      %dma_start3A_27 = arith.constant 0 : i32
      %dma_start3A_28 = arith.constant 0 : i32
      %dma_start3A_29 = tpu.memref_slice %arg2[%dma_start3A_27, %dma_start3A_28] : memref<10240x128xf32, #tpu.memory_space<hbm>> -> memref<10240x128xf32, #tpu.memory_space<hbm>>
      tpu.enqueue_indirect_dma source(%dma_start3A_29 : memref<10240x128xf32, #tpu.memory_space<hbm>>) target(%arg10 : memref<100x128xf32, #tpu.memory_space<vmem>>) offsets(%dma_start3A_26 : memref<100xi32, #tpu.memory_space<vmem>>) semaphore(%arg13 : memref<!tpu.dma_semaphore, #tpu.memory_space<semaphore_mem>>)
      %dma_wait3A = arith.constant 0 : i32
      %dma_wait3A_30 = tpu.memref_slice %arg7[%mul3A_21, %dma_wait3A] : memref<100x100xi32, #tpu.memory_space<vmem>> -> memref<1x100xi32, #tpu.memory_space<vmem>>
      %dma_wait3A_31 = tpu.memref_squeeze %dma_wait3A_30 : memref<1x100xi32, #tpu.memory_space<vmem>> -> memref<100xi32, #tpu.memory_space<vmem>>
      %dma_wait3A_32 = arith.constant 0 : i32
      %dma_wait3A_33 = arith.constant 0 : i32
      %dma_wait3A_34 = tpu.memref_slice %arg2[%dma_wait3A_32, %dma_wait3A_33] : memref<10240x128xf32, #tpu.memory_space<hbm>> -> memref<10240x128xf32, #tpu.memory_space<hbm>>
      tpu.wait_indirect_dma semaphore(%arg12 : memref<!tpu.dma_semaphore, #tpu.memory_space<semaphore_mem>>) src(%dma_wait3A_34 : memref<10240x128xf32, #tpu.memory_space<hbm>>) dst(%arg9 : memref<100x128xf32, #tpu.memory_space<vmem>>)
      "tpu.region"() ({
        %run_scoped3A = tpu.sem_alloc : memref<!tpu.dma_semaphore, #tpu.memory_space<semaphore_mem>>
        %dma_start3A_49 = arith.constant 0 : i32
        %dma_start3A_50 = tpu.memref_slice %arg8[%mul3A_21, %dma_start3A_49] : memref<100x100xi32, #tpu.memory_space<vmem>> -> memref<1x100xi32, #tpu.memory_space<vmem>>
        %dma_start3A_51 = tpu.memref_squeeze %dma_start3A_50 : memref<1x100xi32, #tpu.memory_space<vmem>> -> memref<100xi32, #tpu.memory_space<vmem>>
        %dma_start3A_52 = arith.constant 0 : i32
        %dma_start3A_53 = arith.constant 0 : i32
        %dma_start3A_54 = tpu.memref_slice %arg11[%dma_start3A_52, %dma_start3A_53] : memref<10240x128xf32, #tpu.memory_space<vmem_shared>> -> memref<10240x128xf32, #tpu.memory_space<vmem_shared>>
        tpu.enqueue_indirect_dma source(%arg9 : memref<100x128xf32, #tpu.memory_space<vmem>>) target(%dma_start3A_54 : memref<10240x128xf32, #tpu.memory_space<vmem_shared>>) offsets(%dma_start3A_51 : memref<100xi32, #tpu.memory_space<vmem>>) semaphore(%run_scoped3A : memref<!tpu.dma_semaphore, #tpu.memory_space<semaphore_mem>>) {add = true}
        %dma_wait3A_55 = arith.constant 0 : i32
        %dma_wait3A_56 = tpu.memref_slice %arg8[%mul3A_21, %dma_wait3A_55] : memref<100x100xi32, #tpu.memory_space<vmem>> -> memref<1x100xi32, #tpu.memory_space<vmem>>
        %dma_wait3A_57 = tpu.memref_squeeze %dma_wait3A_56 : memref<1x100xi32, #tpu.memory_space<vmem>> -> memref<100xi32, #tpu.memory_space<vmem>>
        %dma_wait3A_58 = arith.constant 0 : i32
        %dma_wait3A_59 = arith.constant 0 : i32
        %dma_wait3A_60 = tpu.memref_slice %arg11[%dma_wait3A_58, %dma_wait3A_59] : memref<10240x128xf32, #tpu.memory_space<vmem_shared>> -> memref<10240x128xf32, #tpu.memory_space<vmem_shared>>
        tpu.wait_indirect_dma semaphore(%run_scoped3A : memref<!tpu.dma_semaphore, #tpu.memory_space<semaphore_mem>>) src(%arg9 : memref<100x128xf32, #tpu.memory_space<vmem>>) dst(%dma_wait3A_60 : memref<10240x128xf32, #tpu.memory_space<vmem_shared>>)
        tpu.yield
      }) : () -> ()
      %add3A_35 = arith.constant 2 : i32
      %add3A_36 = arith.addi %mul3A_21, %add3A_35 : i32
      %lt3A = arith.constant 100 : i32
      %lt3A_37 = arith.cmpi slt, %add3A_36, %lt3A : i32
      %convert_element_type3A = arith.extui %lt3A_37 : i1 to i32
      %cond3A = arith.constant 0 : i32
      %cond3A_38 = arith.cmpi ne, %convert_element_type3A, %cond3A : i32
      scf.if %cond3A_38 {
        %add3A_49 = arith.constant 2 : i32
        %add3A_50 = arith.addi %mul3A_21, %add3A_49 : i32
        %dma_start3A_51 = arith.constant 0 : i32
        %dma_start3A_52 = tpu.memref_slice %arg7[%add3A_50, %dma_start3A_51] : memref<100x100xi32, #tpu.memory_space<vmem>> -> memref<1x100xi32, #tpu.memory_space<vmem>>
        %dma_start3A_53 = tpu.memref_squeeze %dma_start3A_52 : memref<1x100xi32, #tpu.memory_space<vmem>> -> memref<100xi32, #tpu.memory_space<vmem>>
        %dma_start3A_54 = arith.constant 0 : i32
        %dma_start3A_55 = arith.constant 0 : i32
        %dma_start3A_56 = tpu.memref_slice %arg2[%dma_start3A_54, %dma_start3A_55] : memref<10240x128xf32, #tpu.memory_space<hbm>> -> memref<10240x128xf32, #tpu.memory_space<hbm>>
        tpu.enqueue_indirect_dma source(%dma_start3A_56 : memref<10240x128xf32, #tpu.memory_space<hbm>>) target(%arg9 : memref<100x128xf32, #tpu.memory_space<vmem>>) offsets(%dma_start3A_53 : memref<100xi32, #tpu.memory_space<vmem>>) semaphore(%arg12 : memref<!tpu.dma_semaphore, #tpu.memory_space<semaphore_mem>>)
      } else {
      }
      %add3A_39 = arith.constant 1 : i32
      %add3A_40 = arith.addi %mul3A_21, %add3A_39 : i32
      %dma_wait3A_41 = arith.constant 0 : i32
      %dma_wait3A_42 = tpu.memref_slice %arg7[%add3A_40, %dma_wait3A_41] : memref<100x100xi32, #tpu.memory_space<vmem>> -> memref<1x100xi32, #tpu.memory_space<vmem>>
      %dma_wait3A_43 = tpu.memref_squeeze %dma_wait3A_42 : memref<1x100xi32, #tpu.memory_space<vmem>> -> memref<100xi32, #tpu.memory_space<vmem>>
      %dma_wait3A_44 = arith.constant 0 : i32
      %dma_wait3A_45 = arith.constant 0 : i32
      %dma_wait3A_46 = tpu.memref_slice %arg2[%dma_wait3A_44, %dma_wait3A_45] : memref<10240x128xf32, #tpu.memory_space<hbm>> -> memref<10240x128xf32, #tpu.memory_space<hbm>>
      tpu.wait_indirect_dma semaphore(%arg13 : memref<!tpu.dma_semaphore, #tpu.memory_space<semaphore_mem>>) src(%dma_wait3A_46 : memref<10240x128xf32, #tpu.memory_space<hbm>>) dst(%arg10 : memref<100x128xf32, #tpu.memory_space<vmem>>)
      %add3A_47 = arith.constant 1 : i32
      %add3A_48 = arith.addi %mul3A_21, %add3A_47 : i32
      "tpu.region"() ({
        %run_scoped3A = tpu.sem_alloc : memref<!tpu.dma_semaphore, #tpu.memory_space<semaphore_mem>>
        %dma_start3A_49 = arith.constant 0 : i32
        %dma_start3A_50 = tpu.memref_slice %arg8[%add3A_48, %dma_start3A_49] : memref<100x100xi32, #tpu.memory_space<vmem>> -> memref<1x100xi32, #tpu.memory_space<vmem>>
        %dma_start3A_51 = tpu.memref_squeeze %dma_start3A_50 : memref<1x100xi32, #tpu.memory_space<vmem>> -> memref<100xi32, #tpu.memory_space<vmem>>
        %dma_start3A_52 = arith.constant 0 : i32
        %dma_start3A_53 = arith.constant 0 : i32
        %dma_start3A_54 = tpu.memref_slice %arg11[%dma_start3A_52, %dma_start3A_53] : memref<10240x128xf32, #tpu.memory_space<vmem_shared>> -> memref<10240x128xf32, #tpu.memory_space<vmem_shared>>
        tpu.enqueue_indirect_dma source(%arg10 : memref<100x128xf32, #tpu.memory_space<vmem>>) target(%dma_start3A_54 : memref<10240x128xf32, #tpu.memory_space<vmem_shared>>) offsets(%dma_start3A_51 : memref<100xi32, #tpu.memory_space<vmem>>) semaphore(%run_scoped3A : memref<!tpu.dma_semaphore, #tpu.memory_space<semaphore_mem>>) {add = true}
        %dma_wait3A_55 = arith.constant 0 : i32
        %dma_wait3A_56 = tpu.memref_slice %arg8[%add3A_48, %dma_wait3A_55] : memref<100x100xi32, #tpu.memory_space<vmem>> -> memref<1x100xi32, #tpu.memory_space<vmem>>
        %dma_wait3A_57 = tpu.memref_squeeze %dma_wait3A_56 : memref<1x100xi32, #tpu.memory_space<vmem>> -> memref<100xi32, #tpu.memory_space<vmem>>
        %dma_wait3A_58 = arith.constant 0 : i32
        %dma_wait3A_59 = arith.constant 0 : i32
        %dma_wait3A_60 = tpu.memref_slice %arg11[%dma_wait3A_58, %dma_wait3A_59] : memref<10240x128xf32, #tpu.memory_space<vmem_shared>> -> memref<10240x128xf32, #tpu.memory_space<vmem_shared>>
        tpu.wait_indirect_dma semaphore(%run_scoped3A : memref<!tpu.dma_semaphore, #tpu.memory_space<semaphore_mem>>) src(%arg10 : memref<100x128xf32, #tpu.memory_space<vmem>>) dst(%dma_wait3A_60 : memref<10240x128xf32, #tpu.memory_space<vmem_shared>>)
        tpu.yield
      }) : () -> ()
    }
    %scan3A_13 = arith.constant 50 : i32
    %barrier3A_14 = arith.constant 0 : index
    tpu.barrier barrier_id(%barrier3A_14)
    %mul3A_15 = arith.constant 640 : i32
    %mul3A_16 = arith.muli %arg1, %mul3A_15 : i32
    %mul3A_17 = arith.constant 640 : i32
    %mul3A_18 = arith.muli %arg1, %mul3A_17 : i32
    "tpu.region"() ({
      %run_scoped3A = tpu.sem_alloc : memref<!tpu.dma_semaphore, #tpu.memory_space<semaphore_mem>>
      %dma_start3A_19 = arith.constant 0 : i32
      %dma_start3A_20 = tpu.memref_slice %arg6[%arg0, %mul3A_18, %dma_start3A_19] : memref<2x10240x128xf32, #tpu.memory_space<hbm>> -> memref<1x640x128xf32, #tpu.memory_space<hbm>>
      %dma_start3A_21 = tpu.memref_squeeze %dma_start3A_20 : memref<1x640x128xf32, #tpu.memory_space<hbm>> -> memref<640x128xf32, #tpu.memory_space<hbm>>
      %dma_start3A_22 = arith.constant 0 : i32
      %dma_start3A_23 = tpu.memref_slice %arg11[%mul3A_16, %dma_start3A_22] : memref<10240x128xf32, #tpu.memory_space<vmem_shared>> -> memref<640x128xf32, #tpu.memory_space<vmem_shared>>
      tpu.enqueue_dma source(%dma_start3A_23 : memref<640x128xf32, #tpu.memory_space<vmem_shared>>) target(%dma_start3A_21 : memref<640x128xf32, #tpu.memory_space<hbm>>) target_semaphore(%run_scoped3A : memref<!tpu.dma_semaphore, #tpu.memory_space<semaphore_mem>>)
      %dma_wait3A = arith.constant 0 : i32
      %dma_wait3A_24 = tpu.memref_slice %arg6[%arg0, %mul3A_18, %dma_wait3A] : memref<2x10240x128xf32, #tpu.memory_space<hbm>> -> memref<1x640x128xf32, #tpu.memory_space<hbm>>
      %dma_wait3A_25 = tpu.memref_squeeze %dma_wait3A_24 : memref<1x640x128xf32, #tpu.memory_space<hbm>> -> memref<640x128xf32, #tpu.memory_space<hbm>>
      %dma_wait3A_26 = arith.constant 0 : i32
      %dma_wait3A_27 = tpu.memref_slice %arg11[%mul3A_16, %dma_wait3A_26] : memref<10240x128xf32, #tpu.memory_space<vmem_shared>> -> memref<640x128xf32, #tpu.memory_space<vmem_shared>>
      tpu.wait_dma2 semaphore(%run_scoped3A : memref<!tpu.dma_semaphore, #tpu.memory_space<semaphore_mem>>) src(%dma_wait3A_27 : memref<640x128xf32, #tpu.memory_space<vmem_shared>>) dst(%dma_wait3A_25 : memref<640x128xf32, #tpu.memory_space<hbm>>)
      tpu.yield
    }) : () -> ()
    return
  }
}

#map = affine_map<(d0, d1) -> (0, 0, 0)>
#map1 = affine_map<(d0, d1) -> (0, 0)>
module attributes {stable_mosaic.version = 14 : i64} {
  func.func @hist(%arg0: i32, %arg1: i32, %arg2: memref<32x100x100xi32, #tpu.memory_space<hbm>>, %arg3: memref<32x4x80xi32, #tpu.memory_space<hbm>>, %arg4: memref<640x16xf32, #tpu.memory_space<hbm>>, %arg5: memref<100x16xf32, #tpu.memory_space<hbm>>, %arg6: memref<2x10240x16xf32, #tpu.memory_space<hbm>>, %arg7: memref<2x128x16xf32, #tpu.memory_space<hbm>>, %arg8: memref<100x100xi32, #tpu.memory_space<vmem>>, %arg9: memref<4x80xi32, #tpu.memory_space<vmem>>, %arg10: memref<100x16xf32, #tpu.memory_space<vmem>>, %arg11: memref<10240x16xf32, #tpu.memory_space<vmem_shared>>, %arg12: memref<128x16xf32, #tpu.memory_space<vmem_shared>>) attributes {dimension_semantics = [#tpu.dimension_semantics<core_parallel>, #tpu.dimension_semantics<subcore_parallel>], iteration_bounds = array<i64: 2, 16>, scalar_prefetch = 0 : i64, scratch_operands = 5 : i64, tpu.core_type = #tpu.core_type<sc_vector_subcore>, window_params = [{transform_indices = #map}, {transform_indices = #map}, {transform_indices = #map1}, {transform_indices = #map1}, {transform_indices = #map}, {transform_indices = #map}]} {
    %mul3A = arith.constant 16 : i32
    %mul3A_0 = arith.muli %arg0, %mul3A : i32
    %add3A = arith.addi %mul3A_0, %arg1 : i32
    %mul3A_1 = arith.constant 640 : i32
    %mul3A_2 = arith.muli %arg1, %mul3A_1 : i32
    "tpu.region"() ({
      %run_scoped3A_23 = tpu.sem_alloc : memref<!tpu.dma_semaphore, #tpu.memory_space<semaphore_mem>>
      %dma_start3A = arith.constant 0 : i32
      %dma_start3A_24 = tpu.memref_slice %arg11[%mul3A_2, %dma_start3A] : memref<10240x16xf32, #tpu.memory_space<vmem_shared>> -> memref<640x16xf32, #tpu.memory_space<vmem_shared>>
      tpu.enqueue_dma source(%arg4 : memref<640x16xf32, #tpu.memory_space<hbm>>) target(%dma_start3A_24 : memref<640x16xf32, #tpu.memory_space<vmem_shared>>) target_semaphore(%run_scoped3A_23 : memref<!tpu.dma_semaphore, #tpu.memory_space<semaphore_mem>>)
      %dma_wait3A = arith.constant 0 : i32
      %dma_wait3A_25 = tpu.memref_slice %arg11[%mul3A_2, %dma_wait3A] : memref<10240x16xf32, #tpu.memory_space<vmem_shared>> -> memref<640x16xf32, #tpu.memory_space<vmem_shared>>
      tpu.wait_dma2 semaphore(%run_scoped3A_23 : memref<!tpu.dma_semaphore, #tpu.memory_space<semaphore_mem>>) src(%arg4 : memref<640x16xf32, #tpu.memory_space<hbm>>) dst(%dma_wait3A_25 : memref<640x16xf32, #tpu.memory_space<vmem_shared>>)
      tpu.yield
    }) : () -> ()
    %eq3A = arith.constant 0 : i32
    %eq3A_3 = arith.cmpi eq, %arg1, %eq3A : i32
    %convert_element_type3A = arith.extui %eq3A_3 : i1 to i32
    %cond3A = arith.constant 0 : i32
    %cond3A_4 = arith.cmpi ne, %convert_element_type3A, %cond3A : i32
    scf.if %cond3A_4 {
      "tpu.region"() ({
        %run_scoped3A_23 = tpu.sem_alloc : memref<!tpu.dma_semaphore, #tpu.memory_space<semaphore_mem>>
        %dma_start3A = arith.constant 0 : i32
        %dma_start3A_24 = arith.constant 0 : i32
        %dma_start3A_25 = tpu.memref_slice %arg4[%dma_start3A, %dma_start3A_24] : memref<640x16xf32, #tpu.memory_space<hbm>> -> memref<128x16xf32, #tpu.memory_space<hbm>>
        tpu.enqueue_dma source(%dma_start3A_25 : memref<128x16xf32, #tpu.memory_space<hbm>>) target(%arg12 : memref<128x16xf32, #tpu.memory_space<vmem_shared>>) target_semaphore(%run_scoped3A_23 : memref<!tpu.dma_semaphore, #tpu.memory_space<semaphore_mem>>)
        %dma_wait3A = arith.constant 0 : i32
        %dma_wait3A_26 = arith.constant 0 : i32
        %dma_wait3A_27 = tpu.memref_slice %arg4[%dma_wait3A, %dma_wait3A_26] : memref<640x16xf32, #tpu.memory_space<hbm>> -> memref<128x16xf32, #tpu.memory_space<hbm>>
        tpu.wait_dma2 semaphore(%run_scoped3A_23 : memref<!tpu.dma_semaphore, #tpu.memory_space<semaphore_mem>>) src(%dma_wait3A_27 : memref<128x16xf32, #tpu.memory_space<hbm>>) dst(%arg12 : memref<128x16xf32, #tpu.memory_space<vmem_shared>>)
        tpu.yield
      }) : () -> ()
    } else {
    }
    "tpu.region"() ({
      %run_scoped3A_23 = tpu.sem_alloc : memref<!tpu.dma_semaphore, #tpu.memory_space<semaphore_mem>>
      tpu.enqueue_dma source(%arg5 : memref<100x16xf32, #tpu.memory_space<hbm>>) target(%arg10 : memref<100x16xf32, #tpu.memory_space<vmem>>) target_semaphore(%run_scoped3A_23 : memref<!tpu.dma_semaphore, #tpu.memory_space<semaphore_mem>>)
      tpu.wait_dma2 semaphore(%run_scoped3A_23 : memref<!tpu.dma_semaphore, #tpu.memory_space<semaphore_mem>>) src(%arg5 : memref<100x16xf32, #tpu.memory_space<hbm>>) dst(%arg10 : memref<100x16xf32, #tpu.memory_space<vmem>>)
      tpu.yield
    }) : () -> ()
    "tpu.region"() ({
      %run_scoped3A_23 = tpu.sem_alloc : memref<!tpu.dma_semaphore, #tpu.memory_space<semaphore_mem>>
      %dma_start3A = arith.constant 0 : i32
      %dma_start3A_24 = arith.constant 0 : i32
      %dma_start3A_25 = tpu.memref_slice %arg2[%add3A, %dma_start3A, %dma_start3A_24] : memref<32x100x100xi32, #tpu.memory_space<hbm>> -> memref<1x100x100xi32, #tpu.memory_space<hbm>>
      %dma_start3A_26 = tpu.memref_squeeze %dma_start3A_25 : memref<1x100x100xi32, #tpu.memory_space<hbm>> -> memref<100x100xi32, #tpu.memory_space<hbm>>
      %dma_start3A_27 = arith.constant 0 : i32
      %dma_start3A_28 = arith.constant 0 : i32
      %dma_start3A_29 = tpu.memref_slice %arg2[%add3A, %dma_start3A_27, %dma_start3A_28] : memref<32x100x100xi32, #tpu.memory_space<hbm>> -> memref<1x100x100xi32, #tpu.memory_space<hbm>>
      %dma_start3A_30 = tpu.memref_squeeze %dma_start3A_29 : memref<1x100x100xi32, #tpu.memory_space<hbm>> -> memref<100x100xi32, #tpu.memory_space<hbm>>
      tpu.enqueue_dma source(%dma_start3A_30 : memref<100x100xi32, #tpu.memory_space<hbm>>) target(%arg8 : memref<100x100xi32, #tpu.memory_space<vmem>>) target_semaphore(%run_scoped3A_23 : memref<!tpu.dma_semaphore, #tpu.memory_space<semaphore_mem>>)
      %dma_wait3A = arith.constant 0 : i32
      %dma_wait3A_31 = arith.constant 0 : i32
      %dma_wait3A_32 = tpu.memref_slice %arg2[%add3A, %dma_wait3A, %dma_wait3A_31] : memref<32x100x100xi32, #tpu.memory_space<hbm>> -> memref<1x100x100xi32, #tpu.memory_space<hbm>>
      %dma_wait3A_33 = tpu.memref_squeeze %dma_wait3A_32 : memref<1x100x100xi32, #tpu.memory_space<hbm>> -> memref<100x100xi32, #tpu.memory_space<hbm>>
      %dma_wait3A_34 = arith.constant 0 : i32
      %dma_wait3A_35 = arith.constant 0 : i32
      %dma_wait3A_36 = tpu.memref_slice %arg2[%add3A, %dma_wait3A_34, %dma_wait3A_35] : memref<32x100x100xi32, #tpu.memory_space<hbm>> -> memref<1x100x100xi32, #tpu.memory_space<hbm>>
      %dma_wait3A_37 = tpu.memref_squeeze %dma_wait3A_36 : memref<1x100x100xi32, #tpu.memory_space<hbm>> -> memref<100x100xi32, #tpu.memory_space<hbm>>
      tpu.wait_dma2 semaphore(%run_scoped3A_23 : memref<!tpu.dma_semaphore, #tpu.memory_space<semaphore_mem>>) src(%dma_wait3A_37 : memref<100x100xi32, #tpu.memory_space<hbm>>) dst(%arg8 : memref<100x100xi32, #tpu.memory_space<vmem>>)
      tpu.yield
    }) : () -> ()
    "tpu.region"() ({
      %run_scoped3A_23 = tpu.sem_alloc : memref<!tpu.dma_semaphore, #tpu.memory_space<semaphore_mem>>
      %dma_start3A = arith.constant 0 : i32
      %dma_start3A_24 = arith.constant 0 : i32
      %dma_start3A_25 = tpu.memref_slice %arg3[%add3A, %dma_start3A, %dma_start3A_24] : memref<32x4x80xi32, #tpu.memory_space<hbm>> -> memref<1x4x80xi32, #tpu.memory_space<hbm>>
      %dma_start3A_26 = tpu.memref_squeeze %dma_start3A_25 : memref<1x4x80xi32, #tpu.memory_space<hbm>> -> memref<4x80xi32, #tpu.memory_space<hbm>>
      %dma_start3A_27 = arith.constant 0 : i32
      %dma_start3A_28 = arith.constant 0 : i32
      %dma_start3A_29 = tpu.memref_slice %arg3[%add3A, %dma_start3A_27, %dma_start3A_28] : memref<32x4x80xi32, #tpu.memory_space<hbm>> -> memref<1x4x80xi32, #tpu.memory_space<hbm>>
      %dma_start3A_30 = tpu.memref_squeeze %dma_start3A_29 : memref<1x4x80xi32, #tpu.memory_space<hbm>> -> memref<4x80xi32, #tpu.memory_space<hbm>>
      tpu.enqueue_dma source(%dma_start3A_30 : memref<4x80xi32, #tpu.memory_space<hbm>>) target(%arg9 : memref<4x80xi32, #tpu.memory_space<vmem>>) target_semaphore(%run_scoped3A_23 : memref<!tpu.dma_semaphore, #tpu.memory_space<semaphore_mem>>)
      %dma_wait3A = arith.constant 0 : i32
      %dma_wait3A_31 = arith.constant 0 : i32
      %dma_wait3A_32 = tpu.memref_slice %arg3[%add3A, %dma_wait3A, %dma_wait3A_31] : memref<32x4x80xi32, #tpu.memory_space<hbm>> -> memref<1x4x80xi32, #tpu.memory_space<hbm>>
      %dma_wait3A_33 = tpu.memref_squeeze %dma_wait3A_32 : memref<1x4x80xi32, #tpu.memory_space<hbm>> -> memref<4x80xi32, #tpu.memory_space<hbm>>
      %dma_wait3A_34 = arith.constant 0 : i32
      %dma_wait3A_35 = arith.constant 0 : i32
      %dma_wait3A_36 = tpu.memref_slice %arg3[%add3A, %dma_wait3A_34, %dma_wait3A_35] : memref<32x4x80xi32, #tpu.memory_space<hbm>> -> memref<1x4x80xi32, #tpu.memory_space<hbm>>
      %dma_wait3A_37 = tpu.memref_squeeze %dma_wait3A_36 : memref<1x4x80xi32, #tpu.memory_space<hbm>> -> memref<4x80xi32, #tpu.memory_space<hbm>>
      tpu.wait_dma2 semaphore(%run_scoped3A_23 : memref<!tpu.dma_semaphore, #tpu.memory_space<semaphore_mem>>) src(%dma_wait3A_37 : memref<4x80xi32, #tpu.memory_space<hbm>>) dst(%arg9 : memref<4x80xi32, #tpu.memory_space<vmem>>)
      tpu.yield
    }) : () -> ()
    %barrier3A = arith.constant 0 : index
    tpu.barrier barrier_id(%barrier3A)
    %scan3A = arith.constant 0 : i32
    %scan3A_5 = arith.constant 0 : i32
    %scan3A_6 = arith.constant 100 : i32
    %scan3A_7 = arith.addi %scan3A_5, %scan3A_6 : i32
    %scan3A_8 = arith.constant 1 : i32
    scf.for %scan3A_23 = %scan3A_5 to %scan3A_7 step %scan3A_8  : i32 {
      "tpu.region"() ({
        %run_scoped3A_24 = tpu.sem_alloc : memref<!tpu.dma_semaphore, #tpu.memory_space<semaphore_mem>>
        %dma_start3A = arith.constant 0 : i32
        %dma_start3A_25 = tpu.memref_slice %arg8[%scan3A_23, %dma_start3A] : memref<100x100xi32, #tpu.memory_space<vmem>> -> memref<1x100xi32, #tpu.memory_space<vmem>>
        %dma_start3A_26 = tpu.memref_squeeze %dma_start3A_25 : memref<1x100xi32, #tpu.memory_space<vmem>> -> memref<100xi32, #tpu.memory_space<vmem>>
        %dma_start3A_27 = arith.constant 0 : i32
        %dma_start3A_28 = arith.constant 0 : i32
        %dma_start3A_29 = tpu.memref_slice %arg11[%dma_start3A_27, %dma_start3A_28] : memref<10240x16xf32, #tpu.memory_space<vmem_shared>> -> memref<10240x16xf32, #tpu.memory_space<vmem_shared>>
        tpu.enqueue_indirect_dma source(%arg10 : memref<100x16xf32, #tpu.memory_space<vmem>>) target(%dma_start3A_29 : memref<10240x16xf32, #tpu.memory_space<vmem_shared>>) offsets(%dma_start3A_26 : memref<100xi32, #tpu.memory_space<vmem>>) semaphore(%run_scoped3A_24 : memref<!tpu.dma_semaphore, #tpu.memory_space<semaphore_mem>>) {add = true}
        %dma_wait3A = arith.constant 0 : i32
        %dma_wait3A_30 = tpu.memref_slice %arg8[%scan3A_23, %dma_wait3A] : memref<100x100xi32, #tpu.memory_space<vmem>> -> memref<1x100xi32, #tpu.memory_space<vmem>>
        %dma_wait3A_31 = tpu.memref_squeeze %dma_wait3A_30 : memref<1x100xi32, #tpu.memory_space<vmem>> -> memref<100xi32, #tpu.memory_space<vmem>>
        %dma_wait3A_32 = arith.constant 0 : i32
        %dma_wait3A_33 = arith.constant 0 : i32
        %dma_wait3A_34 = tpu.memref_slice %arg11[%dma_wait3A_32, %dma_wait3A_33] : memref<10240x16xf32, #tpu.memory_space<vmem_shared>> -> memref<10240x16xf32, #tpu.memory_space<vmem_shared>>
        tpu.wait_indirect_dma semaphore(%run_scoped3A_24 : memref<!tpu.dma_semaphore, #tpu.memory_space<semaphore_mem>>) src(%arg10 : memref<100x16xf32, #tpu.memory_space<vmem>>) dst(%dma_wait3A_34 : memref<10240x16xf32, #tpu.memory_space<vmem_shared>>)
        tpu.yield
      }) : () -> ()
    }
    %scan3A_9 = arith.constant 100 : i32
    %run_scoped3A = arith.constant 0 : i32
    "tpu.region"() ({
      %run_scoped3A_23 = tpu.sem_alloc : memref<!tpu.dma_semaphore, #tpu.memory_space<semaphore_mem>>
      %dma_start3A = arith.constant 0 : i32
      %dma_start3A_24 = arith.constant 0 : i32
      %dma_start3A_25 = tpu.memref_slice %arg10[%dma_start3A, %dma_start3A_24] : memref<100x16xf32, #tpu.memory_space<vmem>> -> memref<80x16xf32, #tpu.memory_space<vmem>>
      %dma_start3A_26 = arith.constant 0 : i32
      %dma_start3A_27 = tpu.memref_slice %arg9[%run_scoped3A, %dma_start3A_26] : memref<4x80xi32, #tpu.memory_space<vmem>> -> memref<1x80xi32, #tpu.memory_space<vmem>>
      %dma_start3A_28 = tpu.memref_squeeze %dma_start3A_27 : memref<1x80xi32, #tpu.memory_space<vmem>> -> memref<80xi32, #tpu.memory_space<vmem>>
      %dma_start3A_29 = arith.constant 0 : i32
      %dma_start3A_30 = arith.constant 0 : i32
      %dma_start3A_31 = tpu.memref_slice %arg12[%dma_start3A_29, %dma_start3A_30] : memref<128x16xf32, #tpu.memory_space<vmem_shared>> -> memref<128x16xf32, #tpu.memory_space<vmem_shared>>
      tpu.enqueue_indirect_dma source(%dma_start3A_25 : memref<80x16xf32, #tpu.memory_space<vmem>>) target(%dma_start3A_31 : memref<128x16xf32, #tpu.memory_space<vmem_shared>>) offsets(%dma_start3A_28 : memref<80xi32, #tpu.memory_space<vmem>>) semaphore(%run_scoped3A_23 : memref<!tpu.dma_semaphore, #tpu.memory_space<semaphore_mem>>) {add = true}
      %dma_wait3A = arith.constant 0 : i32
      %dma_wait3A_32 = arith.constant 0 : i32
      %dma_wait3A_33 = tpu.memref_slice %arg10[%dma_wait3A, %dma_wait3A_32] : memref<100x16xf32, #tpu.memory_space<vmem>> -> memref<80x16xf32, #tpu.memory_space<vmem>>
      %dma_wait3A_34 = arith.constant 0 : i32
      %dma_wait3A_35 = tpu.memref_slice %arg9[%run_scoped3A, %dma_wait3A_34] : memref<4x80xi32, #tpu.memory_space<vmem>> -> memref<1x80xi32, #tpu.memory_space<vmem>>
      %dma_wait3A_36 = tpu.memref_squeeze %dma_wait3A_35 : memref<1x80xi32, #tpu.memory_space<vmem>> -> memref<80xi32, #tpu.memory_space<vmem>>
      %dma_wait3A_37 = arith.constant 0 : i32
      %dma_wait3A_38 = arith.constant 0 : i32
      %dma_wait3A_39 = tpu.memref_slice %arg12[%dma_wait3A_37, %dma_wait3A_38] : memref<128x16xf32, #tpu.memory_space<vmem_shared>> -> memref<128x16xf32, #tpu.memory_space<vmem_shared>>
      tpu.wait_indirect_dma semaphore(%run_scoped3A_23 : memref<!tpu.dma_semaphore, #tpu.memory_space<semaphore_mem>>) src(%dma_wait3A_33 : memref<80x16xf32, #tpu.memory_space<vmem>>) dst(%dma_wait3A_39 : memref<128x16xf32, #tpu.memory_space<vmem_shared>>)
      tpu.yield
    }) : () -> ()
    %run_scoped3A_10 = arith.constant 1 : i32
    "tpu.region"() ({
      %run_scoped3A_23 = tpu.sem_alloc : memref<!tpu.dma_semaphore, #tpu.memory_space<semaphore_mem>>
      %dma_start3A = arith.constant 0 : i32
      %dma_start3A_24 = arith.constant 0 : i32
      %dma_start3A_25 = tpu.memref_slice %arg10[%dma_start3A, %dma_start3A_24] : memref<100x16xf32, #tpu.memory_space<vmem>> -> memref<80x16xf32, #tpu.memory_space<vmem>>
      %dma_start3A_26 = arith.constant 0 : i32
      %dma_start3A_27 = tpu.memref_slice %arg9[%run_scoped3A_10, %dma_start3A_26] : memref<4x80xi32, #tpu.memory_space<vmem>> -> memref<1x80xi32, #tpu.memory_space<vmem>>
      %dma_start3A_28 = tpu.memref_squeeze %dma_start3A_27 : memref<1x80xi32, #tpu.memory_space<vmem>> -> memref<80xi32, #tpu.memory_space<vmem>>
      %dma_start3A_29 = arith.constant 0 : i32
      %dma_start3A_30 = arith.constant 0 : i32
      %dma_start3A_31 = tpu.memref_slice %arg12[%dma_start3A_29, %dma_start3A_30] : memref<128x16xf32, #tpu.memory_space<vmem_shared>> -> memref<128x16xf32, #tpu.memory_space<vmem_shared>>
      tpu.enqueue_indirect_dma source(%dma_start3A_25 : memref<80x16xf32, #tpu.memory_space<vmem>>) target(%dma_start3A_31 : memref<128x16xf32, #tpu.memory_space<vmem_shared>>) offsets(%dma_start3A_28 : memref<80xi32, #tpu.memory_space<vmem>>) semaphore(%run_scoped3A_23 : memref<!tpu.dma_semaphore, #tpu.memory_space<semaphore_mem>>) {add = true}
      %dma_wait3A = arith.constant 0 : i32
      %dma_wait3A_32 = arith.constant 0 : i32
      %dma_wait3A_33 = tpu.memref_slice %arg10[%dma_wait3A, %dma_wait3A_32] : memref<100x16xf32, #tpu.memory_space<vmem>> -> memref<80x16xf32, #tpu.memory_space<vmem>>
      %dma_wait3A_34 = arith.constant 0 : i32
      %dma_wait3A_35 = tpu.memref_slice %arg9[%run_scoped3A_10, %dma_wait3A_34] : memref<4x80xi32, #tpu.memory_space<vmem>> -> memref<1x80xi32, #tpu.memory_space<vmem>>
      %dma_wait3A_36 = tpu.memref_squeeze %dma_wait3A_35 : memref<1x80xi32, #tpu.memory_space<vmem>> -> memref<80xi32, #tpu.memory_space<vmem>>
      %dma_wait3A_37 = arith.constant 0 : i32
      %dma_wait3A_38 = arith.constant 0 : i32
      %dma_wait3A_39 = tpu.memref_slice %arg12[%dma_wait3A_37, %dma_wait3A_38] : memref<128x16xf32, #tpu.memory_space<vmem_shared>> -> memref<128x16xf32, #tpu.memory_space<vmem_shared>>
      tpu.wait_indirect_dma semaphore(%run_scoped3A_23 : memref<!tpu.dma_semaphore, #tpu.memory_space<semaphore_mem>>) src(%dma_wait3A_33 : memref<80x16xf32, #tpu.memory_space<vmem>>) dst(%dma_wait3A_39 : memref<128x16xf32, #tpu.memory_space<vmem_shared>>)
      tpu.yield
    }) : () -> ()
    %run_scoped3A_11 = arith.constant 2 : i32
    "tpu.region"() ({
      %run_scoped3A_23 = tpu.sem_alloc : memref<!tpu.dma_semaphore, #tpu.memory_space<semaphore_mem>>
      %dma_start3A = arith.constant 0 : i32
      %dma_start3A_24 = arith.constant 0 : i32
      %dma_start3A_25 = tpu.memref_slice %arg10[%dma_start3A, %dma_start3A_24] : memref<100x16xf32, #tpu.memory_space<vmem>> -> memref<80x16xf32, #tpu.memory_space<vmem>>
      %dma_start3A_26 = arith.constant 0 : i32
      %dma_start3A_27 = tpu.memref_slice %arg9[%run_scoped3A_11, %dma_start3A_26] : memref<4x80xi32, #tpu.memory_space<vmem>> -> memref<1x80xi32, #tpu.memory_space<vmem>>
      %dma_start3A_28 = tpu.memref_squeeze %dma_start3A_27 : memref<1x80xi32, #tpu.memory_space<vmem>> -> memref<80xi32, #tpu.memory_space<vmem>>
      %dma_start3A_29 = arith.constant 0 : i32
      %dma_start3A_30 = arith.constant 0 : i32
      %dma_start3A_31 = tpu.memref_slice %arg12[%dma_start3A_29, %dma_start3A_30] : memref<128x16xf32, #tpu.memory_space<vmem_shared>> -> memref<128x16xf32, #tpu.memory_space<vmem_shared>>
      tpu.enqueue_indirect_dma source(%dma_start3A_25 : memref<80x16xf32, #tpu.memory_space<vmem>>) target(%dma_start3A_31 : memref<128x16xf32, #tpu.memory_space<vmem_shared>>) offsets(%dma_start3A_28 : memref<80xi32, #tpu.memory_space<vmem>>) semaphore(%run_scoped3A_23 : memref<!tpu.dma_semaphore, #tpu.memory_space<semaphore_mem>>) {add = true}
      %dma_wait3A = arith.constant 0 : i32
      %dma_wait3A_32 = arith.constant 0 : i32
      %dma_wait3A_33 = tpu.memref_slice %arg10[%dma_wait3A, %dma_wait3A_32] : memref<100x16xf32, #tpu.memory_space<vmem>> -> memref<80x16xf32, #tpu.memory_space<vmem>>
      %dma_wait3A_34 = arith.constant 0 : i32
      %dma_wait3A_35 = tpu.memref_slice %arg9[%run_scoped3A_11, %dma_wait3A_34] : memref<4x80xi32, #tpu.memory_space<vmem>> -> memref<1x80xi32, #tpu.memory_space<vmem>>
      %dma_wait3A_36 = tpu.memref_squeeze %dma_wait3A_35 : memref<1x80xi32, #tpu.memory_space<vmem>> -> memref<80xi32, #tpu.memory_space<vmem>>
      %dma_wait3A_37 = arith.constant 0 : i32
      %dma_wait3A_38 = arith.constant 0 : i32
      %dma_wait3A_39 = tpu.memref_slice %arg12[%dma_wait3A_37, %dma_wait3A_38] : memref<128x16xf32, #tpu.memory_space<vmem_shared>> -> memref<128x16xf32, #tpu.memory_space<vmem_shared>>
      tpu.wait_indirect_dma semaphore(%run_scoped3A_23 : memref<!tpu.dma_semaphore, #tpu.memory_space<semaphore_mem>>) src(%dma_wait3A_33 : memref<80x16xf32, #tpu.memory_space<vmem>>) dst(%dma_wait3A_39 : memref<128x16xf32, #tpu.memory_space<vmem_shared>>)
      tpu.yield
    }) : () -> ()
    %run_scoped3A_12 = arith.constant 3 : i32
    "tpu.region"() ({
      %run_scoped3A_23 = tpu.sem_alloc : memref<!tpu.dma_semaphore, #tpu.memory_space<semaphore_mem>>
      %dma_start3A = arith.constant 0 : i32
      %dma_start3A_24 = arith.constant 0 : i32
      %dma_start3A_25 = tpu.memref_slice %arg10[%dma_start3A, %dma_start3A_24] : memref<100x16xf32, #tpu.memory_space<vmem>> -> memref<80x16xf32, #tpu.memory_space<vmem>>
      %dma_start3A_26 = arith.constant 0 : i32
      %dma_start3A_27 = tpu.memref_slice %arg9[%run_scoped3A_12, %dma_start3A_26] : memref<4x80xi32, #tpu.memory_space<vmem>> -> memref<1x80xi32, #tpu.memory_space<vmem>>
      %dma_start3A_28 = tpu.memref_squeeze %dma_start3A_27 : memref<1x80xi32, #tpu.memory_space<vmem>> -> memref<80xi32, #tpu.memory_space<vmem>>
      %dma_start3A_29 = arith.constant 0 : i32
      %dma_start3A_30 = arith.constant 0 : i32
      %dma_start3A_31 = tpu.memref_slice %arg12[%dma_start3A_29, %dma_start3A_30] : memref<128x16xf32, #tpu.memory_space<vmem_shared>> -> memref<128x16xf32, #tpu.memory_space<vmem_shared>>
      tpu.enqueue_indirect_dma source(%dma_start3A_25 : memref<80x16xf32, #tpu.memory_space<vmem>>) target(%dma_start3A_31 : memref<128x16xf32, #tpu.memory_space<vmem_shared>>) offsets(%dma_start3A_28 : memref<80xi32, #tpu.memory_space<vmem>>) semaphore(%run_scoped3A_23 : memref<!tpu.dma_semaphore, #tpu.memory_space<semaphore_mem>>) {add = true}
      %dma_wait3A = arith.constant 0 : i32
      %dma_wait3A_32 = arith.constant 0 : i32
      %dma_wait3A_33 = tpu.memref_slice %arg10[%dma_wait3A, %dma_wait3A_32] : memref<100x16xf32, #tpu.memory_space<vmem>> -> memref<80x16xf32, #tpu.memory_space<vmem>>
      %dma_wait3A_34 = arith.constant 0 : i32
      %dma_wait3A_35 = tpu.memref_slice %arg9[%run_scoped3A_12, %dma_wait3A_34] : memref<4x80xi32, #tpu.memory_space<vmem>> -> memref<1x80xi32, #tpu.memory_space<vmem>>
      %dma_wait3A_36 = tpu.memref_squeeze %dma_wait3A_35 : memref<1x80xi32, #tpu.memory_space<vmem>> -> memref<80xi32, #tpu.memory_space<vmem>>
      %dma_wait3A_37 = arith.constant 0 : i32
      %dma_wait3A_38 = arith.constant 0 : i32
      %dma_wait3A_39 = tpu.memref_slice %arg12[%dma_wait3A_37, %dma_wait3A_38] : memref<128x16xf32, #tpu.memory_space<vmem_shared>> -> memref<128x16xf32, #tpu.memory_space<vmem_shared>>
      tpu.wait_indirect_dma semaphore(%run_scoped3A_23 : memref<!tpu.dma_semaphore, #tpu.memory_space<semaphore_mem>>) src(%dma_wait3A_33 : memref<80x16xf32, #tpu.memory_space<vmem>>) dst(%dma_wait3A_39 : memref<128x16xf32, #tpu.memory_space<vmem_shared>>)
      tpu.yield
    }) : () -> ()
    %barrier3A_13 = arith.constant 0 : index
    tpu.barrier barrier_id(%barrier3A_13)
    %mul3A_14 = arith.constant 640 : i32
    %mul3A_15 = arith.muli %arg1, %mul3A_14 : i32
    %mul3A_16 = arith.constant 640 : i32
    %mul3A_17 = arith.muli %arg1, %mul3A_16 : i32
    "tpu.region"() ({
      %run_scoped3A_23 = tpu.sem_alloc : memref<!tpu.dma_semaphore, #tpu.memory_space<semaphore_mem>>
      %dma_start3A = arith.constant 0 : i32
      %dma_start3A_24 = tpu.memref_slice %arg6[%arg0, %mul3A_17, %dma_start3A] : memref<2x10240x16xf32, #tpu.memory_space<hbm>> -> memref<1x640x16xf32, #tpu.memory_space<hbm>>
      %dma_start3A_25 = tpu.memref_squeeze %dma_start3A_24 : memref<1x640x16xf32, #tpu.memory_space<hbm>> -> memref<640x16xf32, #tpu.memory_space<hbm>>
      %dma_start3A_26 = arith.constant 0 : i32
      %dma_start3A_27 = tpu.memref_slice %arg11[%mul3A_15, %dma_start3A_26] : memref<10240x16xf32, #tpu.memory_space<vmem_shared>> -> memref<640x16xf32, #tpu.memory_space<vmem_shared>>
      tpu.enqueue_dma source(%dma_start3A_27 : memref<640x16xf32, #tpu.memory_space<vmem_shared>>) target(%dma_start3A_25 : memref<640x16xf32, #tpu.memory_space<hbm>>) target_semaphore(%run_scoped3A_23 : memref<!tpu.dma_semaphore, #tpu.memory_space<semaphore_mem>>)
      %dma_wait3A = arith.constant 0 : i32
      %dma_wait3A_28 = tpu.memref_slice %arg6[%arg0, %mul3A_17, %dma_wait3A] : memref<2x10240x16xf32, #tpu.memory_space<hbm>> -> memref<1x640x16xf32, #tpu.memory_space<hbm>>
      %dma_wait3A_29 = tpu.memref_squeeze %dma_wait3A_28 : memref<1x640x16xf32, #tpu.memory_space<hbm>> -> memref<640x16xf32, #tpu.memory_space<hbm>>
      %dma_wait3A_30 = arith.constant 0 : i32
      %dma_wait3A_31 = tpu.memref_slice %arg11[%mul3A_15, %dma_wait3A_30] : memref<10240x16xf32, #tpu.memory_space<vmem_shared>> -> memref<640x16xf32, #tpu.memory_space<vmem_shared>>
      tpu.wait_dma2 semaphore(%run_scoped3A_23 : memref<!tpu.dma_semaphore, #tpu.memory_space<semaphore_mem>>) src(%dma_wait3A_31 : memref<640x16xf32, #tpu.memory_space<vmem_shared>>) dst(%dma_wait3A_29 : memref<640x16xf32, #tpu.memory_space<hbm>>)
      tpu.yield
    }) : () -> ()
    %eq3A_18 = arith.constant 0 : i32
    %eq3A_19 = arith.cmpi eq, %arg1, %eq3A_18 : i32
    %convert_element_type3A_20 = arith.extui %eq3A_19 : i1 to i32
    %cond3A_21 = arith.constant 0 : i32
    %cond3A_22 = arith.cmpi ne, %convert_element_type3A_20, %cond3A_21 : i32
    scf.if %cond3A_22 {
      "tpu.region"() ({
        %run_scoped3A_23 = tpu.sem_alloc : memref<!tpu.dma_semaphore, #tpu.memory_space<semaphore_mem>>
        %dma_start3A = arith.constant 0 : i32
        %dma_start3A_24 = arith.constant 0 : i32
        %dma_start3A_25 = tpu.memref_slice %arg7[%arg0, %dma_start3A, %dma_start3A_24] : memref<2x128x16xf32, #tpu.memory_space<hbm>> -> memref<1x128x16xf32, #tpu.memory_space<hbm>>
        %dma_start3A_26 = tpu.memref_squeeze %dma_start3A_25 : memref<1x128x16xf32, #tpu.memory_space<hbm>> -> memref<128x16xf32, #tpu.memory_space<hbm>>
        tpu.enqueue_dma source(%arg12 : memref<128x16xf32, #tpu.memory_space<vmem_shared>>) target(%dma_start3A_26 : memref<128x16xf32, #tpu.memory_space<hbm>>) target_semaphore(%run_scoped3A_23 : memref<!tpu.dma_semaphore, #tpu.memory_space<semaphore_mem>>)
        %dma_wait3A = arith.constant 0 : i32
        %dma_wait3A_27 = arith.constant 0 : i32
        %dma_wait3A_28 = tpu.memref_slice %arg7[%arg0, %dma_wait3A, %dma_wait3A_27] : memref<2x128x16xf32, #tpu.memory_space<hbm>> -> memref<1x128x16xf32, #tpu.memory_space<hbm>>
        %dma_wait3A_29 = tpu.memref_squeeze %dma_wait3A_28 : memref<1x128x16xf32, #tpu.memory_space<hbm>> -> memref<128x16xf32, #tpu.memory_space<hbm>>
        tpu.wait_dma2 semaphore(%run_scoped3A_23 : memref<!tpu.dma_semaphore, #tpu.memory_space<semaphore_mem>>) src(%arg12 : memref<128x16xf32, #tpu.memory_space<vmem_shared>>) dst(%dma_wait3A_29 : memref<128x16xf32, #tpu.memory_space<hbm>>)
        tpu.yield
      }) : () -> ()
    } else {
    }
    return
  }
}

#map = affine_map<(d0, d1) -> (0)>
#map1 = affine_map<(d0, d1) -> (0, 0, 0)>
#map2 = affine_map<(d0, d1) -> (0, 0)>
module attributes {stable_mosaic.version = 14 : i64} {
  func.func @wgat(%arg0: i32, %arg1: i32, %arg2: memref<10240xf32, #tpu.memory_space<hbm>>, %arg3: memref<5x64x128xi32, #tpu.memory_space<hbm>>, %arg4: memref<64x640xf32, #tpu.memory_space<hbm>>, %arg5: memref<128xi32, #tpu.memory_space<vmem>>, %arg6: memref<128xf32, #tpu.memory_space<vmem>>, %arg7: memref<!tpu.dma_semaphore, #tpu.memory_space<semaphore_mem>>) attributes {dimension_semantics = [#tpu.dimension_semantics<core_parallel>, #tpu.dimension_semantics<subcore_parallel>], iteration_bounds = array<i64: 2, 16>, scalar_prefetch = 0 : i64, scratch_operands = 3 : i64, tpu.core_type = #tpu.core_type<sc_vector_subcore>, window_params = [{transform_indices = #map}, {transform_indices = #map1}, {transform_indices = #map2}]} {
    %mul3A = arith.constant 16 : i32
    %mul3A_0 = arith.muli %arg0, %mul3A : i32
    %add3A = arith.addi %mul3A_0, %arg1 : i32
    %mul3A_1 = arith.constant 2 : i32
    %mul3A_2 = arith.muli %mul3A_1, %add3A : i32
    %add3A_3 = arith.constant 0 : i32
    %add3A_4 = arith.addi %mul3A_2, %add3A_3 : i32
    %run_scoped3A = arith.constant 0 : i32
    "tpu.region"() ({
      %run_scoped3A_56 = tpu.sem_alloc : memref<!tpu.dma_semaphore, #tpu.memory_space<semaphore_mem>>
      %dma_start3A_57 = arith.constant 0 : i32
      %dma_start3A_58 = tpu.memref_slice %arg3[%run_scoped3A, %add3A_4, %dma_start3A_57] : memref<5x64x128xi32, #tpu.memory_space<hbm>> -> memref<1x1x128xi32, #tpu.memory_space<hbm>>
      %dma_start3A_59 = tpu.memref_squeeze %dma_start3A_58 : memref<1x1x128xi32, #tpu.memory_space<hbm>> -> memref<128xi32, #tpu.memory_space<hbm>>
      %dma_start3A_60 = arith.constant 0 : i32
      %dma_start3A_61 = tpu.memref_slice %arg3[%run_scoped3A, %add3A_4, %dma_start3A_60] : memref<5x64x128xi32, #tpu.memory_space<hbm>> -> memref<1x1x128xi32, #tpu.memory_space<hbm>>
      %dma_start3A_62 = tpu.memref_squeeze %dma_start3A_61 : memref<1x1x128xi32, #tpu.memory_space<hbm>> -> memref<128xi32, #tpu.memory_space<hbm>>
      tpu.enqueue_dma source(%dma_start3A_62 : memref<128xi32, #tpu.memory_space<hbm>>) target(%arg5 : memref<128xi32, #tpu.memory_space<vmem>>) target_semaphore(%run_scoped3A_56 : memref<!tpu.dma_semaphore, #tpu.memory_space<semaphore_mem>>)
      %dma_wait3A_63 = arith.constant 0 : i32
      %dma_wait3A_64 = tpu.memref_slice %arg3[%run_scoped3A, %add3A_4, %dma_wait3A_63] : memref<5x64x128xi32, #tpu.memory_space<hbm>> -> memref<1x1x128xi32, #tpu.memory_space<hbm>>
      %dma_wait3A_65 = tpu.memref_squeeze %dma_wait3A_64 : memref<1x1x128xi32, #tpu.memory_space<hbm>> -> memref<128xi32, #tpu.memory_space<hbm>>
      %dma_wait3A_66 = arith.constant 0 : i32
      %dma_wait3A_67 = tpu.memref_slice %arg3[%run_scoped3A, %add3A_4, %dma_wait3A_66] : memref<5x64x128xi32, #tpu.memory_space<hbm>> -> memref<1x1x128xi32, #tpu.memory_space<hbm>>
      %dma_wait3A_68 = tpu.memref_squeeze %dma_wait3A_67 : memref<1x1x128xi32, #tpu.memory_space<hbm>> -> memref<128xi32, #tpu.memory_space<hbm>>
      tpu.wait_dma2 semaphore(%run_scoped3A_56 : memref<!tpu.dma_semaphore, #tpu.memory_space<semaphore_mem>>) src(%dma_wait3A_68 : memref<128xi32, #tpu.memory_space<hbm>>) dst(%arg5 : memref<128xi32, #tpu.memory_space<vmem>>)
      tpu.yield
    }) : () -> ()
    %dma_start3A = arith.constant 0 : i32
    %dma_start3A_5 = tpu.memref_slice %arg2[%dma_start3A] : memref<10240xf32, #tpu.memory_space<hbm>> -> memref<10240xf32, #tpu.memory_space<hbm>>
    tpu.enqueue_indirect_dma source(%dma_start3A_5 : memref<10240xf32, #tpu.memory_space<hbm>>) target(%arg6 : memref<128xf32, #tpu.memory_space<vmem>>) offsets(%arg5 : memref<128xi32, #tpu.memory_space<vmem>>) semaphore(%arg7 : memref<!tpu.dma_semaphore, #tpu.memory_space<semaphore_mem>>)
    %dma_wait3A = arith.constant 0 : i32
    %dma_wait3A_6 = tpu.memref_slice %arg2[%dma_wait3A] : memref<10240xf32, #tpu.memory_space<hbm>> -> memref<10240xf32, #tpu.memory_space<hbm>>
    tpu.wait_indirect_dma semaphore(%arg7 : memref<!tpu.dma_semaphore, #tpu.memory_space<semaphore_mem>>) src(%dma_wait3A_6 : memref<10240xf32, #tpu.memory_space<hbm>>) dst(%arg6 : memref<128xf32, #tpu.memory_space<vmem>>)
    "tpu.region"() ({
      %run_scoped3A_56 = tpu.sem_alloc : memref<!tpu.dma_semaphore, #tpu.memory_space<semaphore_mem>>
      %dma_start3A_57 = arith.constant 0 : i32
      %dma_start3A_58 = tpu.memref_slice %arg4[%add3A_4, %dma_start3A_57] : memref<64x640xf32, #tpu.memory_space<hbm>> -> memref<1x128xf32, #tpu.memory_space<hbm>>
      %dma_start3A_59 = tpu.memref_squeeze %dma_start3A_58 : memref<1x128xf32, #tpu.memory_space<hbm>> -> memref<128xf32, #tpu.memory_space<hbm>>
      %dma_start3A_60 = arith.constant 0 : i32
      %dma_start3A_61 = tpu.memref_slice %arg4[%add3A_4, %dma_start3A_60] : memref<64x640xf32, #tpu.memory_space<hbm>> -> memref<1x128xf32, #tpu.memory_space<hbm>>
      %dma_start3A_62 = tpu.memref_squeeze %dma_start3A_61 : memref<1x128xf32, #tpu.memory_space<hbm>> -> memref<128xf32, #tpu.memory_space<hbm>>
      tpu.enqueue_dma source(%arg6 : memref<128xf32, #tpu.memory_space<vmem>>) target(%dma_start3A_62 : memref<128xf32, #tpu.memory_space<hbm>>) target_semaphore(%run_scoped3A_56 : memref<!tpu.dma_semaphore, #tpu.memory_space<semaphore_mem>>)
      %dma_wait3A_63 = arith.constant 0 : i32
      %dma_wait3A_64 = tpu.memref_slice %arg4[%add3A_4, %dma_wait3A_63] : memref<64x640xf32, #tpu.memory_space<hbm>> -> memref<1x128xf32, #tpu.memory_space<hbm>>
      %dma_wait3A_65 = tpu.memref_squeeze %dma_wait3A_64 : memref<1x128xf32, #tpu.memory_space<hbm>> -> memref<128xf32, #tpu.memory_space<hbm>>
      %dma_wait3A_66 = arith.constant 0 : i32
      %dma_wait3A_67 = tpu.memref_slice %arg4[%add3A_4, %dma_wait3A_66] : memref<64x640xf32, #tpu.memory_space<hbm>> -> memref<1x128xf32, #tpu.memory_space<hbm>>
      %dma_wait3A_68 = tpu.memref_squeeze %dma_wait3A_67 : memref<1x128xf32, #tpu.memory_space<hbm>> -> memref<128xf32, #tpu.memory_space<hbm>>
      tpu.wait_dma2 semaphore(%run_scoped3A_56 : memref<!tpu.dma_semaphore, #tpu.memory_space<semaphore_mem>>) src(%arg6 : memref<128xf32, #tpu.memory_space<vmem>>) dst(%dma_wait3A_68 : memref<128xf32, #tpu.memory_space<hbm>>)
      tpu.yield
    }) : () -> ()
    %run_scoped3A_7 = arith.constant 1 : i32
    "tpu.region"() ({
      %run_scoped3A_56 = tpu.sem_alloc : memref<!tpu.dma_semaphore, #tpu.memory_space<semaphore_mem>>
      %dma_start3A_57 = arith.constant 0 : i32
      %dma_start3A_58 = tpu.memref_slice %arg3[%run_scoped3A_7, %add3A_4, %dma_start3A_57] : memref<5x64x128xi32, #tpu.memory_space<hbm>> -> memref<1x1x128xi32, #tpu.memory_space<hbm>>
      %dma_start3A_59 = tpu.memref_squeeze %dma_start3A_58 : memref<1x1x128xi32, #tpu.memory_space<hbm>> -> memref<128xi32, #tpu.memory_space<hbm>>
      %dma_start3A_60 = arith.constant 0 : i32
      %dma_start3A_61 = tpu.memref_slice %arg3[%run_scoped3A_7, %add3A_4, %dma_start3A_60] : memref<5x64x128xi32, #tpu.memory_space<hbm>> -> memref<1x1x128xi32, #tpu.memory_space<hbm>>
      %dma_start3A_62 = tpu.memref_squeeze %dma_start3A_61 : memref<1x1x128xi32, #tpu.memory_space<hbm>> -> memref<128xi32, #tpu.memory_space<hbm>>
      tpu.enqueue_dma source(%dma_start3A_62 : memref<128xi32, #tpu.memory_space<hbm>>) target(%arg5 : memref<128xi32, #tpu.memory_space<vmem>>) target_semaphore(%run_scoped3A_56 : memref<!tpu.dma_semaphore, #tpu.memory_space<semaphore_mem>>)
      %dma_wait3A_63 = arith.constant 0 : i32
      %dma_wait3A_64 = tpu.memref_slice %arg3[%run_scoped3A_7, %add3A_4, %dma_wait3A_63] : memref<5x64x128xi32, #tpu.memory_space<hbm>> -> memref<1x1x128xi32, #tpu.memory_space<hbm>>
      %dma_wait3A_65 = tpu.memref_squeeze %dma_wait3A_64 : memref<1x1x128xi32, #tpu.memory_space<hbm>> -> memref<128xi32, #tpu.memory_space<hbm>>
      %dma_wait3A_66 = arith.constant 0 : i32
      %dma_wait3A_67 = tpu.memref_slice %arg3[%run_scoped3A_7, %add3A_4, %dma_wait3A_66] : memref<5x64x128xi32, #tpu.memory_space<hbm>> -> memref<1x1x128xi32, #tpu.memory_space<hbm>>
      %dma_wait3A_68 = tpu.memref_squeeze %dma_wait3A_67 : memref<1x1x128xi32, #tpu.memory_space<hbm>> -> memref<128xi32, #tpu.memory_space<hbm>>
      tpu.wait_dma2 semaphore(%run_scoped3A_56 : memref<!tpu.dma_semaphore, #tpu.memory_space<semaphore_mem>>) src(%dma_wait3A_68 : memref<128xi32, #tpu.memory_space<hbm>>) dst(%arg5 : memref<128xi32, #tpu.memory_space<vmem>>)
      tpu.yield
    }) : () -> ()
    %dma_start3A_8 = arith.constant 0 : i32
    %dma_start3A_9 = tpu.memref_slice %arg2[%dma_start3A_8] : memref<10240xf32, #tpu.memory_space<hbm>> -> memref<10240xf32, #tpu.memory_space<hbm>>
    tpu.enqueue_indirect_dma source(%dma_start3A_9 : memref<10240xf32, #tpu.memory_space<hbm>>) target(%arg6 : memref<128xf32, #tpu.memory_space<vmem>>) offsets(%arg5 : memref<128xi32, #tpu.memory_space<vmem>>) semaphore(%arg7 : memref<!tpu.dma_semaphore, #tpu.memory_space<semaphore_mem>>)
    %dma_wait3A_10 = arith.constant 0 : i32
    %dma_wait3A_11 = tpu.memref_slice %arg2[%dma_wait3A_10] : memref<10240xf32, #tpu.memory_space<hbm>> -> memref<10240xf32, #tpu.memory_space<hbm>>
    tpu.wait_indirect_dma semaphore(%arg7 : memref<!tpu.dma_semaphore, #tpu.memory_space<semaphore_mem>>) src(%dma_wait3A_11 : memref<10240xf32, #tpu.memory_space<hbm>>) dst(%arg6 : memref<128xf32, #tpu.memory_space<vmem>>)
    "tpu.region"() ({
      %run_scoped3A_56 = tpu.sem_alloc : memref<!tpu.dma_semaphore, #tpu.memory_space<semaphore_mem>>
      %dma_start3A_57 = arith.constant 128 : i32
      %dma_start3A_58 = tpu.memref_slice %arg4[%add3A_4, %dma_start3A_57] : memref<64x640xf32, #tpu.memory_space<hbm>> -> memref<1x128xf32, #tpu.memory_space<hbm>>
      %dma_start3A_59 = tpu.memref_squeeze %dma_start3A_58 : memref<1x128xf32, #tpu.memory_space<hbm>> -> memref<128xf32, #tpu.memory_space<hbm>>
      %dma_start3A_60 = arith.constant 128 : i32
      %dma_start3A_61 = tpu.memref_slice %arg4[%add3A_4, %dma_start3A_60] : memref<64x640xf32, #tpu.memory_space<hbm>> -> memref<1x128xf32, #tpu.memory_space<hbm>>
      %dma_start3A_62 = tpu.memref_squeeze %dma_start3A_61 : memref<1x128xf32, #tpu.memory_space<hbm>> -> memref<128xf32, #tpu.memory_space<hbm>>
      tpu.enqueue_dma source(%arg6 : memref<128xf32, #tpu.memory_space<vmem>>) target(%dma_start3A_62 : memref<128xf32, #tpu.memory_space<hbm>>) target_semaphore(%run_scoped3A_56 : memref<!tpu.dma_semaphore, #tpu.memory_space<semaphore_mem>>)
      %dma_wait3A_63 = arith.constant 128 : i32
      %dma_wait3A_64 = tpu.memref_slice %arg4[%add3A_4, %dma_wait3A_63] : memref<64x640xf32, #tpu.memory_space<hbm>> -> memref<1x128xf32, #tpu.memory_space<hbm>>
      %dma_wait3A_65 = tpu.memref_squeeze %dma_wait3A_64 : memref<1x128xf32, #tpu.memory_space<hbm>> -> memref<128xf32, #tpu.memory_space<hbm>>
      %dma_wait3A_66 = arith.constant 128 : i32
      %dma_wait3A_67 = tpu.memref_slice %arg4[%add3A_4, %dma_wait3A_66] : memref<64x640xf32, #tpu.memory_space<hbm>> -> memref<1x128xf32, #tpu.memory_space<hbm>>
      %dma_wait3A_68 = tpu.memref_squeeze %dma_wait3A_67 : memref<1x128xf32, #tpu.memory_space<hbm>> -> memref<128xf32, #tpu.memory_space<hbm>>
      tpu.wait_dma2 semaphore(%run_scoped3A_56 : memref<!tpu.dma_semaphore, #tpu.memory_space<semaphore_mem>>) src(%arg6 : memref<128xf32, #tpu.memory_space<vmem>>) dst(%dma_wait3A_68 : memref<128xf32, #tpu.memory_space<hbm>>)
      tpu.yield
    }) : () -> ()
    %run_scoped3A_12 = arith.constant 2 : i32
    "tpu.region"() ({
      %run_scoped3A_56 = tpu.sem_alloc : memref<!tpu.dma_semaphore, #tpu.memory_space<semaphore_mem>>
      %dma_start3A_57 = arith.constant 0 : i32
      %dma_start3A_58 = tpu.memref_slice %arg3[%run_scoped3A_12, %add3A_4, %dma_start3A_57] : memref<5x64x128xi32, #tpu.memory_space<hbm>> -> memref<1x1x128xi32, #tpu.memory_space<hbm>>
      %dma_start3A_59 = tpu.memref_squeeze %dma_start3A_58 : memref<1x1x128xi32, #tpu.memory_space<hbm>> -> memref<128xi32, #tpu.memory_space<hbm>>
      %dma_start3A_60 = arith.constant 0 : i32
      %dma_start3A_61 = tpu.memref_slice %arg3[%run_scoped3A_12, %add3A_4, %dma_start3A_60] : memref<5x64x128xi32, #tpu.memory_space<hbm>> -> memref<1x1x128xi32, #tpu.memory_space<hbm>>
      %dma_start3A_62 = tpu.memref_squeeze %dma_start3A_61 : memref<1x1x128xi32, #tpu.memory_space<hbm>> -> memref<128xi32, #tpu.memory_space<hbm>>
      tpu.enqueue_dma source(%dma_start3A_62 : memref<128xi32, #tpu.memory_space<hbm>>) target(%arg5 : memref<128xi32, #tpu.memory_space<vmem>>) target_semaphore(%run_scoped3A_56 : memref<!tpu.dma_semaphore, #tpu.memory_space<semaphore_mem>>)
      %dma_wait3A_63 = arith.constant 0 : i32
      %dma_wait3A_64 = tpu.memref_slice %arg3[%run_scoped3A_12, %add3A_4, %dma_wait3A_63] : memref<5x64x128xi32, #tpu.memory_space<hbm>> -> memref<1x1x128xi32, #tpu.memory_space<hbm>>
      %dma_wait3A_65 = tpu.memref_squeeze %dma_wait3A_64 : memref<1x1x128xi32, #tpu.memory_space<hbm>> -> memref<128xi32, #tpu.memory_space<hbm>>
      %dma_wait3A_66 = arith.constant 0 : i32
      %dma_wait3A_67 = tpu.memref_slice %arg3[%run_scoped3A_12, %add3A_4, %dma_wait3A_66] : memref<5x64x128xi32, #tpu.memory_space<hbm>> -> memref<1x1x128xi32, #tpu.memory_space<hbm>>
      %dma_wait3A_68 = tpu.memref_squeeze %dma_wait3A_67 : memref<1x1x128xi32, #tpu.memory_space<hbm>> -> memref<128xi32, #tpu.memory_space<hbm>>
      tpu.wait_dma2 semaphore(%run_scoped3A_56 : memref<!tpu.dma_semaphore, #tpu.memory_space<semaphore_mem>>) src(%dma_wait3A_68 : memref<128xi32, #tpu.memory_space<hbm>>) dst(%arg5 : memref<128xi32, #tpu.memory_space<vmem>>)
      tpu.yield
    }) : () -> ()
    %dma_start3A_13 = arith.constant 0 : i32
    %dma_start3A_14 = tpu.memref_slice %arg2[%dma_start3A_13] : memref<10240xf32, #tpu.memory_space<hbm>> -> memref<10240xf32, #tpu.memory_space<hbm>>
    tpu.enqueue_indirect_dma source(%dma_start3A_14 : memref<10240xf32, #tpu.memory_space<hbm>>) target(%arg6 : memref<128xf32, #tpu.memory_space<vmem>>) offsets(%arg5 : memref<128xi32, #tpu.memory_space<vmem>>) semaphore(%arg7 : memref<!tpu.dma_semaphore, #tpu.memory_space<semaphore_mem>>)
    %dma_wait3A_15 = arith.constant 0 : i32
    %dma_wait3A_16 = tpu.memref_slice %arg2[%dma_wait3A_15] : memref<10240xf32, #tpu.memory_space<hbm>> -> memref<10240xf32, #tpu.memory_space<hbm>>
    tpu.wait_indirect_dma semaphore(%arg7 : memref<!tpu.dma_semaphore, #tpu.memory_space<semaphore_mem>>) src(%dma_wait3A_16 : memref<10240xf32, #tpu.memory_space<hbm>>) dst(%arg6 : memref<128xf32, #tpu.memory_space<vmem>>)
    "tpu.region"() ({
      %run_scoped3A_56 = tpu.sem_alloc : memref<!tpu.dma_semaphore, #tpu.memory_space<semaphore_mem>>
      %dma_start3A_57 = arith.constant 256 : i32
      %dma_start3A_58 = tpu.memref_slice %arg4[%add3A_4, %dma_start3A_57] : memref<64x640xf32, #tpu.memory_space<hbm>> -> memref<1x128xf32, #tpu.memory_space<hbm>>
      %dma_start3A_59 = tpu.memref_squeeze %dma_start3A_58 : memref<1x128xf32, #tpu.memory_space<hbm>> -> memref<128xf32, #tpu.memory_space<hbm>>
      %dma_start3A_60 = arith.constant 256 : i32
      %dma_start3A_61 = tpu.memref_slice %arg4[%add3A_4, %dma_start3A_60] : memref<64x640xf32, #tpu.memory_space<hbm>> -> memref<1x128xf32, #tpu.memory_space<hbm>>
      %dma_start3A_62 = tpu.memref_squeeze %dma_start3A_61 : memref<1x128xf32, #tpu.memory_space<hbm>> -> memref<128xf32, #tpu.memory_space<hbm>>
      tpu.enqueue_dma source(%arg6 : memref<128xf32, #tpu.memory_space<vmem>>) target(%dma_start3A_62 : memref<128xf32, #tpu.memory_space<hbm>>) target_semaphore(%run_scoped3A_56 : memref<!tpu.dma_semaphore, #tpu.memory_space<semaphore_mem>>)
      %dma_wait3A_63 = arith.constant 256 : i32
      %dma_wait3A_64 = tpu.memref_slice %arg4[%add3A_4, %dma_wait3A_63] : memref<64x640xf32, #tpu.memory_space<hbm>> -> memref<1x128xf32, #tpu.memory_space<hbm>>
      %dma_wait3A_65 = tpu.memref_squeeze %dma_wait3A_64 : memref<1x128xf32, #tpu.memory_space<hbm>> -> memref<128xf32, #tpu.memory_space<hbm>>
      %dma_wait3A_66 = arith.constant 256 : i32
      %dma_wait3A_67 = tpu.memref_slice %arg4[%add3A_4, %dma_wait3A_66] : memref<64x640xf32, #tpu.memory_space<hbm>> -> memref<1x128xf32, #tpu.memory_space<hbm>>
      %dma_wait3A_68 = tpu.memref_squeeze %dma_wait3A_67 : memref<1x128xf32, #tpu.memory_space<hbm>> -> memref<128xf32, #tpu.memory_space<hbm>>
      tpu.wait_dma2 semaphore(%run_scoped3A_56 : memref<!tpu.dma_semaphore, #tpu.memory_space<semaphore_mem>>) src(%arg6 : memref<128xf32, #tpu.memory_space<vmem>>) dst(%dma_wait3A_68 : memref<128xf32, #tpu.memory_space<hbm>>)
      tpu.yield
    }) : () -> ()
    %run_scoped3A_17 = arith.constant 3 : i32
    "tpu.region"() ({
      %run_scoped3A_56 = tpu.sem_alloc : memref<!tpu.dma_semaphore, #tpu.memory_space<semaphore_mem>>
      %dma_start3A_57 = arith.constant 0 : i32
      %dma_start3A_58 = tpu.memref_slice %arg3[%run_scoped3A_17, %add3A_4, %dma_start3A_57] : memref<5x64x128xi32, #tpu.memory_space<hbm>> -> memref<1x1x128xi32, #tpu.memory_space<hbm>>
      %dma_start3A_59 = tpu.memref_squeeze %dma_start3A_58 : memref<1x1x128xi32, #tpu.memory_space<hbm>> -> memref<128xi32, #tpu.memory_space<hbm>>
      %dma_start3A_60 = arith.constant 0 : i32
      %dma_start3A_61 = tpu.memref_slice %arg3[%run_scoped3A_17, %add3A_4, %dma_start3A_60] : memref<5x64x128xi32, #tpu.memory_space<hbm>> -> memref<1x1x128xi32, #tpu.memory_space<hbm>>
      %dma_start3A_62 = tpu.memref_squeeze %dma_start3A_61 : memref<1x1x128xi32, #tpu.memory_space<hbm>> -> memref<128xi32, #tpu.memory_space<hbm>>
      tpu.enqueue_dma source(%dma_start3A_62 : memref<128xi32, #tpu.memory_space<hbm>>) target(%arg5 : memref<128xi32, #tpu.memory_space<vmem>>) target_semaphore(%run_scoped3A_56 : memref<!tpu.dma_semaphore, #tpu.memory_space<semaphore_mem>>)
      %dma_wait3A_63 = arith.constant 0 : i32
      %dma_wait3A_64 = tpu.memref_slice %arg3[%run_scoped3A_17, %add3A_4, %dma_wait3A_63] : memref<5x64x128xi32, #tpu.memory_space<hbm>> -> memref<1x1x128xi32, #tpu.memory_space<hbm>>
      %dma_wait3A_65 = tpu.memref_squeeze %dma_wait3A_64 : memref<1x1x128xi32, #tpu.memory_space<hbm>> -> memref<128xi32, #tpu.memory_space<hbm>>
      %dma_wait3A_66 = arith.constant 0 : i32
      %dma_wait3A_67 = tpu.memref_slice %arg3[%run_scoped3A_17, %add3A_4, %dma_wait3A_66] : memref<5x64x128xi32, #tpu.memory_space<hbm>> -> memref<1x1x128xi32, #tpu.memory_space<hbm>>
      %dma_wait3A_68 = tpu.memref_squeeze %dma_wait3A_67 : memref<1x1x128xi32, #tpu.memory_space<hbm>> -> memref<128xi32, #tpu.memory_space<hbm>>
      tpu.wait_dma2 semaphore(%run_scoped3A_56 : memref<!tpu.dma_semaphore, #tpu.memory_space<semaphore_mem>>) src(%dma_wait3A_68 : memref<128xi32, #tpu.memory_space<hbm>>) dst(%arg5 : memref<128xi32, #tpu.memory_space<vmem>>)
      tpu.yield
    }) : () -> ()
    %dma_start3A_18 = arith.constant 0 : i32
    %dma_start3A_19 = tpu.memref_slice %arg2[%dma_start3A_18] : memref<10240xf32, #tpu.memory_space<hbm>> -> memref<10240xf32, #tpu.memory_space<hbm>>
    tpu.enqueue_indirect_dma source(%dma_start3A_19 : memref<10240xf32, #tpu.memory_space<hbm>>) target(%arg6 : memref<128xf32, #tpu.memory_space<vmem>>) offsets(%arg5 : memref<128xi32, #tpu.memory_space<vmem>>) semaphore(%arg7 : memref<!tpu.dma_semaphore, #tpu.memory_space<semaphore_mem>>)
    %dma_wait3A_20 = arith.constant 0 : i32
    %dma_wait3A_21 = tpu.memref_slice %arg2[%dma_wait3A_20] : memref<10240xf32, #tpu.memory_space<hbm>> -> memref<10240xf32, #tpu.memory_space<hbm>>
    tpu.wait_indirect_dma semaphore(%arg7 : memref<!tpu.dma_semaphore, #tpu.memory_space<semaphore_mem>>) src(%dma_wait3A_21 : memref<10240xf32, #tpu.memory_space<hbm>>) dst(%arg6 : memref<128xf32, #tpu.memory_space<vmem>>)
    "tpu.region"() ({
      %run_scoped3A_56 = tpu.sem_alloc : memref<!tpu.dma_semaphore, #tpu.memory_space<semaphore_mem>>
      %dma_start3A_57 = arith.constant 384 : i32
      %dma_start3A_58 = tpu.memref_slice %arg4[%add3A_4, %dma_start3A_57] : memref<64x640xf32, #tpu.memory_space<hbm>> -> memref<1x128xf32, #tpu.memory_space<hbm>>
      %dma_start3A_59 = tpu.memref_squeeze %dma_start3A_58 : memref<1x128xf32, #tpu.memory_space<hbm>> -> memref<128xf32, #tpu.memory_space<hbm>>
      %dma_start3A_60 = arith.constant 384 : i32
      %dma_start3A_61 = tpu.memref_slice %arg4[%add3A_4, %dma_start3A_60] : memref<64x640xf32, #tpu.memory_space<hbm>> -> memref<1x128xf32, #tpu.memory_space<hbm>>
      %dma_start3A_62 = tpu.memref_squeeze %dma_start3A_61 : memref<1x128xf32, #tpu.memory_space<hbm>> -> memref<128xf32, #tpu.memory_space<hbm>>
      tpu.enqueue_dma source(%arg6 : memref<128xf32, #tpu.memory_space<vmem>>) target(%dma_start3A_62 : memref<128xf32, #tpu.memory_space<hbm>>) target_semaphore(%run_scoped3A_56 : memref<!tpu.dma_semaphore, #tpu.memory_space<semaphore_mem>>)
      %dma_wait3A_63 = arith.constant 384 : i32
      %dma_wait3A_64 = tpu.memref_slice %arg4[%add3A_4, %dma_wait3A_63] : memref<64x640xf32, #tpu.memory_space<hbm>> -> memref<1x128xf32, #tpu.memory_space<hbm>>
      %dma_wait3A_65 = tpu.memref_squeeze %dma_wait3A_64 : memref<1x128xf32, #tpu.memory_space<hbm>> -> memref<128xf32, #tpu.memory_space<hbm>>
      %dma_wait3A_66 = arith.constant 384 : i32
      %dma_wait3A_67 = tpu.memref_slice %arg4[%add3A_4, %dma_wait3A_66] : memref<64x640xf32, #tpu.memory_space<hbm>> -> memref<1x128xf32, #tpu.memory_space<hbm>>
      %dma_wait3A_68 = tpu.memref_squeeze %dma_wait3A_67 : memref<1x128xf32, #tpu.memory_space<hbm>> -> memref<128xf32, #tpu.memory_space<hbm>>
      tpu.wait_dma2 semaphore(%run_scoped3A_56 : memref<!tpu.dma_semaphore, #tpu.memory_space<semaphore_mem>>) src(%arg6 : memref<128xf32, #tpu.memory_space<vmem>>) dst(%dma_wait3A_68 : memref<128xf32, #tpu.memory_space<hbm>>)
      tpu.yield
    }) : () -> ()
    %run_scoped3A_22 = arith.constant 4 : i32
    "tpu.region"() ({
      %run_scoped3A_56 = tpu.sem_alloc : memref<!tpu.dma_semaphore, #tpu.memory_space<semaphore_mem>>
      %dma_start3A_57 = arith.constant 0 : i32
      %dma_start3A_58 = tpu.memref_slice %arg3[%run_scoped3A_22, %add3A_4, %dma_start3A_57] : memref<5x64x128xi32, #tpu.memory_space<hbm>> -> memref<1x1x128xi32, #tpu.memory_space<hbm>>
      %dma_start3A_59 = tpu.memref_squeeze %dma_start3A_58 : memref<1x1x128xi32, #tpu.memory_space<hbm>> -> memref<128xi32, #tpu.memory_space<hbm>>
      %dma_start3A_60 = arith.constant 0 : i32
      %dma_start3A_61 = tpu.memref_slice %arg3[%run_scoped3A_22, %add3A_4, %dma_start3A_60] : memref<5x64x128xi32, #tpu.memory_space<hbm>> -> memref<1x1x128xi32, #tpu.memory_space<hbm>>
      %dma_start3A_62 = tpu.memref_squeeze %dma_start3A_61 : memref<1x1x128xi32, #tpu.memory_space<hbm>> -> memref<128xi32, #tpu.memory_space<hbm>>
      tpu.enqueue_dma source(%dma_start3A_62 : memref<128xi32, #tpu.memory_space<hbm>>) target(%arg5 : memref<128xi32, #tpu.memory_space<vmem>>) target_semaphore(%run_scoped3A_56 : memref<!tpu.dma_semaphore, #tpu.memory_space<semaphore_mem>>)
      %dma_wait3A_63 = arith.constant 0 : i32
      %dma_wait3A_64 = tpu.memref_slice %arg3[%run_scoped3A_22, %add3A_4, %dma_wait3A_63] : memref<5x64x128xi32, #tpu.memory_space<hbm>> -> memref<1x1x128xi32, #tpu.memory_space<hbm>>
      %dma_wait3A_65 = tpu.memref_squeeze %dma_wait3A_64 : memref<1x1x128xi32, #tpu.memory_space<hbm>> -> memref<128xi32, #tpu.memory_space<hbm>>
      %dma_wait3A_66 = arith.constant 0 : i32
      %dma_wait3A_67 = tpu.memref_slice %arg3[%run_scoped3A_22, %add3A_4, %dma_wait3A_66] : memref<5x64x128xi32, #tpu.memory_space<hbm>> -> memref<1x1x128xi32, #tpu.memory_space<hbm>>
      %dma_wait3A_68 = tpu.memref_squeeze %dma_wait3A_67 : memref<1x1x128xi32, #tpu.memory_space<hbm>> -> memref<128xi32, #tpu.memory_space<hbm>>
      tpu.wait_dma2 semaphore(%run_scoped3A_56 : memref<!tpu.dma_semaphore, #tpu.memory_space<semaphore_mem>>) src(%dma_wait3A_68 : memref<128xi32, #tpu.memory_space<hbm>>) dst(%arg5 : memref<128xi32, #tpu.memory_space<vmem>>)
      tpu.yield
    }) : () -> ()
    %dma_start3A_23 = arith.constant 0 : i32
    %dma_start3A_24 = tpu.memref_slice %arg2[%dma_start3A_23] : memref<10240xf32, #tpu.memory_space<hbm>> -> memref<10240xf32, #tpu.memory_space<hbm>>
    tpu.enqueue_indirect_dma source(%dma_start3A_24 : memref<10240xf32, #tpu.memory_space<hbm>>) target(%arg6 : memref<128xf32, #tpu.memory_space<vmem>>) offsets(%arg5 : memref<128xi32, #tpu.memory_space<vmem>>) semaphore(%arg7 : memref<!tpu.dma_semaphore, #tpu.memory_space<semaphore_mem>>)
    %dma_wait3A_25 = arith.constant 0 : i32
    %dma_wait3A_26 = tpu.memref_slice %arg2[%dma_wait3A_25] : memref<10240xf32, #tpu.memory_space<hbm>> -> memref<10240xf32, #tpu.memory_space<hbm>>
    tpu.wait_indirect_dma semaphore(%arg7 : memref<!tpu.dma_semaphore, #tpu.memory_space<semaphore_mem>>) src(%dma_wait3A_26 : memref<10240xf32, #tpu.memory_space<hbm>>) dst(%arg6 : memref<128xf32, #tpu.memory_space<vmem>>)
    "tpu.region"() ({
      %run_scoped3A_56 = tpu.sem_alloc : memref<!tpu.dma_semaphore, #tpu.memory_space<semaphore_mem>>
      %dma_start3A_57 = arith.constant 512 : i32
      %dma_start3A_58 = tpu.memref_slice %arg4[%add3A_4, %dma_start3A_57] : memref<64x640xf32, #tpu.memory_space<hbm>> -> memref<1x128xf32, #tpu.memory_space<hbm>>
      %dma_start3A_59 = tpu.memref_squeeze %dma_start3A_58 : memref<1x128xf32, #tpu.memory_space<hbm>> -> memref<128xf32, #tpu.memory_space<hbm>>
      %dma_start3A_60 = arith.constant 512 : i32
      %dma_start3A_61 = tpu.memref_slice %arg4[%add3A_4, %dma_start3A_60] : memref<64x640xf32, #tpu.memory_space<hbm>> -> memref<1x128xf32, #tpu.memory_space<hbm>>
      %dma_start3A_62 = tpu.memref_squeeze %dma_start3A_61 : memref<1x128xf32, #tpu.memory_space<hbm>> -> memref<128xf32, #tpu.memory_space<hbm>>
      tpu.enqueue_dma source(%arg6 : memref<128xf32, #tpu.memory_space<vmem>>) target(%dma_start3A_62 : memref<128xf32, #tpu.memory_space<hbm>>) target_semaphore(%run_scoped3A_56 : memref<!tpu.dma_semaphore, #tpu.memory_space<semaphore_mem>>)
      %dma_wait3A_63 = arith.constant 512 : i32
      %dma_wait3A_64 = tpu.memref_slice %arg4[%add3A_4, %dma_wait3A_63] : memref<64x640xf32, #tpu.memory_space<hbm>> -> memref<1x128xf32, #tpu.memory_space<hbm>>
      %dma_wait3A_65 = tpu.memref_squeeze %dma_wait3A_64 : memref<1x128xf32, #tpu.memory_space<hbm>> -> memref<128xf32, #tpu.memory_space<hbm>>
      %dma_wait3A_66 = arith.constant 512 : i32
      %dma_wait3A_67 = tpu.memref_slice %arg4[%add3A_4, %dma_wait3A_66] : memref<64x640xf32, #tpu.memory_space<hbm>> -> memref<1x128xf32, #tpu.memory_space<hbm>>
      %dma_wait3A_68 = tpu.memref_squeeze %dma_wait3A_67 : memref<1x128xf32, #tpu.memory_space<hbm>> -> memref<128xf32, #tpu.memory_space<hbm>>
      tpu.wait_dma2 semaphore(%run_scoped3A_56 : memref<!tpu.dma_semaphore, #tpu.memory_space<semaphore_mem>>) src(%arg6 : memref<128xf32, #tpu.memory_space<vmem>>) dst(%dma_wait3A_68 : memref<128xf32, #tpu.memory_space<hbm>>)
      tpu.yield
    }) : () -> ()
    %mul3A_27 = arith.constant 2 : i32
    %mul3A_28 = arith.muli %mul3A_27, %add3A : i32
    %add3A_29 = arith.constant 1 : i32
    %add3A_30 = arith.addi %mul3A_28, %add3A_29 : i32
    %run_scoped3A_31 = arith.constant 0 : i32
    "tpu.region"() ({
      %run_scoped3A_56 = tpu.sem_alloc : memref<!tpu.dma_semaphore, #tpu.memory_space<semaphore_mem>>
      %dma_start3A_57 = arith.constant 0 : i32
      %dma_start3A_58 = tpu.memref_slice %arg3[%run_scoped3A_31, %add3A_30, %dma_start3A_57] : memref<5x64x128xi32, #tpu.memory_space<hbm>> -> memref<1x1x128xi32, #tpu.memory_space<hbm>>
      %dma_start3A_59 = tpu.memref_squeeze %dma_start3A_58 : memref<1x1x128xi32, #tpu.memory_space<hbm>> -> memref<128xi32, #tpu.memory_space<hbm>>
      %dma_start3A_60 = arith.constant 0 : i32
      %dma_start3A_61 = tpu.memref_slice %arg3[%run_scoped3A_31, %add3A_30, %dma_start3A_60] : memref<5x64x128xi32, #tpu.memory_space<hbm>> -> memref<1x1x128xi32, #tpu.memory_space<hbm>>
      %dma_start3A_62 = tpu.memref_squeeze %dma_start3A_61 : memref<1x1x128xi32, #tpu.memory_space<hbm>> -> memref<128xi32, #tpu.memory_space<hbm>>
      tpu.enqueue_dma source(%dma_start3A_62 : memref<128xi32, #tpu.memory_space<hbm>>) target(%arg5 : memref<128xi32, #tpu.memory_space<vmem>>) target_semaphore(%run_scoped3A_56 : memref<!tpu.dma_semaphore, #tpu.memory_space<semaphore_mem>>)
      %dma_wait3A_63 = arith.constant 0 : i32
      %dma_wait3A_64 = tpu.memref_slice %arg3[%run_scoped3A_31, %add3A_30, %dma_wait3A_63] : memref<5x64x128xi32, #tpu.memory_space<hbm>> -> memref<1x1x128xi32, #tpu.memory_space<hbm>>
      %dma_wait3A_65 = tpu.memref_squeeze %dma_wait3A_64 : memref<1x1x128xi32, #tpu.memory_space<hbm>> -> memref<128xi32, #tpu.memory_space<hbm>>
      %dma_wait3A_66 = arith.constant 0 : i32
      %dma_wait3A_67 = tpu.memref_slice %arg3[%run_scoped3A_31, %add3A_30, %dma_wait3A_66] : memref<5x64x128xi32, #tpu.memory_space<hbm>> -> memref<1x1x128xi32, #tpu.memory_space<hbm>>
      %dma_wait3A_68 = tpu.memref_squeeze %dma_wait3A_67 : memref<1x1x128xi32, #tpu.memory_space<hbm>> -> memref<128xi32, #tpu.memory_space<hbm>>
      tpu.wait_dma2 semaphore(%run_scoped3A_56 : memref<!tpu.dma_semaphore, #tpu.memory_space<semaphore_mem>>) src(%dma_wait3A_68 : memref<128xi32, #tpu.memory_space<hbm>>) dst(%arg5 : memref<128xi32, #tpu.memory_space<vmem>>)
      tpu.yield
    }) : () -> ()
    %dma_start3A_32 = arith.constant 0 : i32
    %dma_start3A_33 = tpu.memref_slice %arg2[%dma_start3A_32] : memref<10240xf32, #tpu.memory_space<hbm>> -> memref<10240xf32, #tpu.memory_space<hbm>>
    tpu.enqueue_indirect_dma source(%dma_start3A_33 : memref<10240xf32, #tpu.memory_space<hbm>>) target(%arg6 : memref<128xf32, #tpu.memory_space<vmem>>) offsets(%arg5 : memref<128xi32, #tpu.memory_space<vmem>>) semaphore(%arg7 : memref<!tpu.dma_semaphore, #tpu.memory_space<semaphore_mem>>)
    %dma_wait3A_34 = arith.constant 0 : i32
    %dma_wait3A_35 = tpu.memref_slice %arg2[%dma_wait3A_34] : memref<10240xf32, #tpu.memory_space<hbm>> -> memref<10240xf32, #tpu.memory_space<hbm>>
    tpu.wait_indirect_dma semaphore(%arg7 : memref<!tpu.dma_semaphore, #tpu.memory_space<semaphore_mem>>) src(%dma_wait3A_35 : memref<10240xf32, #tpu.memory_space<hbm>>) dst(%arg6 : memref<128xf32, #tpu.memory_space<vmem>>)
    "tpu.region"() ({
      %run_scoped3A_56 = tpu.sem_alloc : memref<!tpu.dma_semaphore, #tpu.memory_space<semaphore_mem>>
      %dma_start3A_57 = arith.constant 0 : i32
      %dma_start3A_58 = tpu.memref_slice %arg4[%add3A_30, %dma_start3A_57] : memref<64x640xf32, #tpu.memory_space<hbm>> -> memref<1x128xf32, #tpu.memory_space<hbm>>
      %dma_start3A_59 = tpu.memref_squeeze %dma_start3A_58 : memref<1x128xf32, #tpu.memory_space<hbm>> -> memref<128xf32, #tpu.memory_space<hbm>>
      %dma_start3A_60 = arith.constant 0 : i32
      %dma_start3A_61 = tpu.memref_slice %arg4[%add3A_30, %dma_start3A_60] : memref<64x640xf32, #tpu.memory_space<hbm>> -> memref<1x128xf32, #tpu.memory_space<hbm>>
      %dma_start3A_62 = tpu.memref_squeeze %dma_start3A_61 : memref<1x128xf32, #tpu.memory_space<hbm>> -> memref<128xf32, #tpu.memory_space<hbm>>
      tpu.enqueue_dma source(%arg6 : memref<128xf32, #tpu.memory_space<vmem>>) target(%dma_start3A_62 : memref<128xf32, #tpu.memory_space<hbm>>) target_semaphore(%run_scoped3A_56 : memref<!tpu.dma_semaphore, #tpu.memory_space<semaphore_mem>>)
      %dma_wait3A_63 = arith.constant 0 : i32
      %dma_wait3A_64 = tpu.memref_slice %arg4[%add3A_30, %dma_wait3A_63] : memref<64x640xf32, #tpu.memory_space<hbm>> -> memref<1x128xf32, #tpu.memory_space<hbm>>
      %dma_wait3A_65 = tpu.memref_squeeze %dma_wait3A_64 : memref<1x128xf32, #tpu.memory_space<hbm>> -> memref<128xf32, #tpu.memory_space<hbm>>
      %dma_wait3A_66 = arith.constant 0 : i32
      %dma_wait3A_67 = tpu.memref_slice %arg4[%add3A_30, %dma_wait3A_66] : memref<64x640xf32, #tpu.memory_space<hbm>> -> memref<1x128xf32, #tpu.memory_space<hbm>>
      %dma_wait3A_68 = tpu.memref_squeeze %dma_wait3A_67 : memref<1x128xf32, #tpu.memory_space<hbm>> -> memref<128xf32, #tpu.memory_space<hbm>>
      tpu.wait_dma2 semaphore(%run_scoped3A_56 : memref<!tpu.dma_semaphore, #tpu.memory_space<semaphore_mem>>) src(%arg6 : memref<128xf32, #tpu.memory_space<vmem>>) dst(%dma_wait3A_68 : memref<128xf32, #tpu.memory_space<hbm>>)
      tpu.yield
    }) : () -> ()
    %run_scoped3A_36 = arith.constant 1 : i32
    "tpu.region"() ({
      %run_scoped3A_56 = tpu.sem_alloc : memref<!tpu.dma_semaphore, #tpu.memory_space<semaphore_mem>>
      %dma_start3A_57 = arith.constant 0 : i32
      %dma_start3A_58 = tpu.memref_slice %arg3[%run_scoped3A_36, %add3A_30, %dma_start3A_57] : memref<5x64x128xi32, #tpu.memory_space<hbm>> -> memref<1x1x128xi32, #tpu.memory_space<hbm>>
      %dma_start3A_59 = tpu.memref_squeeze %dma_start3A_58 : memref<1x1x128xi32, #tpu.memory_space<hbm>> -> memref<128xi32, #tpu.memory_space<hbm>>
      %dma_start3A_60 = arith.constant 0 : i32
      %dma_start3A_61 = tpu.memref_slice %arg3[%run_scoped3A_36, %add3A_30, %dma_start3A_60] : memref<5x64x128xi32, #tpu.memory_space<hbm>> -> memref<1x1x128xi32, #tpu.memory_space<hbm>>
      %dma_start3A_62 = tpu.memref_squeeze %dma_start3A_61 : memref<1x1x128xi32, #tpu.memory_space<hbm>> -> memref<128xi32, #tpu.memory_space<hbm>>
      tpu.enqueue_dma source(%dma_start3A_62 : memref<128xi32, #tpu.memory_space<hbm>>) target(%arg5 : memref<128xi32, #tpu.memory_space<vmem>>) target_semaphore(%run_scoped3A_56 : memref<!tpu.dma_semaphore, #tpu.memory_space<semaphore_mem>>)
      %dma_wait3A_63 = arith.constant 0 : i32
      %dma_wait3A_64 = tpu.memref_slice %arg3[%run_scoped3A_36, %add3A_30, %dma_wait3A_63] : memref<5x64x128xi32, #tpu.memory_space<hbm>> -> memref<1x1x128xi32, #tpu.memory_space<hbm>>
      %dma_wait3A_65 = tpu.memref_squeeze %dma_wait3A_64 : memref<1x1x128xi32, #tpu.memory_space<hbm>> -> memref<128xi32, #tpu.memory_space<hbm>>
      %dma_wait3A_66 = arith.constant 0 : i32
      %dma_wait3A_67 = tpu.memref_slice %arg3[%run_scoped3A_36, %add3A_30, %dma_wait3A_66] : memref<5x64x128xi32, #tpu.memory_space<hbm>> -> memref<1x1x128xi32, #tpu.memory_space<hbm>>
      %dma_wait3A_68 = tpu.memref_squeeze %dma_wait3A_67 : memref<1x1x128xi32, #tpu.memory_space<hbm>> -> memref<128xi32, #tpu.memory_space<hbm>>
      tpu.wait_dma2 semaphore(%run_scoped3A_56 : memref<!tpu.dma_semaphore, #tpu.memory_space<semaphore_mem>>) src(%dma_wait3A_68 : memref<128xi32, #tpu.memory_space<hbm>>) dst(%arg5 : memref<128xi32, #tpu.memory_space<vmem>>)
      tpu.yield
    }) : () -> ()
    %dma_start3A_37 = arith.constant 0 : i32
    %dma_start3A_38 = tpu.memref_slice %arg2[%dma_start3A_37] : memref<10240xf32, #tpu.memory_space<hbm>> -> memref<10240xf32, #tpu.memory_space<hbm>>
    tpu.enqueue_indirect_dma source(%dma_start3A_38 : memref<10240xf32, #tpu.memory_space<hbm>>) target(%arg6 : memref<128xf32, #tpu.memory_space<vmem>>) offsets(%arg5 : memref<128xi32, #tpu.memory_space<vmem>>) semaphore(%arg7 : memref<!tpu.dma_semaphore, #tpu.memory_space<semaphore_mem>>)
    %dma_wait3A_39 = arith.constant 0 : i32
    %dma_wait3A_40 = tpu.memref_slice %arg2[%dma_wait3A_39] : memref<10240xf32, #tpu.memory_space<hbm>> -> memref<10240xf32, #tpu.memory_space<hbm>>
    tpu.wait_indirect_dma semaphore(%arg7 : memref<!tpu.dma_semaphore, #tpu.memory_space<semaphore_mem>>) src(%dma_wait3A_40 : memref<10240xf32, #tpu.memory_space<hbm>>) dst(%arg6 : memref<128xf32, #tpu.memory_space<vmem>>)
    "tpu.region"() ({
      %run_scoped3A_56 = tpu.sem_alloc : memref<!tpu.dma_semaphore, #tpu.memory_space<semaphore_mem>>
      %dma_start3A_57 = arith.constant 128 : i32
      %dma_start3A_58 = tpu.memref_slice %arg4[%add3A_30, %dma_start3A_57] : memref<64x640xf32, #tpu.memory_space<hbm>> -> memref<1x128xf32, #tpu.memory_space<hbm>>
      %dma_start3A_59 = tpu.memref_squeeze %dma_start3A_58 : memref<1x128xf32, #tpu.memory_space<hbm>> -> memref<128xf32, #tpu.memory_space<hbm>>
      %dma_start3A_60 = arith.constant 128 : i32
      %dma_start3A_61 = tpu.memref_slice %arg4[%add3A_30, %dma_start3A_60] : memref<64x640xf32, #tpu.memory_space<hbm>> -> memref<1x128xf32, #tpu.memory_space<hbm>>
      %dma_start3A_62 = tpu.memref_squeeze %dma_start3A_61 : memref<1x128xf32, #tpu.memory_space<hbm>> -> memref<128xf32, #tpu.memory_space<hbm>>
      tpu.enqueue_dma source(%arg6 : memref<128xf32, #tpu.memory_space<vmem>>) target(%dma_start3A_62 : memref<128xf32, #tpu.memory_space<hbm>>) target_semaphore(%run_scoped3A_56 : memref<!tpu.dma_semaphore, #tpu.memory_space<semaphore_mem>>)
      %dma_wait3A_63 = arith.constant 128 : i32
      %dma_wait3A_64 = tpu.memref_slice %arg4[%add3A_30, %dma_wait3A_63] : memref<64x640xf32, #tpu.memory_space<hbm>> -> memref<1x128xf32, #tpu.memory_space<hbm>>
      %dma_wait3A_65 = tpu.memref_squeeze %dma_wait3A_64 : memref<1x128xf32, #tpu.memory_space<hbm>> -> memref<128xf32, #tpu.memory_space<hbm>>
      %dma_wait3A_66 = arith.constant 128 : i32
      %dma_wait3A_67 = tpu.memref_slice %arg4[%add3A_30, %dma_wait3A_66] : memref<64x640xf32, #tpu.memory_space<hbm>> -> memref<1x128xf32, #tpu.memory_space<hbm>>
      %dma_wait3A_68 = tpu.memref_squeeze %dma_wait3A_67 : memref<1x128xf32, #tpu.memory_space<hbm>> -> memref<128xf32, #tpu.memory_space<hbm>>
      tpu.wait_dma2 semaphore(%run_scoped3A_56 : memref<!tpu.dma_semaphore, #tpu.memory_space<semaphore_mem>>) src(%arg6 : memref<128xf32, #tpu.memory_space<vmem>>) dst(%dma_wait3A_68 : memref<128xf32, #tpu.memory_space<hbm>>)
      tpu.yield
    }) : () -> ()
    %run_scoped3A_41 = arith.constant 2 : i32
    "tpu.region"() ({
      %run_scoped3A_56 = tpu.sem_alloc : memref<!tpu.dma_semaphore, #tpu.memory_space<semaphore_mem>>
      %dma_start3A_57 = arith.constant 0 : i32
      %dma_start3A_58 = tpu.memref_slice %arg3[%run_scoped3A_41, %add3A_30, %dma_start3A_57] : memref<5x64x128xi32, #tpu.memory_space<hbm>> -> memref<1x1x128xi32, #tpu.memory_space<hbm>>
      %dma_start3A_59 = tpu.memref_squeeze %dma_start3A_58 : memref<1x1x128xi32, #tpu.memory_space<hbm>> -> memref<128xi32, #tpu.memory_space<hbm>>
      %dma_start3A_60 = arith.constant 0 : i32
      %dma_start3A_61 = tpu.memref_slice %arg3[%run_scoped3A_41, %add3A_30, %dma_start3A_60] : memref<5x64x128xi32, #tpu.memory_space<hbm>> -> memref<1x1x128xi32, #tpu.memory_space<hbm>>
      %dma_start3A_62 = tpu.memref_squeeze %dma_start3A_61 : memref<1x1x128xi32, #tpu.memory_space<hbm>> -> memref<128xi32, #tpu.memory_space<hbm>>
      tpu.enqueue_dma source(%dma_start3A_62 : memref<128xi32, #tpu.memory_space<hbm>>) target(%arg5 : memref<128xi32, #tpu.memory_space<vmem>>) target_semaphore(%run_scoped3A_56 : memref<!tpu.dma_semaphore, #tpu.memory_space<semaphore_mem>>)
      %dma_wait3A_63 = arith.constant 0 : i32
      %dma_wait3A_64 = tpu.memref_slice %arg3[%run_scoped3A_41, %add3A_30, %dma_wait3A_63] : memref<5x64x128xi32, #tpu.memory_space<hbm>> -> memref<1x1x128xi32, #tpu.memory_space<hbm>>
      %dma_wait3A_65 = tpu.memref_squeeze %dma_wait3A_64 : memref<1x1x128xi32, #tpu.memory_space<hbm>> -> memref<128xi32, #tpu.memory_space<hbm>>
      %dma_wait3A_66 = arith.constant 0 : i32
      %dma_wait3A_67 = tpu.memref_slice %arg3[%run_scoped3A_41, %add3A_30, %dma_wait3A_66] : memref<5x64x128xi32, #tpu.memory_space<hbm>> -> memref<1x1x128xi32, #tpu.memory_space<hbm>>
      %dma_wait3A_68 = tpu.memref_squeeze %dma_wait3A_67 : memref<1x1x128xi32, #tpu.memory_space<hbm>> -> memref<128xi32, #tpu.memory_space<hbm>>
      tpu.wait_dma2 semaphore(%run_scoped3A_56 : memref<!tpu.dma_semaphore, #tpu.memory_space<semaphore_mem>>) src(%dma_wait3A_68 : memref<128xi32, #tpu.memory_space<hbm>>) dst(%arg5 : memref<128xi32, #tpu.memory_space<vmem>>)
      tpu.yield
    }) : () -> ()
    %dma_start3A_42 = arith.constant 0 : i32
    %dma_start3A_43 = tpu.memref_slice %arg2[%dma_start3A_42] : memref<10240xf32, #tpu.memory_space<hbm>> -> memref<10240xf32, #tpu.memory_space<hbm>>
    tpu.enqueue_indirect_dma source(%dma_start3A_43 : memref<10240xf32, #tpu.memory_space<hbm>>) target(%arg6 : memref<128xf32, #tpu.memory_space<vmem>>) offsets(%arg5 : memref<128xi32, #tpu.memory_space<vmem>>) semaphore(%arg7 : memref<!tpu.dma_semaphore, #tpu.memory_space<semaphore_mem>>)
    %dma_wait3A_44 = arith.constant 0 : i32
    %dma_wait3A_45 = tpu.memref_slice %arg2[%dma_wait3A_44] : memref<10240xf32, #tpu.memory_space<hbm>> -> memref<10240xf32, #tpu.memory_space<hbm>>
    tpu.wait_indirect_dma semaphore(%arg7 : memref<!tpu.dma_semaphore, #tpu.memory_space<semaphore_mem>>) src(%dma_wait3A_45 : memref<10240xf32, #tpu.memory_space<hbm>>) dst(%arg6 : memref<128xf32, #tpu.memory_space<vmem>>)
    "tpu.region"() ({
      %run_scoped3A_56 = tpu.sem_alloc : memref<!tpu.dma_semaphore, #tpu.memory_space<semaphore_mem>>
      %dma_start3A_57 = arith.constant 256 : i32
      %dma_start3A_58 = tpu.memref_slice %arg4[%add3A_30, %dma_start3A_57] : memref<64x640xf32, #tpu.memory_space<hbm>> -> memref<1x128xf32, #tpu.memory_space<hbm>>
      %dma_start3A_59 = tpu.memref_squeeze %dma_start3A_58 : memref<1x128xf32, #tpu.memory_space<hbm>> -> memref<128xf32, #tpu.memory_space<hbm>>
      %dma_start3A_60 = arith.constant 256 : i32
      %dma_start3A_61 = tpu.memref_slice %arg4[%add3A_30, %dma_start3A_60] : memref<64x640xf32, #tpu.memory_space<hbm>> -> memref<1x128xf32, #tpu.memory_space<hbm>>
      %dma_start3A_62 = tpu.memref_squeeze %dma_start3A_61 : memref<1x128xf32, #tpu.memory_space<hbm>> -> memref<128xf32, #tpu.memory_space<hbm>>
      tpu.enqueue_dma source(%arg6 : memref<128xf32, #tpu.memory_space<vmem>>) target(%dma_start3A_62 : memref<128xf32, #tpu.memory_space<hbm>>) target_semaphore(%run_scoped3A_56 : memref<!tpu.dma_semaphore, #tpu.memory_space<semaphore_mem>>)
      %dma_wait3A_63 = arith.constant 256 : i32
      %dma_wait3A_64 = tpu.memref_slice %arg4[%add3A_30, %dma_wait3A_63] : memref<64x640xf32, #tpu.memory_space<hbm>> -> memref<1x128xf32, #tpu.memory_space<hbm>>
      %dma_wait3A_65 = tpu.memref_squeeze %dma_wait3A_64 : memref<1x128xf32, #tpu.memory_space<hbm>> -> memref<128xf32, #tpu.memory_space<hbm>>
      %dma_wait3A_66 = arith.constant 256 : i32
      %dma_wait3A_67 = tpu.memref_slice %arg4[%add3A_30, %dma_wait3A_66] : memref<64x640xf32, #tpu.memory_space<hbm>> -> memref<1x128xf32, #tpu.memory_space<hbm>>
      %dma_wait3A_68 = tpu.memref_squeeze %dma_wait3A_67 : memref<1x128xf32, #tpu.memory_space<hbm>> -> memref<128xf32, #tpu.memory_space<hbm>>
      tpu.wait_dma2 semaphore(%run_scoped3A_56 : memref<!tpu.dma_semaphore, #tpu.memory_space<semaphore_mem>>) src(%arg6 : memref<128xf32, #tpu.memory_space<vmem>>) dst(%dma_wait3A_68 : memref<128xf32, #tpu.memory_space<hbm>>)
      tpu.yield
    }) : () -> ()
    %run_scoped3A_46 = arith.constant 3 : i32
    "tpu.region"() ({
      %run_scoped3A_56 = tpu.sem_alloc : memref<!tpu.dma_semaphore, #tpu.memory_space<semaphore_mem>>
      %dma_start3A_57 = arith.constant 0 : i32
      %dma_start3A_58 = tpu.memref_slice %arg3[%run_scoped3A_46, %add3A_30, %dma_start3A_57] : memref<5x64x128xi32, #tpu.memory_space<hbm>> -> memref<1x1x128xi32, #tpu.memory_space<hbm>>
      %dma_start3A_59 = tpu.memref_squeeze %dma_start3A_58 : memref<1x1x128xi32, #tpu.memory_space<hbm>> -> memref<128xi32, #tpu.memory_space<hbm>>
      %dma_start3A_60 = arith.constant 0 : i32
      %dma_start3A_61 = tpu.memref_slice %arg3[%run_scoped3A_46, %add3A_30, %dma_start3A_60] : memref<5x64x128xi32, #tpu.memory_space<hbm>> -> memref<1x1x128xi32, #tpu.memory_space<hbm>>
      %dma_start3A_62 = tpu.memref_squeeze %dma_start3A_61 : memref<1x1x128xi32, #tpu.memory_space<hbm>> -> memref<128xi32, #tpu.memory_space<hbm>>
      tpu.enqueue_dma source(%dma_start3A_62 : memref<128xi32, #tpu.memory_space<hbm>>) target(%arg5 : memref<128xi32, #tpu.memory_space<vmem>>) target_semaphore(%run_scoped3A_56 : memref<!tpu.dma_semaphore, #tpu.memory_space<semaphore_mem>>)
      %dma_wait3A_63 = arith.constant 0 : i32
      %dma_wait3A_64 = tpu.memref_slice %arg3[%run_scoped3A_46, %add3A_30, %dma_wait3A_63] : memref<5x64x128xi32, #tpu.memory_space<hbm>> -> memref<1x1x128xi32, #tpu.memory_space<hbm>>
      %dma_wait3A_65 = tpu.memref_squeeze %dma_wait3A_64 : memref<1x1x128xi32, #tpu.memory_space<hbm>> -> memref<128xi32, #tpu.memory_space<hbm>>
      %dma_wait3A_66 = arith.constant 0 : i32
      %dma_wait3A_67 = tpu.memref_slice %arg3[%run_scoped3A_46, %add3A_30, %dma_wait3A_66] : memref<5x64x128xi32, #tpu.memory_space<hbm>> -> memref<1x1x128xi32, #tpu.memory_space<hbm>>
      %dma_wait3A_68 = tpu.memref_squeeze %dma_wait3A_67 : memref<1x1x128xi32, #tpu.memory_space<hbm>> -> memref<128xi32, #tpu.memory_space<hbm>>
      tpu.wait_dma2 semaphore(%run_scoped3A_56 : memref<!tpu.dma_semaphore, #tpu.memory_space<semaphore_mem>>) src(%dma_wait3A_68 : memref<128xi32, #tpu.memory_space<hbm>>) dst(%arg5 : memref<128xi32, #tpu.memory_space<vmem>>)
      tpu.yield
    }) : () -> ()
    %dma_start3A_47 = arith.constant 0 : i32
    %dma_start3A_48 = tpu.memref_slice %arg2[%dma_start3A_47] : memref<10240xf32, #tpu.memory_space<hbm>> -> memref<10240xf32, #tpu.memory_space<hbm>>
    tpu.enqueue_indirect_dma source(%dma_start3A_48 : memref<10240xf32, #tpu.memory_space<hbm>>) target(%arg6 : memref<128xf32, #tpu.memory_space<vmem>>) offsets(%arg5 : memref<128xi32, #tpu.memory_space<vmem>>) semaphore(%arg7 : memref<!tpu.dma_semaphore, #tpu.memory_space<semaphore_mem>>)
    %dma_wait3A_49 = arith.constant 0 : i32
    %dma_wait3A_50 = tpu.memref_slice %arg2[%dma_wait3A_49] : memref<10240xf32, #tpu.memory_space<hbm>> -> memref<10240xf32, #tpu.memory_space<hbm>>
    tpu.wait_indirect_dma semaphore(%arg7 : memref<!tpu.dma_semaphore, #tpu.memory_space<semaphore_mem>>) src(%dma_wait3A_50 : memref<10240xf32, #tpu.memory_space<hbm>>) dst(%arg6 : memref<128xf32, #tpu.memory_space<vmem>>)
    "tpu.region"() ({
      %run_scoped3A_56 = tpu.sem_alloc : memref<!tpu.dma_semaphore, #tpu.memory_space<semaphore_mem>>
      %dma_start3A_57 = arith.constant 384 : i32
      %dma_start3A_58 = tpu.memref_slice %arg4[%add3A_30, %dma_start3A_57] : memref<64x640xf32, #tpu.memory_space<hbm>> -> memref<1x128xf32, #tpu.memory_space<hbm>>
      %dma_start3A_59 = tpu.memref_squeeze %dma_start3A_58 : memref<1x128xf32, #tpu.memory_space<hbm>> -> memref<128xf32, #tpu.memory_space<hbm>>
      %dma_start3A_60 = arith.constant 384 : i32
      %dma_start3A_61 = tpu.memref_slice %arg4[%add3A_30, %dma_start3A_60] : memref<64x640xf32, #tpu.memory_space<hbm>> -> memref<1x128xf32, #tpu.memory_space<hbm>>
      %dma_start3A_62 = tpu.memref_squeeze %dma_start3A_61 : memref<1x128xf32, #tpu.memory_space<hbm>> -> memref<128xf32, #tpu.memory_space<hbm>>
      tpu.enqueue_dma source(%arg6 : memref<128xf32, #tpu.memory_space<vmem>>) target(%dma_start3A_62 : memref<128xf32, #tpu.memory_space<hbm>>) target_semaphore(%run_scoped3A_56 : memref<!tpu.dma_semaphore, #tpu.memory_space<semaphore_mem>>)
      %dma_wait3A_63 = arith.constant 384 : i32
      %dma_wait3A_64 = tpu.memref_slice %arg4[%add3A_30, %dma_wait3A_63] : memref<64x640xf32, #tpu.memory_space<hbm>> -> memref<1x128xf32, #tpu.memory_space<hbm>>
      %dma_wait3A_65 = tpu.memref_squeeze %dma_wait3A_64 : memref<1x128xf32, #tpu.memory_space<hbm>> -> memref<128xf32, #tpu.memory_space<hbm>>
      %dma_wait3A_66 = arith.constant 384 : i32
      %dma_wait3A_67 = tpu.memref_slice %arg4[%add3A_30, %dma_wait3A_66] : memref<64x640xf32, #tpu.memory_space<hbm>> -> memref<1x128xf32, #tpu.memory_space<hbm>>
      %dma_wait3A_68 = tpu.memref_squeeze %dma_wait3A_67 : memref<1x128xf32, #tpu.memory_space<hbm>> -> memref<128xf32, #tpu.memory_space<hbm>>
      tpu.wait_dma2 semaphore(%run_scoped3A_56 : memref<!tpu.dma_semaphore, #tpu.memory_space<semaphore_mem>>) src(%arg6 : memref<128xf32, #tpu.memory_space<vmem>>) dst(%dma_wait3A_68 : memref<128xf32, #tpu.memory_space<hbm>>)
      tpu.yield
    }) : () -> ()
    %run_scoped3A_51 = arith.constant 4 : i32
    "tpu.region"() ({
      %run_scoped3A_56 = tpu.sem_alloc : memref<!tpu.dma_semaphore, #tpu.memory_space<semaphore_mem>>
      %dma_start3A_57 = arith.constant 0 : i32
      %dma_start3A_58 = tpu.memref_slice %arg3[%run_scoped3A_51, %add3A_30, %dma_start3A_57] : memref<5x64x128xi32, #tpu.memory_space<hbm>> -> memref<1x1x128xi32, #tpu.memory_space<hbm>>
      %dma_start3A_59 = tpu.memref_squeeze %dma_start3A_58 : memref<1x1x128xi32, #tpu.memory_space<hbm>> -> memref<128xi32, #tpu.memory_space<hbm>>
      %dma_start3A_60 = arith.constant 0 : i32
      %dma_start3A_61 = tpu.memref_slice %arg3[%run_scoped3A_51, %add3A_30, %dma_start3A_60] : memref<5x64x128xi32, #tpu.memory_space<hbm>> -> memref<1x1x128xi32, #tpu.memory_space<hbm>>
      %dma_start3A_62 = tpu.memref_squeeze %dma_start3A_61 : memref<1x1x128xi32, #tpu.memory_space<hbm>> -> memref<128xi32, #tpu.memory_space<hbm>>
      tpu.enqueue_dma source(%dma_start3A_62 : memref<128xi32, #tpu.memory_space<hbm>>) target(%arg5 : memref<128xi32, #tpu.memory_space<vmem>>) target_semaphore(%run_scoped3A_56 : memref<!tpu.dma_semaphore, #tpu.memory_space<semaphore_mem>>)
      %dma_wait3A_63 = arith.constant 0 : i32
      %dma_wait3A_64 = tpu.memref_slice %arg3[%run_scoped3A_51, %add3A_30, %dma_wait3A_63] : memref<5x64x128xi32, #tpu.memory_space<hbm>> -> memref<1x1x128xi32, #tpu.memory_space<hbm>>
      %dma_wait3A_65 = tpu.memref_squeeze %dma_wait3A_64 : memref<1x1x128xi32, #tpu.memory_space<hbm>> -> memref<128xi32, #tpu.memory_space<hbm>>
      %dma_wait3A_66 = arith.constant 0 : i32
      %dma_wait3A_67 = tpu.memref_slice %arg3[%run_scoped3A_51, %add3A_30, %dma_wait3A_66] : memref<5x64x128xi32, #tpu.memory_space<hbm>> -> memref<1x1x128xi32, #tpu.memory_space<hbm>>
      %dma_wait3A_68 = tpu.memref_squeeze %dma_wait3A_67 : memref<1x1x128xi32, #tpu.memory_space<hbm>> -> memref<128xi32, #tpu.memory_space<hbm>>
      tpu.wait_dma2 semaphore(%run_scoped3A_56 : memref<!tpu.dma_semaphore, #tpu.memory_space<semaphore_mem>>) src(%dma_wait3A_68 : memref<128xi32, #tpu.memory_space<hbm>>) dst(%arg5 : memref<128xi32, #tpu.memory_space<vmem>>)
      tpu.yield
    }) : () -> ()
    %dma_start3A_52 = arith.constant 0 : i32
    %dma_start3A_53 = tpu.memref_slice %arg2[%dma_start3A_52] : memref<10240xf32, #tpu.memory_space<hbm>> -> memref<10240xf32, #tpu.memory_space<hbm>>
    tpu.enqueue_indirect_dma source(%dma_start3A_53 : memref<10240xf32, #tpu.memory_space<hbm>>) target(%arg6 : memref<128xf32, #tpu.memory_space<vmem>>) offsets(%arg5 : memref<128xi32, #tpu.memory_space<vmem>>) semaphore(%arg7 : memref<!tpu.dma_semaphore, #tpu.memory_space<semaphore_mem>>)
    %dma_wait3A_54 = arith.constant 0 : i32
    %dma_wait3A_55 = tpu.memref_slice %arg2[%dma_wait3A_54] : memref<10240xf32, #tpu.memory_space<hbm>> -> memref<10240xf32, #tpu.memory_space<hbm>>
    tpu.wait_indirect_dma semaphore(%arg7 : memref<!tpu.dma_semaphore, #tpu.memory_space<semaphore_mem>>) src(%dma_wait3A_55 : memref<10240xf32, #tpu.memory_space<hbm>>) dst(%arg6 : memref<128xf32, #tpu.memory_space<vmem>>)
    "tpu.region"() ({
      %run_scoped3A_56 = tpu.sem_alloc : memref<!tpu.dma_semaphore, #tpu.memory_space<semaphore_mem>>
      %dma_start3A_57 = arith.constant 512 : i32
      %dma_start3A_58 = tpu.memref_slice %arg4[%add3A_30, %dma_start3A_57] : memref<64x640xf32, #tpu.memory_space<hbm>> -> memref<1x128xf32, #tpu.memory_space<hbm>>
      %dma_start3A_59 = tpu.memref_squeeze %dma_start3A_58 : memref<1x128xf32, #tpu.memory_space<hbm>> -> memref<128xf32, #tpu.memory_space<hbm>>
      %dma_start3A_60 = arith.constant 512 : i32
      %dma_start3A_61 = tpu.memref_slice %arg4[%add3A_30, %dma_start3A_60] : memref<64x640xf32, #tpu.memory_space<hbm>> -> memref<1x128xf32, #tpu.memory_space<hbm>>
      %dma_start3A_62 = tpu.memref_squeeze %dma_start3A_61 : memref<1x128xf32, #tpu.memory_space<hbm>> -> memref<128xf32, #tpu.memory_space<hbm>>
      tpu.enqueue_dma source(%arg6 : memref<128xf32, #tpu.memory_space<vmem>>) target(%dma_start3A_62 : memref<128xf32, #tpu.memory_space<hbm>>) target_semaphore(%run_scoped3A_56 : memref<!tpu.dma_semaphore, #tpu.memory_space<semaphore_mem>>)
      %dma_wait3A_63 = arith.constant 512 : i32
      %dma_wait3A_64 = tpu.memref_slice %arg4[%add3A_30, %dma_wait3A_63] : memref<64x640xf32, #tpu.memory_space<hbm>> -> memref<1x128xf32, #tpu.memory_space<hbm>>
      %dma_wait3A_65 = tpu.memref_squeeze %dma_wait3A_64 : memref<1x128xf32, #tpu.memory_space<hbm>> -> memref<128xf32, #tpu.memory_space<hbm>>
      %dma_wait3A_66 = arith.constant 512 : i32
      %dma_wait3A_67 = tpu.memref_slice %arg4[%add3A_30, %dma_wait3A_66] : memref<64x640xf32, #tpu.memory_space<hbm>> -> memref<1x128xf32, #tpu.memory_space<hbm>>
      %dma_wait3A_68 = tpu.memref_squeeze %dma_wait3A_67 : memref<1x128xf32, #tpu.memory_space<hbm>> -> memref<128xf32, #tpu.memory_space<hbm>>
      tpu.wait_dma2 semaphore(%run_scoped3A_56 : memref<!tpu.dma_semaphore, #tpu.memory_space<semaphore_mem>>) src(%arg6 : memref<128xf32, #tpu.memory_space<vmem>>) dst(%dma_wait3A_68 : memref<128xf32, #tpu.memory_space<hbm>>)
      tpu.yield
    }) : () -> ()
    return
  }
}

#map = affine_map<(d0, d1) -> (0, 0)>
module attributes {stable_mosaic.version = 14 : i64} {
  func.func @gat(%arg0: i32, %arg1: i32, %arg2: memref<10240x64xf32, #tpu.memory_space<hbm>>, %arg3: memref<32x64xi32, #tpu.memory_space<hbm>>, %arg4: memref<2048x64xf32, #tpu.memory_space<hbm>>, %arg5: memref<64xi32, #tpu.memory_space<vmem>>, %arg6: memref<64x64xf32, #tpu.memory_space<vmem>>, %arg7: memref<!tpu.dma_semaphore, #tpu.memory_space<semaphore_mem>>) attributes {dimension_semantics = [#tpu.dimension_semantics<core_parallel>, #tpu.dimension_semantics<subcore_parallel>], iteration_bounds = array<i64: 2, 16>, scalar_prefetch = 0 : i64, scratch_operands = 3 : i64, tpu.core_type = #tpu.core_type<sc_vector_subcore>, window_params = [{transform_indices = #map}, {transform_indices = #map}, {transform_indices = #map}]} {
    %mul3A = arith.constant 16 : i32
    %mul3A_0 = arith.muli %arg0, %mul3A : i32
    %add3A = arith.addi %mul3A_0, %arg1 : i32
    "tpu.region"() ({
      %run_scoped3A = tpu.sem_alloc : memref<!tpu.dma_semaphore, #tpu.memory_space<semaphore_mem>>
      %dma_start3A_7 = arith.constant 0 : i32
      %dma_start3A_8 = tpu.memref_slice %arg3[%add3A, %dma_start3A_7] : memref<32x64xi32, #tpu.memory_space<hbm>> -> memref<1x64xi32, #tpu.memory_space<hbm>>
      %dma_start3A_9 = tpu.memref_squeeze %dma_start3A_8 : memref<1x64xi32, #tpu.memory_space<hbm>> -> memref<64xi32, #tpu.memory_space<hbm>>
      %dma_start3A_10 = arith.constant 0 : i32
      %dma_start3A_11 = tpu.memref_slice %arg3[%add3A, %dma_start3A_10] : memref<32x64xi32, #tpu.memory_space<hbm>> -> memref<1x64xi32, #tpu.memory_space<hbm>>
      %dma_start3A_12 = tpu.memref_squeeze %dma_start3A_11 : memref<1x64xi32, #tpu.memory_space<hbm>> -> memref<64xi32, #tpu.memory_space<hbm>>
      tpu.enqueue_dma source(%dma_start3A_12 : memref<64xi32, #tpu.memory_space<hbm>>) target(%arg5 : memref<64xi32, #tpu.memory_space<vmem>>) target_semaphore(%run_scoped3A : memref<!tpu.dma_semaphore, #tpu.memory_space<semaphore_mem>>)
      %dma_wait3A_13 = arith.constant 0 : i32
      %dma_wait3A_14 = tpu.memref_slice %arg3[%add3A, %dma_wait3A_13] : memref<32x64xi32, #tpu.memory_space<hbm>> -> memref<1x64xi32, #tpu.memory_space<hbm>>
      %dma_wait3A_15 = tpu.memref_squeeze %dma_wait3A_14 : memref<1x64xi32, #tpu.memory_space<hbm>> -> memref<64xi32, #tpu.memory_space<hbm>>
      %dma_wait3A_16 = arith.constant 0 : i32
      %dma_wait3A_17 = tpu.memref_slice %arg3[%add3A, %dma_wait3A_16] : memref<32x64xi32, #tpu.memory_space<hbm>> -> memref<1x64xi32, #tpu.memory_space<hbm>>
      %dma_wait3A_18 = tpu.memref_squeeze %dma_wait3A_17 : memref<1x64xi32, #tpu.memory_space<hbm>> -> memref<64xi32, #tpu.memory_space<hbm>>
      tpu.wait_dma2 semaphore(%run_scoped3A : memref<!tpu.dma_semaphore, #tpu.memory_space<semaphore_mem>>) src(%dma_wait3A_18 : memref<64xi32, #tpu.memory_space<hbm>>) dst(%arg5 : memref<64xi32, #tpu.memory_space<vmem>>)
      tpu.yield
    }) : () -> ()
    %dma_start3A = arith.constant 0 : i32
    %dma_start3A_1 = arith.constant 0 : i32
    %dma_start3A_2 = tpu.memref_slice %arg2[%dma_start3A, %dma_start3A_1] : memref<10240x64xf32, #tpu.memory_space<hbm>> -> memref<10240x64xf32, #tpu.memory_space<hbm>>
    tpu.enqueue_indirect_dma source(%dma_start3A_2 : memref<10240x64xf32, #tpu.memory_space<hbm>>) target(%arg6 : memref<64x64xf32, #tpu.memory_space<vmem>>) offsets(%arg5 : memref<64xi32, #tpu.memory_space<vmem>>) semaphore(%arg7 : memref<!tpu.dma_semaphore, #tpu.memory_space<semaphore_mem>>)
    %dma_wait3A = arith.constant 0 : i32
    %dma_wait3A_3 = arith.constant 0 : i32
    %dma_wait3A_4 = tpu.memref_slice %arg2[%dma_wait3A, %dma_wait3A_3] : memref<10240x64xf32, #tpu.memory_space<hbm>> -> memref<10240x64xf32, #tpu.memory_space<hbm>>
    tpu.wait_indirect_dma semaphore(%arg7 : memref<!tpu.dma_semaphore, #tpu.memory_space<semaphore_mem>>) src(%dma_wait3A_4 : memref<10240x64xf32, #tpu.memory_space<hbm>>) dst(%arg6 : memref<64x64xf32, #tpu.memory_space<vmem>>)
    %mul3A_5 = arith.constant 64 : i32
    %mul3A_6 = arith.muli %add3A, %mul3A_5 : i32
    "tpu.region"() ({
      %run_scoped3A = tpu.sem_alloc : memref<!tpu.dma_semaphore, #tpu.memory_space<semaphore_mem>>
      %dma_start3A_7 = arith.constant 0 : i32
      %dma_start3A_8 = tpu.memref_slice %arg4[%mul3A_6, %dma_start3A_7] : memref<2048x64xf32, #tpu.memory_space<hbm>> -> memref<64x64xf32, #tpu.memory_space<hbm>>
      %dma_start3A_9 = arith.constant 0 : i32
      %dma_start3A_10 = tpu.memref_slice %arg4[%mul3A_6, %dma_start3A_9] : memref<2048x64xf32, #tpu.memory_space<hbm>> -> memref<64x64xf32, #tpu.memory_space<hbm>>
      tpu.enqueue_dma source(%arg6 : memref<64x64xf32, #tpu.memory_space<vmem>>) target(%dma_start3A_10 : memref<64x64xf32, #tpu.memory_space<hbm>>) target_semaphore(%run_scoped3A : memref<!tpu.dma_semaphore, #tpu.memory_space<semaphore_mem>>)
      %dma_wait3A_11 = arith.constant 0 : i32
      %dma_wait3A_12 = tpu.memref_slice %arg4[%mul3A_6, %dma_wait3A_11] : memref<2048x64xf32, #tpu.memory_space<hbm>> -> memref<64x64xf32, #tpu.memory_space<hbm>>
      %dma_wait3A_13 = arith.constant 0 : i32
      %dma_wait3A_14 = tpu.memref_slice %arg4[%mul3A_6, %dma_wait3A_13] : memref<2048x64xf32, #tpu.memory_space<hbm>> -> memref<64x64xf32, #tpu.memory_space<hbm>>
      tpu.wait_dma2 semaphore(%run_scoped3A : memref<!tpu.dma_semaphore, #tpu.memory_space<semaphore_mem>>) src(%arg6 : memref<64x64xf32, #tpu.memory_space<vmem>>) dst(%dma_wait3A_14 : memref<64x64xf32, #tpu.memory_space<hbm>>)
      tpu.yield
    }) : () -> ()
    return
  }
}

module attributes {stable_mosaic.version = 14 : i64} {
  func.func @_a0_kernel(%arg0: i32, %arg1: memref<1024x128xf32, #tpu.memory_space<vmem>>, %arg2: memref<128x128xf32, #tpu.memory_space<vmem>>, %arg3: memref<2x1024x16xf32, #tpu.memory_space<vmem>>, %arg4: memref<1024x128xf32, #tpu.memory_space<vmem>>, %arg5: memref<1024x128xf32, #tpu.memory_space<vmem>>) attributes {dimension_semantics = [#tpu.dimension_semantics<arbitrary>], iteration_bounds = array<i64: 10>, scalar_prefetch = 0 : i64, scratch_operands = 0 : i64, tpu.core_type = #tpu.core_type<tc>, window_params = [{transform_indices = @transform_0, window_bounds = array<i64: 1024, 128>}, {pipeline_mode = #tpu.pipeline_mode<synchronous>, transform_indices = @transform_1, window_bounds = array<i64: 128, 128>}, {transform_indices = @transform_2, window_bounds = array<i64: 2, 1024, 16>}, {transform_indices = @transform_3, window_bounds = array<i64: 1024, 128>}, {transform_indices = @transform_4, window_bounds = array<i64: 1024, 128>}]} {
    %get3A = arith.constant 0 : index
    %get3A_0 = arith.constant 0 : index
    %get3A_1 = arith.constant 0 : index
    %get3A_2 = vector.load %arg3[%get3A, %get3A_0, %get3A_1] : memref<2x1024x16xf32, #tpu.memory_space<vmem>>, vector<1x1024x1xf32>
    %get3A_3 = vector.shape_cast %get3A_2 : vector<1x1024x1xf32> to vector<1024x1xf32>
    %add3A = arith.constant 1.000000e+00 : f32
    %add3A_4 = vector.broadcast %add3A : f32 to vector<1024x1xf32>
    %add3A_5 = arith.addf %add3A_4, %get3A_3 : vector<1024x1xf32>
    %get3A_6 = arith.constant 1 : index
    %get3A_7 = arith.constant 0 : index
    %get3A_8 = arith.constant 0 : index
    %get3A_9 = vector.load %arg3[%get3A_6, %get3A_7, %get3A_8] : memref<2x1024x16xf32, #tpu.memory_space<vmem>>, vector<1x1024x1xf32>
    %get3A_10 = vector.shape_cast %get3A_9 : vector<1x1024x1xf32> to vector<1024x1xf32>
    %add3A_11 = arith.addf %add3A_5, %get3A_10 : vector<1024x1xf32>
    %rsqrt3A = math.rsqrt %add3A_11 : vector<1024x1xf32>
    %broadcast_in_dim3A = vector.shape_cast %rsqrt3A : vector<1024x1xf32> to vector<1024x1xf32>
    %broadcast_in_dim3A_12 = vector.broadcast %broadcast_in_dim3A : vector<1024x1xf32> to vector<1024x128xf32>
    %swap3A = arith.constant 0 : index
    %swap3A_13 = arith.constant 0 : index
    %swap3A_14 = vector.load %arg5[%swap3A, %swap3A_13] : memref<1024x128xf32, #tpu.memory_space<vmem>>, vector<1024x128xf32>
    tpu.vector_store %arg5[%swap3A, %swap3A_13], %broadcast_in_dim3A_12 {strides = array<i32>} : memref<1024x128xf32, #tpu.memory_space<vmem>>, vector<1024x128xf32>,
    %get3A_15 = arith.constant 0 : index
    %get3A_16 = arith.constant 0 : index
    %get3A_17 = vector.load %arg1[%get3A_15, %get3A_16] : memref<1024x128xf32, #tpu.memory_space<vmem>>, vector<1024x128xf32>
    %get3A_18 = arith.constant 0 : index
    %get3A_19 = arith.constant 0 : index
    %get3A_20 = vector.load %arg2[%get3A_18, %get3A_19] : memref<128x128xf32, #tpu.memory_space<vmem>>, vector<128x128xf32>
    %dot_general3A = arith.constant dense<0.000000e+00> : vector<1024x128xf32>
    %dot_general3A_21 = tpu.matmul %get3A_17, %get3A_20, %dot_general3A {dimension_numbers = #tpu.dot_dimension_numbers<[1], [0], [0], [1], [0, 0, 1, 1], [], []>, transpose_lhs_hint = false} : vector<1024x128xf32>, vector<128x128xf32>, vector<1024x128xf32> -> vector<1024x128xf32>
    %mul3A = arith.mulf %broadcast_in_dim3A_12, %dot_general3A_21 : vector<1024x128xf32>
    %swap3A_22 = arith.constant 0 : index
    %swap3A_23 = arith.constant 0 : index
    %swap3A_24 = vector.load %arg4[%swap3A_22, %swap3A_23] : memref<1024x128xf32, #tpu.memory_space<vmem>>, vector<1024x128xf32>
    tpu.vector_store %arg4[%swap3A_22, %swap3A_23], %mul3A {strides = array<i32>} : memref<1024x128xf32, #tpu.memory_space<vmem>>, vector<1024x128xf32>,
    return
  }
  func.func @transform_0(%arg0: i32) -> (i32, i32) {
    %c0_i32 = arith.constant 0 : i32
    %c0_i32_0 = arith.constant 0 : i32
    return %arg0, %c0_i32 : i32, i32
  }
  func.func @transform_1(%arg0: i32) -> (i32, i32) {
    %c0_i32 = arith.constant 0 : i32
    %c0_i32_0 = arith.constant 0 : i32
    %c0_i32_1 = arith.constant 0 : i32
    return %c0_i32, %c0_i32_0 : i32, i32
  }
  func.func @transform_2(%arg0: i32) -> (i32, i32, i32) {
    %c0_i32 = arith.constant 0 : i32
    %c0_i32_0 = arith.constant 0 : i32
    %c0_i32_1 = arith.constant 0 : i32
    return %c0_i32, %arg0, %c0_i32_0 : i32, i32, i32
  }
  func.func @transform_3(%arg0: i32) -> (i32, i32) {
    %c0_i32 = arith.constant 0 : i32
    %c0_i32_0 = arith.constant 0 : i32
    return %arg0, %c0_i32 : i32, i32
  }
  func.func @transform_4(%arg0: i32) -> (i32, i32) {
    %c0_i32 = arith.constant 0 : i32
    %c0_i32_0 = arith.constant 0 : i32
    return %arg0, %c0_i32 : i32, i32
  }
}

module attributes {stable_mosaic.version = 14 : i64} {
  func.func @a_kernel(%arg0: i32, %arg1: memref<2x1024x128xf32, #tpu.memory_space<vmem>>, %arg2: memref<1024x128xf32, #tpu.memory_space<vmem>>, %arg3: memref<1024x128xf32, #tpu.memory_space<vmem>>, %arg4: memref<1x128xf32, #tpu.memory_space<vmem>>, %arg5: memref<128x128xf32, #tpu.memory_space<vmem>>, %arg6: memref<1024x128xf32, #tpu.memory_space<vmem>>) attributes {dimension_semantics = [#tpu.dimension_semantics<arbitrary>], iteration_bounds = array<i64: 10>, scalar_prefetch = 0 : i64, scratch_operands = 0 : i64, tpu.core_type = #tpu.core_type<tc>, window_params = [{transform_indices = @transform_0, window_bounds = array<i64: 2, 1024, 128>}, {transform_indices = @transform_1, window_bounds = array<i64: 1024, 128>}, {transform_indices = @transform_2, window_bounds = array<i64: 1024, 128>}, {pipeline_mode = #tpu.pipeline_mode<synchronous>, transform_indices = @transform_3, window_bounds = array<i64: 1, 128>}, {pipeline_mode = #tpu.pipeline_mode<synchronous>, transform_indices = @transform_4, window_bounds = array<i64: 128, 128>}, {transform_indices = @transform_5, window_bounds = array<i64: 1024, 128>}]} {
    %mul3A = arith.constant 1024 : i32
    %mul3A_0 = arith.muli %arg0, %mul3A : i32
    %iota3A = tpu.iota {dimensions = array<i32: 0>} : vector<1024x1xi32>
    %add3A = vector.broadcast %mul3A_0 : i32 to vector<1024x1xi32>
    %add3A_1 = arith.addi %add3A, %iota3A : vector<1024x1xi32>
    %get3A = arith.constant 0 : index
    %get3A_2 = arith.constant 0 : index
    %get3A_3 = vector.load %arg3[%get3A, %get3A_2] : memref<1024x128xf32, #tpu.memory_space<vmem>>, vector<1024x128xf32>
    %get3A_4 = arith.constant 0 : index
    %get3A_5 = arith.constant 0 : index
    %get3A_6 = arith.constant 0 : index
    %get3A_7 = vector.load %arg1[%get3A_4, %get3A_5, %get3A_6] : memref<2x1024x128xf32, #tpu.memory_space<vmem>>, vector<1x1024x128xf32>
    %get3A_8 = vector.shape_cast %get3A_7 : vector<1x1024x128xf32> to vector<1024x128xf32>
    %get3A_9 = arith.constant 1 : index
    %get3A_10 = arith.constant 0 : index
    %get3A_11 = arith.constant 0 : index
    %get3A_12 = vector.load %arg1[%get3A_9, %get3A_10, %get3A_11] : memref<2x1024x128xf32, #tpu.memory_space<vmem>>, vector<1x1024x128xf32>
    %get3A_13 = vector.shape_cast %get3A_12 : vector<1x1024x128xf32> to vector<1024x128xf32>
    %add3A_14 = arith.addf %get3A_8, %get3A_13 : vector<1024x128xf32>
    %get3A_15 = arith.constant 0 : index
    %get3A_16 = arith.constant 0 : index
    %get3A_17 = vector.load %arg2[%get3A_15, %get3A_16] : memref<1024x128xf32, #tpu.memory_space<vmem>>, vector<1024x128xf32>
    %add3A_18 = arith.addf %add3A_14, %get3A_17 : vector<1024x128xf32>
    %mul3A_19 = arith.mulf %get3A_3, %add3A_18 : vector<1024x128xf32>
    %get3A_20 = arith.constant 0 : index
    %get3A_21 = arith.constant 0 : index
    %get3A_22 = vector.load %arg4[%get3A_20, %get3A_21] : memref<1x128xf32, #tpu.memory_space<vmem>>, vector<1x128xf32>
    %add3A_23 = vector.broadcast %get3A_22 : vector<1x128xf32> to vector<1024x128xf32>
    %add3A_24 = arith.addf %mul3A_19, %add3A_23 : vector<1024x128xf32>
    %lt3A = arith.constant 10000 : i32
    %lt3A_25 = vector.broadcast %lt3A : i32 to vector<1024x1xi32>
    %lt3A_26 = arith.cmpi slt, %add3A_1, %lt3A_25 : vector<1024x1xi32>
    %max3A = arith.constant 0.000000e+00 : f32
    %max3A_27 = vector.broadcast %max3A : f32 to vector<1024x128xf32>
    %max3A_28 = arith.maximumf %add3A_24, %max3A_27 : vector<1024x128xf32>
    %jit3A = arith.constant 0.000000e+00 : f32
    %broadcast_in_dim3A = vector.shape_cast %lt3A_26 : vector<1024x1xi1> to vector<1024x1xi1>
    %broadcast_in_dim3A_29 = vector.broadcast %broadcast_in_dim3A : vector<1024x1xi1> to vector<1024x128xi1>
    %broadcast_in_dim3A_30 = vector.broadcast %jit3A : f32 to vector<1024x128xf32>
    %select_n3A = arith.select %broadcast_in_dim3A_29, %max3A_28, %broadcast_in_dim3A_30 : vector<1024x128xi1>, vector<1024x128xf32>
    %get3A_31 = arith.constant 0 : index
    %get3A_32 = arith.constant 0 : index
    %get3A_33 = vector.load %arg5[%get3A_31, %get3A_32] : memref<128x128xf32, #tpu.memory_space<vmem>>, vector<128x128xf32>
    %dot_general3A = arith.constant dense<0.000000e+00> : vector<1024x128xf32>
    %dot_general3A_34 = tpu.matmul %select_n3A, %get3A_33, %dot_general3A {dimension_numbers = #tpu.dot_dimension_numbers<[1], [0], [0], [1], [0, 0, 1, 1], [], []>, transpose_lhs_hint = false} : vector<1024x128xf32>, vector<128x128xf32>, vector<1024x128xf32> -> vector<1024x128xf32>
    %get3A_35 = arith.constant 0 : index
    %get3A_36 = arith.constant 0 : index
    %get3A_37 = vector.load %arg3[%get3A_35, %get3A_36] : memref<1024x128xf32, #tpu.memory_space<vmem>>, vector<1024x128xf32>
    %mul3A_38 = arith.mulf %get3A_37, %dot_general3A_34 : vector<1024x128xf32>
    %swap3A = arith.constant 0 : index
    %swap3A_39 = arith.constant 0 : index
    %swap3A_40 = vector.load %arg6[%swap3A, %swap3A_39] : memref<1024x128xf32, #tpu.memory_space<vmem>>, vector<1024x128xf32>
    tpu.vector_store %arg6[%swap3A, %swap3A_39], %mul3A_38 {strides = array<i32>} : memref<1024x128xf32, #tpu.memory_space<vmem>>, vector<1024x128xf32>,
    return
  }
  func.func @transform_0(%arg0: i32) -> (i32, i32, i32) {
    %c0_i32 = arith.constant 0 : i32
    %c0_i32_0 = arith.constant 0 : i32
    %c0_i32_1 = arith.constant 0 : i32
    return %c0_i32, %arg0, %c0_i32_0 : i32, i32, i32
  }
  func.func @transform_1(%arg0: i32) -> (i32, i32) {
    %c0_i32 = arith.constant 0 : i32
    %c0_i32_0 = arith.constant 0 : i32
    return %arg0, %c0_i32 : i32, i32
  }
  func.func @transform_2(%arg0: i32) -> (i32, i32) {
    %c0_i32 = arith.constant 0 : i32
    %c0_i32_0 = arith.constant 0 : i32
    return %arg0, %c0_i32 : i32, i32
  }
  func.func @transform_3(%arg0: i32) -> (i32, i32) {
    %c0_i32 = arith.constant 0 : i32
    %c0_i32_0 = arith.constant 0 : i32
    %c0_i32_1 = arith.constant 0 : i32
    return %c0_i32, %c0_i32_0 : i32, i32
  }
  func.func @transform_4(%arg0: i32) -> (i32, i32) {
    %c0_i32 = arith.constant 0 : i32
    %c0_i32_0 = arith.constant 0 : i32
    %c0_i32_1 = arith.constant 0 : i32
    return %c0_i32, %c0_i32_0 : i32, i32
  }
  func.func @transform_5(%arg0: i32) -> (i32, i32) {
    %c0_i32 = arith.constant 0 : i32
    %c0_i32_0 = arith.constant 0 : i32
    return %arg0, %c0_i32 : i32, i32
  }
}

module attributes {stable_mosaic.version = 14 : i64} {
  func.func @a_kernel(%arg0: i32, %arg1: memref<2x1024x128xf32, #tpu.memory_space<vmem>>, %arg2: memref<1024x128xf32, #tpu.memory_space<vmem>>, %arg3: memref<1024x128xf32, #tpu.memory_space<vmem>>, %arg4: memref<1x128xf32, #tpu.memory_space<vmem>>, %arg5: memref<128x64xf32, #tpu.memory_space<vmem>>, %arg6: memref<1024x64xf32, #tpu.memory_space<vmem>>) attributes {dimension_semantics = [#tpu.dimension_semantics<arbitrary>], iteration_bounds = array<i64: 10>, scalar_prefetch = 0 : i64, scratch_operands = 0 : i64, tpu.core_type = #tpu.core_type<tc>, window_params = [{transform_indices = @transform_0, window_bounds = array<i64: 2, 1024, 128>}, {transform_indices = @transform_1, window_bounds = array<i64: 1024, 128>}, {transform_indices = @transform_2, window_bounds = array<i64: 1024, 128>}, {pipeline_mode = #tpu.pipeline_mode<synchronous>, transform_indices = @transform_3, window_bounds = array<i64: 1, 128>}, {pipeline_mode = #tpu.pipeline_mode<synchronous>, transform_indices = @transform_4, window_bounds = array<i64: 128, 64>}, {transform_indices = @transform_5, window_bounds = array<i64: 1024, 64>}]} {
    %mul3A = arith.constant 1024 : i32
    %mul3A_0 = arith.muli %arg0, %mul3A : i32
    %iota3A = tpu.iota {dimensions = array<i32: 0>} : vector<1024x1xi32>
    %add3A = vector.broadcast %mul3A_0 : i32 to vector<1024x1xi32>
    %add3A_1 = arith.addi %add3A, %iota3A : vector<1024x1xi32>
    %get3A = arith.constant 0 : index
    %get3A_2 = arith.constant 0 : index
    %get3A_3 = vector.load %arg3[%get3A, %get3A_2] : memref<1024x128xf32, #tpu.memory_space<vmem>>, vector<1024x128xf32>
    %get3A_4 = arith.constant 0 : index
    %get3A_5 = arith.constant 0 : index
    %get3A_6 = arith.constant 0 : index
    %get3A_7 = vector.load %arg1[%get3A_4, %get3A_5, %get3A_6] : memref<2x1024x128xf32, #tpu.memory_space<vmem>>, vector<1x1024x128xf32>
    %get3A_8 = vector.shape_cast %get3A_7 : vector<1x1024x128xf32> to vector<1024x128xf32>
    %get3A_9 = arith.constant 1 : index
    %get3A_10 = arith.constant 0 : index
    %get3A_11 = arith.constant 0 : index
    %get3A_12 = vector.load %arg1[%get3A_9, %get3A_10, %get3A_11] : memref<2x1024x128xf32, #tpu.memory_space<vmem>>, vector<1x1024x128xf32>
    %get3A_13 = vector.shape_cast %get3A_12 : vector<1x1024x128xf32> to vector<1024x128xf32>
    %add3A_14 = arith.addf %get3A_8, %get3A_13 : vector<1024x128xf32>
    %get3A_15 = arith.constant 0 : index
    %get3A_16 = arith.constant 0 : index
    %get3A_17 = vector.load %arg2[%get3A_15, %get3A_16] : memref<1024x128xf32, #tpu.memory_space<vmem>>, vector<1024x128xf32>
    %add3A_18 = arith.addf %add3A_14, %get3A_17 : vector<1024x128xf32>
    %mul3A_19 = arith.mulf %get3A_3, %add3A_18 : vector<1024x128xf32>
    %get3A_20 = arith.constant 0 : index
    %get3A_21 = arith.constant 0 : index
    %get3A_22 = vector.load %arg4[%get3A_20, %get3A_21] : memref<1x128xf32, #tpu.memory_space<vmem>>, vector<1x128xf32>
    %add3A_23 = vector.broadcast %get3A_22 : vector<1x128xf32> to vector<1024x128xf32>
    %add3A_24 = arith.addf %mul3A_19, %add3A_23 : vector<1024x128xf32>
    %lt3A = arith.constant 10000 : i32
    %lt3A_25 = vector.broadcast %lt3A : i32 to vector<1024x1xi32>
    %lt3A_26 = arith.cmpi slt, %add3A_1, %lt3A_25 : vector<1024x1xi32>
    %max3A = arith.constant 0.000000e+00 : f32
    %max3A_27 = vector.broadcast %max3A : f32 to vector<1024x128xf32>
    %max3A_28 = arith.maximumf %add3A_24, %max3A_27 : vector<1024x128xf32>
    %jit3A = arith.constant 0.000000e+00 : f32
    %broadcast_in_dim3A = vector.shape_cast %lt3A_26 : vector<1024x1xi1> to vector<1024x1xi1>
    %broadcast_in_dim3A_29 = vector.broadcast %broadcast_in_dim3A : vector<1024x1xi1> to vector<1024x128xi1>
    %broadcast_in_dim3A_30 = vector.broadcast %jit3A : f32 to vector<1024x128xf32>
    %select_n3A = arith.select %broadcast_in_dim3A_29, %max3A_28, %broadcast_in_dim3A_30 : vector<1024x128xi1>, vector<1024x128xf32>
    %get3A_31 = arith.constant 0 : index
    %get3A_32 = arith.constant 0 : index
    %get3A_33 = vector.load %arg5[%get3A_31, %get3A_32] : memref<128x64xf32, #tpu.memory_space<vmem>>, vector<128x64xf32>
    %dot_general3A = arith.constant dense<0.000000e+00> : vector<1024x64xf32>
    %dot_general3A_34 = tpu.matmul %select_n3A, %get3A_33, %dot_general3A {dimension_numbers = #tpu.dot_dimension_numbers<[1], [0], [0], [1], [0, 0, 1, 1], [], []>, transpose_lhs_hint = false} : vector<1024x128xf32>, vector<128x64xf32>, vector<1024x64xf32> -> vector<1024x64xf32>
    %get3A_35 = arith.constant 0 : index
    %get3A_36 = arith.constant 0 : index
    %get3A_37 = vector.load %arg3[%get3A_35, %get3A_36] : memref<1024x128xf32, #tpu.memory_space<vmem>>, vector<1024x64xf32>
    %mul3A_38 = arith.mulf %get3A_37, %dot_general3A_34 : vector<1024x64xf32>
    %swap3A = arith.constant 0 : index
    %swap3A_39 = arith.constant 0 : index
    %swap3A_40 = vector.load %arg6[%swap3A, %swap3A_39] : memref<1024x64xf32, #tpu.memory_space<vmem>>, vector<1024x64xf32>
    tpu.vector_store %arg6[%swap3A, %swap3A_39], %mul3A_38 {strides = array<i32>} : memref<1024x64xf32, #tpu.memory_space<vmem>>, vector<1024x64xf32>,
    return
  }
  func.func @transform_0(%arg0: i32) -> (i32, i32, i32) {
    %c0_i32 = arith.constant 0 : i32
    %c0_i32_0 = arith.constant 0 : i32
    %c0_i32_1 = arith.constant 0 : i32
    return %c0_i32, %arg0, %c0_i32_0 : i32, i32, i32
  }
  func.func @transform_1(%arg0: i32) -> (i32, i32) {
    %c0_i32 = arith.constant 0 : i32
    %c0_i32_0 = arith.constant 0 : i32
    return %arg0, %c0_i32 : i32, i32
  }
  func.func @transform_2(%arg0: i32) -> (i32, i32) {
    %c0_i32 = arith.constant 0 : i32
    %c0_i32_0 = arith.constant 0 : i32
    return %arg0, %c0_i32 : i32, i32
  }
  func.func @transform_3(%arg0: i32) -> (i32, i32) {
    %c0_i32 = arith.constant 0 : i32
    %c0_i32_0 = arith.constant 0 : i32
    %c0_i32_1 = arith.constant 0 : i32
    return %c0_i32, %c0_i32_0 : i32, i32
  }
  func.func @transform_4(%arg0: i32) -> (i32, i32) {
    %c0_i32 = arith.constant 0 : i32
    %c0_i32_0 = arith.constant 0 : i32
    %c0_i32_1 = arith.constant 0 : i32
    return %c0_i32, %c0_i32_0 : i32, i32
  }
  func.func @transform_5(%arg0: i32) -> (i32, i32) {
    %c0_i32 = arith.constant 0 : i32
    %c0_i32_0 = arith.constant 0 : i32
    return %arg0, %c0_i32 : i32, i32
  }
}

module attributes {stable_mosaic.version = 14 : i64} {
  func.func @_prep_kernel(%arg0: memref<2x10240x64xf32, #tpu.memory_space<vmem>>, %arg1: memref<10240x64xf32, #tpu.memory_space<vmem>>, %arg2: memref<10240x128xf32, #tpu.memory_space<vmem>>, %arg3: memref<1x64xf32, #tpu.memory_space<vmem>>, %arg4: memref<2x128x16xf32, #tpu.memory_space<vmem>>, %arg5: memref<10240x64xf32, #tpu.memory_space<vmem>>, %arg6: memref<10240x1xf32, #tpu.memory_space<vmem>>, %arg7: memref<5x64x128xi32, #tpu.memory_space<vmem>>, %arg8: memref<64x1xi32, #tpu.memory_space<vmem>>, %arg9: memref<64x1xi32, #tpu.memory_space<vmem>>, %arg10: memref<64x1xi32, #tpu.memory_space<vmem>>, %arg11: memref<1x1xi32, #tpu.memory_space<vmem>>) attributes {dimension_semantics = [], scalar_prefetch = 0 : i64, scratch_operands = 0 : i64, tpu.core_type = #tpu.core_type<tc>} {
    %iota3A = tpu.iota {dimensions = array<i32: 0>} : vector<10240x1xi32>
    %get3A = arith.constant 0 : index
    %get3A_0 = arith.constant 0 : index
    %get3A_1 = vector.load %arg2[%get3A, %get3A_0] : memref<10240x128xf32, #tpu.memory_space<vmem>>, vector<10240x64xf32>
    %get3A_2 = arith.constant 0 : index
    %get3A_3 = arith.constant 0 : index
    %get3A_4 = arith.constant 0 : index
    %get3A_5 = vector.load %arg0[%get3A_2, %get3A_3, %get3A_4] : memref<2x10240x64xf32, #tpu.memory_space<vmem>>, vector<1x10240x64xf32>
    %get3A_6 = vector.shape_cast %get3A_5 : vector<1x10240x64xf32> to vector<10240x64xf32>
    %get3A_7 = arith.constant 1 : index
    %get3A_8 = arith.constant 0 : index
    %get3A_9 = arith.constant 0 : index
    %get3A_10 = vector.load %arg0[%get3A_7, %get3A_8, %get3A_9] : memref<2x10240x64xf32, #tpu.memory_space<vmem>>, vector<1x10240x64xf32>
    %get3A_11 = vector.shape_cast %get3A_10 : vector<1x10240x64xf32> to vector<10240x64xf32>
    %add3A = arith.addf %get3A_6, %get3A_11 : vector<10240x64xf32>
    %get3A_12 = arith.constant 0 : index
    %get3A_13 = arith.constant 0 : index
    %get3A_14 = vector.load %arg1[%get3A_12, %get3A_13] : memref<10240x64xf32, #tpu.memory_space<vmem>>, vector<10240x64xf32>
    %add3A_15 = arith.addf %add3A, %get3A_14 : vector<10240x64xf32>
    %mul3A = arith.mulf %get3A_1, %add3A_15 : vector<10240x64xf32>
    %get3A_16 = arith.constant 0 : index
    %get3A_17 = arith.constant 0 : index
    %get3A_18 = vector.load %arg3[%get3A_16, %get3A_17] : memref<1x64xf32, #tpu.memory_space<vmem>>, vector<1x64xf32>
    %add3A_19 = vector.broadcast %get3A_18 : vector<1x64xf32> to vector<10240x64xf32>
    %add3A_20 = arith.addf %mul3A, %add3A_19 : vector<10240x64xf32>
    %lt3A = arith.constant 10000 : i32
    %lt3A_21 = vector.broadcast %lt3A : i32 to vector<10240x1xi32>
    %lt3A_22 = arith.cmpi slt, %iota3A, %lt3A_21 : vector<10240x1xi32>
    %jit3A = arith.constant 0.000000e+00 : f32
    %broadcast_in_dim3A = vector.shape_cast %lt3A_22 : vector<10240x1xi1> to vector<10240x1xi1>
    %broadcast_in_dim3A_23 = vector.broadcast %broadcast_in_dim3A : vector<10240x1xi1> to vector<10240x64xi1>
    %broadcast_in_dim3A_24 = vector.broadcast %jit3A : f32 to vector<10240x64xf32>
    %select_n3A = arith.select %broadcast_in_dim3A_23, %add3A_20, %broadcast_in_dim3A_24 : vector<10240x64xi1>, vector<10240x64xf32>
    %swap3A = arith.constant 0 : index
    %swap3A_25 = arith.constant 0 : index
    %swap3A_26 = vector.load %arg5[%swap3A, %swap3A_25] : memref<10240x64xf32, #tpu.memory_space<vmem>>, vector<10240x64xf32>
    tpu.vector_store %arg5[%swap3A, %swap3A_25], %select_n3A {strides = array<i32>} : memref<10240x64xf32, #tpu.memory_space<vmem>>, vector<10240x64xf32>,
    %slice3A = vector.extract_strided_slice %select_n3A {offsets = [0, 63], sizes = [10240, 1], strides = [1, 1]} : vector<10240x64xf32> to vector<10240x1xf32>
    %swap3A_27 = arith.constant 0 : index
    %swap3A_28 = arith.constant 0 : index
    %swap3A_29 = vector.load %arg6[%swap3A_27, %swap3A_28] : memref<10240x1xf32, #tpu.memory_space<vmem>>, vector<10240x1xf32>
    tpu.vector_store %arg6[%swap3A_27, %swap3A_28], %slice3A {strides = array<i32>} : memref<10240x1xf32, #tpu.memory_space<vmem>>, vector<10240x1xf32>,
    %get3A_30 = arith.constant 0 : index
    %get3A_31 = arith.constant 0 : index
    %get3A_32 = arith.constant 0 : index
    %get3A_33 = vector.load %arg4[%get3A_30, %get3A_31, %get3A_32] : memref<2x128x16xf32, #tpu.memory_space<vmem>>, vector<1x64x1xf32>
    %get3A_34 = vector.shape_cast %get3A_33 : vector<1x64x1xf32> to vector<64x1xf32>
    %get3A_35 = arith.constant 1 : index
    %get3A_36 = arith.constant 0 : index
    %get3A_37 = arith.constant 0 : index
    %get3A_38 = vector.load %arg4[%get3A_35, %get3A_36, %get3A_37] : memref<2x128x16xf32, #tpu.memory_space<vmem>>, vector<1x64x1xf32>
    %get3A_39 = vector.shape_cast %get3A_38 : vector<1x64x1xf32> to vector<64x1xf32>
    %add3A_40 = arith.addf %get3A_34, %get3A_39 : vector<64x1xf32>
    %iota3A_41 = tpu.iota {dimensions = array<i32: 0>} : vector<64x64xi32>
    %iota3A_42 = tpu.iota {dimensions = array<i32: 1>} : vector<64x64xi32>
    %gt3A = arith.cmpi sgt, %iota3A_41, %iota3A_42 : vector<64x64xi32>
    %jit3A_43 = arith.constant 1.000000e+00 : f32
    %jit3A_44 = arith.constant 0.000000e+00 : f32
    %broadcast_in_dim3A_45 = vector.broadcast %jit3A_43 : f32 to vector<64x64xf32>
    %broadcast_in_dim3A_46 = vector.broadcast %jit3A_44 : f32 to vector<64x64xf32>
    %select_n3A_47 = arith.select %gt3A, %broadcast_in_dim3A_45, %broadcast_in_dim3A_46 : vector<64x64xi1>, vector<64x64xf32>
    %dot_general3A = arith.constant dense<0.000000e+00> : vector<64x1xf32>
    %dot_general3A_48 = tpu.matmul %select_n3A_47, %add3A_40, %dot_general3A {dimension_numbers = #tpu.dot_dimension_numbers<[1], [0], [0], [1], [0, 0, 1, 1], [], []>, transpose_lhs_hint = false} : vector<64x64xf32>, vector<64x1xf32>, vector<64x1xf32> -> vector<64x1xf32>
    %convert_element_type3A = arith.fptosi %dot_general3A_48 : vector<64x1xf32> to vector<64x1xi32>
    %convert_element_type3A_49 = arith.fptosi %add3A_40 : vector<64x1xf32> to vector<64x1xi32>
    %and3A = arith.constant -8 : i32
    %and3A_50 = vector.broadcast %and3A : i32 to vector<64x1xi32>
    %and3A_51 = arith.andi %convert_element_type3A, %and3A_50 : vector<64x1xi32>
    %sub3A = arith.subi %convert_element_type3A, %and3A_51 : vector<64x1xi32>
    %swap3A_52 = arith.constant 0 : index
    %swap3A_53 = arith.constant 0 : index
    %swap3A_54 = vector.load %arg8[%swap3A_52, %swap3A_53] : memref<64x1xi32, #tpu.memory_space<vmem>>, vector<64x1xi32>
    tpu.vector_store %arg8[%swap3A_52, %swap3A_53], %sub3A {strides = array<i32>} : memref<64x1xi32, #tpu.memory_space<vmem>>, vector<64x1xi32>,
    %sub3A_55 = arith.subi %convert_element_type3A, %and3A_51 : vector<64x1xi32>
    %add3A_56 = arith.addi %sub3A_55, %convert_element_type3A_49 : vector<64x1xi32>
    %swap3A_57 = arith.constant 0 : index
    %swap3A_58 = arith.constant 0 : index
    %swap3A_59 = vector.load %arg9[%swap3A_57, %swap3A_58] : memref<64x1xi32, #tpu.memory_space<vmem>>, vector<64x1xi32>
    tpu.vector_store %arg9[%swap3A_57, %swap3A_58], %add3A_56 {strides = array<i32>} : memref<64x1xi32, #tpu.memory_space<vmem>>, vector<64x1xi32>,
    %swap3A_60 = arith.constant 0 : index
    %swap3A_61 = arith.constant 0 : index
    %swap3A_62 = vector.load %arg10[%swap3A_60, %swap3A_61] : memref<64x1xi32, #tpu.memory_space<vmem>>, vector<64x1xi32>
    tpu.vector_store %arg10[%swap3A_60, %swap3A_61], %and3A_51 {strides = array<i32>} : memref<64x1xi32, #tpu.memory_space<vmem>>, vector<64x1xi32>,
    %reduce_max3A = vector.shape_cast %convert_element_type3A_49 : vector<64x1xi32> to vector<1x64x1xi32>
    %reduce_max3A_63 = arith.constant dense<-2147483648> : vector<1xi32>
    %reduce_max3A_64 = vector.multi_reduction <maxsi>, %reduce_max3A, %reduce_max3A_63 [1, 2] : vector<1x64x1xi32> to vector<1xi32>
    %reduce_max3A_65 = vector.shape_cast %reduce_max3A_64 : vector<1xi32> to vector<1x1x1xi32>
    %reduce_max3A_66 = vector.extract %reduce_max3A_65[0, 0, 0] : i32 from vector<1x1x1xi32>
    %broadcast_in_dim3A_67 = vector.broadcast %reduce_max3A_66 : i32 to vector<1x1xi32>
    %gt3A_68 = arith.constant 632 : i32
    %gt3A_69 = vector.broadcast %gt3A_68 : i32 to vector<1x1xi32>
    %gt3A_70 = arith.cmpi sgt, %broadcast_in_dim3A_67, %gt3A_69 : vector<1x1xi32>
    %swap3A_71 = arith.constant 0 : index
    %swap3A_72 = arith.constant 0 : index
    %swap3A_73 = vector.load %arg11[%swap3A_71, %swap3A_72] : memref<1x1xi32, #tpu.memory_space<vmem>>, vector<1x1xi32>
    %swap3A_74 = arith.extui %gt3A_70 : vector<1x1xi1> to vector<1x1xi32>
    %swap3A_75 = arith.constant dense<0> : vector<1x1xi32>
    %swap3A_76 = arith.cmpi ne, %swap3A_73, %swap3A_75 : vector<1x1xi32>
    tpu.vector_store %arg11[%swap3A_71, %swap3A_72], %swap3A_74 {strides = array<i32>} : memref<1x1xi32, #tpu.memory_space<vmem>>, vector<1x1xi32>,
    %iota3A_77 = tpu.iota {dimensions = array<i32: 1>} : vector<64x128xi32>
    %add3A_78 = arith.constant 0 : i32
    %add3A_79 = vector.broadcast %add3A_78 : i32 to vector<64x1xi32>
    %add3A_80 = arith.addi %and3A_51, %add3A_79 : vector<64x1xi32>
    %add3A_81 = vector.broadcast %add3A_80 : vector<64x1xi32> to vector<64x128xi32>
    %add3A_82 = arith.addi %add3A_81, %iota3A_77 : vector<64x128xi32>
    %min3A = arith.constant 10239 : i32
    %min3A_83 = vector.broadcast %min3A : i32 to vector<64x128xi32>
    %min3A_84 = arith.minsi %add3A_82, %min3A_83 : vector<64x128xi32>
    %swap3A_85 = arith.constant 0 : index
    %swap3A_86 = arith.constant 0 : index
    %swap3A_87 = arith.constant 0 : index
    %swap3A_88 = vector.load %arg7[%swap3A_85, %swap3A_86, %swap3A_87] : memref<5x64x128xi32, #tpu.memory_space<vmem>>, vector<1x64x128xi32>
    %swap3A_89 = vector.shape_cast %swap3A_88 : vector<1x64x128xi32> to vector<64x128xi32>
    %swap3A_90 = vector.shape_cast %min3A_84 : vector<64x128xi32> to vector<1x64x128xi32>
    tpu.vector_store %arg7[%swap3A_85, %swap3A_86, %swap3A_87], %swap3A_90 {strides = array<i32>} : memref<5x64x128xi32, #tpu.memory_space<vmem>>, vector<1x64x128xi32>,
    %add3A_91 = arith.constant 128 : i32
    %add3A_92 = vector.broadcast %add3A_91 : i32 to vector<64x1xi32>
    %add3A_93 = arith.addi %and3A_51, %add3A_92 : vector<64x1xi32>
    %add3A_94 = vector.broadcast %add3A_93 : vector<64x1xi32> to vector<64x128xi32>
    %add3A_95 = arith.addi %add3A_94, %iota3A_77 : vector<64x128xi32>
    %min3A_96 = arith.constant 10239 : i32
    %min3A_97 = vector.broadcast %min3A_96 : i32 to vector<64x128xi32>
    %min3A_98 = arith.minsi %add3A_95, %min3A_97 : vector<64x128xi32>
    %swap3A_99 = arith.constant 1 : index
    %swap3A_100 = arith.constant 0 : index
    %swap3A_101 = arith.constant 0 : index
    %swap3A_102 = vector.load %arg7[%swap3A_99, %swap3A_100, %swap3A_101] : memref<5x64x128xi32, #tpu.memory_space<vmem>>, vector<1x64x128xi32>
    %swap3A_103 = vector.shape_cast %swap3A_102 : vector<1x64x128xi32> to vector<64x128xi32>
    %swap3A_104 = vector.shape_cast %min3A_98 : vector<64x128xi32> to vector<1x64x128xi32>
    tpu.vector_store %arg7[%swap3A_99, %swap3A_100, %swap3A_101], %swap3A_104 {strides = array<i32>} : memref<5x64x128xi32, #tpu.memory_space<vmem>>, vector<1x64x128xi32>,
    %add3A_105 = arith.constant 256 : i32
    %add3A_106 = vector.broadcast %add3A_105 : i32 to vector<64x1xi32>
    %add3A_107 = arith.addi %and3A_51, %add3A_106 : vector<64x1xi32>
    %add3A_108 = vector.broadcast %add3A_107 : vector<64x1xi32> to vector<64x128xi32>
    %add3A_109 = arith.addi %add3A_108, %iota3A_77 : vector<64x128xi32>
    %min3A_110 = arith.constant 10239 : i32
    %min3A_111 = vector.broadcast %min3A_110 : i32 to vector<64x128xi32>
    %min3A_112 = arith.minsi %add3A_109, %min3A_111 : vector<64x128xi32>
    %swap3A_113 = arith.constant 2 : index
    %swap3A_114 = arith.constant 0 : index
    %swap3A_115 = arith.constant 0 : index
    %swap3A_116 = vector.load %arg7[%swap3A_113, %swap3A_114, %swap3A_115] : memref<5x64x128xi32, #tpu.memory_space<vmem>>, vector<1x64x128xi32>
    %swap3A_117 = vector.shape_cast %swap3A_116 : vector<1x64x128xi32> to vector<64x128xi32>
    %swap3A_118 = vector.shape_cast %min3A_112 : vector<64x128xi32> to vector<1x64x128xi32>
    tpu.vector_store %arg7[%swap3A_113, %swap3A_114, %swap3A_115], %swap3A_118 {strides = array<i32>} : memref<5x64x128xi32, #tpu.memory_space<vmem>>, vector<1x64x128xi32>,
    %add3A_119 = arith.constant 384 : i32
    %add3A_120 = vector.broadcast %add3A_119 : i32 to vector<64x1xi32>
    %add3A_121 = arith.addi %and3A_51, %add3A_120 : vector<64x1xi32>
    %add3A_122 = vector.broadcast %add3A_121 : vector<64x1xi32> to vector<64x128xi32>
    %add3A_123 = arith.addi %add3A_122, %iota3A_77 : vector<64x128xi32>
    %min3A_124 = arith.constant 10239 : i32
    %min3A_125 = vector.broadcast %min3A_124 : i32 to vector<64x128xi32>
    %min3A_126 = arith.minsi %add3A_123, %min3A_125 : vector<64x128xi32>
    %swap3A_127 = arith.constant 3 : index
    %swap3A_128 = arith.constant 0 : index
    %swap3A_129 = arith.constant 0 : index
    %swap3A_130 = vector.load %arg7[%swap3A_127, %swap3A_128, %swap3A_129] : memref<5x64x128xi32, #tpu.memory_space<vmem>>, vector<1x64x128xi32>
    %swap3A_131 = vector.shape_cast %swap3A_130 : vector<1x64x128xi32> to vector<64x128xi32>
    %swap3A_132 = vector.shape_cast %min3A_126 : vector<64x128xi32> to vector<1x64x128xi32>
    tpu.vector_store %arg7[%swap3A_127, %swap3A_128, %swap3A_129], %swap3A_132 {strides = array<i32>} : memref<5x64x128xi32, #tpu.memory_space<vmem>>, vector<1x64x128xi32>,
    %add3A_133 = arith.constant 512 : i32
    %add3A_134 = vector.broadcast %add3A_133 : i32 to vector<64x1xi32>
    %add3A_135 = arith.addi %and3A_51, %add3A_134 : vector<64x1xi32>
    %add3A_136 = vector.broadcast %add3A_135 : vector<64x1xi32> to vector<64x128xi32>
    %add3A_137 = arith.addi %add3A_136, %iota3A_77 : vector<64x128xi32>
    %min3A_138 = arith.constant 10239 : i32
    %min3A_139 = vector.broadcast %min3A_138 : i32 to vector<64x128xi32>
    %min3A_140 = arith.minsi %add3A_137, %min3A_139 : vector<64x128xi32>
    %swap3A_141 = arith.constant 4 : index
    %swap3A_142 = arith.constant 0 : index
    %swap3A_143 = arith.constant 0 : index
    %swap3A_144 = vector.load %arg7[%swap3A_141, %swap3A_142, %swap3A_143] : memref<5x64x128xi32, #tpu.memory_space<vmem>>, vector<1x64x128xi32>
    %swap3A_145 = vector.shape_cast %swap3A_144 : vector<1x64x128xi32> to vector<64x128xi32>
    %swap3A_146 = vector.shape_cast %min3A_140 : vector<64x128xi32> to vector<1x64x128xi32>
    tpu.vector_store %arg7[%swap3A_141, %swap3A_142, %swap3A_143], %swap3A_146 {strides = array<i32>} : memref<5x64x128xi32, #tpu.memory_space<vmem>>, vector<1x64x128xi32>,
    return
  }
}

module attributes {stable_mosaic.version = 14 : i64} {
  func.func @_select_kernel(%arg0: memref<64x640xf32, #tpu.memory_space<vmem>>, %arg1: memref<64x1xi32, #tpu.memory_space<vmem>>, %arg2: memref<64x1xi32, #tpu.memory_space<vmem>>, %arg3: memref<64x1xi32, #tpu.memory_space<vmem>>, %arg4: memref<64x32xi32, #tpu.memory_space<vmem>>, %arg5: memref<64x640xf32, #tpu.memory_space<vmem>>) attributes {dimension_semantics = [], scalar_prefetch = 0 : i64, scratch_operands = 1 : i64, tpu.core_type = #tpu.core_type<tc>} {
    %iota3A = tpu.iota {dimensions = array<i32: 1>} : vector<64x640xi32>
    %get3A = arith.constant 0 : index
    %get3A_0 = arith.constant 0 : index
    %get3A_1 = vector.load %arg1[%get3A, %get3A_0] : memref<64x1xi32, #tpu.memory_space<vmem>>, vector<64x1xi32>
    %ge3A = vector.broadcast %get3A_1 : vector<64x1xi32> to vector<64x640xi32>
    %ge3A_2 = arith.cmpi sge, %iota3A, %ge3A : vector<64x640xi32>
    %get3A_3 = arith.constant 0 : index
    %get3A_4 = arith.constant 0 : index
    %get3A_5 = vector.load %arg2[%get3A_3, %get3A_4] : memref<64x1xi32, #tpu.memory_space<vmem>>, vector<64x1xi32>
    %lt3A = vector.broadcast %get3A_5 : vector<64x1xi32> to vector<64x640xi32>
    %lt3A_6 = arith.cmpi slt, %iota3A, %lt3A : vector<64x640xi32>
    %and3A = arith.andi %ge3A_2, %lt3A_6 : vector<64x640xi1>
    %get3A_7 = arith.constant 0 : index
    %get3A_8 = arith.constant 0 : index
    %get3A_9 = vector.load %arg0[%get3A_7, %get3A_8] : memref<64x640xf32, #tpu.memory_space<vmem>>, vector<64x640xf32>
    %jit3A = arith.constant -3.400000e+38 : f32
    %broadcast_in_dim3A = vector.broadcast %jit3A : f32 to vector<64x640xf32>
    %select_n3A = arith.select %and3A, %get3A_9, %broadcast_in_dim3A : vector<64x640xi1>, vector<64x640xf32>
    %swap3A = arith.constant 0 : index
    %swap3A_10 = arith.constant 0 : index
    %swap3A_11 = vector.load %arg5[%swap3A, %swap3A_10] : memref<64x640xf32, #tpu.memory_space<vmem>>, vector<64x640xf32>
    tpu.vector_store %arg5[%swap3A, %swap3A_10], %select_n3A {strides = array<i32>} : memref<64x640xf32, #tpu.memory_space<vmem>>, vector<64x640xf32>,
    %iota3A_12 = tpu.iota {dimensions = array<i32: 1>} : vector<64x32xi32>
    %broadcast_in_dim3A_13 = arith.constant -1 : i32
    %broadcast_in_dim3A_14 = vector.broadcast %broadcast_in_dim3A_13 : i32 to vector<64x1xi32>
    %broadcast_in_dim3A_15 = arith.constant 0 : i32
    %broadcast_in_dim3A_16 = vector.broadcast %broadcast_in_dim3A_15 : i32 to vector<64x32xi32>
    %scan3A = arith.constant 0 : i32
    %scan3A_17 = arith.constant 32 : i32
    %scan3A_18 = arith.addi %scan3A, %scan3A_17 : i32
    %scan3A_19 = arith.constant 1 : i32
    %scan3A_20:2 = scf.for %scan3A_25 = %scan3A to %scan3A_18 step %scan3A_19 iter_args(%scan3A_26 = %broadcast_in_dim3A_14, %scan3A_27 = %broadcast_in_dim3A_16) -> (vector<64x1xi32>, vector<64x32xi32>)  : i32 {
      %eq3A = vector.broadcast %scan3A_26 : vector<64x1xi32> to vector<64x640xi32>
      %eq3A_28 = arith.cmpi eq, %iota3A, %eq3A : vector<64x640xi32>
      %get3A_29 = arith.constant 0 : index
      %get3A_30 = arith.constant 0 : index
      %get3A_31 = vector.load %arg5[%get3A_29, %get3A_30] : memref<64x640xf32, #tpu.memory_space<vmem>>, vector<64x640xf32>
      %jit3A_32 = arith.constant -3.400000e+38 : f32
      %broadcast_in_dim3A_33 = vector.broadcast %jit3A_32 : f32 to vector<64x640xf32>
      %select_n3A_34 = arith.select %eq3A_28, %broadcast_in_dim3A_33, %get3A_31 : vector<64x640xi1>, vector<64x640xf32>
      %swap3A_35 = arith.constant 0 : index
      %swap3A_36 = arith.constant 0 : index
      %swap3A_37 = vector.load %arg5[%swap3A_35, %swap3A_36] : memref<64x640xf32, #tpu.memory_space<vmem>>, vector<64x640xf32>
      tpu.vector_store %arg5[%swap3A_35, %swap3A_36], %select_n3A_34 {strides = array<i32>} : memref<64x640xf32, #tpu.memory_space<vmem>>, vector<64x640xf32>,
      %reduce_max3A = arith.constant dense<0xFF800000> : vector<64xf32>
      %reduce_max3A_38 = vector.multi_reduction <maximumf>, %select_n3A_34, %reduce_max3A [1] : vector<64x640xf32> to vector<64xf32>
      %broadcast_in_dim3A_39 = vector.shape_cast %reduce_max3A_38 : vector<64xf32> to vector<64x1xf32>
      %ge3A_40 = vector.broadcast %broadcast_in_dim3A_39 : vector<64x1xf32> to vector<64x640xf32>
      %ge3A_41 = arith.cmpf oge, %select_n3A_34, %ge3A_40 : vector<64x640xf32>
      %jit3A_42 = arith.constant 1073741824 : i32
      %broadcast_in_dim3A_43 = vector.broadcast %jit3A_42 : i32 to vector<64x640xi32>
      %select_n3A_44 = arith.select %ge3A_41, %iota3A, %broadcast_in_dim3A_43 : vector<64x640xi1>, vector<64x640xi32>
      %reduce_min3A = arith.constant dense<2147483647> : vector<64xi32>
      %reduce_min3A_45 = vector.multi_reduction <minsi>, %select_n3A_44, %reduce_min3A [1] : vector<64x640xi32> to vector<64xi32>
      %broadcast_in_dim3A_46 = vector.shape_cast %reduce_min3A_45 : vector<64xi32> to vector<64x1xi32>
      %gt3A = arith.constant -9.99999968E+37 : f32
      %gt3A_47 = vector.broadcast %gt3A : f32 to vector<64x1xf32>
      %gt3A_48 = arith.cmpf ogt, %broadcast_in_dim3A_39, %gt3A_47 : vector<64x1xf32>
      %get3A_49 = arith.constant 0 : index
      %get3A_50 = arith.constant 0 : index
      %get3A_51 = vector.load %arg3[%get3A_49, %get3A_50] : memref<64x1xi32, #tpu.memory_space<vmem>>, vector<64x1xi32>
      %add3A = arith.addi %get3A_51, %broadcast_in_dim3A_46 : vector<64x1xi32>
      %jit3A_52 = arith.constant 10000 : i32
      %broadcast_in_dim3A_53 = vector.broadcast %jit3A_52 : i32 to vector<64x1xi32>
      %select_n3A_54 = arith.select %gt3A_48, %add3A, %broadcast_in_dim3A_53 : vector<64x1xi1>, vector<64x1xi32>
      %eq3A_55 = vector.broadcast %scan3A_25 : i32 to vector<64x32xi32>
      %eq3A_56 = arith.cmpi eq, %iota3A_12, %eq3A_55 : vector<64x32xi32>
      %broadcast_in_dim3A_57 = vector.shape_cast %select_n3A_54 : vector<64x1xi32> to vector<64x1xi32>
      %broadcast_in_dim3A_58 = vector.broadcast %broadcast_in_dim3A_57 : vector<64x1xi32> to vector<64x32xi32>
      %select_n3A_59 = arith.select %eq3A_56, %broadcast_in_dim3A_58, %scan3A_27 : vector<64x32xi1>, vector<64x32xi32>
      scf.yield %broadcast_in_dim3A_46, %select_n3A_59 : vector<64x1xi32>, vector<64x32xi32>
    }
    %scan3A_21 = arith.constant 32 : i32
    %swap3A_22 = arith.constant 0 : index
    %swap3A_23 = arith.constant 0 : index
    %swap3A_24 = vector.load %arg4[%swap3A_22, %swap3A_23] : memref<64x32xi32, #tpu.memory_space<vmem>>, vector<64x32xi32>
    tpu.vector_store %arg4[%swap3A_22, %swap3A_23], %scan3A_20#1 {strides = array<i32>} : memref<64x32xi32, #tpu.memory_space<vmem>>, vector<64x32xi32>,
    return
  }
}

module attributes {stable_mosaic.version = 14 : i64} {
  func.func @_topk_full_kernel(%arg0: memref<10240x64xf32, #tpu.memory_space<vmem>>, %arg1: memref<10240x1xi32, #tpu.memory_space<vmem>>, %arg2: memref<32x64xi32, #tpu.memory_space<vmem>>, %arg3: memref<10240x64xf32, #tpu.memory_space<vmem>>) attributes {dimension_semantics = [], scalar_prefetch = 0 : i64, scratch_operands = 1 : i64, tpu.core_type = #tpu.core_type<tc>} {
    %iota3A = tpu.iota {dimensions = array<i32: 1>} : vector<10240x64xi32>
    %iota3A_0 = tpu.iota {dimensions = array<i32: 0>} : vector<10240x64xi32>
    %get3A = arith.constant 0 : index
    %get3A_1 = arith.constant 63 : index
    %get3A_2 = vector.load %arg0[%get3A, %get3A_1] : memref<10240x64xf32, #tpu.memory_space<vmem>>, vector<10240x1xf32>
    %get3A_3 = arith.constant 0 : index
    %get3A_4 = arith.constant 0 : index
    %get3A_5 = vector.load %arg1[%get3A_3, %get3A_4] : memref<10240x1xi32, #tpu.memory_space<vmem>>, vector<10240x1xi32>
    %eq3A = vector.broadcast %get3A_5 : vector<10240x1xi32> to vector<10240x64xi32>
    %eq3A_6 = arith.cmpi eq, %eq3A, %iota3A : vector<10240x64xi32>
    %broadcast_in_dim3A = vector.shape_cast %get3A_2 : vector<10240x1xf32> to vector<10240x1xf32>
    %broadcast_in_dim3A_7 = vector.broadcast %broadcast_in_dim3A : vector<10240x1xf32> to vector<10240x64xf32>
    %jit3A = arith.constant -3.400000e+38 : f32
    %broadcast_in_dim3A_8 = vector.broadcast %jit3A : f32 to vector<10240x64xf32>
    %select_n3A = arith.select %eq3A_6, %broadcast_in_dim3A_7, %broadcast_in_dim3A_8 : vector<10240x64xi1>, vector<10240x64xf32>
    %swap3A = arith.constant 0 : index
    %swap3A_9 = arith.constant 0 : index
    %swap3A_10 = vector.load %arg3[%swap3A, %swap3A_9] : memref<10240x64xf32, #tpu.memory_space<vmem>>, vector<10240x64xf32>
    tpu.vector_store %arg3[%swap3A, %swap3A_9], %select_n3A {strides = array<i32>} : memref<10240x64xf32, #tpu.memory_space<vmem>>, vector<10240x64xf32>,
    %broadcast_in_dim3A_11 = arith.constant -1 : i32
    %broadcast_in_dim3A_12 = vector.broadcast %broadcast_in_dim3A_11 : i32 to vector<1x64xi32>
    %scan3A = arith.constant 0 : i32
    %scan3A_13 = arith.constant 32 : i32
    %scan3A_14 = arith.addi %scan3A, %scan3A_13 : i32
    %scan3A_15 = arith.constant 1 : i32
    %scan3A_16 = scf.for %scan3A_18 = %scan3A to %scan3A_14 step %scan3A_15 iter_args(%scan3A_19 = %broadcast_in_dim3A_12) -> (vector<1x64xi32>)  : i32 {
      %eq3A_20 = vector.broadcast %scan3A_19 : vector<1x64xi32> to vector<10240x64xi32>
      %eq3A_21 = arith.cmpi eq, %iota3A_0, %eq3A_20 : vector<10240x64xi32>
      %get3A_22 = arith.constant 0 : index
      %get3A_23 = arith.constant 0 : index
      %get3A_24 = vector.load %arg3[%get3A_22, %get3A_23] : memref<10240x64xf32, #tpu.memory_space<vmem>>, vector<10240x64xf32>
      %jit3A_25 = arith.constant -3.400000e+38 : f32
      %broadcast_in_dim3A_26 = vector.broadcast %jit3A_25 : f32 to vector<10240x64xf32>
      %select_n3A_27 = arith.select %eq3A_21, %broadcast_in_dim3A_26, %get3A_24 : vector<10240x64xi1>, vector<10240x64xf32>
      %swap3A_28 = arith.constant 0 : index
      %swap3A_29 = arith.constant 0 : index
      %swap3A_30 = vector.load %arg3[%swap3A_28, %swap3A_29] : memref<10240x64xf32, #tpu.memory_space<vmem>>, vector<10240x64xf32>
      tpu.vector_store %arg3[%swap3A_28, %swap3A_29], %select_n3A_27 {strides = array<i32>} : memref<10240x64xf32, #tpu.memory_space<vmem>>, vector<10240x64xf32>,
      %reduce_max3A = arith.constant dense<0xFF800000> : vector<64xf32>
      %reduce_max3A_31 = vector.multi_reduction <maximumf>, %select_n3A_27, %reduce_max3A [0] : vector<10240x64xf32> to vector<64xf32>
      %broadcast_in_dim3A_32 = vector.shape_cast %reduce_max3A_31 : vector<64xf32> to vector<1x64xf32>
      %ge3A = vector.broadcast %broadcast_in_dim3A_32 : vector<1x64xf32> to vector<10240x64xf32>
      %ge3A_33 = arith.cmpf oge, %select_n3A_27, %ge3A : vector<10240x64xf32>
      %jit3A_34 = arith.constant 1073741824 : i32
      %broadcast_in_dim3A_35 = vector.broadcast %jit3A_34 : i32 to vector<10240x64xi32>
      %select_n3A_36 = arith.select %ge3A_33, %iota3A_0, %broadcast_in_dim3A_35 : vector<10240x64xi1>, vector<10240x64xi32>
      %reduce_min3A = arith.constant dense<2147483647> : vector<64xi32>
      %reduce_min3A_37 = vector.multi_reduction <minsi>, %select_n3A_36, %reduce_min3A [0] : vector<10240x64xi32> to vector<64xi32>
      %broadcast_in_dim3A_38 = vector.shape_cast %reduce_min3A_37 : vector<64xi32> to vector<1x64xi32>
      %gt3A = arith.constant -9.99999968E+37 : f32
      %gt3A_39 = vector.broadcast %gt3A : f32 to vector<1x64xf32>
      %gt3A_40 = arith.cmpf ogt, %broadcast_in_dim3A_32, %gt3A_39 : vector<1x64xf32>
      %jit3A_41 = arith.constant 10000 : i32
      %broadcast_in_dim3A_42 = vector.broadcast %jit3A_41 : i32 to vector<1x64xi32>
      %select_n3A_43 = arith.select %gt3A_40, %broadcast_in_dim3A_38, %broadcast_in_dim3A_42 : vector<1x64xi1>, vector<1x64xi32>
      %swap3A_44 = arith.index_cast %scan3A_18 : i32 to index
      %swap3A_45 = arith.constant 0 : index
      %swap3A_46 = vector.load %arg2[%swap3A_44, %swap3A_45] : memref<32x64xi32, #tpu.memory_space<vmem>>, vector<1x64xi32>
      tpu.vector_store %arg2[%swap3A_44, %swap3A_45], %select_n3A_43 {strides = array<i32>} : memref<32x64xi32, #tpu.memory_space<vmem>>, vector<1x64xi32>,
      scf.yield %broadcast_in_dim3A_38 : vector<1x64xi32>
    }
    %scan3A_17 = arith.constant 32 : i32
    return
  }
}

</mosaic_0001>

<sc_bundles>
// kernel: kernel.12.cloned.1.call-start
scs
__scs_entry_jumppad:
0x0: {  	(pc) =	sbr.rel $0x88, $3  }
0x1: {  	(tag) =	ssettag $0x0;
	lr =	simm.s32 $0x1  }
0x2: {  	[smem:$0x3F98] =	sst lr;
	_ =	strace $0xD0000000  }
0x3: {  	_ = 	snop  }
0x4: {  	_ = 	snop  }
0x5: {  	_ = 	snop  }
0x6: {  	_ = 	snop  }
0x7: {  	_ = 	snop  }
__scs_overlays_trampoline_lowered:
0x8: {  	[smem:$0x3FA7] =	sst s0  }
0x9: {  	[smem:$0x3FA8] =	sst s1  }
0xa: {  	[smem:$0x3FA9] =	sst s2  }
0xb: {  	[smem:$0x3FAA] =	sst s3  }
0xc: {  	[smem:$0x3FAB] =	sst s4  }
0xd: {  	[smem:$0x3FAC] =	sst s5  }
0xe: {  	[smem:$0x3FAD] =	sst s6  }
0xf: {  	[smem:$0x3FAE] =	sst s7  }
0x10: {  	[smem:$0x3FAF] =	sst s8  }
0x11: {  	[smem:$0x3FB0] =	sst s9;
	s0 =	simm.s32 @!p0 $0x0  }
0x12: {  	s1 =	sld [smem:$0x3F96];
	s0 =	simm.s32 @p0 $0x1  }
0x13: {  	[smem:$0x3FB1] =	sst s0;
	s0 =	simm.s32 @!p1 $0x0  }
0x14: {  	s2 =	sld [smem:$0x3F95];
	s0 =	simm.s32 @p1 $0x1  }
0x15: {  	[smem:$0x3FB2] =	sst s0;
	s0 =	simm.s32 @!p2 $0x0  }
0x16: {  	s3 =	sld [smem:$0x3FDB];
	s0 =	simm.s32 @p2 $0x1  }
0x17: {  	s4 =	simm.s32 $0x1BF5;
	[smem:$0x3FB4] =	sst s0  }
0x18: {  	s0 =	sld [smem:$0x3F97];
	_ =	swait.ge [sflag:s4], $0x0  }
0x19: {  	s7 =	sld [smem:$0x3F98]  }
0x1a: {  	s8 =	sadd.s32 $0xFFFFE003, lr  }
0x1b: {  	s9 =	sadd.s32 $0xFFFFFEF7, lr;
	s5 =	simm.s32 $0xFFFFFFFF;
	p2 =	slt.u32 s8, $0xFFFFF086  }
0x1c: {  	p1 =	slt.u32 s9, $0xF7A;
	s5 =	simm.s32 @!p2 $0x0  }
0x1d: {  	s5 =	simm.s32 @p1 $0x1;
	p0 =	seq.s32 s7, s2  }
0x1e: {  	s7 =	smul.u32 @!p0 $0xF7A, s2;
	p2 =	seq.s32 @!p0 s5, $0x0  }
0x1f: {  	s9 =	smul.u32 $0xF7A, s1;
	s8 =	simm.s32 @!p0 $0x1BF5;
	p2 =	por !p2, p0  }
0x20: {  	[sflag:s8] =	ssyncset.s32 @!p0 $0xFFFFF086;
	s6 =	sadd.s32 @!p0 s3, s7;
	s7 =	simm.s32 @!p0 $0x108  }
0x21: {  	s3 =	sadd.s32 s3, s9;
	s6 =	sadd.s32 @!p0 $0x88, s6;
	s7 =	simm.s32 @p2 $0x1082  }
0x22: {  	[simem:s7], [sflag:s8] =	dma.local @!p0 [hbm:s6], $0xF7A  }
0x23: {  	s9 =	sor.u32 $0xD0000000, s2;
	s6 =	simm.s32 $0x108;
	_ =	swait.ge @!p0 [sflag:s8], $0x0  }
0x24: {  	s3 =	sadd.s32 $0x88, s3;
	s6 =	simm.s32 @!p1 $0x1082;
	[sflag:s4] =	ssyncset.s32 $0xFFFFF086  }
0x25: {  	[simem:s6], [sflag:s4] =	dma.local [hbm:s3], $0xF7A  }
0x26: {  	[smem:$0x3F98] =	sst s1;
	(tag) =	ssettag s2;
	_ =	strace s9  }
0x27: {  	s1 =	sld [smem:$0x3FA8]  }
0x28: {  	s2 =	sld [smem:$0x3FA9]  }
0x29: {  	s4 =	sld [smem:$0x3FAB]  }
0x2a: {  	p0 =	seq.s32 s5, $0x0;
	s5 =	sld [smem:$0x3FAC]  }
0x2b: {  	s6 =	sld [smem:$0x3FAD]  }
0x2c: {  	s7 =	sld [smem:$0x3FAE]  }
0x2d: {  	s3 =	simm.s32 $0x108;
	s8 =	sld [smem:$0x3FAF]  }
0x2e: {  	s3 =	simm.s32 @!p0 $0x1082;
	s9 =	sld [smem:$0x3FB0]  }
0x2f: {  	lr =	sadd.s32 s0, s3;
	s0 =	sld [smem:$0x3FA7]  }
0x30: {  	s3 =	sld [smem:$0x3FAA]  }
0x31: {  	[smem:$0x3FB3] =	sst s10  }
0x32: {  	s10 =	sld [smem:$0x3FB1];
	_ =	sdelay $0x3  }
0x33: {  	p0 =	seq.s32 s10, $0x1;
	s10 =	sld [smem:$0x3FB3];
	_ =	sdelay $0x3  }
0x34: {  	[smem:$0x3FB3] =	sst s10  }
0x35: {  	s10 =	sld [smem:$0x3FB2];
	_ =	sdelay $0x3  }
0x36: {  	p1 =	seq.s32 s10, $0x1;
	s10 =	sld [smem:$0x3FB3];
	_ =	sdelay $0x3  }
0x37: {  	[smem:$0x3FB3] =	sst s10  }
0x38: {  	s10 =	sld [smem:$0x3FB4]  }
0x39: {  	_ = 	snop;
	(pc) =	sbr.ind lr, $3  }
0x3a: {  	_ = 	snop  }
0x3b: {  	_ = 	snop  }
0x3c: {  	p2 =	seq.s32 s10, $0x1;
	s10 =	sld [smem:$0x3FB3]  }
0x3d: {  	_ =	shalt  }
0x3e: {  	_ =	shalt  }
0x3f: {  	_ =	shalt  }
0x40: {  	_ =	shalt  }
0x41: {  	_ =	shalt  }
0x42: {  	_ =	shalt  }
0x43: {  	_ =	shalt  }
0x44: {  	_ =	shalt  }
0x45: {  	_ =	shalt  }
0x46: {  	_ =	shalt  }
0x47: {  	_ =	shalt  }
0x48: {  	_ =	shalt  }
0x49: {  	_ =	shalt  }
0x4a: {  	_ =	shalt  }
0x4b: {  	_ =	shalt  }
0x4c: {  	_ =	shalt  }
0x4d: {  	_ =	shalt  }
0x4e: {  	_ =	shalt  }
0x4f: {  	_ =	shalt  }
0x50: {  	_ =	shalt  }
0x51: {  	_ =	shalt  }
0x52: {  	_ =	shalt  }
0x53: {  	_ =	shalt  }
0x54: {  	_ =	shalt  }
0x55: {  	_ =	shalt  }
0x56: {  	_ =	shalt  }
0x57: {  	_ =	shalt  }
0x58: {  	_ =	shalt  }
0x59: {  	_ =	shalt  }
0x5a: {  	_ =	shalt  }
0x5b: {  	_ =	shalt  }
0x5c: {  	_ =	shalt  }
0x5d: {  	_ =	shalt  }
0x5e: {  	_ =	shalt  }
0x5f: {  	_ =	shalt  }
0x60: {  	_ =	shalt  }
0x61: {  	_ =	shalt  }
0x62: {  	_ =	shalt  }
0x63: {  	_ =	shalt  }
0x64: {  	_ =	shalt  }
0x65: {  	_ =	shalt  }
0x66: {  	_ =	shalt  }
0x67: {  	_ =	shalt  }
0x68: {  	_ =	shalt  }
0x69: {  	_ =	shalt  }
0x6a: {  	_ =	shalt  }
0x6b: {  	_ =	shalt  }
0x6c: {  	_ =	shalt  }
0x6d: {  	_ =	shalt  }
0x6e: {  	_ =	shalt  }
0x6f: {  	_ =	shalt  }
0x70: {  	_ =	shalt  }
0x71: {  	_ =	shalt  }
0x72: {  	_ =	shalt  }
0x73: {  	_ =	shalt  }
0x74: {  	_ =	shalt  }
0x75: {  	_ =	shalt  }
0x76: {  	_ =	shalt  }
0x77: {  	_ =	shalt  }
0x78: {  	_ =	shalt  }
0x79: {  	_ =	shalt  }
0x7a: {  	_ =	shalt  }
0x7b: {  	_ =	shalt  }
0x7c: {  	_ =	shalt  }
0x7d: {  	_ =	shalt  }
0x7e: {  	_ =	shalt  }
0x7f: {  	_ =	shalt  }
0x80: {  	_ =	shalt  }
0x81: {  	_ =	shalt  }
0x82: {  	_ =	shalt  }
0x83: {  	_ =	shalt  }
0x84: {  	_ =	shalt  }
0x85: {  	_ =	shalt  }
0x86: {  	_ =	shalt  }
0x87: {  	_ =	shalt  }
.Lfunc_end0:
.L_simem_size_0:
called_computation_lowered:
.L_overlay_start_0:
0x88: {  	s2 =	sld [smem:$0x3FD9]  }
0x89: {  	s3 =	sld [smem:$0x3FFE];
	_ =	sdelay $0x1  }
0x8a: {  	s1 =	srdreg.scid  }
0x8b: {  	s0 =	sand.u32 $0x1, s1  }
0x8c: {  	s17 =	sshll.u32 s0, $0xA;
	s2 =	sadd.s32 s3, s2  }
0x8d: {  	s2 =	sadd.s32 s2, s17  }
0x8e: {  	[smem:$0x3FBF] =	sst s2  }
0x8f: {  	_ = 	snop  }
0x90: {  	s2 =	sld [smem:$0x3FD0];
	(tm) =	ssettm $0x1  }
0x91: {  	s18 =	sld [smem:$0x3FFB];
	_ =	sdelay $0x3  }
0x92: {  	_ =	strace s18  }
0x93: {  	s3 =	sld [smem:$0x3FFC];
	_ =	sdelay $0x3  }
0x94: {  	_ =	strace s3  }
0x95: {  	s3 =	sld [smem:$0x3FFD];
	_ =	sdelay $0x3  }
0x96: {  	_ =	strace s3  }
0x97: {  	_ =	strace $0x8FFFFFFF  }
0x98: {  	s19 =	sld [smem:$0x3FDB];
	_ =	sdelay $0x1  }
0x99: {  	s4 =	simm.s32 $_scs_section_size  }
0x9a: {  	s5 =	simm.s32 $_size__tile_overlayer_lowered;
	s6 =	simm.s32 $_tile_overlayer_lowered  }
0x9b: {  	s22 =	simm.s32 $0x1BFF;
	s21 =	sshll.u32 s6, $0x1;
	s3 =	sadd.s32 s4, s19  }
0x9c: {  	s7 =	simm.s32 $0x0;
	s20 =	sshll.u32 s5, $0x1;
	s5 =	sadd.s32 s21, s3  }
0x9d: {  	[timem:s7], [sflag:s22] =	dma.local [hbm:s5], s20  }
0x9e: {  	_ =	swait.ge [sflag:s22], s20  }
0x9f: {  	s4 =	ssub.s32 $0x0, s20;
	[sflag:s22] =	ssyncset.done $0x0  }
0xa0: {  	[sflag:s22] =	ssyncadd.s32 s4;
	_ =	sdelay $0x1  }
0xa1: {  	s23 =	simm.s32 $0x1B8B  }
0xa2: {  	_ =	swait.ge [sflag:s23], $0x1  }
0xa3: {  	[sflag:s23] =	ssyncset.done $0x0  }
0xa4: {  	s25 =	simm.s32 $0x1B8E;
	s24 =	sld [smem:$0x3FFE];
	[sflag:s23] =	ssyncadd.s32 $0xFFFFFFFF  }
0xa5: {  	s26 =	simm.s32 $execute0_lowered;
	[smem:$0x3FD2] =	sst s25  }
0xa6: {  	s5 =	sshll.u32 s26, $0x1;
	_ =	strace $0x80000046;
	[dreg:$0x1] =	wrdreg $0xFFFFFFFF  }
0xa7: {  	s28 =	simm.s32 $_size_execute0_lowered;
	s3 =	sadd.s32 s3, s5;
	[dreg:$0x0] =	wrdreg $0x0  }
0xa8: {  	s5 =	sshll.u32 s28, $0x1;
	[dreg:$0x2] =	wrdreg s3  }
0xa9: {  	[dreg:$0x3] =	wrdreg s5  }
0xaa: {  	[dreg:$0x4] =	wrdreg $0xC0  }
0xab: {  	_ =	task [dreg:s7], $0x5FFFF  }
0xac: {  	[dreg:$0x1] =	wrdreg $0xFFFFFFFF  }
0xad: {  	[dreg:$0x0] =	wrdreg $0x60  }
0xae: {  	[dreg:$0x2] =	wrdreg s24  }
0xaf: {  	[dreg:$0x3] =	wrdreg s2  }
0xb0: {  	[dreg:$0x4] =	wrdreg $0x30200  }
0xb1: {  	[dreg:$0x5] =	wrdreg $0x58200  }
0xb2: {  	[dreg:$0x6] =	wrdreg $0x9  }
0xb3: {  	_ =	task.clear_ibuf [dreg:s7], $0x7FFFF;
	_ =	strace $0x90000046  }
0xb4: {  	s29 =	simm.s32 $0x9;
	_ =	strace $0x80000048  }
0xb5: {  	_ =	swait.ge [sflag:s29], $0x1  }
0xb6: {  	[sflag:s29] =	ssyncadd.s32 $0xFFFFFFFF  }
0xb7: {  	_ =	strace $0x90000048  }
0xb8: {  	_ =	sfence  }
0xb9: {  	s30 =	sld [smem:$0x0];
	_ =	sdelay $0x2  }
0xba: {  	s31 =	sshll.u32 s1, $0xD;
	s1 =	sshrl.u32 s1, $0x2  }
0xbb: {  	s3 =	sand.u32 $0x4000, s31;
	s1 =	sadd.s32 s1, s30  }
0xbc: {  	s0 =	sor.u32 s3, s0;
	s1 =	sshll.u32 s1, $0x11  }
0xbd: {  	s0 =	sor.u32 s1, s0  }
0xbe: {  	s0 =	sadd.s32 $0x8F2B, s0  }
0xbf: {  	[sflag:s0] =	ssyncadd.remote.s32 $0x1  }
0xc0: {  	_ =	sfence.sel $0xFFFF  }
0xc1: {  	[dreg:$0x0] =	wrdreg $0xFFFFFFFF;
	(pc) =	sbr.abs _section_cstart, $3  }
0xc2: {  	[dreg:$0x1] =	wrdreg $0xFFFFFFFF  }
0xc3: {  	_ =	task.clear_ibuf [dreg:s7], $0x2FFFF;
	_ =	strace $0x9FFFFFFF  }
0xc4: {  	(tm) =	ssettm $0x7FFFFFFF  }
0xc5: {  	_ =	shalt  }
tec
execute0_lowered:
.L_overlay_start_1:
0x0: {  	(tag) =	ssettag $0x1  }
0x1: {  	s7 =	rddreg [dreg:$0x0]  }
0x2: {  	s8 =	rddreg [dreg:$0x1]  }
0x3: {  	s0 =	srdreg.scid;
	s1 =	rddreg [dreg:$0x2]  }
0x4: {  	s12 =	stileid.u32;
	s2 =	rddreg [dreg:$0x3]  }
0x5: {  	s3 =	simm.s32 $0x0;
	s17 =	simm.s32 $0x64;
	s18 =	simm.s32 $0x50  }
0x6: {  	s19 =	simm.s32 $0x28F0;
	s20 =	simm.s32 $0x2940;
	s21 =	simm.s32 $0x2990  }
0x7: {  	s22 =	simm.s32 $0x0;
	s6 =	sand.u32 $0x1, s0;
	s10 =	smul.u32 $0x2800, s12  }
0x8: {  	[smem:$0x7FF] =	sst s3;
	s31 =	sshll.u32 s12, $0x6;
	p0 =	sne.s32 s12, $0x0  }
0x9: {  	s0 =	sshll.u32 s6, $0x4;
	s5 =	smul.u32 $0x28000, s6;
	s14 =	sshll.u32 s6, $0x8  }
0xa: {  	s6 =	ssub.s32 $0x2, s6;
	s9 =	sor.u32 s12, s0;
	s0 =	rddreg [dreg:$0x4]  }
0xb: {  	_ =	strace $0x80000047;
	s14 =	sadd.s32 s14, s7;
	s30 =	sshrl.u32 s6, $0x1  }
0xc: {  	s16 =	sadd.s32 s10, s1;
	s4 =	smul.u32 $0x514, s9;
	s13 =	sadd.s32 s10, s5  }
0xd: {  	s5 =	sadd.s32 $0xF000, s7;
	s9 =	smul.u32 $0x28, s9;
	s15 =	ssub.s32 s6, s30  }
0xe: {  	s6 =	sor.u32 $0x1C01, s31;
	s10 =	sadd.s32 $0x19200, s14;
	s12 =	sshrl.u32 s16, $0x3  }
0xf: {  	s14 =	sshrl.u32 @!p0 s2, $0x3;
	s16 =	simm.s32 $0x28A0;
	s13 =	sshrl.u32 s13, $0x3  }
0x10: {  	s11 =	sadd.s32 s4, s7;
	s4 =	sadd.s32 $0xEA00, s7;
	s13 =	sadd.s32 s13, s7  }
0x11: {  	s8 =	sadd.s32 s8, s9;
	s7 =	sadd.s32 $0x4600, s11;
	s9 =	sadd.s32 $0xF200, s13  }
0x12: {  	s11 =	smax.u32 s15, $0x1;
	s13 =	simm.s32 $0x1;
	s15 =	simm.s32 $0x29E0  }
.LBB2_1:
0x13: {  	[spmem:s12], [sflag:s6] =	dma.local [hbm:s4], $0x500  }
0x14: {  	_ =	swait.ge [sflag:s13], $0x500  }
0x15: {  	[sflag:s13] =	ssyncset.done $0x0  }
0x16: {  	s23 =	simm.s32 @!p0 $0x1;
	[sflag:s13] =	ssyncadd.s32 $0xFFFFFB00  }
0x17: {  	[spmem:s14], [sflag:s6] =	dma.local @!p0 [hbm:s4], $0x100  }
0x18: {  	_ =	swait.ge @!p0 [sflag:s23], $0x100  }
0x19: {  	[sflag:s23] =	ssyncset.done @!p0 $0x0  }
0x1a: {  	[sflag:s23] =	ssyncadd.s32 @!p0 $0xFFFFFF00  }
0x1b: {  	[tilespmem:s15], [sflag:$0x1] =	stream.linear.gather [hbm4b:s5+s3], $0x640, $0x38;
	[tilespmem:$0x58A0] =	vst v63  }
0x1c: {  	_ =	swait.ge [sflag:s13], $0x640  }
0x1d: {  	[sflag:s13] =	ssyncset.done $0x0  }
0x1e: {  	[sflag:s13] =	ssyncadd.s32 $0xFFFFF9C0  }
0x1f: {  	[tilespmem:s3], [sflag:$0x1] =	stream.linear.gather [hbm4b:s7+s3], $0x28A0, $0x38;
	[tilespmem:$0x58A0] =	vst v63  }
0x20: {  	_ =	swait.ge [sflag:s13], $0x28A0  }
0x21: {  	[sflag:s13] =	ssyncset.done $0x0  }
0x22: {  	[sflag:s13] =	ssyncadd.s32 $0xFFFFD760  }
0x23: {  	[tilespmem:s16], [sflag:$0x1] =	stream.linear.gather [hbm4b:s8+s3], $0x140, $0x38;
	[tilespmem:$0x58A0] =	vst v63  }
0x24: {  	_ =	swait.ge [sflag:s13], $0x140  }
0x25: {  	[sflag:s13] =	ssyncset.done $0x0  }
0x26: {  	[sflag:s13] =	ssyncadd.s32 $0xFFFFFEC0  }
0x27: {  	s31 =	simm.s32 $0x0;
	[bflag:$0x0] =	sbarrier.arrive $0xFFFF  }
0x28: {  	[spmem:s1] =	stream.indirect.scatter.add.f32 [tilespmem:s15], [sflag:$0x1], $0x10, s31, s17, $0xb8;
	[tilespmem:$0x58A0] =	vst v63  }
0x29: {  	_ =	swait.ge [sflag:s13], $0x640  }
0x2a: {  	s23 =	simm.s32 $0x1A0;
	[sflag:s13] =	ssyncset.done $0x0  }
.LBB2_2:
0x2b: {  	s24 =	sshra.s32 s23, $0x2;
	[sflag:s13] =	ssyncadd.s32 $0xFFFFF9C0;
	p1 =	sne.s32 s23, $0xA0E0  }
0x2c: {  	[spmem:s1] =	stream.indirect.scatter.add.f32 [tilespmem:s15], [sflag:$0x1], $0x10, s24, s17, $0xb8;
	[tilespmem:$0x58A0] =	vst v63  }
.Ltmp0:
0x2d: {  	_ = 	snop;
	(pc) =	sbr.rel @p1 .LBB2_2-.Ltmp0, $4  }
0x2e: {  	_ = 	snop  }
0x2f: {  	s23 =	sadd.s32 $0x1A0, s23  }
0x30: {  	_ =	swait.ge [sflag:s13], $0x640  }
0x31: {  	[sflag:s13] =	ssyncset.done $0x0  }
0x32: {  	[sflag:s13] =	ssyncadd.s32 $0xFFFFF9C0  }
0x33: {  	[spmem:s2] =	stream.indirect.scatter.add.f32 [tilespmem:s15], [sflag:$0x1], $0x10, s16, s18, $0xb8;
	[tilespmem:$0x58A0] =	vst v63  }
0x34: {  	_ =	swait.ge [sflag:s13], $0x500  }
0x35: {  	[sflag:s13] =	ssyncset.done $0x0  }
0x36: {  	[sflag:s13] =	ssyncadd.s32 $0xFFFFFB00  }
0x37: {  	[spmem:s2] =	stream.indirect.scatter.add.f32 [tilespmem:s15], [sflag:$0x1], $0x10, s19, s18, $0xb8;
	[tilespmem:$0x58A0] =	vst v63  }
0x38: {  	_ =	swait.ge [sflag:s13], $0x500  }
0x39: {  	[sflag:s13] =	ssyncset.done $0x0  }
0x3a: {  	[sflag:s13] =	ssyncadd.s32 $0xFFFFFB00  }
0x3b: {  	[spmem:s2] =	stream.indirect.scatter.add.f32 [tilespmem:s15], [sflag:$0x1], $0x10, s20, s18, $0xb8;
	[tilespmem:$0x58A0] =	vst v63  }
0x3c: {  	_ =	swait.ge [sflag:s13], $0x500  }
0x3d: {  	[sflag:s13] =	ssyncset.done $0x0  }
0x3e: {  	[sflag:s13] =	ssyncadd.s32 $0xFFFFFB00  }
0x3f: {  	[spmem:s2] =	stream.indirect.scatter.add.f32 [tilespmem:s15], [sflag:$0x1], $0x10, s21, s18, $0xb8;
	[tilespmem:$0x58A0] =	vst v63  }
0x40: {  	_ =	swait.ge [sflag:s13], $0x500  }
0x41: {  	[sflag:s13] =	ssyncset.done $0x0  }
0x42: {  	[sflag:s13] =	ssyncadd.s32 $0xFFFFFB00  }
0x43: {  	[bflag:$0x0] =	sbarrier.arrive $0xFFFF  }
0x44: {  	[hbm:s9], [sflag:s6] =	dma.local [spmem:s12], $0x500  }
0x45: {  	s22 =	sadd.s32 $0x1, s22;
	_ =	swait.ge [sflag:s13], $0x500  }
0x46: {  	p1 =	sne.s32 s22, s11;
	[sflag:s13] =	ssyncset.done $0x0  }
.Ltmp1:
0x47: {  	s23 =	simm.s32 @!p0 $0x1;
	[sflag:s13] =	ssyncadd.s32 $0xFFFFFB00;
	(pc) =	sbr.rel @p1 .LBB2_1-.Ltmp1, $4  }
0x48: {  	[hbm:s10], [sflag:s6] =	dma.local @!p0 [spmem:s14], $0x100  }
0x49: {  	_ =	swait.ge @!p0 [sflag:s23], $0x100  }
0x4a: {  	[sflag:s23] =	ssyncset.done @!p0 $0x0  }
0x4b: {  	[sflag:s23] =	ssyncadd.s32 @!p0 $0xFFFFFF00  }
0x4c: {  	_ =	sfence.sel $0x180000  }
0x4d: {  	[bflag:$0x0] =	sbarrier.arrive $0xFFFF  }
0x4e: {  	_ =	strace $0x90000047  }
0x4f: {  	s0 =	sadd.s32 @!p0 $0x100000, s0;
	[bflag:$0x2] =	sbarrier.arrive $0xFFFF  }
0x50: {  	[sflag:s0] =	ssyncadd.tile.s32 @!p0 $0x1;
	_ =	shalt  }
.Lfunc_end2:
_tile_overlayer_lowered:
.L_overlay_start_2:
0x51: {  	(tag) =	ssettag $0x2  }
0x52: {  	s0 =	rddreg [dreg:$0x0];
	s2 =	stileid.u32  }
0x53: {  	s1 =	rddreg [dreg:$0x1];
	p0 =	sne.s32 s2, $0x0  }
0x54: {  	s3 =	rddreg [dreg:$0x2];
	[bflag:$0x3] =	sbarrier.arrive $0xFFFF;
	s2 =	simm.s32 @!p0 $0x1C01  }
0x55: {  	[timem:s3], [sflag:s2] =	dma.local @!p0 [hbm:s0], s1  }
0x56: {  	s0 =	simm.s32 @!p0 $0x1  }
0x57: {  	_ =	swait.ge @!p0 [sflag:s0], s1  }
0x58: {  	s1 =	ssub.s32 @!p0 $0x0, s1;
	[sflag:s0] =	ssyncset.done @!p0 $0x0  }
0x59: {  	[sflag:s0] =	ssyncadd.s32 @!p0 s1  }
0x5a: {  	[bflag:$0x3] =	sbarrier.arrive $0xFFFF  }
0x5b: {  	_ =	shalt  }

// kernel: kernel.15.cloned.1.call-start
scs
__scs_entry_jumppad:
0x0: {  	(pc) =	sbr.rel $0x88, $3  }
0x1: {  	(tag) =	ssettag $0x0;
	lr =	simm.s32 $0x1  }
0x2: {  	[smem:$0x3F98] =	sst lr;
	_ =	strace $0xD0000000  }
0x3: {  	_ = 	snop  }
0x4: {  	_ = 	snop  }
0x5: {  	_ = 	snop  }
0x6: {  	_ = 	snop  }
0x7: {  	_ = 	snop  }
__scs_overlays_trampoline_lowered:
0x8: {  	[smem:$0x3FA7] =	sst s0  }
0x9: {  	[smem:$0x3FA8] =	sst s1  }
0xa: {  	[smem:$0x3FA9] =	sst s2  }
0xb: {  	[smem:$0x3FAA] =	sst s3  }
0xc: {  	[smem:$0x3FAB] =	sst s4  }
0xd: {  	[smem:$0x3FAC] =	sst s5  }
0xe: {  	[smem:$0x3FAD] =	sst s6  }
0xf: {  	[smem:$0x3FAE] =	sst s7  }
0x10: {  	[smem:$0x3FAF] =	sst s8  }
0x11: {  	[smem:$0x3FB0] =	sst s9;
	s0 =	simm.s32 @!p0 $0x0  }
0x12: {  	s1 =	sld [smem:$0x3F96];
	s0 =	simm.s32 @p0 $0x1  }
0x13: {  	[smem:$0x3FB1] =	sst s0;
	s0 =	simm.s32 @!p1 $0x0  }
0x14: {  	s2 =	sld [smem:$0x3F95];
	s0 =	simm.s32 @p1 $0x1  }
0x15: {  	[smem:$0x3FB2] =	sst s0;
	s0 =	simm.s32 @!p2 $0x0  }
0x16: {  	s3 =	sld [smem:$0x3FDB];
	s0 =	simm.s32 @p2 $0x1  }
0x17: {  	s4 =	simm.s32 $0x1BF5;
	[smem:$0x3FB4] =	sst s0  }
0x18: {  	s0 =	sld [smem:$0x3F97];
	_ =	swait.ge [sflag:s4], $0x0  }
0x19: {  	s7 =	sld [smem:$0x3F98]  }
0x1a: {  	s8 =	sadd.s32 $0xFFFFE003, lr  }
0x1b: {  	s9 =	sadd.s32 $0xFFFFFEF7, lr;
	s5 =	simm.s32 $0xFFFFFFFF;
	p2 =	slt.u32 s8, $0xFFFFF086  }
0x1c: {  	p1 =	slt.u32 s9, $0xF7A;
	s5 =	simm.s32 @!p2 $0x0  }
0x1d: {  	s5 =	simm.s32 @p1 $0x1;
	p0 =	seq.s32 s7, s2  }
0x1e: {  	s7 =	smul.u32 @!p0 $0xF7A, s2;
	p2 =	seq.s32 @!p0 s5, $0x0  }
0x1f: {  	s9 =	smul.u32 $0xF7A, s1;
	s8 =	simm.s32 @!p0 $0x1BF5;
	p2 =	por !p2, p0  }
0x20: {  	[sflag:s8] =	ssyncset.s32 @!p0 $0xFFFFF086;
	s6 =	sadd.s32 @!p0 s3, s7;
	s7 =	simm.s32 @!p0 $0x108  }
0x21: {  	s3 =	sadd.s32 s3, s9;
	s6 =	sadd.s32 @!p0 $0x88, s6;
	s7 =	simm.s32 @p2 $0x1082  }
0x22: {  	[simem:s7], [sflag:s8] =	dma.local @!p0 [hbm:s6], $0xF7A  }
0x23: {  	s9 =	sor.u32 $0xD0000000, s2;
	s6 =	simm.s32 $0x108;
	_ =	swait.ge @!p0 [sflag:s8], $0x0  }
0x24: {  	s3 =	sadd.s32 $0x88, s3;
	s6 =	simm.s32 @!p1 $0x1082;
	[sflag:s4] =	ssyncset.s32 $0xFFFFF086  }
0x25: {  	[simem:s6], [sflag:s4] =	dma.local [hbm:s3], $0xF7A  }
0x26: {  	[smem:$0x3F98] =	sst s1;
	(tag) =	ssettag s2;
	_ =	strace s9  }
0x27: {  	s1 =	sld [smem:$0x3FA8]  }
0x28: {  	s2 =	sld [smem:$0x3FA9]  }
0x29: {  	s4 =	sld [smem:$0x3FAB]  }
0x2a: {  	p0 =	seq.s32 s5, $0x0;
	s5 =	sld [smem:$0x3FAC]  }
0x2b: {  	s6 =	sld [smem:$0x3FAD]  }
0x2c: {  	s7 =	sld [smem:$0x3FAE]  }
0x2d: {  	s3 =	simm.s32 $0x108;
	s8 =	sld [smem:$0x3FAF]  }
0x2e: {  	s3 =	simm.s32 @!p0 $0x1082;
	s9 =	sld [smem:$0x3FB0]  }
0x2f: {  	lr =	sadd.s32 s0, s3;
	s0 =	sld [smem:$0x3FA7]  }
0x30: {  	s3 =	sld [smem:$0x3FAA]  }
0x31: {  	[smem:$0x3FB3] =	sst s10  }
0x32: {  	s10 =	sld [smem:$0x3FB1];
	_ =	sdelay $0x3  }
0x33: {  	p0 =	seq.s32 s10, $0x1;
	s10 =	sld [smem:$0x3FB3];
	_ =	sdelay $0x3  }
0x34: {  	[smem:$0x3FB3] =	sst s10  }
0x35: {  	s10 =	sld [smem:$0x3FB2];
	_ =	sdelay $0x3  }
0x36: {  	p1 =	seq.s32 s10, $0x1;
	s10 =	sld [smem:$0x3FB3];
	_ =	sdelay $0x3  }
0x37: {  	[smem:$0x3FB3] =	sst s10  }
0x38: {  	s10 =	sld [smem:$0x3FB4]  }
0x39: {  	_ = 	snop;
	(pc) =	sbr.ind lr, $3  }
0x3a: {  	_ = 	snop  }
0x3b: {  	_ = 	snop  }
0x3c: {  	p2 =	seq.s32 s10, $0x1;
	s10 =	sld [smem:$0x3FB3]  }
0x3d: {  	_ =	shalt  }
0x3e: {  	_ =	shalt  }
0x3f: {  	_ =	shalt  }
0x40: {  	_ =	shalt  }
0x41: {  	_ =	shalt  }
0x42: {  	_ =	shalt  }
0x43: {  	_ =	shalt  }
0x44: {  	_ =	shalt  }
0x45: {  	_ =	shalt  }
0x46: {  	_ =	shalt  }
0x47: {  	_ =	shalt  }
0x48: {  	_ =	shalt  }
0x49: {  	_ =	shalt  }
0x4a: {  	_ =	shalt  }
0x4b: {  	_ =	shalt  }
0x4c: {  	_ =	shalt  }
0x4d: {  	_ =	shalt  }
0x4e: {  	_ =	shalt  }
0x4f: {  	_ =	shalt  }
0x50: {  	_ =	shalt  }
0x51: {  	_ =	shalt  }
0x52: {  	_ =	shalt  }
0x53: {  	_ =	shalt  }
0x54: {  	_ =	shalt  }
0x55: {  	_ =	shalt  }
0x56: {  	_ =	shalt  }
0x57: {  	_ =	shalt  }
0x58: {  	_ =	shalt  }
0x59: {  	_ =	shalt  }
0x5a: {  	_ =	shalt  }
0x5b: {  	_ =	shalt  }
0x5c: {  	_ =	shalt  }
0x5d: {  	_ =	shalt  }
0x5e: {  	_ =	shalt  }
0x5f: {  	_ =	shalt  }
0x60: {  	_ =	shalt  }
0x61: {  	_ =	shalt  }
0x62: {  	_ =	shalt  }
0x63: {  	_ =	shalt  }
0x64: {  	_ =	shalt  }
0x65: {  	_ =	shalt  }
0x66: {  	_ =	shalt  }
0x67: {  	_ =	shalt  }
0x68: {  	_ =	shalt  }
0x69: {  	_ =	shalt  }
0x6a: {  	_ =	shalt  }
0x6b: {  	_ =	shalt  }
0x6c: {  	_ =	shalt  }
0x6d: {  	_ =	shalt  }
0x6e: {  	_ =	shalt  }
0x6f: {  	_ =	shalt  }
0x70: {  	_ =	shalt  }
0x71: {  	_ =	shalt  }
0x72: {  	_ =	shalt  }
0x73: {  	_ =	shalt  }
0x74: {  	_ =	shalt  }
0x75: {  	_ =	shalt  }
0x76: {  	_ =	shalt  }
0x77: {  	_ =	shalt  }
0x78: {  	_ =	shalt  }
0x79: {  	_ =	shalt  }
0x7a: {  	_ =	shalt  }
0x7b: {  	_ =	shalt  }
0x7c: {  	_ =	shalt  }
0x7d: {  	_ =	shalt  }
0x7e: {  	_ =	shalt  }
0x7f: {  	_ =	shalt  }
0x80: {  	_ =	shalt  }
0x81: {  	_ =	shalt  }
0x82: {  	_ =	shalt  }
0x83: {  	_ =	shalt  }
0x84: {  	_ =	shalt  }
0x85: {  	_ =	shalt  }
0x86: {  	_ =	shalt  }
0x87: {  	_ =	shalt  }
.Lfunc_end0:
.L_simem_size_0:
called_computation.1_lowered:
.L_overlay_start_0:
0x88: {  	s2 =	sld [smem:$0x3FD9]  }
0x89: {  	s3 =	sld [smem:$0x3FFE];
	_ =	sdelay $0x1  }
0x8a: {  	s1 =	srdreg.scid  }
0x8b: {  	s0 =	sand.u32 $0x1, s1  }
0x8c: {  	s17 =	sshll.u32 s0, $0xA;
	s2 =	sadd.s32 s3, s2  }
0x8d: {  	s2 =	sadd.s32 s2, s17  }
0x8e: {  	[smem:$0x3FBF] =	sst s2  }
0x8f: {  	_ = 	snop  }
0x90: {  	s2 =	sld [smem:$0x3FD0];
	(tm) =	ssettm $0x1  }
0x91: {  	s18 =	sld [smem:$0x3FFB];
	_ =	sdelay $0x3  }
0x92: {  	_ =	strace s18  }
0x93: {  	s3 =	sld [smem:$0x3FFC];
	_ =	sdelay $0x3  }
0x94: {  	_ =	strace s3  }
0x95: {  	s3 =	sld [smem:$0x3FFD];
	_ =	sdelay $0x3  }
0x96: {  	_ =	strace s3  }
0x97: {  	_ =	strace $0x8FFFFFFF  }
0x98: {  	s19 =	sld [smem:$0x3FDB];
	_ =	sdelay $0x1  }
0x99: {  	s4 =	simm.s32 $_scs_section_size  }
0x9a: {  	s5 =	simm.s32 $_size__tile_overlayer_lowered;
	s6 =	simm.s32 $_tile_overlayer_lowered  }
0x9b: {  	s22 =	simm.s32 $0x1BFF;
	s21 =	sshll.u32 s6, $0x1;
	s3 =	sadd.s32 s4, s19  }
0x9c: {  	s7 =	simm.s32 $0x0;
	s20 =	sshll.u32 s5, $0x1;
	s5 =	sadd.s32 s21, s3  }
0x9d: {  	[timem:s7], [sflag:s22] =	dma.local [hbm:s5], s20  }
0x9e: {  	_ =	swait.ge [sflag:s22], s20  }
0x9f: {  	s4 =	ssub.s32 $0x0, s20;
	[sflag:s22] =	ssyncset.done $0x0  }
0xa0: {  	[sflag:s22] =	ssyncadd.s32 s4;
	_ =	sdelay $0x1  }
0xa1: {  	s23 =	simm.s32 $0x1B8B  }
0xa2: {  	_ =	swait.ge [sflag:s23], $0x1  }
0xa3: {  	[sflag:s23] =	ssyncset.done $0x0  }
0xa4: {  	s25 =	simm.s32 $0x1B8E;
	s24 =	sld [smem:$0x3FFE];
	[sflag:s23] =	ssyncadd.s32 $0xFFFFFFFF  }
0xa5: {  	s26 =	simm.s32 $execute0_lowered;
	[smem:$0x3FD2] =	sst s25  }
0xa6: {  	s5 =	sshll.u32 s26, $0x1;
	_ =	strace $0x80000049;
	[dreg:$0x1] =	wrdreg $0xFFFFFFFF  }
0xa7: {  	s28 =	simm.s32 $_size_execute0_lowered;
	s3 =	sadd.s32 s3, s5;
	[dreg:$0x0] =	wrdreg $0x0  }
0xa8: {  	s5 =	sshll.u32 s28, $0x1;
	[dreg:$0x2] =	wrdreg s3  }
0xa9: {  	[dreg:$0x3] =	wrdreg s5  }
0xaa: {  	[dreg:$0x4] =	wrdreg $0xC0  }
0xab: {  	_ =	task [dreg:s7], $0x5FFFF  }
0xac: {  	[dreg:$0x1] =	wrdreg $0xFFFFFFFF  }
0xad: {  	[dreg:$0x0] =	wrdreg $0x60  }
0xae: {  	[dreg:$0x2] =	wrdreg s24  }
0xaf: {  	[dreg:$0x3] =	wrdreg s2  }
0xb0: {  	[dreg:$0x4] =	wrdreg $0xB5400  }
0xb1: {  	[dreg:$0x5] =	wrdreg $0x9  }
0xb2: {  	_ =	task.clear_ibuf [dreg:s7], $0x6FFFF;
	_ =	strace $0x90000049  }
0xb3: {  	s29 =	simm.s32 $0x9;
	_ =	strace $0x8000004B  }
0xb4: {  	_ =	swait.ge [sflag:s29], $0x1  }
0xb5: {  	[sflag:s29] =	ssyncadd.s32 $0xFFFFFFFF  }
0xb6: {  	_ =	strace $0x9000004B  }
0xb7: {  	_ =	sfence  }
0xb8: {  	s30 =	sld [smem:$0x0];
	_ =	sdelay $0x2  }
0xb9: {  	s31 =	sshll.u32 s1, $0xD;
	s1 =	sshrl.u32 s1, $0x2  }
0xba: {  	s3 =	sand.u32 $0x4000, s31;
	s1 =	sadd.s32 s1, s30  }
0xbb: {  	s0 =	sor.u32 s3, s0;
	s1 =	sshll.u32 s1, $0x11  }
0xbc: {  	s0 =	sor.u32 s1, s0  }
0xbd: {  	s0 =	sadd.s32 $0x8F2B, s0  }
0xbe: {  	[sflag:s0] =	ssyncadd.remote.s32 $0x1  }
0xbf: {  	_ =	sfence.sel $0xFFFF  }
0xc0: {  	[dreg:$0x0] =	wrdreg $0xFFFFFFFF;
	(pc) =	sbr.abs _section_cstart, $3  }
0xc1: {  	[dreg:$0x1] =	wrdreg $0xFFFFFFFF  }
0xc2: {  	_ =	task.clear_ibuf [dreg:s7], $0x2FFFF;
	_ =	strace $0x9FFFFFFF  }
0xc3: {  	(tm) =	ssettm $0x7FFFFFFF  }
tec
execute0_lowered:
.L_overlay_start_1:
0x0: {  	(tag) =	ssettag $0x1  }
0x1: {  	s6 =	rddreg [dreg:$0x0]  }
0x2: {  	s2 =	rddreg [dreg:$0x1]  }
0x3: {  	s3 =	rddreg [dreg:$0x2];
	s4 =	srdreg.scid  }
0x4: {  	s0 =	rddreg [dreg:$0x3];
	s1 =	stileid.u32  }
0x5: {  	s13 =	simm.s32 $0x28A0;
	s14 =	simm.s32 $0x64;
	s15 =	simm.s32 $0x5140  }
0x6: {  	s16 =	simm.s32 $0x8340;
	s17 =	simm.s32 $0x1;
	s18 =	simm.s32 $0x2  }
0x7: {  	s19 =	simm.s32 $0x2838;
	s20 =	simm.s32 $0x5070;
	s21 =	simm.s32 $0x50D8  }
0x8: {  	s22 =	simm.s32 $0x0;
	s7 =	sand.u32 $0x1, s4;
	s4 =	simm.s32 $0x0  }
0x9: {  	s8 =	smul.u32 $0x14000, s1;
	s31 =	sshll.u32 s1, $0x6;
	s5 =	sshll.u32 s7, $0x4  }
0xa: {  	[smem:$0x7FF] =	sst s4;
	s9 =	smul.u32 $0x140000, s7;
	s7 =	ssub.s32 $0x2, s7  }
0xb: {  	s5 =	sor.u32 s1, s5;
	_ =	strace $0x8000004A;
	s11 =	sshrl.u32 s7, $0x1  }
0xc: {  	s12 =	sadd.s32 s8, s3;
	s10 =	smul.u32 $0x514, s5;
	s9 =	sadd.s32 s8, s9  }
0xd: {  	s5 =	sadd.s32 $0x23800, s6;
	s11 =	ssub.s32 s7, s11;
	s9 =	sshrl.u32 s9, $0x3  }
0xe: {  	s10 =	sadd.s32 s10, s6;
	s9 =	sadd.s32 s9, s6;
	s6 =	sor.u32 $0x1C03, s31  }
0xf: {  	s7 =	sadd.s32 $0x19400, s10;
	s8 =	sadd.s32 $0x4600, s10;
	s9 =	sadd.s32 $0x4B800, s9  }
0x10: {  	s10 =	smax.u32 s11, $0x1;
	s11 =	sshrl.u32 s12, $0x3;
	s12 =	simm.s32 $0x3  }
.LBB2_1:
0x11: {  	[spmem:s11], [sflag:s6] =	dma.local [hbm:s2], $0x2800  }
0x12: {  	_ =	swait.ge [sflag:s12], $0x2800  }
0x13: {  	[sflag:s12] =	ssyncset.done $0x0  }
0x14: {  	[sflag:s12] =	ssyncadd.s32 $0xFFFFD800  }
0x15: {  	[tilespmem:s4], [sflag:$0x3] =	stream.linear.gather [hbm4b:s7+s4], $0x28A0, $0x38;
	[tilespmem:$0x1F540] =	vst v63  }
0x16: {  	_ =	swait.ge [sflag:s12], $0x28A0  }
0x17: {  	[sflag:s12] =	ssyncset.done $0x0  }
0x18: {  	[sflag:s12] =	ssyncadd.s32 $0xFFFFD760  }
0x19: {  	[tilespmem:s13], [sflag:$0x3] =	stream.linear.gather [hbm4b:s8+s4], $0x28A0, $0x38;
	[tilespmem:$0x1F540] =	vst v63  }
0x1a: {  	_ =	swait.ge [sflag:s12], $0x28A0  }
0x1b: {  	[sflag:s12] =	ssyncset.done $0x0  }
0x1c: {  	[sflag:s12] =	ssyncadd.s32 $0xFFFFD760  }
0x1d: {  	[bflag:$0x0] =	sbarrier.arrive $0xFFFF  }
0x1e: {  	[tilespmem:s15], [sflag:$0x1] =	stream.indirect.gather [hbm4b:s5+s14], $0x80, s4, s14, $0xb8;
	[tilespmem:$0x1F540] =	vst v63  }
0x1f: {  	s23 =	simm.s32 $0x68  }
0x20: {  	[tilespmem:s16], [sflag:$0x2] =	stream.indirect.gather [hbm4b:s5+s14], $0x80, s23, s14, $0xb8;
	[tilespmem:$0x1F540] =	vst v63  }
0x21: {  	_ =	swait.ge [sflag:s17], $0x3200  }
0x22: {  	[sflag:s17] =	ssyncset.done $0x0  }
0x23: {  	s29 =	simm.s32 $0x28A0;
	[sflag:s17] =	ssyncadd.s32 $0xFFFFCE00  }
0x24: {  	[spmem:s3] =	stream.indirect.scatter.add.f32 [tilespmem:s15], [sflag:$0x3], $0x80, s29, s14, $0xb8;
	[tilespmem:$0x1F540] =	vst v63  }
0x25: {  	_ =	swait.ge [sflag:s12], $0x3200  }
0x26: {  	[sflag:s12] =	ssyncset.done $0x0  }
0x27: {  	s30 =	simm.s32 $0xD0;
	[sflag:s12] =	ssyncadd.s32 $0xFFFFCE00  }
0x28: {  	[tilespmem:s15], [sflag:$0x1] =	stream.indirect.gather [hbm4b:s5+s14], $0x80, s30, s14, $0xb8;
	[tilespmem:$0x1F540] =	vst v63  }
0x29: {  	_ =	swait.ge [sflag:s18], $0x3200  }
0x2a: {  	[sflag:s18] =	ssyncset.done $0x0  }
0x2b: {  	s31 =	simm.s32 $0x2908;
	[sflag:s18] =	ssyncadd.s32 $0xFFFFCE00  }
0x2c: {  	[spmem:s3] =	stream.indirect.scatter.add.f32 [tilespmem:s16], [sflag:$0x3], $0x80, s31, s14, $0xb8;
	[tilespmem:$0x1F540] =	vst v63  }
0x2d: {  	_ =	swait.ge [sflag:s12], $0x3200  }
0x2e: {  	s24 =	simm.s32 $0x680;
	s23 =	simm.s32 $0xD0;
	[sflag:s12] =	ssyncset.done $0x0  }
.LBB2_2:
0x2f: {  	s25 =	sadd.s32 $0x68, s23  }
0x30: {  	[sflag:s12] =	ssyncadd.s32 $0xFFFFCE00;
	s26 =	smov.u32 s24;
	s28 =	sadd.s32 $0x340, s24  }
0x31: {  	[tilespmem:s16], [sflag:$0x2] =	stream.indirect.gather [hbm4b:s5+s14], $0x80, s25, s14, $0xb8;
	[tilespmem:$0x1F540] =	vst v63  }
0x32: {  	p0 =	sne.s32 s24, $0x9C00;
	_ =	swait.ge [sflag:s17], $0x3200  }
0x33: {  	[sflag:s17] =	ssyncset.done $0x0  }
0x34: {  	s24 =	sadd.s32 $0x28A0, s23;
	[sflag:s17] =	ssyncadd.s32 $0xFFFFCE00  }
0x35: {  	[spmem:s3] =	stream.indirect.scatter.add.f32 [tilespmem:s15], [sflag:$0x3], $0x80, s24, s14, $0xb8;
	[tilespmem:$0x1F540] =	vst v63  }
0x36: {  	_ =	swait.ge [sflag:s12], $0x3200  }
0x37: {  	[sflag:s12] =	ssyncset.done $0x0  }
0x38: {  	s24 =	sadd.s32 $0xD0, s23;
	[sflag:s12] =	ssyncadd.s32 $0xFFFFCE00  }
0x39: {  	[tilespmem:s15], [sflag:$0x1] =	stream.indirect.gather [hbm4b:s5+s14], $0x80, s24, s14, $0xb8;
	[tilespmem:$0x1F540] =	vst v63  }
0x3a: {  	_ =	swait.ge [sflag:s18], $0x3200  }
.Ltmp0:
0x3b: {  	[sflag:s18] =	ssyncset.done $0x0;
	(pc) =	sbr.rel @p0 .LBB2_2-.Ltmp0, $4  }
0x3c: {  	s23 =	sadd.s32 $0x2908, s23;
	[sflag:s18] =	ssyncadd.s32 $0xFFFFCE00  }
0x3d: {  	[spmem:s3] =	stream.indirect.scatter.add.f32 [tilespmem:s16], [sflag:$0x3], $0x80, s23, s14, $0xb8;
	[tilespmem:$0x1F540] =	vst v63  }
0x3e: {  	_ =	swait.ge [sflag:s12], $0x3200  }
0x3f: {  	s24 =	smov.u32 s28;
	s23 =	sshra.s32 s26, $0x2;
	[sflag:s12] =	ssyncset.done $0x0  }
0x40: {  	s24 =	sadd.s32 $0x68, s23;
	[sflag:s12] =	ssyncadd.s32 $0xFFFFCE00  }
0x41: {  	[tilespmem:s16], [sflag:$0x2] =	stream.indirect.gather [hbm4b:s5+s14], $0x80, s24, s14, $0xb8;
	[tilespmem:$0x1F540] =	vst v63  }
0x42: {  	_ =	swait.ge [sflag:s17], $0x3200  }
0x43: {  	[sflag:s17] =	ssyncset.done $0x0  }
0x44: {  	s29 =	sadd.s32 $0x28A0, s23;
	[sflag:s17] =	ssyncadd.s32 $0xFFFFCE00  }
0x45: {  	[spmem:s3] =	stream.indirect.scatter.add.f32 [tilespmem:s15], [sflag:$0x3], $0x80, s29, s14, $0xb8;
	[tilespmem:$0x1F540] =	vst v63  }
0x46: {  	_ =	swait.ge [sflag:s12], $0x3200  }
0x47: {  	[sflag:s12] =	ssyncset.done $0x0  }
0x48: {  	s30 =	sadd.s32 $0xD0, s23;
	[sflag:s12] =	ssyncadd.s32 $0xFFFFCE00  }
0x49: {  	[tilespmem:s15], [sflag:$0x1] =	stream.indirect.gather [hbm4b:s5+s14], $0x80, s30, s14, $0xb8;
	[tilespmem:$0x1F540] =	vst v63  }
0x4a: {  	_ =	swait.ge [sflag:s18], $0x3200  }
0x4b: {  	[sflag:s18] =	ssyncset.done $0x0  }
0x4c: {  	s31 =	sadd.s32 $0x2908, s23;
	[sflag:s18] =	ssyncadd.s32 $0xFFFFCE00  }
0x4d: {  	[spmem:s3] =	stream.indirect.scatter.add.f32 [tilespmem:s16], [sflag:$0x3], $0x80, s31, s14, $0xb8;
	[tilespmem:$0x1F540] =	vst v63  }
0x4e: {  	_ =	swait.ge [sflag:s12], $0x3200  }
0x4f: {  	[sflag:s12] =	ssyncset.done $0x0  }
0x50: {  	[sflag:s12] =	ssyncadd.s32 $0xFFFFCE00  }
0x51: {  	[tilespmem:s16], [sflag:$0x2] =	stream.indirect.gather [hbm4b:s5+s14], $0x80, s19, s14, $0xb8;
	[tilespmem:$0x1F540] =	vst v63  }
0x52: {  	_ =	swait.ge [sflag:s17], $0x3200  }
0x53: {  	[sflag:s17] =	ssyncset.done $0x0  }
0x54: {  	[sflag:s17] =	ssyncadd.s32 $0xFFFFCE00  }
0x55: {  	[spmem:s3] =	stream.indirect.scatter.add.f32 [tilespmem:s15], [sflag:$0x3], $0x80, s20, s14, $0xb8;
	[tilespmem:$0x1F540] =	vst v63  }
0x56: {  	_ =	swait.ge [sflag:s12], $0x3200  }
0x57: {  	[sflag:s12] =	ssyncset.done $0x0  }
0x58: {  	[sflag:s12] =	ssyncadd.s32 $0xFFFFCE00  }
0x59: {  	_ =	swait.ge [sflag:s18], $0x3200  }
0x5a: {  	[sflag:s18] =	ssyncset.done $0x0  }
0x5b: {  	[sflag:s18] =	ssyncadd.s32 $0xFFFFCE00  }
0x5c: {  	[spmem:s3] =	stream.indirect.scatter.add.f32 [tilespmem:s16], [sflag:$0x3], $0x80, s21, s14, $0xb8;
	[tilespmem:$0x1F540] =	vst v63  }
0x5d: {  	_ =	swait.ge [sflag:s12], $0x3200  }
0x5e: {  	s22 =	sadd.s32 $0x1, s22;
	[sflag:s12] =	ssyncset.done $0x0  }
0x5f: {  	p0 =	sne.s32 s22, s10;
	[sflag:s12] =	ssyncadd.s32 $0xFFFFCE00  }
.Ltmp1:
0x60: {  	[bflag:$0x0] =	sbarrier.arrive $0xFFFF;
	(pc) =	sbr.rel @p0 .LBB2_1-.Ltmp1, $4  }
0x61: {  	[hbm:s9], [sflag:s6] =	dma.local [spmem:s11], $0x2800  }
0x62: {  	_ =	swait.ge [sflag:s12], $0x2800  }
0x63: {  	[sflag:s12] =	ssyncset.done $0x0  }
0x64: {  	[sflag:s12] =	ssyncadd.s32 $0xFFFFD800  }
0x65: {  	_ =	sfence.sel $0x180000  }
0x66: {  	[bflag:$0x0] =	sbarrier.arrive $0xFFFF  }
0x67: {  	p0 =	sne.s32 s1, $0x0;
	_ =	strace $0x9000004A  }
0x68: {  	s0 =	sadd.s32 @!p0 $0x100000, s0;
	[bflag:$0x2] =	sbarrier.arrive $0xFFFF  }
0x69: {  	[sflag:s0] =	ssyncadd.tile.s32 @!p0 $0x1;
	_ =	shalt  }
.Lfunc_end2:
_tile_overlayer_lowered:
.L_overlay_start_2:
0x6a: {  	(tag) =	ssettag $0x2  }
0x6b: {  	s0 =	rddreg [dreg:$0x0];
	s2 =	stileid.u32  }
0x6c: {  	s1 =	rddreg [dreg:$0x1];
	p0 =	sne.s32 s2, $0x0  }
0x6d: {  	s3 =	rddreg [dreg:$0x2];
	[bflag:$0x3] =	sbarrier.arrive $0xFFFF;
	s2 =	simm.s32 @!p0 $0x1C03  }
0x6e: {  	[timem:s3], [sflag:s2] =	dma.local @!p0 [hbm:s0], s1  }
0x6f: {  	s0 =	simm.s32 @!p0 $0x3  }
0x70: {  	_ =	swait.ge @!p0 [sflag:s0], s1  }
0x71: {  	s1 =	ssub.s32 @!p0 $0x0, s1;
	[sflag:s0] =	ssyncset.done @!p0 $0x0  }
0x72: {  	[sflag:s0] =	ssyncadd.s32 @!p0 s1  }
0x73: {  	[bflag:$0x3] =	sbarrier.arrive $0xFFFF  }
0x74: {  	_ =	shalt  }

// kernel: kernel.18.cloned.1.call-start
scs
__scs_entry_jumppad:
0x0: {  	(pc) =	sbr.rel $0x88, $3  }
0x1: {  	(tag) =	ssettag $0x0;
	lr =	simm.s32 $0x1  }
0x2: {  	[smem:$0x3F98] =	sst lr;
	_ =	strace $0xD0000000  }
0x3: {  	_ = 	snop  }
0x4: {  	_ = 	snop  }
0x5: {  	_ = 	snop  }
0x6: {  	_ = 	snop  }
0x7: {  	_ = 	snop  }
__scs_overlays_trampoline_lowered:
0x8: {  	[smem:$0x3FA7] =	sst s0  }
0x9: {  	[smem:$0x3FA8] =	sst s1  }
0xa: {  	[smem:$0x3FA9] =	sst s2  }
0xb: {  	[smem:$0x3FAA] =	sst s3  }
0xc: {  	[smem:$0x3FAB] =	sst s4  }
0xd: {  	[smem:$0x3FAC] =	sst s5  }
0xe: {  	[smem:$0x3FAD] =	sst s6  }
0xf: {  	[smem:$0x3FAE] =	sst s7  }
0x10: {  	[smem:$0x3FAF] =	sst s8  }
0x11: {  	[smem:$0x3FB0] =	sst s9;
	s0 =	simm.s32 @!p0 $0x0  }
0x12: {  	s1 =	sld [smem:$0x3F96];
	s0 =	simm.s32 @p0 $0x1  }
0x13: {  	[smem:$0x3FB1] =	sst s0;
	s0 =	simm.s32 @!p1 $0x0  }
0x14: {  	s2 =	sld [smem:$0x3F95];
	s0 =	simm.s32 @p1 $0x1  }
0x15: {  	[smem:$0x3FB2] =	sst s0;
	s0 =	simm.s32 @!p2 $0x0  }
0x16: {  	s3 =	sld [smem:$0x3FDB];
	s0 =	simm.s32 @p2 $0x1  }
0x17: {  	s4 =	simm.s32 $0x1BF5;
	[smem:$0x3FB4] =	sst s0  }
0x18: {  	s0 =	sld [smem:$0x3F97];
	_ =	swait.ge [sflag:s4], $0x0  }
0x19: {  	s7 =	sld [smem:$0x3F98]  }
0x1a: {  	s8 =	sadd.s32 $0xFFFFE003, lr  }
0x1b: {  	s9 =	sadd.s32 $0xFFFFFEF7, lr;
	s5 =	simm.s32 $0xFFFFFFFF;
	p2 =	slt.u32 s8, $0xFFFFF086  }
0x1c: {  	p1 =	slt.u32 s9, $0xF7A;
	s5 =	simm.s32 @!p2 $0x0  }
0x1d: {  	s5 =	simm.s32 @p1 $0x1;
	p0 =	seq.s32 s7, s2  }
0x1e: {  	s7 =	smul.u32 @!p0 $0xF7A, s2;
	p2 =	seq.s32 @!p0 s5, $0x0  }
0x1f: {  	s9 =	smul.u32 $0xF7A, s1;
	s8 =	simm.s32 @!p0 $0x1BF5;
	p2 =	por !p2, p0  }
0x20: {  	[sflag:s8] =	ssyncset.s32 @!p0 $0xFFFFF086;
	s6 =	sadd.s32 @!p0 s3, s7;
	s7 =	simm.s32 @!p0 $0x108  }
0x21: {  	s3 =	sadd.s32 s3, s9;
	s6 =	sadd.s32 @!p0 $0x88, s6;
	s7 =	simm.s32 @p2 $0x1082  }
0x22: {  	[simem:s7], [sflag:s8] =	dma.local @!p0 [hbm:s6], $0xF7A  }
0x23: {  	s9 =	sor.u32 $0xD0000000, s2;
	s6 =	simm.s32 $0x108;
	_ =	swait.ge @!p0 [sflag:s8], $0x0  }
0x24: {  	s3 =	sadd.s32 $0x88, s3;
	s6 =	simm.s32 @!p1 $0x1082;
	[sflag:s4] =	ssyncset.s32 $0xFFFFF086  }
0x25: {  	[simem:s6], [sflag:s4] =	dma.local [hbm:s3], $0xF7A  }
0x26: {  	[smem:$0x3F98] =	sst s1;
	(tag) =	ssettag s2;
	_ =	strace s9  }
0x27: {  	s1 =	sld [smem:$0x3FA8]  }
0x28: {  	s2 =	sld [smem:$0x3FA9]  }
0x29: {  	s4 =	sld [smem:$0x3FAB]  }
0x2a: {  	p0 =	seq.s32 s5, $0x0;
	s5 =	sld [smem:$0x3FAC]  }
0x2b: {  	s6 =	sld [smem:$0x3FAD]  }
0x2c: {  	s7 =	sld [smem:$0x3FAE]  }
0x2d: {  	s3 =	simm.s32 $0x108;
	s8 =	sld [smem:$0x3FAF]  }
0x2e: {  	s3 =	simm.s32 @!p0 $0x1082;
	s9 =	sld [smem:$0x3FB0]  }
0x2f: {  	lr =	sadd.s32 s0, s3;
	s0 =	sld [smem:$0x3FA7]  }
0x30: {  	s3 =	sld [smem:$0x3FAA]  }
0x31: {  	[smem:$0x3FB3] =	sst s10  }
0x32: {  	s10 =	sld [smem:$0x3FB1];
	_ =	sdelay $0x3  }
0x33: {  	p0 =	seq.s32 s10, $0x1;
	s10 =	sld [smem:$0x3FB3];
	_ =	sdelay $0x3  }
0x34: {  	[smem:$0x3FB3] =	sst s10  }
0x35: {  	s10 =	sld [smem:$0x3FB2];
	_ =	sdelay $0x3  }
0x36: {  	p1 =	seq.s32 s10, $0x1;
	s10 =	sld [smem:$0x3FB3];
	_ =	sdelay $0x3  }
0x37: {  	[smem:$0x3FB3] =	sst s10  }
0x38: {  	s10 =	sld [smem:$0x3FB4]  }
0x39: {  	_ = 	snop;
	(pc) =	sbr.ind lr, $3  }
0x3a: {  	_ = 	snop  }
0x3b: {  	_ = 	snop  }
0x3c: {  	p2 =	seq.s32 s10, $0x1;
	s10 =	sld [smem:$0x3FB3]  }
0x3d: {  	_ =	shalt  }
0x3e: {  	_ =	shalt  }
0x3f: {  	_ =	shalt  }
0x40: {  	_ =	shalt  }
0x41: {  	_ =	shalt  }
0x42: {  	_ =	shalt  }
0x43: {  	_ =	shalt  }
0x44: {  	_ =	shalt  }
0x45: {  	_ =	shalt  }
0x46: {  	_ =	shalt  }
0x47: {  	_ =	shalt  }
0x48: {  	_ =	shalt  }
0x49: {  	_ =	shalt  }
0x4a: {  	_ =	shalt  }
0x4b: {  	_ =	shalt  }
0x4c: {  	_ =	shalt  }
0x4d: {  	_ =	shalt  }
0x4e: {  	_ =	shalt  }
0x4f: {  	_ =	shalt  }
0x50: {  	_ =	shalt  }
0x51: {  	_ =	shalt  }
0x52: {  	_ =	shalt  }
0x53: {  	_ =	shalt  }
0x54: {  	_ =	shalt  }
0x55: {  	_ =	shalt  }
0x56: {  	_ =	shalt  }
0x57: {  	_ =	shalt  }
0x58: {  	_ =	shalt  }
0x59: {  	_ =	shalt  }
0x5a: {  	_ =	shalt  }
0x5b: {  	_ =	shalt  }
0x5c: {  	_ =	shalt  }
0x5d: {  	_ =	shalt  }
0x5e: {  	_ =	shalt  }
0x5f: {  	_ =	shalt  }
0x60: {  	_ =	shalt  }
0x61: {  	_ =	shalt  }
0x62: {  	_ =	shalt  }
0x63: {  	_ =	shalt  }
0x64: {  	_ =	shalt  }
0x65: {  	_ =	shalt  }
0x66: {  	_ =	shalt  }
0x67: {  	_ =	shalt  }
0x68: {  	_ =	shalt  }
0x69: {  	_ =	shalt  }
0x6a: {  	_ =	shalt  }
0x6b: {  	_ =	shalt  }
0x6c: {  	_ =	shalt  }
0x6d: {  	_ =	shalt  }
0x6e: {  	_ =	shalt  }
0x6f: {  	_ =	shalt  }
0x70: {  	_ =	shalt  }
0x71: {  	_ =	shalt  }
0x72: {  	_ =	shalt  }
0x73: {  	_ =	shalt  }
0x74: {  	_ =	shalt  }
0x75: {  	_ =	shalt  }
0x76: {  	_ =	shalt  }
0x77: {  	_ =	shalt  }
0x78: {  	_ =	shalt  }
0x79: {  	_ =	shalt  }
0x7a: {  	_ =	shalt  }
0x7b: {  	_ =	shalt  }
0x7c: {  	_ =	shalt  }
0x7d: {  	_ =	shalt  }
0x7e: {  	_ =	shalt  }
0x7f: {  	_ =	shalt  }
0x80: {  	_ =	shalt  }
0x81: {  	_ =	shalt  }
0x82: {  	_ =	shalt  }
0x83: {  	_ =	shalt  }
0x84: {  	_ =	shalt  }
0x85: {  	_ =	shalt  }
0x86: {  	_ =	shalt  }
0x87: {  	_ =	shalt  }
.Lfunc_end0:
.L_simem_size_0:
called_computation.2_lowered:
.L_overlay_start_0:
0x88: {  	s2 =	sld [smem:$0x3FD9]  }
0x89: {  	s3 =	sld [smem:$0x3FFE];
	_ =	sdelay $0x1  }
0x8a: {  	s1 =	srdreg.scid  }
0x8b: {  	s0 =	sand.u32 $0x1, s1  }
0x8c: {  	s17 =	sshll.u32 s0, $0xA;
	s2 =	sadd.s32 s3, s2  }
0x8d: {  	s2 =	sadd.s32 s2, s17  }
0x8e: {  	[smem:$0x3FBF] =	sst s2  }
0x8f: {  	_ = 	snop  }
0x90: {  	s2 =	sld [smem:$0x3FD0];
	(tm) =	ssettm $0x1  }
0x91: {  	s18 =	sld [smem:$0x3FFB];
	_ =	sdelay $0x3  }
0x92: {  	_ =	strace s18  }
0x93: {  	s3 =	sld [smem:$0x3FFC];
	_ =	sdelay $0x3  }
0x94: {  	_ =	strace s3  }
0x95: {  	s3 =	sld [smem:$0x3FFD];
	_ =	sdelay $0x3  }
0x96: {  	_ =	strace s3  }
0x97: {  	_ =	strace $0x8FFFFFFF  }
0x98: {  	s19 =	sld [smem:$0x3FDB];
	_ =	sdelay $0x1  }
0x99: {  	s4 =	simm.s32 $_scs_section_size  }
0x9a: {  	s5 =	simm.s32 $_size__tile_overlayer_lowered;
	s6 =	simm.s32 $_tile_overlayer_lowered  }
0x9b: {  	s22 =	simm.s32 $0x1BFF;
	s21 =	sshll.u32 s6, $0x1;
	s3 =	sadd.s32 s4, s19  }
0x9c: {  	s7 =	simm.s32 $0x0;
	s20 =	sshll.u32 s5, $0x1;
	s5 =	sadd.s32 s21, s3  }
0x9d: {  	[timem:s7], [sflag:s22] =	dma.local [hbm:s5], s20  }
0x9e: {  	_ =	swait.ge [sflag:s22], s20  }
0x9f: {  	s4 =	ssub.s32 $0x0, s20;
	[sflag:s22] =	ssyncset.done $0x0  }
0xa0: {  	[sflag:s22] =	ssyncadd.s32 s4;
	_ =	sdelay $0x1  }
0xa1: {  	s23 =	simm.s32 $0x1B8B  }
0xa2: {  	_ =	swait.ge [sflag:s23], $0x1  }
0xa3: {  	[sflag:s23] =	ssyncset.done $0x0  }
0xa4: {  	s25 =	simm.s32 $0x1B8E;
	s24 =	sld [smem:$0x3FFE];
	[sflag:s23] =	ssyncadd.s32 $0xFFFFFFFF  }
0xa5: {  	s26 =	simm.s32 $execute0_lowered;
	[smem:$0x3FD2] =	sst s25  }
0xa6: {  	s5 =	sshll.u32 s26, $0x1;
	_ =	strace $0x8000004C;
	[dreg:$0x1] =	wrdreg $0xFFFFFFFF  }
0xa7: {  	s28 =	simm.s32 $_size_execute0_lowered;
	s3 =	sadd.s32 s3, s5;
	[dreg:$0x0] =	wrdreg $0x0  }
0xa8: {  	s5 =	sshll.u32 s28, $0x1;
	[dreg:$0x2] =	wrdreg s3  }
0xa9: {  	[dreg:$0x3] =	wrdreg s5  }
0xaa: {  	[dreg:$0x4] =	wrdreg $0xC0  }
0xab: {  	_ =	task [dreg:s7], $0x5FFFF  }
0xac: {  	[dreg:$0x1] =	wrdreg $0xFFFFFFFF  }
0xad: {  	[dreg:$0x0] =	wrdreg $0x60  }
0xae: {  	[dreg:$0x2] =	wrdreg s24  }
0xaf: {  	[dreg:$0x3] =	wrdreg s2  }
0xb0: {  	[dreg:$0x4] =	wrdreg $0xB5400  }
0xb1: {  	[dreg:$0x5] =	wrdreg $0x9  }
0xb2: {  	_ =	task.clear_ibuf [dreg:s7], $0x6FFFF;
	_ =	strace $0x9000004C  }
0xb3: {  	s29 =	simm.s32 $0x9;
	_ =	strace $0x8000004E  }
0xb4: {  	_ =	swait.ge [sflag:s29], $0x1  }
0xb5: {  	[sflag:s29] =	ssyncadd.s32 $0xFFFFFFFF  }
0xb6: {  	_ =	strace $0x9000004E  }
0xb7: {  	_ =	sfence  }
0xb8: {  	s30 =	sld [smem:$0x0];
	_ =	sdelay $0x2  }
0xb9: {  	s31 =	sshll.u32 s1, $0xD;
	s1 =	sshrl.u32 s1, $0x2  }
0xba: {  	s3 =	sand.u32 $0x4000, s31;
	s1 =	sadd.s32 s1, s30  }
0xbb: {  	s0 =	sor.u32 s3, s0;
	s1 =	sshll.u32 s1, $0x11  }
0xbc: {  	s0 =	sor.u32 s1, s0  }
0xbd: {  	s0 =	sadd.s32 $0x8F2B, s0  }
0xbe: {  	[sflag:s0] =	ssyncadd.remote.s32 $0x1  }
0xbf: {  	_ =	sfence.sel $0xFFFF  }
0xc0: {  	[dreg:$0x0] =	wrdreg $0xFFFFFFFF;
	(pc) =	sbr.abs _section_cstart, $3  }
0xc1: {  	[dreg:$0x1] =	wrdreg $0xFFFFFFFF  }
0xc2: {  	_ =	task.clear_ibuf [dreg:s7], $0x2FFFF;
	_ =	strace $0x9FFFFFFF  }
0xc3: {  	(tm) =	ssettm $0x7FFFFFFF  }
tec
execute0_lowered:
.L_overlay_start_1:
0x0: {  	(tag) =	ssettag $0x1  }
0x1: {  	s6 =	rddreg [dreg:$0x0]  }
0x2: {  	s2 =	rddreg [dreg:$0x1]  }
0x3: {  	s3 =	rddreg [dreg:$0x2];
	s4 =	srdreg.scid  }
0x4: {  	s0 =	rddreg [dreg:$0x3];
	s1 =	stileid.u32  }
0x5: {  	s13 =	simm.s32 $0x28A0;
	s14 =	simm.s32 $0x64;
	s15 =	simm.s32 $0x5140  }
0x6: {  	s16 =	simm.s32 $0x8340;
	s17 =	simm.s32 $0x1;
	s18 =	simm.s32 $0x2  }
0x7: {  	s19 =	simm.s32 $0x2838;
	s20 =	simm.s32 $0x5070;
	s21 =	simm.s32 $0x50D8  }
0x8: {  	s22 =	simm.s32 $0x0;
	s7 =	sand.u32 $0x1, s4;
	s4 =	simm.s32 $0x0  }
0x9: {  	s8 =	smul.u32 $0x14000, s1;
	s31 =	sshll.u32 s1, $0x6;
	s5 =	sshll.u32 s7, $0x4  }
0xa: {  	[smem:$0x7FF] =	sst s4;
	s9 =	smul.u32 $0x140000, s7;
	s7 =	ssub.s32 $0x2, s7  }
0xb: {  	s5 =	sor.u32 s1, s5;
	_ =	strace $0x8000004D;
	s11 =	sshrl.u32 s7, $0x1  }
0xc: {  	s12 =	sadd.s32 s8, s3;
	s10 =	smul.u32 $0x514, s5;
	s9 =	sadd.s32 s8, s9  }
0xd: {  	s5 =	sadd.s32 $0x23800, s6;
	s11 =	ssub.s32 s7, s11;
	s9 =	sshrl.u32 s9, $0x3  }
0xe: {  	s10 =	sadd.s32 s10, s6;
	s9 =	sadd.s32 s9, s6;
	s6 =	sor.u32 $0x1C03, s31  }
0xf: {  	s7 =	sadd.s32 $0x19400, s10;
	s8 =	sadd.s32 $0x4600, s10;
	s9 =	sadd.s32 $0x4B800, s9  }
0x10: {  	s10 =	smax.u32 s11, $0x1;
	s11 =	sshrl.u32 s12, $0x3;
	s12 =	simm.s32 $0x3  }
.LBB2_1:
0x11: {  	[spmem:s11], [sflag:s6] =	dma.local [hbm:s2], $0x2800  }
0x12: {  	_ =	swait.ge [sflag:s12], $0x2800  }
0x13: {  	[sflag:s12] =	ssyncset.done $0x0  }
0x14: {  	[sflag:s12] =	ssyncadd.s32 $0xFFFFD800  }
0x15: {  	[tilespmem:s4], [sflag:$0x3] =	stream.linear.gather [hbm4b:s7+s4], $0x28A0, $0x38;
	[tilespmem:$0x1F540] =	vst v63  }
0x16: {  	_ =	swait.ge [sflag:s12], $0x28A0  }
0x17: {  	[sflag:s12] =	ssyncset.done $0x0  }
0x18: {  	[sflag:s12] =	ssyncadd.s32 $0xFFFFD760  }
0x19: {  	[tilespmem:s13], [sflag:$0x3] =	stream.linear.gather [hbm4b:s8+s4], $0x28A0, $0x38;
	[tilespmem:$0x1F540] =	vst v63  }
0x1a: {  	_ =	swait.ge [sflag:s12], $0x28A0  }
0x1b: {  	[sflag:s12] =	ssyncset.done $0x0  }
0x1c: {  	[sflag:s12] =	ssyncadd.s32 $0xFFFFD760  }
0x1d: {  	[bflag:$0x0] =	sbarrier.arrive $0xFFFF  }
0x1e: {  	[tilespmem:s15], [sflag:$0x1] =	stream.indirect.gather [hbm4b:s5+s14], $0x80, s4, s14, $0xb8;
	[tilespmem:$0x1F540] =	vst v63  }
0x1f: {  	s23 =	simm.s32 $0x68  }
0x20: {  	[tilespmem:s16], [sflag:$0x2] =	stream.indirect.gather [hbm4b:s5+s14], $0x80, s23, s14, $0xb8;
	[tilespmem:$0x1F540] =	vst v63  }
0x21: {  	_ =	swait.ge [sflag:s17], $0x3200  }
0x22: {  	[sflag:s17] =	ssyncset.done $0x0  }
0x23: {  	s29 =	simm.s32 $0x28A0;
	[sflag:s17] =	ssyncadd.s32 $0xFFFFCE00  }
0x24: {  	[spmem:s3] =	stream.indirect.scatter.add.f32 [tilespmem:s15], [sflag:$0x3], $0x80, s29, s14, $0xb8;
	[tilespmem:$0x1F540] =	vst v63  }
0x25: {  	_ =	swait.ge [sflag:s12], $0x3200  }
0x26: {  	[sflag:s12] =	ssyncset.done $0x0  }
0x27: {  	s30 =	simm.s32 $0xD0;
	[sflag:s12] =	ssyncadd.s32 $0xFFFFCE00  }
0x28: {  	[tilespmem:s15], [sflag:$0x1] =	stream.indirect.gather [hbm4b:s5+s14], $0x80, s30, s14, $0xb8;
	[tilespmem:$0x1F540] =	vst v63  }
0x29: {  	_ =	swait.ge [sflag:s18], $0x3200  }
0x2a: {  	[sflag:s18] =	ssyncset.done $0x0  }
0x2b: {  	s31 =	simm.s32 $0x2908;
	[sflag:s18] =	ssyncadd.s32 $0xFFFFCE00  }
0x2c: {  	[spmem:s3] =	stream.indirect.scatter.add.f32 [tilespmem:s16], [sflag:$0x3], $0x80, s31, s14, $0xb8;
	[tilespmem:$0x1F540] =	vst v63  }
0x2d: {  	_ =	swait.ge [sflag:s12], $0x3200  }
0x2e: {  	s24 =	simm.s32 $0x680;
	s23 =	simm.s32 $0xD0;
	[sflag:s12] =	ssyncset.done $0x0  }
.LBB2_2:
0x2f: {  	s25 =	sadd.s32 $0x68, s23  }
0x30: {  	[sflag:s12] =	ssyncadd.s32 $0xFFFFCE00;
	s26 =	smov.u32 s24;
	s28 =	sadd.s32 $0x340, s24  }
0x31: {  	[tilespmem:s16], [sflag:$0x2] =	stream.indirect.gather [hbm4b:s5+s14], $0x80, s25, s14, $0xb8;
	[tilespmem:$0x1F540] =	vst v63  }
0x32: {  	p0 =	sne.s32 s24, $0x9C00;
	_ =	swait.ge [sflag:s17], $0x3200  }
0x33: {  	[sflag:s17] =	ssyncset.done $0x0  }
0x34: {  	s24 =	sadd.s32 $0x28A0, s23;
	[sflag:s17] =	ssyncadd.s32 $0xFFFFCE00  }
0x35: {  	[spmem:s3] =	stream.indirect.scatter.add.f32 [tilespmem:s15], [sflag:$0x3], $0x80, s24, s14, $0xb8;
	[tilespmem:$0x1F540] =	vst v63  }
0x36: {  	_ =	swait.ge [sflag:s12], $0x3200  }
0x37: {  	[sflag:s12] =	ssyncset.done $0x0  }
0x38: {  	s24 =	sadd.s32 $0xD0, s23;
	[sflag:s12] =	ssyncadd.s32 $0xFFFFCE00  }
0x39: {  	[tilespmem:s15], [sflag:$0x1] =	stream.indirect.gather [hbm4b:s5+s14], $0x80, s24, s14, $0xb8;
	[tilespmem:$0x1F540] =	vst v63  }
0x3a: {  	_ =	swait.ge [sflag:s18], $0x3200  }
.Ltmp0:
0x3b: {  	[sflag:s18] =	ssyncset.done $0x0;
	(pc) =	sbr.rel @p0 .LBB2_2-.Ltmp0, $4  }
0x3c: {  	s23 =	sadd.s32 $0x2908, s23;
	[sflag:s18] =	ssyncadd.s32 $0xFFFFCE00  }
0x3d: {  	[spmem:s3] =	stream.indirect.scatter.add.f32 [tilespmem:s16], [sflag:$0x3], $0x80, s23, s14, $0xb8;
	[tilespmem:$0x1F540] =	vst v63  }
0x3e: {  	_ =	swait.ge [sflag:s12], $0x3200  }
0x3f: {  	s24 =	smov.u32 s28;
	s23 =	sshra.s32 s26, $0x2;
	[sflag:s12] =	ssyncset.done $0x0  }
0x40: {  	s24 =	sadd.s32 $0x68, s23;
	[sflag:s12] =	ssyncadd.s32 $0xFFFFCE00  }
0x41: {  	[tilespmem:s16], [sflag:$0x2] =	stream.indirect.gather [hbm4b:s5+s14], $0x80, s24, s14, $0xb8;
	[tilespmem:$0x1F540] =	vst v63  }
0x42: {  	_ =	swait.ge [sflag:s17], $0x3200  }
0x43: {  	[sflag:s17] =	ssyncset.done $0x0  }
0x44: {  	s29 =	sadd.s32 $0x28A0, s23;
	[sflag:s17] =	ssyncadd.s32 $0xFFFFCE00  }
0x45: {  	[spmem:s3] =	stream.indirect.scatter.add.f32 [tilespmem:s15], [sflag:$0x3], $0x80, s29, s14, $0xb8;
	[tilespmem:$0x1F540] =	vst v63  }
0x46: {  	_ =	swait.ge [sflag:s12], $0x3200  }
0x47: {  	[sflag:s12] =	ssyncset.done $0x0  }
0x48: {  	s30 =	sadd.s32 $0xD0, s23;
	[sflag:s12] =	ssyncadd.s32 $0xFFFFCE00  }
0x49: {  	[tilespmem:s15], [sflag:$0x1] =	stream.indirect.gather [hbm4b:s5+s14], $0x80, s30, s14, $0xb8;
	[tilespmem:$0x1F540] =	vst v63  }
0x4a: {  	_ =	swait.ge [sflag:s18], $0x3200  }
0x4b: {  	[sflag:s18] =	ssyncset.done $0x0  }
0x4c: {  	s31 =	sadd.s32 $0x2908, s23;
	[sflag:s18] =	ssyncadd.s32 $0xFFFFCE00  }
0x4d: {  	[spmem:s3] =	stream.indirect.scatter.add.f32 [tilespmem:s16], [sflag:$0x3], $0x80, s31, s14, $0xb8;
	[tilespmem:$0x1F540] =	vst v63  }
0x4e: {  	_ =	swait.ge [sflag:s12], $0x3200  }
0x4f: {  	[sflag:s12] =	ssyncset.done $0x0  }
0x50: {  	[sflag:s12] =	ssyncadd.s32 $0xFFFFCE00  }
0x51: {  	[tilespmem:s16], [sflag:$0x2] =	stream.indirect.gather [hbm4b:s5+s14], $0x80, s19, s14, $0xb8;
	[tilespmem:$0x1F540] =	vst v63  }
0x52: {  	_ =	swait.ge [sflag:s17], $0x3200  }
0x53: {  	[sflag:s17] =	ssyncset.done $0x0  }
0x54: {  	[sflag:s17] =	ssyncadd.s32 $0xFFFFCE00  }
0x55: {  	[spmem:s3] =	stream.indirect.scatter.add.f32 [tilespmem:s15], [sflag:$0x3], $0x80, s20, s14, $0xb8;
	[tilespmem:$0x1F540] =	vst v63  }
0x56: {  	_ =	swait.ge [sflag:s12], $0x3200  }
0x57: {  	[sflag:s12] =	ssyncset.done $0x0  }
0x58: {  	[sflag:s12] =	ssyncadd.s32 $0xFFFFCE00  }
0x59: {  	_ =	swait.ge [sflag:s18], $0x3200  }
0x5a: {  	[sflag:s18] =	ssyncset.done $0x0  }
0x5b: {  	[sflag:s18] =	ssyncadd.s32 $0xFFFFCE00  }
0x5c: {  	[spmem:s3] =	stream.indirect.scatter.add.f32 [tilespmem:s16], [sflag:$0x3], $0x80, s21, s14, $0xb8;
	[tilespmem:$0x1F540] =	vst v63  }
0x5d: {  	_ =	swait.ge [sflag:s12], $0x3200  }
0x5e: {  	s22 =	sadd.s32 $0x1, s22;
	[sflag:s12] =	ssyncset.done $0x0  }
0x5f: {  	p0 =	sne.s32 s22, s10;
	[sflag:s12] =	ssyncadd.s32 $0xFFFFCE00  }
.Ltmp1:
0x60: {  	[bflag:$0x0] =	sbarrier.arrive $0xFFFF;
	(pc) =	sbr.rel @p0 .LBB2_1-.Ltmp1, $4  }
0x61: {  	[hbm:s9], [sflag:s6] =	dma.local [spmem:s11], $0x2800  }
0x62: {  	_ =	swait.ge [sflag:s12], $0x2800  }
0x63: {  	[sflag:s12] =	ssyncset.done $0x0  }
0x64: {  	[sflag:s12] =	ssyncadd.s32 $0xFFFFD800  }
0x65: {  	_ =	sfence.sel $0x180000  }
0x66: {  	[bflag:$0x0] =	sbarrier.arrive $0xFFFF  }
0x67: {  	p0 =	sne.s32 s1, $0x0;
	_ =	strace $0x9000004D  }
0x68: {  	s0 =	sadd.s32 @!p0 $0x100000, s0;
	[bflag:$0x2] =	sbarrier.arrive $0xFFFF  }
0x69: {  	[sflag:s0] =	ssyncadd.tile.s32 @!p0 $0x1;
	_ =	shalt  }
.Lfunc_end2:
_tile_overlayer_lowered:
.L_overlay_start_2:
0x6a: {  	(tag) =	ssettag $0x2  }
0x6b: {  	s0 =	rddreg [dreg:$0x0];
	s2 =	stileid.u32  }
0x6c: {  	s1 =	rddreg [dreg:$0x1];
	p0 =	sne.s32 s2, $0x0  }
0x6d: {  	s3 =	rddreg [dreg:$0x2];
	[bflag:$0x3] =	sbarrier.arrive $0xFFFF;
	s2 =	simm.s32 @!p0 $0x1C03  }
0x6e: {  	[timem:s3], [sflag:s2] =	dma.local @!p0 [hbm:s0], s1  }
0x6f: {  	s0 =	simm.s32 @!p0 $0x3  }
0x70: {  	_ =	swait.ge @!p0 [sflag:s0], s1  }
0x71: {  	s1 =	ssub.s32 @!p0 $0x0, s1;
	[sflag:s0] =	ssyncset.done @!p0 $0x0  }
0x72: {  	[sflag:s0] =	ssyncadd.s32 @!p0 s1  }
0x73: {  	[bflag:$0x3] =	sbarrier.arrive $0xFFFF  }
0x74: {  	_ =	shalt  }

// kernel: kernel.21.cloned.1.call-start
scs
__scs_entry_jumppad:
0x0: {  	(pc) =	sbr.rel $0x88, $3  }
0x1: {  	(tag) =	ssettag $0x0;
	lr =	simm.s32 $0x1  }
0x2: {  	[smem:$0x3F98] =	sst lr;
	_ =	strace $0xD0000000  }
0x3: {  	_ = 	snop  }
0x4: {  	_ = 	snop  }
0x5: {  	_ = 	snop  }
0x6: {  	_ = 	snop  }
0x7: {  	_ = 	snop  }
__scs_overlays_trampoline_lowered:
0x8: {  	[smem:$0x3FA7] =	sst s0  }
0x9: {  	[smem:$0x3FA8] =	sst s1  }
0xa: {  	[smem:$0x3FA9] =	sst s2  }
0xb: {  	[smem:$0x3FAA] =	sst s3  }
0xc: {  	[smem:$0x3FAB] =	sst s4  }
0xd: {  	[smem:$0x3FAC] =	sst s5  }
0xe: {  	[smem:$0x3FAD] =	sst s6  }
0xf: {  	[smem:$0x3FAE] =	sst s7  }
0x10: {  	[smem:$0x3FAF] =	sst s8  }
0x11: {  	[smem:$0x3FB0] =	sst s9;
	s0 =	simm.s32 @!p0 $0x0  }
0x12: {  	s1 =	sld [smem:$0x3F96];
	s0 =	simm.s32 @p0 $0x1  }
0x13: {  	[smem:$0x3FB1] =	sst s0;
	s0 =	simm.s32 @!p1 $0x0  }
0x14: {  	s2 =	sld [smem:$0x3F95];
	s0 =	simm.s32 @p1 $0x1  }
0x15: {  	[smem:$0x3FB2] =	sst s0;
	s0 =	simm.s32 @!p2 $0x0  }
0x16: {  	s3 =	sld [smem:$0x3FDB];
	s0 =	simm.s32 @p2 $0x1  }
0x17: {  	s4 =	simm.s32 $0x1BF5;
	[smem:$0x3FB4] =	sst s0  }
0x18: {  	s0 =	sld [smem:$0x3F97];
	_ =	swait.ge [sflag:s4], $0x0  }
0x19: {  	s7 =	sld [smem:$0x3F98]  }
0x1a: {  	s8 =	sadd.s32 $0xFFFFE003, lr  }
0x1b: {  	s9 =	sadd.s32 $0xFFFFFEF7, lr;
	s5 =	simm.s32 $0xFFFFFFFF;
	p2 =	slt.u32 s8, $0xFFFFF086  }
0x1c: {  	p1 =	slt.u32 s9, $0xF7A;
	s5 =	simm.s32 @!p2 $0x0  }
0x1d: {  	s5 =	simm.s32 @p1 $0x1;
	p0 =	seq.s32 s7, s2  }
0x1e: {  	s7 =	smul.u32 @!p0 $0xF7A, s2;
	p2 =	seq.s32 @!p0 s5, $0x0  }
0x1f: {  	s9 =	smul.u32 $0xF7A, s1;
	s8 =	simm.s32 @!p0 $0x1BF5;
	p2 =	por !p2, p0  }
0x20: {  	[sflag:s8] =	ssyncset.s32 @!p0 $0xFFFFF086;
	s6 =	sadd.s32 @!p0 s3, s7;
	s7 =	simm.s32 @!p0 $0x108  }
0x21: {  	s3 =	sadd.s32 s3, s9;
	s6 =	sadd.s32 @!p0 $0x88, s6;
	s7 =	simm.s32 @p2 $0x1082  }
0x22: {  	[simem:s7], [sflag:s8] =	dma.local @!p0 [hbm:s6], $0xF7A  }
0x23: {  	s9 =	sor.u32 $0xD0000000, s2;
	s6 =	simm.s32 $0x108;
	_ =	swait.ge @!p0 [sflag:s8], $0x0  }
0x24: {  	s3 =	sadd.s32 $0x88, s3;
	s6 =	simm.s32 @!p1 $0x1082;
	[sflag:s4] =	ssyncset.s32 $0xFFFFF086  }
0x25: {  	[simem:s6], [sflag:s4] =	dma.local [hbm:s3], $0xF7A  }
0x26: {  	[smem:$0x3F98] =	sst s1;
	(tag) =	ssettag s2;
	_ =	strace s9  }
0x27: {  	s1 =	sld [smem:$0x3FA8]  }
0x28: {  	s2 =	sld [smem:$0x3FA9]  }
0x29: {  	s4 =	sld [smem:$0x3FAB]  }
0x2a: {  	p0 =	seq.s32 s5, $0x0;
	s5 =	sld [smem:$0x3FAC]  }
0x2b: {  	s6 =	sld [smem:$0x3FAD]  }
0x2c: {  	s7 =	sld [smem:$0x3FAE]  }
0x2d: {  	s3 =	simm.s32 $0x108;
	s8 =	sld [smem:$0x3FAF]  }
0x2e: {  	s3 =	simm.s32 @!p0 $0x1082;
	s9 =	sld [smem:$0x3FB0]  }
0x2f: {  	lr =	sadd.s32 s0, s3;
	s0 =	sld [smem:$0x3FA7]  }
0x30: {  	s3 =	sld [smem:$0x3FAA]  }
0x31: {  	[smem:$0x3FB3] =	sst s10  }
0x32: {  	s10 =	sld [smem:$0x3FB1];
	_ =	sdelay $0x3  }
0x33: {  	p0 =	seq.s32 s10, $0x1;
	s10 =	sld [smem:$0x3FB3];
	_ =	sdelay $0x3  }
0x34: {  	[smem:$0x3FB3] =	sst s10  }
0x35: {  	s10 =	sld [smem:$0x3FB2];
	_ =	sdelay $0x3  }
0x36: {  	p1 =	seq.s32 s10, $0x1;
	s10 =	sld [smem:$0x3FB3];
	_ =	sdelay $0x3  }
0x37: {  	[smem:$0x3FB3] =	sst s10  }
0x38: {  	s10 =	sld [smem:$0x3FB4]  }
0x39: {  	_ = 	snop;
	(pc) =	sbr.ind lr, $3  }
0x3a: {  	_ = 	snop  }
0x3b: {  	_ = 	snop  }
0x3c: {  	p2 =	seq.s32 s10, $0x1;
	s10 =	sld [smem:$0x3FB3]  }
0x3d: {  	_ =	shalt  }
0x3e: {  	_ =	shalt  }
0x3f: {  	_ =	shalt  }
0x40: {  	_ =	shalt  }
0x41: {  	_ =	shalt  }
0x42: {  	_ =	shalt  }
0x43: {  	_ =	shalt  }
0x44: {  	_ =	shalt  }
0x45: {  	_ =	shalt  }
0x46: {  	_ =	shalt  }
0x47: {  	_ =	shalt  }
0x48: {  	_ =	shalt  }
0x49: {  	_ =	shalt  }
0x4a: {  	_ =	shalt  }
0x4b: {  	_ =	shalt  }
0x4c: {  	_ =	shalt  }
0x4d: {  	_ =	shalt  }
0x4e: {  	_ =	shalt  }
0x4f: {  	_ =	shalt  }
0x50: {  	_ =	shalt  }
0x51: {  	_ =	shalt  }
0x52: {  	_ =	shalt  }
0x53: {  	_ =	shalt  }
0x54: {  	_ =	shalt  }
0x55: {  	_ =	shalt  }
0x56: {  	_ =	shalt  }
0x57: {  	_ =	shalt  }
0x58: {  	_ =	shalt  }
0x59: {  	_ =	shalt  }
0x5a: {  	_ =	shalt  }
0x5b: {  	_ =	shalt  }
0x5c: {  	_ =	shalt  }
0x5d: {  	_ =	shalt  }
0x5e: {  	_ =	shalt  }
0x5f: {  	_ =	shalt  }
0x60: {  	_ =	shalt  }
0x61: {  	_ =	shalt  }
0x62: {  	_ =	shalt  }
0x63: {  	_ =	shalt  }
0x64: {  	_ =	shalt  }
0x65: {  	_ =	shalt  }
0x66: {  	_ =	shalt  }
0x67: {  	_ =	shalt  }
0x68: {  	_ =	shalt  }
0x69: {  	_ =	shalt  }
0x6a: {  	_ =	shalt  }
0x6b: {  	_ =	shalt  }
0x6c: {  	_ =	shalt  }
0x6d: {  	_ =	shalt  }
0x6e: {  	_ =	shalt  }
0x6f: {  	_ =	shalt  }
0x70: {  	_ =	shalt  }
0x71: {  	_ =	shalt  }
0x72: {  	_ =	shalt  }
0x73: {  	_ =	shalt  }
0x74: {  	_ =	shalt  }
0x75: {  	_ =	shalt  }
0x76: {  	_ =	shalt  }
0x77: {  	_ =	shalt  }
0x78: {  	_ =	shalt  }
0x79: {  	_ =	shalt  }
0x7a: {  	_ =	shalt  }
0x7b: {  	_ =	shalt  }
0x7c: {  	_ =	shalt  }
0x7d: {  	_ =	shalt  }
0x7e: {  	_ =	shalt  }
0x7f: {  	_ =	shalt  }
0x80: {  	_ =	shalt  }
0x81: {  	_ =	shalt  }
0x82: {  	_ =	shalt  }
0x83: {  	_ =	shalt  }
0x84: {  	_ =	shalt  }
0x85: {  	_ =	shalt  }
0x86: {  	_ =	shalt  }
0x87: {  	_ =	shalt  }
.Lfunc_end0:
.L_simem_size_0:
called_computation.3_lowered:
.L_overlay_start_0:
0x88: {  	s2 =	sld [smem:$0x3FD9]  }
0x89: {  	s3 =	sld [smem:$0x3FFE];
	_ =	sdelay $0x1  }
0x8a: {  	s1 =	srdreg.scid  }
0x8b: {  	s0 =	sand.u32 $0x1, s1  }
0x8c: {  	s17 =	sshll.u32 s0, $0xA;
	s2 =	sadd.s32 s3, s2  }
0x8d: {  	s2 =	sadd.s32 s2, s17  }
0x8e: {  	[smem:$0x3FBF] =	sst s2  }
0x8f: {  	_ = 	snop  }
0x90: {  	s2 =	sld [smem:$0x3FD0];
	(tm) =	ssettm $0x1  }
0x91: {  	s18 =	sld [smem:$0x3FFB];
	_ =	sdelay $0x3  }
0x92: {  	_ =	strace s18  }
0x93: {  	s3 =	sld [smem:$0x3FFC];
	_ =	sdelay $0x3  }
0x94: {  	_ =	strace s3  }
0x95: {  	s3 =	sld [smem:$0x3FFD];
	_ =	sdelay $0x3  }
0x96: {  	_ =	strace s3  }
0x97: {  	_ =	strace $0x8FFFFFFF  }
0x98: {  	s19 =	sld [smem:$0x3FDB];
	_ =	sdelay $0x1  }
0x99: {  	s4 =	simm.s32 $_scs_section_size  }
0x9a: {  	s5 =	simm.s32 $_size__tile_overlayer_lowered;
	s6 =	simm.s32 $_tile_overlayer_lowered  }
0x9b: {  	s22 =	simm.s32 $0x1BFF;
	s21 =	sshll.u32 s6, $0x1;
	s3 =	sadd.s32 s4, s19  }
0x9c: {  	s7 =	simm.s32 $0x0;
	s20 =	sshll.u32 s5, $0x1;
	s5 =	sadd.s32 s21, s3  }
0x9d: {  	[timem:s7], [sflag:s22] =	dma.local [hbm:s5], s20  }
0x9e: {  	_ =	swait.ge [sflag:s22], s20  }
0x9f: {  	s4 =	ssub.s32 $0x0, s20;
	[sflag:s22] =	ssyncset.done $0x0  }
0xa0: {  	[sflag:s22] =	ssyncadd.s32 s4;
	_ =	sdelay $0x1  }
0xa1: {  	s23 =	simm.s32 $0x1B8B  }
0xa2: {  	_ =	swait.ge [sflag:s23], $0x1  }
0xa3: {  	[sflag:s23] =	ssyncset.done $0x0  }
0xa4: {  	s25 =	simm.s32 $0x1B8E;
	s24 =	sld [smem:$0x3FFE];
	[sflag:s23] =	ssyncadd.s32 $0xFFFFFFFF  }
0xa5: {  	s26 =	simm.s32 $execute0_lowered;
	[smem:$0x3FD2] =	sst s25  }
0xa6: {  	s5 =	sshll.u32 s26, $0x1;
	_ =	strace $0x8000004F;
	[dreg:$0x1] =	wrdreg $0xFFFFFFFF  }
0xa7: {  	s28 =	simm.s32 $_size_execute0_lowered;
	s3 =	sadd.s32 s3, s5;
	[dreg:$0x0] =	wrdreg $0x0  }
0xa8: {  	s5 =	sshll.u32 s28, $0x1;
	[dreg:$0x2] =	wrdreg s3  }
0xa9: {  	[dreg:$0x3] =	wrdreg s5  }
0xaa: {  	[dreg:$0x4] =	wrdreg $0xC0  }
0xab: {  	_ =	task [dreg:s7], $0x5FFFF  }
0xac: {  	[dreg:$0x1] =	wrdreg $0xFFFFFFFF  }
0xad: {  	[dreg:$0x0] =	wrdreg $0x60  }
0xae: {  	[dreg:$0x2] =	wrdreg s24  }
0xaf: {  	[dreg:$0x3] =	wrdreg s2  }
0xb0: {  	[dreg:$0x4] =	wrdreg $0x83400  }
0xb1: {  	[dreg:$0x5] =	wrdreg $0x9  }
0xb2: {  	_ =	task.clear_ibuf [dreg:s7], $0x6FFFF;
	_ =	strace $0x9000004F  }
0xb3: {  	s29 =	simm.s32 $0x9;
	_ =	strace $0x80000051  }
0xb4: {  	_ =	swait.ge [sflag:s29], $0x1  }
0xb5: {  	[sflag:s29] =	ssyncadd.s32 $0xFFFFFFFF  }
0xb6: {  	_ =	strace $0x90000051  }
0xb7: {  	_ =	sfence  }
0xb8: {  	s30 =	sld [smem:$0x0];
	_ =	sdelay $0x2  }
0xb9: {  	s31 =	sshll.u32 s1, $0xD;
	s1 =	sshrl.u32 s1, $0x2  }
0xba: {  	s3 =	sand.u32 $0x4000, s31;
	s1 =	sadd.s32 s1, s30  }
0xbb: {  	s0 =	sor.u32 s3, s0;
	s1 =	sshll.u32 s1, $0x11  }
0xbc: {  	s0 =	sor.u32 s1, s0  }
0xbd: {  	s0 =	sadd.s32 $0x8F2B, s0  }
0xbe: {  	[sflag:s0] =	ssyncadd.remote.s32 $0x1  }
0xbf: {  	_ =	sfence.sel $0xFFFF  }
0xc0: {  	[dreg:$0x0] =	wrdreg $0xFFFFFFFF;
	(pc) =	sbr.abs _section_cstart, $3  }
0xc1: {  	[dreg:$0x1] =	wrdreg $0xFFFFFFFF  }
0xc2: {  	_ =	task.clear_ibuf [dreg:s7], $0x2FFFF;
	_ =	strace $0x9FFFFFFF  }
0xc3: {  	(tm) =	ssettm $0x7FFFFFFF  }
tec
execute0_lowered:
.L_overlay_start_1:
0x0: {  	(tag) =	ssettag $0x1  }
0x1: {  	s6 =	rddreg [dreg:$0x0]  }
0x2: {  	s2 =	rddreg [dreg:$0x1]  }
0x3: {  	s3 =	rddreg [dreg:$0x2];
	s4 =	srdreg.scid  }
0x4: {  	s0 =	rddreg [dreg:$0x3];
	s1 =	stileid.u32  }
0x5: {  	s13 =	simm.s32 $0x28A0;
	s14 =	simm.s32 $0x64;
	s15 =	simm.s32 $0x5140  }
0x6: {  	s16 =	simm.s32 $0x6A40;
	s17 =	simm.s32 $0x1;
	s18 =	simm.s32 $0x2  }
0x7: {  	s19 =	simm.s32 $0x2838;
	s20 =	simm.s32 $0x5070;
	s21 =	simm.s32 $0x50D8  }
0x8: {  	s22 =	simm.s32 $0x0;
	s7 =	sand.u32 $0x1, s4;
	s4 =	simm.s32 $0x0  }
0x9: {  	s8 =	smul.u32 $0xA000, s1;
	s31 =	sshll.u32 s1, $0x6;
	s5 =	sshll.u32 s7, $0x4  }
0xa: {  	[smem:$0x7FF] =	sst s4;
	s9 =	smul.u32 $0xA0000, s7;
	s7 =	ssub.s32 $0x2, s7  }
0xb: {  	s5 =	sor.u32 s1, s5;
	_ =	strace $0x80000050;
	s11 =	sshrl.u32 s7, $0x1  }
0xc: {  	s12 =	sadd.s32 s8, s3;
	s10 =	smul.u32 $0x514, s5;
	s9 =	sadd.s32 s8, s9  }
0xd: {  	s5 =	sadd.s32 $0x23800, s6;
	s11 =	ssub.s32 s7, s11;
	s9 =	sshrl.u32 s9, $0x3  }
0xe: {  	s10 =	sadd.s32 s10, s6;
	s9 =	sadd.s32 s9, s6;
	s6 =	sor.u32 $0x1C03, s31  }
0xf: {  	s7 =	sadd.s32 $0x19400, s10;
	s8 =	sadd.s32 $0x4600, s10;
	s9 =	sadd.s32 $0x37800, s9  }
0x10: {  	s10 =	smax.u32 s11, $0x1;
	s11 =	sshrl.u32 s12, $0x3;
	s12 =	simm.s32 $0x3  }
.LBB2_1:
0x11: {  	[spmem:s11], [sflag:s6] =	dma.local [hbm:s2], $0x1400  }
0x12: {  	_ =	swait.ge [sflag:s12], $0x1400  }
0x13: {  	[sflag:s12] =	ssyncset.done $0x0  }
0x14: {  	[sflag:s12] =	ssyncadd.s32 $0xFFFFEC00  }
0x15: {  	[tilespmem:s4], [sflag:$0x3] =	stream.linear.gather [hbm4b:s7+s4], $0x28A0, $0x38;
	[tilespmem:$0x12340] =	vst v63  }
0x16: {  	_ =	swait.ge [sflag:s12], $0x28A0  }
0x17: {  	[sflag:s12] =	ssyncset.done $0x0  }
0x18: {  	[sflag:s12] =	ssyncadd.s32 $0xFFFFD760  }
0x19: {  	[tilespmem:s13], [sflag:$0x3] =	stream.linear.gather [hbm4b:s8+s4], $0x28A0, $0x38;
	[tilespmem:$0x12340] =	vst v63  }
0x1a: {  	_ =	swait.ge [sflag:s12], $0x28A0  }
0x1b: {  	[sflag:s12] =	ssyncset.done $0x0  }
0x1c: {  	[sflag:s12] =	ssyncadd.s32 $0xFFFFD760  }
0x1d: {  	[bflag:$0x0] =	sbarrier.arrive $0xFFFF  }
0x1e: {  	[tilespmem:s15], [sflag:$0x1] =	stream.indirect.gather [hbm4b:s5+s14], $0x40, s4, s14, $0xb8;
	[tilespmem:$0x12340] =	vst v63  }
0x1f: {  	s23 =	simm.s32 $0x68  }
0x20: {  	[tilespmem:s16], [sflag:$0x2] =	stream.indirect.gather [hbm4b:s5+s14], $0x40, s23, s14, $0xb8;
	[tilespmem:$0x12340] =	vst v63  }
0x21: {  	_ =	swait.ge [sflag:s17], $0x1900  }
0x22: {  	[sflag:s17] =	ssyncset.done $0x0  }
0x23: {  	s29 =	simm.s32 $0x28A0;
	[sflag:s17] =	ssyncadd.s32 $0xFFFFE700  }
0x24: {  	[spmem:s3] =	stream.indirect.scatter.add.f32 [tilespmem:s15], [sflag:$0x3], $0x40, s29, s14, $0xb8;
	[tilespmem:$0x12340] =	vst v63  }
0x25: {  	_ =	swait.ge [sflag:s12], $0x1900  }
0x26: {  	[sflag:s12] =	ssyncset.done $0x0  }
0x27: {  	s30 =	simm.s32 $0xD0;
	[sflag:s12] =	ssyncadd.s32 $0xFFFFE700  }
0x28: {  	[tilespmem:s15], [sflag:$0x1] =	stream.indirect.gather [hbm4b:s5+s14], $0x40, s30, s14, $0xb8;
	[tilespmem:$0x12340] =	vst v63  }
0x29: {  	_ =	swait.ge [sflag:s18], $0x1900  }
0x2a: {  	[sflag:s18] =	ssyncset.done $0x0  }
0x2b: {  	s31 =	simm.s32 $0x2908;
	[sflag:s18] =	ssyncadd.s32 $0xFFFFE700  }
0x2c: {  	[spmem:s3] =	stream.indirect.scatter.add.f32 [tilespmem:s16], [sflag:$0x3], $0x40, s31, s14, $0xb8;
	[tilespmem:$0x12340] =	vst v63  }
0x2d: {  	_ =	swait.ge [sflag:s12], $0x1900  }
0x2e: {  	s24 =	simm.s32 $0x680;
	s23 =	simm.s32 $0xD0;
	[sflag:s12] =	ssyncset.done $0x0  }
.LBB2_2:
0x2f: {  	s25 =	sadd.s32 $0x68, s23  }
0x30: {  	[sflag:s12] =	ssyncadd.s32 $0xFFFFE700;
	s26 =	smov.u32 s24;
	s28 =	sadd.s32 $0x340, s24  }
0x31: {  	[tilespmem:s16], [sflag:$0x2] =	stream.indirect.gather [hbm4b:s5+s14], $0x40, s25, s14, $0xb8;
	[tilespmem:$0x12340] =	vst v63  }
0x32: {  	p0 =	sne.s32 s24, $0x9C00;
	_ =	swait.ge [sflag:s17], $0x1900  }
0x33: {  	[sflag:s17] =	ssyncset.done $0x0  }
0x34: {  	s24 =	sadd.s32 $0x28A0, s23;
	[sflag:s17] =	ssyncadd.s32 $0xFFFFE700  }
0x35: {  	[spmem:s3] =	stream.indirect.scatter.add.f32 [tilespmem:s15], [sflag:$0x3], $0x40, s24, s14, $0xb8;
	[tilespmem:$0x12340] =	vst v63  }
0x36: {  	_ =	swait.ge [sflag:s12], $0x1900  }
0x37: {  	[sflag:s12] =	ssyncset.done $0x0  }
0x38: {  	s24 =	sadd.s32 $0xD0, s23;
	[sflag:s12] =	ssyncadd.s32 $0xFFFFE700  }
0x39: {  	[tilespmem:s15], [sflag:$0x1] =	stream.indirect.gather [hbm4b:s5+s14], $0x40, s24, s14, $0xb8;
	[tilespmem:$0x12340] =	vst v63  }
0x3a: {  	_ =	swait.ge [sflag:s18], $0x1900  }
.Ltmp0:
0x3b: {  	[sflag:s18] =	ssyncset.done $0x0;
	(pc) =	sbr.rel @p0 .LBB2_2-.Ltmp0, $4  }
0x3c: {  	s23 =	sadd.s32 $0x2908, s23;
	[sflag:s18] =	ssyncadd.s32 $0xFFFFE700  }
0x3d: {  	[spmem:s3] =	stream.indirect.scatter.add.f32 [tilespmem:s16], [sflag:$0x3], $0x40, s23, s14, $0xb8;
	[tilespmem:$0x12340] =	vst v63  }
0x3e: {  	_ =	swait.ge [sflag:s12], $0x1900  }
0x3f: {  	s24 =	smov.u32 s28;
	s23 =	sshra.s32 s26, $0x2;
	[sflag:s12] =	ssyncset.done $0x0  }
0x40: {  	s24 =	sadd.s32 $0x68, s23;
	[sflag:s12] =	ssyncadd.s32 $0xFFFFE700  }
0x41: {  	[tilespmem:s16], [sflag:$0x2] =	stream.indirect.gather [hbm4b:s5+s14], $0x40, s24, s14, $0xb8;
	[tilespmem:$0x12340] =	vst v63  }
0x42: {  	_ =	swait.ge [sflag:s17], $0x1900  }
0x43: {  	[sflag:s17] =	ssyncset.done $0x0  }
0x44: {  	s29 =	sadd.s32 $0x28A0, s23;
	[sflag:s17] =	ssyncadd.s32 $0xFFFFE700  }
0x45: {  	[spmem:s3] =	stream.indirect.scatter.add.f32 [tilespmem:s15], [sflag:$0x3], $0x40, s29, s14, $0xb8;
	[tilespmem:$0x12340] =	vst v63  }
0x46: {  	_ =	swait.ge [sflag:s12], $0x1900  }
0x47: {  	[sflag:s12] =	ssyncset.done $0x0  }
0x48: {  	s30 =	sadd.s32 $0xD0, s23;
	[sflag:s12] =	ssyncadd.s32 $0xFFFFE700  }
0x49: {  	[tilespmem:s15], [sflag:$0x1] =	stream.indirect.gather [hbm4b:s5+s14], $0x40, s30, s14, $0xb8;
	[tilespmem:$0x12340] =	vst v63  }
0x4a: {  	_ =	swait.ge [sflag:s18], $0x1900  }
0x4b: {  	[sflag:s18] =	ssyncset.done $0x0  }
0x4c: {  	s31 =	sadd.s32 $0x2908, s23;
	[sflag:s18] =	ssyncadd.s32 $0xFFFFE700  }
0x4d: {  	[spmem:s3] =	stream.indirect.scatter.add.f32 [tilespmem:s16], [sflag:$0x3], $0x40, s31, s14, $0xb8;
	[tilespmem:$0x12340] =	vst v63  }
0x4e: {  	_ =	swait.ge [sflag:s12], $0x1900  }
0x4f: {  	[sflag:s12] =	ssyncset.done $0x0  }
0x50: {  	[sflag:s12] =	ssyncadd.s32 $0xFFFFE700  }
0x51: {  	[tilespmem:s16], [sflag:$0x2] =	stream.indirect.gather [hbm4b:s5+s14], $0x40, s19, s14, $0xb8;
	[tilespmem:$0x12340] =	vst v63  }
0x52: {  	_ =	swait.ge [sflag:s17], $0x1900  }
0x53: {  	[sflag:s17] =	ssyncset.done $0x0  }
0x54: {  	[sflag:s17] =	ssyncadd.s32 $0xFFFFE700  }
0x55: {  	[spmem:s3] =	stream.indirect.scatter.add.f32 [tilespmem:s15], [sflag:$0x3], $0x40, s20, s14, $0xb8;
	[tilespmem:$0x12340] =	vst v63  }
0x56: {  	_ =	swait.ge [sflag:s12], $0x1900  }
0x57: {  	[sflag:s12] =	ssyncset.done $0x0  }
0x58: {  	[sflag:s12] =	ssyncadd.s32 $0xFFFFE700  }
0x59: {  	_ =	swait.ge [sflag:s18], $0x1900  }
0x5a: {  	[sflag:s18] =	ssyncset.done $0x0  }
0x5b: {  	[sflag:s18] =	ssyncadd.s32 $0xFFFFE700  }
0x5c: {  	[spmem:s3] =	stream.indirect.scatter.add.f32 [tilespmem:s16], [sflag:$0x3], $0x40, s21, s14, $0xb8;
	[tilespmem:$0x12340] =	vst v63  }
0x5d: {  	_ =	swait.ge [sflag:s12], $0x1900  }
0x5e: {  	s22 =	sadd.s32 $0x1, s22;
	[sflag:s12] =	ssyncset.done $0x0  }
0x5f: {  	p0 =	sne.s32 s22, s10;
	[sflag:s12] =	ssyncadd.s32 $0xFFFFE700  }
.Ltmp1:
0x60: {  	[bflag:$0x0] =	sbarrier.arrive $0xFFFF;
	(pc) =	sbr.rel @p0 .LBB2_1-.Ltmp1, $4  }
0x61: {  	[hbm:s9], [sflag:s6] =	dma.local [spmem:s11], $0x1400  }
0x62: {  	_ =	swait.ge [sflag:s12], $0x1400  }
0x63: {  	[sflag:s12] =	ssyncset.done $0x0  }
0x64: {  	[sflag:s12] =	ssyncadd.s32 $0xFFFFEC00  }
0x65: {  	_ =	sfence.sel $0x180000  }
0x66: {  	[bflag:$0x0] =	sbarrier.arrive $0xFFFF  }
0x67: {  	p0 =	sne.s32 s1, $0x0;
	_ =	strace $0x90000050  }
0x68: {  	s0 =	sadd.s32 @!p0 $0x100000, s0;
	[bflag:$0x2] =	sbarrier.arrive $0xFFFF  }
0x69: {  	[sflag:s0] =	ssyncadd.tile.s32 @!p0 $0x1;
	_ =	shalt  }
.Lfunc_end2:
_tile_overlayer_lowered:
.L_overlay_start_2:
0x6a: {  	(tag) =	ssettag $0x2  }
0x6b: {  	s0 =	rddreg [dreg:$0x0];
	s2 =	stileid.u32  }
0x6c: {  	s1 =	rddreg [dreg:$0x1];
	p0 =	sne.s32 s2, $0x0  }
0x6d: {  	s3 =	rddreg [dreg:$0x2];
	[bflag:$0x3] =	sbarrier.arrive $0xFFFF;
	s2 =	simm.s32 @!p0 $0x1C03  }
0x6e: {  	[timem:s3], [sflag:s2] =	dma.local @!p0 [hbm:s0], s1  }
0x6f: {  	s0 =	simm.s32 @!p0 $0x3  }
0x70: {  	_ =	swait.ge @!p0 [sflag:s0], s1  }
0x71: {  	s1 =	ssub.s32 @!p0 $0x0, s1;
	[sflag:s0] =	ssyncset.done @!p0 $0x0  }
0x72: {  	[sflag:s0] =	ssyncadd.s32 @!p0 s1  }
0x73: {  	[bflag:$0x3] =	sbarrier.arrive $0xFFFF  }
0x74: {  	_ =	shalt  }

// kernel: kernel.24.cloned.1.call-start
scs
__scs_entry_jumppad:
0x0: {  	(pc) =	sbr.rel $0x88, $3  }
0x1: {  	(tag) =	ssettag $0x0;
	lr =	simm.s32 $0x1  }
0x2: {  	[smem:$0x3F98] =	sst lr;
	_ =	strace $0xD0000000  }
0x3: {  	_ = 	snop  }
0x4: {  	_ = 	snop  }
0x5: {  	_ = 	snop  }
0x6: {  	_ = 	snop  }
0x7: {  	_ = 	snop  }
__scs_overlays_trampoline_lowered:
0x8: {  	[smem:$0x3FA7] =	sst s0  }
0x9: {  	[smem:$0x3FA8] =	sst s1  }
0xa: {  	[smem:$0x3FA9] =	sst s2  }
0xb: {  	[smem:$0x3FAA] =	sst s3  }
0xc: {  	[smem:$0x3FAB] =	sst s4  }
0xd: {  	[smem:$0x3FAC] =	sst s5  }
0xe: {  	[smem:$0x3FAD] =	sst s6  }
0xf: {  	[smem:$0x3FAE] =	sst s7  }
0x10: {  	[smem:$0x3FAF] =	sst s8  }
0x11: {  	[smem:$0x3FB0] =	sst s9;
	s0 =	simm.s32 @!p0 $0x0  }
0x12: {  	s1 =	sld [smem:$0x3F96];
	s0 =	simm.s32 @p0 $0x1  }
0x13: {  	[smem:$0x3FB1] =	sst s0;
	s0 =	simm.s32 @!p1 $0x0  }
0x14: {  	s2 =	sld [smem:$0x3F95];
	s0 =	simm.s32 @p1 $0x1  }
0x15: {  	[smem:$0x3FB2] =	sst s0;
	s0 =	simm.s32 @!p2 $0x0  }
0x16: {  	s3 =	sld [smem:$0x3FDB];
	s0 =	simm.s32 @p2 $0x1  }
0x17: {  	s4 =	simm.s32 $0x1BF5;
	[smem:$0x3FB4] =	sst s0  }
0x18: {  	s0 =	sld [smem:$0x3F97];
	_ =	swait.ge [sflag:s4], $0x0  }
0x19: {  	s7 =	sld [smem:$0x3F98]  }
0x1a: {  	s8 =	sadd.s32 $0xFFFFE003, lr  }
0x1b: {  	s9 =	sadd.s32 $0xFFFFFEF7, lr;
	s5 =	simm.s32 $0xFFFFFFFF;
	p2 =	slt.u32 s8, $0xFFFFF086  }
0x1c: {  	p1 =	slt.u32 s9, $0xF7A;
	s5 =	simm.s32 @!p2 $0x0  }
0x1d: {  	s5 =	simm.s32 @p1 $0x1;
	p0 =	seq.s32 s7, s2  }
0x1e: {  	s7 =	smul.u32 @!p0 $0xF7A, s2;
	p2 =	seq.s32 @!p0 s5, $0x0  }
0x1f: {  	s9 =	smul.u32 $0xF7A, s1;
	s8 =	simm.s32 @!p0 $0x1BF5;
	p2 =	por !p2, p0  }
0x20: {  	[sflag:s8] =	ssyncset.s32 @!p0 $0xFFFFF086;
	s6 =	sadd.s32 @!p0 s3, s7;
	s7 =	simm.s32 @!p0 $0x108  }
0x21: {  	s3 =	sadd.s32 s3, s9;
	s6 =	sadd.s32 @!p0 $0x88, s6;
	s7 =	simm.s32 @p2 $0x1082  }
0x22: {  	[simem:s7], [sflag:s8] =	dma.local @!p0 [hbm:s6], $0xF7A  }
0x23: {  	s9 =	sor.u32 $0xD0000000, s2;
	s6 =	simm.s32 $0x108;
	_ =	swait.ge @!p0 [sflag:s8], $0x0  }
0x24: {  	s3 =	sadd.s32 $0x88, s3;
	s6 =	simm.s32 @!p1 $0x1082;
	[sflag:s4] =	ssyncset.s32 $0xFFFFF086  }
0x25: {  	[simem:s6], [sflag:s4] =	dma.local [hbm:s3], $0xF7A  }
0x26: {  	[smem:$0x3F98] =	sst s1;
	(tag) =	ssettag s2;
	_ =	strace s9  }
0x27: {  	s1 =	sld [smem:$0x3FA8]  }
0x28: {  	s2 =	sld [smem:$0x3FA9]  }
0x29: {  	s4 =	sld [smem:$0x3FAB]  }
0x2a: {  	p0 =	seq.s32 s5, $0x0;
	s5 =	sld [smem:$0x3FAC]  }
0x2b: {  	s6 =	sld [smem:$0x3FAD]  }
0x2c: {  	s7 =	sld [smem:$0x3FAE]  }
0x2d: {  	s3 =	simm.s32 $0x108;
	s8 =	sld [smem:$0x3FAF]  }
0x2e: {  	s3 =	simm.s32 @!p0 $0x1082;
	s9 =	sld [smem:$0x3FB0]  }
0x2f: {  	lr =	sadd.s32 s0, s3;
	s0 =	sld [smem:$0x3FA7]  }
0x30: {  	s3 =	sld [smem:$0x3FAA]  }
0x31: {  	[smem:$0x3FB3] =	sst s10  }
0x32: {  	s10 =	sld [smem:$0x3FB1];
	_ =	sdelay $0x3  }
0x33: {  	p0 =	seq.s32 s10, $0x1;
	s10 =	sld [smem:$0x3FB3];
	_ =	sdelay $0x3  }
0x34: {  	[smem:$0x3FB3] =	sst s10  }
0x35: {  	s10 =	sld [smem:$0x3FB2];
	_ =	sdelay $0x3  }
0x36: {  	p1 =	seq.s32 s10, $0x1;
	s10 =	sld [smem:$0x3FB3];
	_ =	sdelay $0x3  }
0x37: {  	[smem:$0x3FB3] =	sst s10  }
0x38: {  	s10 =	sld [smem:$0x3FB4]  }
0x39: {  	_ = 	snop;
	(pc) =	sbr.ind lr, $3  }
0x3a: {  	_ = 	snop  }
0x3b: {  	_ = 	snop  }
0x3c: {  	p2 =	seq.s32 s10, $0x1;
	s10 =	sld [smem:$0x3FB3]  }
0x3d: {  	_ =	shalt  }
0x3e: {  	_ =	shalt  }
0x3f: {  	_ =	shalt  }
0x40: {  	_ =	shalt  }
0x41: {  	_ =	shalt  }
0x42: {  	_ =	shalt  }
0x43: {  	_ =	shalt  }
0x44: {  	_ =	shalt  }
0x45: {  	_ =	shalt  }
0x46: {  	_ =	shalt  }
0x47: {  	_ =	shalt  }
0x48: {  	_ =	shalt  }
0x49: {  	_ =	shalt  }
0x4a: {  	_ =	shalt  }
0x4b: {  	_ =	shalt  }
0x4c: {  	_ =	shalt  }
0x4d: {  	_ =	shalt  }
0x4e: {  	_ =	shalt  }
0x4f: {  	_ =	shalt  }
0x50: {  	_ =	shalt  }
0x51: {  	_ =	shalt  }
0x52: {  	_ =	shalt  }
0x53: {  	_ =	shalt  }
0x54: {  	_ =	shalt  }
0x55: {  	_ =	shalt  }
0x56: {  	_ =	shalt  }
0x57: {  	_ =	shalt  }
0x58: {  	_ =	shalt  }
0x59: {  	_ =	shalt  }
0x5a: {  	_ =	shalt  }
0x5b: {  	_ =	shalt  }
0x5c: {  	_ =	shalt  }
0x5d: {  	_ =	shalt  }
0x5e: {  	_ =	shalt  }
0x5f: {  	_ =	shalt  }
0x60: {  	_ =	shalt  }
0x61: {  	_ =	shalt  }
0x62: {  	_ =	shalt  }
0x63: {  	_ =	shalt  }
0x64: {  	_ =	shalt  }
0x65: {  	_ =	shalt  }
0x66: {  	_ =	shalt  }
0x67: {  	_ =	shalt  }
0x68: {  	_ =	shalt  }
0x69: {  	_ =	shalt  }
0x6a: {  	_ =	shalt  }
0x6b: {  	_ =	shalt  }
0x6c: {  	_ =	shalt  }
0x6d: {  	_ =	shalt  }
0x6e: {  	_ =	shalt  }
0x6f: {  	_ =	shalt  }
0x70: {  	_ =	shalt  }
0x71: {  	_ =	shalt  }
0x72: {  	_ =	shalt  }
0x73: {  	_ =	shalt  }
0x74: {  	_ =	shalt  }
0x75: {  	_ =	shalt  }
0x76: {  	_ =	shalt  }
0x77: {  	_ =	shalt  }
0x78: {  	_ =	shalt  }
0x79: {  	_ =	shalt  }
0x7a: {  	_ =	shalt  }
0x7b: {  	_ =	shalt  }
0x7c: {  	_ =	shalt  }
0x7d: {  	_ =	shalt  }
0x7e: {  	_ =	shalt  }
0x7f: {  	_ =	shalt  }
0x80: {  	_ =	shalt  }
0x81: {  	_ =	shalt  }
0x82: {  	_ =	shalt  }
0x83: {  	_ =	shalt  }
0x84: {  	_ =	shalt  }
0x85: {  	_ =	shalt  }
0x86: {  	_ =	shalt  }
0x87: {  	_ =	shalt  }
.Lfunc_end0:
.L_simem_size_0:
called_computation.4_lowered:
.L_overlay_start_0:
0x88: {  	s2 =	sld [smem:$0x3FD9]  }
0x89: {  	s3 =	sld [smem:$0x3FFE];
	_ =	sdelay $0x1  }
0x8a: {  	s1 =	srdreg.scid  }
0x8b: {  	s0 =	sand.u32 $0x1, s1  }
0x8c: {  	s17 =	sshll.u32 s0, $0xA;
	s2 =	sadd.s32 s3, s2  }
0x8d: {  	s2 =	sadd.s32 s2, s17  }
0x8e: {  	[smem:$0x3FBF] =	sst s2  }
0x8f: {  	_ = 	snop  }
0x90: {  	s2 =	sld [smem:$0x3FD0];
	(tm) =	ssettm $0x1  }
0x91: {  	s18 =	sld [smem:$0x3FFB];
	_ =	sdelay $0x3  }
0x92: {  	_ =	strace s18  }
0x93: {  	s3 =	sld [smem:$0x3FFC];
	_ =	sdelay $0x3  }
0x94: {  	_ =	strace s3  }
0x95: {  	s3 =	sld [smem:$0x3FFD];
	_ =	sdelay $0x3  }
0x96: {  	_ =	strace s3  }
0x97: {  	_ =	strace $0x8FFFFFFF  }
0x98: {  	s19 =	sld [smem:$0x3FDB];
	_ =	sdelay $0x1  }
0x99: {  	s4 =	simm.s32 $_scs_section_size  }
0x9a: {  	s5 =	simm.s32 $_size__tile_overlayer_lowered;
	s6 =	simm.s32 $_tile_overlayer_lowered  }
0x9b: {  	s22 =	simm.s32 $0x1BFF;
	s21 =	sshll.u32 s6, $0x1;
	s3 =	sadd.s32 s4, s19  }
0x9c: {  	s7 =	simm.s32 $0x0;
	s20 =	sshll.u32 s5, $0x1;
	s5 =	sadd.s32 s21, s3  }
0x9d: {  	[timem:s7], [sflag:s22] =	dma.local [hbm:s5], s20  }
0x9e: {  	_ =	swait.ge [sflag:s22], s20  }
0x9f: {  	s4 =	ssub.s32 $0x0, s20;
	[sflag:s22] =	ssyncset.done $0x0  }
0xa0: {  	[sflag:s22] =	ssyncadd.s32 s4;
	_ =	sdelay $0x1  }
0xa1: {  	s23 =	simm.s32 $0x1B8B  }
0xa2: {  	_ =	swait.ge [sflag:s23], $0x1  }
0xa3: {  	[sflag:s23] =	ssyncset.done $0x0  }
0xa4: {  	s25 =	simm.s32 $0x1B8E;
	s24 =	sld [smem:$0x3FFE];
	[sflag:s23] =	ssyncadd.s32 $0xFFFFFFFF  }
0xa5: {  	s26 =	simm.s32 $execute0_lowered;
	[smem:$0x3FD2] =	sst s25  }
0xa6: {  	s5 =	sshll.u32 s26, $0x1;
	_ =	strace $0x80000052;
	[dreg:$0x1] =	wrdreg $0xFFFFFFFF  }
0xa7: {  	s28 =	simm.s32 $_size_execute0_lowered;
	s3 =	sadd.s32 s3, s5;
	[dreg:$0x0] =	wrdreg $0x0  }
0xa8: {  	s5 =	sshll.u32 s28, $0x1;
	[dreg:$0x2] =	wrdreg s3  }
0xa9: {  	[dreg:$0x3] =	wrdreg s5  }
0xaa: {  	[dreg:$0x4] =	wrdreg $0xC0  }
0xab: {  	_ =	task [dreg:s7], $0x5FFFF  }
0xac: {  	[dreg:$0x1] =	wrdreg $0xFFFFFFFF  }
0xad: {  	[dreg:$0x0] =	wrdreg $0x60  }
0xae: {  	[dreg:$0x2] =	wrdreg s24  }
0xaf: {  	[dreg:$0x3] =	wrdreg s2  }
0xb0: {  	[dreg:$0x4] =	wrdreg $0x9  }
0xb1: {  	_ =	task.clear_ibuf [dreg:s7], $0x5FFFF;
	_ =	strace $0x90000052  }
0xb2: {  	s29 =	simm.s32 $0x9;
	_ =	strace $0x80000054  }
0xb3: {  	_ =	swait.ge [sflag:s29], $0x1  }
0xb4: {  	[sflag:s29] =	ssyncadd.s32 $0xFFFFFFFF  }
0xb5: {  	_ =	strace $0x90000054  }
0xb6: {  	_ =	sfence  }
0xb7: {  	s30 =	sld [smem:$0x0];
	_ =	sdelay $0x2  }
0xb8: {  	s31 =	sshll.u32 s1, $0xD;
	s1 =	sshrl.u32 s1, $0x2  }
0xb9: {  	s3 =	sand.u32 $0x4000, s31;
	s1 =	sadd.s32 s1, s30  }
0xba: {  	s0 =	sor.u32 s3, s0;
	s1 =	sshll.u32 s1, $0x11  }
0xbb: {  	s0 =	sor.u32 s1, s0  }
0xbc: {  	s0 =	sadd.s32 $0x8F2B, s0  }
0xbd: {  	[sflag:s0] =	ssyncadd.remote.s32 $0x1  }
0xbe: {  	_ =	sfence.sel $0xFFFF  }
0xbf: {  	[dreg:$0x0] =	wrdreg $0xFFFFFFFF;
	(pc) =	sbr.abs _section_cstart, $3  }
0xc0: {  	[dreg:$0x1] =	wrdreg $0xFFFFFFFF  }
0xc1: {  	_ =	task.clear_ibuf [dreg:s7], $0x2FFFF;
	_ =	strace $0x9FFFFFFF  }
0xc2: {  	(tm) =	ssettm $0x7FFFFFFF  }
0xc3: {  	_ =	shalt  }
tec
execute0_lowered:
.L_overlay_start_1:
0x0: {  	(tag) =	ssettag $0x1  }
0x1: {  	s1 =	srdreg.scid  }
0x2: {  	s8 =	rddreg [dreg:$0x0];
	s0 =	stileid.u32;
	s26 =	sand.u32 $0x1, s1  }
0x3: {  	s17 =	rddreg [dreg:$0x1];
	s4 =	sshll.u32 s0, $0x1;
	s3 =	sshll.u32 s26, $0x5  }
0x4: {  	s2 =	simm.s32 $0x0;
	s1 =	rddreg [dreg:$0x2];
	s18 =	sor.u32 s4, s3  }
0x5: {  	[smem:$0x7FF] =	sst s2;
	s15 =	sshll.u32 s18, $0x4  }
0x6: {  	_ =	strace $0x80000053;
	s3 =	simm.s32 $0x2;
	s4 =	sadd.s32 s17, s15  }
0x7: {  	[tilespmem:s2], [sflag:$0x2] =	stream.linear.gather [hbm4b:s4+s2], $0x80, $0x38;
	[tilespmem:$0x100] =	vst v63  }
0x8: {  	_ =	swait.ge [sflag:s3], $0x80  }
0x9: {  	s6 =	simm.s32 $0x80;
	s7 =	simm.s32 $0x1;
	[sflag:s3] =	ssyncset.done $0x0  }
0xa: {  	s5 =	sadd.s32 $0x4800, s8;
	s9 =	smul.u32 $0x280, s18;
	[sflag:s3] =	ssyncadd.s32 $0xFFFFFF80  }
0xb: {  	[tilespmem:s6], [sflag:$0x1] =	stream.indirect.gather [hbm4b:s5+s6], $0x1, s2, s6, $0xb8;
	[tilespmem:$0x100] =	vst v63  }
0xc: {  	_ =	swait.ge [sflag:s7], $0x80  }
0xd: {  	s19 =	sadd.s32 $0x4E00, s8;
	s31 =	sshrl.u32 s9, $0x3;
	[sflag:s7] =	ssyncset.done $0x0  }
0xe: {  	s8 =	sadd.s32 s19, s31;
	[sflag:s7] =	ssyncadd.s32 $0xFFFFFF80  }
0xf: {  	[hbm4b:s8+s2] =	stream.linear.scatter [tilespmem:s6], [sflag:$0x2], $0x80, $0x38;
	[tilespmem:$0x100] =	vst v63  }
0x10: {  	_ =	swait.ge [sflag:s3], $0x80  }
0x11: {  	s20 =	sadd.s32 $0x400, s17;
	[sflag:s3] =	ssyncset.done $0x0  }
0x12: {  	s9 =	sadd.s32 s15, s20;
	[sflag:s3] =	ssyncadd.s32 $0xFFFFFF80  }
0x13: {  	[tilespmem:s2], [sflag:$0x2] =	stream.linear.gather [hbm4b:s9+s2], $0x80, $0x38;
	[tilespmem:$0x100] =	vst v63  }
0x14: {  	_ =	swait.ge [sflag:s3], $0x80  }
0x15: {  	[sflag:s3] =	ssyncset.done $0x0  }
0x16: {  	[sflag:s3] =	ssyncadd.s32 $0xFFFFFF80  }
0x17: {  	[tilespmem:s6], [sflag:$0x1] =	stream.indirect.gather [hbm4b:s5+s6], $0x1, s2, s6, $0xb8;
	[tilespmem:$0x100] =	vst v63  }
0x18: {  	_ =	swait.ge [sflag:s7], $0x80  }
0x19: {  	[sflag:s7] =	ssyncset.done $0x0  }
0x1a: {  	s10 =	sadd.s32 $0x10, s8;
	[sflag:s7] =	ssyncadd.s32 $0xFFFFFF80  }
0x1b: {  	[hbm4b:s10+s2] =	stream.linear.scatter [tilespmem:s6], [sflag:$0x2], $0x80, $0x38;
	[tilespmem:$0x100] =	vst v63  }
0x1c: {  	_ =	swait.ge [sflag:s3], $0x80  }
0x1d: {  	s21 =	sadd.s32 $0x800, s17;
	[sflag:s3] =	ssyncset.done $0x0  }
0x1e: {  	s11 =	sadd.s32 s15, s21;
	[sflag:s3] =	ssyncadd.s32 $0xFFFFFF80  }
0x1f: {  	[tilespmem:s2], [sflag:$0x2] =	stream.linear.gather [hbm4b:s11+s2], $0x80, $0x38;
	[tilespmem:$0x100] =	vst v63  }
0x20: {  	_ =	swait.ge [sflag:s3], $0x80  }
0x21: {  	[sflag:s3] =	ssyncset.done $0x0  }
0x22: {  	[sflag:s3] =	ssyncadd.s32 $0xFFFFFF80  }
0x23: {  	[tilespmem:s6], [sflag:$0x1] =	stream.indirect.gather [hbm4b:s5+s6], $0x1, s2, s6, $0xb8;
	[tilespmem:$0x100] =	vst v63  }
0x24: {  	_ =	swait.ge [sflag:s7], $0x80  }
0x25: {  	[sflag:s7] =	ssyncset.done $0x0  }
0x26: {  	s12 =	sadd.s32 $0x20, s8;
	[sflag:s7] =	ssyncadd.s32 $0xFFFFFF80  }
0x27: {  	[hbm4b:s12+s2] =	stream.linear.scatter [tilespmem:s6], [sflag:$0x2], $0x80, $0x38;
	[tilespmem:$0x100] =	vst v63  }
0x28: {  	_ =	swait.ge [sflag:s3], $0x80  }
0x29: {  	s23 =	sadd.s32 $0xC00, s17;
	[sflag:s3] =	ssyncset.done $0x0  }
0x2a: {  	s13 =	sadd.s32 s15, s23;
	[sflag:s3] =	ssyncadd.s32 $0xFFFFFF80  }
0x2b: {  	[tilespmem:s2], [sflag:$0x2] =	stream.linear.gather [hbm4b:s13+s2], $0x80, $0x38;
	[tilespmem:$0x100] =	vst v63  }
0x2c: {  	_ =	swait.ge [sflag:s3], $0x80  }
0x2d: {  	[sflag:s3] =	ssyncset.done $0x0  }
0x2e: {  	[sflag:s3] =	ssyncadd.s32 $0xFFFFFF80  }
0x2f: {  	[tilespmem:s6], [sflag:$0x1] =	stream.indirect.gather [hbm4b:s5+s6], $0x1, s2, s6, $0xb8;
	[tilespmem:$0x100] =	vst v63  }
0x30: {  	_ =	swait.ge [sflag:s7], $0x80  }
0x31: {  	[sflag:s7] =	ssyncset.done $0x0  }
0x32: {  	s14 =	sadd.s32 $0x30, s8;
	[sflag:s7] =	ssyncadd.s32 $0xFFFFFF80  }
0x33: {  	[hbm4b:s14+s2] =	stream.linear.scatter [tilespmem:s6], [sflag:$0x2], $0x80, $0x38;
	[tilespmem:$0x100] =	vst v63  }
0x34: {  	_ =	swait.ge [sflag:s3], $0x80  }
0x35: {  	s25 =	sadd.s32 $0x1000, s17;
	[sflag:s3] =	ssyncset.done $0x0  }
0x36: {  	s15 =	sadd.s32 s15, s25;
	[sflag:s3] =	ssyncadd.s32 $0xFFFFFF80  }
0x37: {  	[tilespmem:s2], [sflag:$0x2] =	stream.linear.gather [hbm4b:s15+s2], $0x80, $0x38;
	[tilespmem:$0x100] =	vst v63  }
0x38: {  	_ =	swait.ge [sflag:s3], $0x80  }
0x39: {  	[sflag:s3] =	ssyncset.done $0x0  }
0x3a: {  	[sflag:s3] =	ssyncadd.s32 $0xFFFFFF80  }
0x3b: {  	[tilespmem:s6], [sflag:$0x1] =	stream.indirect.gather [hbm4b:s5+s6], $0x1, s2, s6, $0xb8;
	[tilespmem:$0x100] =	vst v63  }
0x3c: {  	_ =	swait.ge [sflag:s7], $0x80  }
0x3d: {  	[sflag:s7] =	ssyncset.done $0x0  }
0x3e: {  	s16 =	sadd.s32 $0x40, s8;
	[sflag:s7] =	ssyncadd.s32 $0xFFFFFF80  }
0x3f: {  	[hbm4b:s16+s2] =	stream.linear.scatter [tilespmem:s6], [sflag:$0x2], $0x80, $0x38;
	[tilespmem:$0x100] =	vst v63  }
0x40: {  	s18 =	sor.u32 $0x1, s18;
	_ =	swait.ge [sflag:s3], $0x80  }
0x41: {  	s28 =	sshll.u32 s18, $0x4;
	[sflag:s3] =	ssyncset.done $0x0  }
0x42: {  	s17 =	sadd.s32 s17, s28;
	[sflag:s3] =	ssyncadd.s32 $0xFFFFFF80  }
0x43: {  	[tilespmem:s2], [sflag:$0x2] =	stream.linear.gather [hbm4b:s17+s2], $0x80, $0x38;
	[tilespmem:$0x100] =	vst v63  }
0x44: {  	_ =	swait.ge [sflag:s3], $0x80  }
0x45: {  	[sflag:s3] =	ssyncset.done $0x0  }
0x46: {  	s18 =	smul.u32 $0x280, s18;
	[sflag:s3] =	ssyncadd.s32 $0xFFFFFF80  }
0x47: {  	[tilespmem:s6], [sflag:$0x1] =	stream.indirect.gather [hbm4b:s5+s6], $0x1, s2, s6, $0xb8;
	[tilespmem:$0x100] =	vst v63  }
0x48: {  	_ =	swait.ge [sflag:s7], $0x80  }
0x49: {  	s18 =	sshrl.u32 s18, $0x3;
	[sflag:s7] =	ssyncset.done $0x0  }
0x4a: {  	s18 =	sadd.s32 s19, s18;
	[sflag:s7] =	ssyncadd.s32 $0xFFFFFF80  }
0x4b: {  	[hbm4b:s18+s2] =	stream.linear.scatter [tilespmem:s6], [sflag:$0x2], $0x80, $0x38;
	[tilespmem:$0x100] =	vst v63  }
0x4c: {  	_ =	swait.ge [sflag:s3], $0x80  }
0x4d: {  	[sflag:s3] =	ssyncset.done $0x0  }
0x4e: {  	s19 =	sadd.s32 s28, s20;
	[sflag:s3] =	ssyncadd.s32 $0xFFFFFF80  }
0x4f: {  	[tilespmem:s2], [sflag:$0x2] =	stream.linear.gather [hbm4b:s19+s2], $0x80, $0x38;
	[tilespmem:$0x100] =	vst v63  }
0x50: {  	_ =	swait.ge [sflag:s3], $0x80  }
0x51: {  	[sflag:s3] =	ssyncset.done $0x0  }
0x52: {  	[sflag:s3] =	ssyncadd.s32 $0xFFFFFF80  }
0x53: {  	[tilespmem:s6], [sflag:$0x1] =	stream.indirect.gather [hbm4b:s5+s6], $0x1, s2, s6, $0xb8;
	[tilespmem:$0x100] =	vst v63  }
0x54: {  	_ =	swait.ge [sflag:s7], $0x80  }
0x55: {  	[sflag:s7] =	ssyncset.done $0x0  }
0x56: {  	s20 =	sadd.s32 $0x10, s18;
	[sflag:s7] =	ssyncadd.s32 $0xFFFFFF80  }
0x57: {  	[hbm4b:s20+s2] =	stream.linear.scatter [tilespmem:s6], [sflag:$0x2], $0x80, $0x38;
	[tilespmem:$0x100] =	vst v63  }
0x58: {  	_ =	swait.ge [sflag:s3], $0x80  }
0x59: {  	[sflag:s3] =	ssyncset.done $0x0  }
0x5a: {  	s21 =	sadd.s32 s28, s21;
	[sflag:s3] =	ssyncadd.s32 $0xFFFFFF80  }
0x5b: {  	[tilespmem:s2], [sflag:$0x2] =	stream.linear.gather [hbm4b:s21+s2], $0x80, $0x38;
	[tilespmem:$0x100] =	vst v63  }
0x5c: {  	_ =	swait.ge [sflag:s3], $0x80  }
0x5d: {  	[sflag:s3] =	ssyncset.done $0x0  }
0x5e: {  	[sflag:s3] =	ssyncadd.s32 $0xFFFFFF80  }
0x5f: {  	[tilespmem:s6], [sflag:$0x1] =	stream.indirect.gather [hbm4b:s5+s6], $0x1, s2, s6, $0xb8;
	[tilespmem:$0x100] =	vst v63  }
0x60: {  	_ =	swait.ge [sflag:s7], $0x80  }
0x61: {  	[sflag:s7] =	ssyncset.done $0x0  }
0x62: {  	s22 =	sadd.s32 $0x20, s18;
	[sflag:s7] =	ssyncadd.s32 $0xFFFFFF80  }
0x63: {  	[hbm4b:s22+s2] =	stream.linear.scatter [tilespmem:s6], [sflag:$0x2], $0x80, $0x38;
	[tilespmem:$0x100] =	vst v63  }
0x64: {  	_ =	swait.ge [sflag:s3], $0x80  }
0x65: {  	[sflag:s3] =	ssyncset.done $0x0  }
0x66: {  	s23 =	sadd.s32 s28, s23;
	[sflag:s3] =	ssyncadd.s32 $0xFFFFFF80  }
0x67: {  	[tilespmem:s2], [sflag:$0x2] =	stream.linear.gather [hbm4b:s23+s2], $0x80, $0x38;
	[tilespmem:$0x100] =	vst v63  }
0x68: {  	_ =	swait.ge [sflag:s3], $0x80  }
0x69: {  	[sflag:s3] =	ssyncset.done $0x0  }
0x6a: {  	[sflag:s3] =	ssyncadd.s32 $0xFFFFFF80  }
0x6b: {  	[tilespmem:s6], [sflag:$0x1] =	stream.indirect.gather [hbm4b:s5+s6], $0x1, s2, s6, $0xb8;
	[tilespmem:$0x100] =	vst v63  }
0x6c: {  	_ =	swait.ge [sflag:s7], $0x80  }
0x6d: {  	[sflag:s7] =	ssyncset.done $0x0  }
0x6e: {  	s24 =	sadd.s32 $0x30, s18;
	[sflag:s7] =	ssyncadd.s32 $0xFFFFFF80  }
0x6f: {  	[hbm4b:s24+s2] =	stream.linear.scatter [tilespmem:s6], [sflag:$0x2], $0x80, $0x38;
	[tilespmem:$0x100] =	vst v63  }
0x70: {  	_ =	swait.ge [sflag:s3], $0x80  }
0x71: {  	[sflag:s3] =	ssyncset.done $0x0  }
0x72: {  	s26 =	ssub.s32 $0x2, s26;
	s25 =	sadd.s32 s28, s25;
	[sflag:s3] =	ssyncadd.s32 $0xFFFFFF80  }
0x73: {  	[tilespmem:s2], [sflag:$0x2] =	stream.linear.gather [hbm4b:s25+s2], $0x80, $0x38;
	[tilespmem:$0x100] =	vst v63  }
0x74: {  	s28 =	sshrl.u32 s26, $0x1;
	_ =	swait.ge [sflag:s3], $0x80  }
0x75: {  	s26 =	ssub.s32 s26, s28;
	[sflag:s3] =	ssyncset.done $0x0  }
0x76: {  	s28 =	smax.u32 s26, $0x1;
	[sflag:s3] =	ssyncadd.s32 $0xFFFFFF80  }
0x77: {  	[tilespmem:s6], [sflag:$0x1] =	stream.indirect.gather [hbm4b:s5+s6], $0x1, s2, s6, $0xb8;
	[tilespmem:$0x100] =	vst v63  }
0x78: {  	p0 =	sne.s32 s28, $0x1;
	_ =	swait.ge [sflag:s7], $0x80  }
.Ltmp0:
0x79: {  	[sflag:s7] =	ssyncset.done $0x0;
	(pc) =	sbr.rel @!p0 .LBB2_2-.Ltmp0, $4  }
0x7a: {  	s26 =	sadd.s32 $0x40, s18;
	[sflag:s7] =	ssyncadd.s32 $0xFFFFFF80  }
0x7b: {  	[hbm4b:s26+s2] =	stream.linear.scatter [tilespmem:s6], [sflag:$0x2], $0x80, $0x38;
	[tilespmem:$0x100] =	vst v63  }
0x7c: {  	_ =	swait.ge [sflag:s3], $0x80  }
0x7d: {  	s28 =	sadd.s32 $0xFFFFFFFF, s28;
	[sflag:s3] =	ssyncset.done $0x0  }
.LBB2_1:
0x7e: {  	p0 =	sne.s32 s28, $0x1;
	s28 =	sadd.s32 $0xFFFFFFFF, s28;
	[sflag:s3] =	ssyncadd.s32 $0xFFFFFF80  }
0x7f: {  	[tilespmem:s2], [sflag:$0x2] =	stream.linear.gather [hbm4b:s4+s2], $0x80, $0x38;
	[tilespmem:$0x100] =	vst v63  }
0x80: {  	_ =	swait.ge [sflag:s3], $0x80  }
0x81: {  	[sflag:s3] =	ssyncset.done $0x0  }
0x82: {  	[sflag:s3] =	ssyncadd.s32 $0xFFFFFF80  }
0x83: {  	[tilespmem:s6], [sflag:$0x1] =	stream.indirect.gather [hbm4b:s5+s6], $0x1, s2, s6, $0xb8;
	[tilespmem:$0x100] =	vst v63  }
0x84: {  	_ =	swait.ge [sflag:s7], $0x80  }
0x85: {  	[sflag:s7] =	ssyncset.done $0x0  }
0x86: {  	[sflag:s7] =	ssyncadd.s32 $0xFFFFFF80  }
0x87: {  	[hbm4b:s8+s2] =	stream.linear.scatter [tilespmem:s6], [sflag:$0x2], $0x80, $0x38;
	[tilespmem:$0x100] =	vst v63  }
0x88: {  	_ =	swait.ge [sflag:s3], $0x80  }
0x89: {  	[sflag:s3] =	ssyncset.done $0x0  }
0x8a: {  	[sflag:s3] =	ssyncadd.s32 $0xFFFFFF80  }
0x8b: {  	[tilespmem:s2], [sflag:$0x2] =	stream.linear.gather [hbm4b:s9+s2], $0x80, $0x38;
	[tilespmem:$0x100] =	vst v63  }
0x8c: {  	_ =	swait.ge [sflag:s3], $0x80  }
0x8d: {  	[sflag:s3] =	ssyncset.done $0x0  }
0x8e: {  	[sflag:s3] =	ssyncadd.s32 $0xFFFFFF80  }
0x8f: {  	[tilespmem:s6], [sflag:$0x1] =	stream.indirect.gather [hbm4b:s5+s6], $0x1, s2, s6, $0xb8;
	[tilespmem:$0x100] =	vst v63  }
0x90: {  	_ =	swait.ge [sflag:s7], $0x80  }
0x91: {  	[sflag:s7] =	ssyncset.done $0x0  }
0x92: {  	[sflag:s7] =	ssyncadd.s32 $0xFFFFFF80  }
0x93: {  	[hbm4b:s10+s2] =	stream.linear.scatter [tilespmem:s6], [sflag:$0x2], $0x80, $0x38;
	[tilespmem:$0x100] =	vst v63  }
0x94: {  	_ =	swait.ge [sflag:s3], $0x80  }
0x95: {  	[sflag:s3] =	ssyncset.done $0x0  }
0x96: {  	[sflag:s3] =	ssyncadd.s32 $0xFFFFFF80  }
0x97: {  	[tilespmem:s2], [sflag:$0x2] =	stream.linear.gather [hbm4b:s11+s2], $0x80, $0x38;
	[tilespmem:$0x100] =	vst v63  }
0x98: {  	_ =	swait.ge [sflag:s3], $0x80  }
0x99: {  	[sflag:s3] =	ssyncset.done $0x0  }
0x9a: {  	[sflag:s3] =	ssyncadd.s32 $0xFFFFFF80  }
0x9b: {  	[tilespmem:s6], [sflag:$0x1] =	stream.indirect.gather [hbm4b:s5+s6], $0x1, s2, s6, $0xb8;
	[tilespmem:$0x100] =	vst v63  }
0x9c: {  	_ =	swait.ge [sflag:s7], $0x80  }
0x9d: {  	[sflag:s7] =	ssyncset.done $0x0  }
0x9e: {  	[sflag:s7] =	ssyncadd.s32 $0xFFFFFF80  }
0x9f: {  	[hbm4b:s12+s2] =	stream.linear.scatter [tilespmem:s6], [sflag:$0x2], $0x80, $0x38;
	[tilespmem:$0x100] =	vst v63  }
0xa0: {  	_ =	swait.ge [sflag:s3], $0x80  }
0xa1: {  	[sflag:s3] =	ssyncset.done $0x0  }
0xa2: {  	[sflag:s3] =	ssyncadd.s32 $0xFFFFFF80  }
0xa3: {  	[tilespmem:s2], [sflag:$0x2] =	stream.linear.gather [hbm4b:s13+s2], $0x80, $0x38;
	[tilespmem:$0x100] =	vst v63  }
0xa4: {  	_ =	swait.ge [sflag:s3], $0x80  }
0xa5: {  	[sflag:s3] =	ssyncset.done $0x0  }
0xa6: {  	[sflag:s3] =	ssyncadd.s32 $0xFFFFFF80  }
0xa7: {  	[tilespmem:s6], [sflag:$0x1] =	stream.indirect.gather [hbm4b:s5+s6], $0x1, s2, s6, $0xb8;
	[tilespmem:$0x100] =	vst v63  }
0xa8: {  	_ =	swait.ge [sflag:s7], $0x80  }
0xa9: {  	[sflag:s7] =	ssyncset.done $0x0  }
0xaa: {  	[sflag:s7] =	ssyncadd.s32 $0xFFFFFF80  }
0xab: {  	[hbm4b:s14+s2] =	stream.linear.scatter [tilespmem:s6], [sflag:$0x2], $0x80, $0x38;
	[tilespmem:$0x100] =	vst v63  }
0xac: {  	_ =	swait.ge [sflag:s3], $0x80  }
0xad: {  	[sflag:s3] =	ssyncset.done $0x0  }
0xae: {  	[sflag:s3] =	ssyncadd.s32 $0xFFFFFF80  }
0xaf: {  	[tilespmem:s2], [sflag:$0x2] =	stream.linear.gather [hbm4b:s15+s2], $0x80, $0x38;
	[tilespmem:$0x100] =	vst v63  }
0xb0: {  	_ =	swait.ge [sflag:s3], $0x80  }
0xb1: {  	[sflag:s3] =	ssyncset.done $0x0  }
0xb2: {  	[sflag:s3] =	ssyncadd.s32 $0xFFFFFF80  }
0xb3: {  	[tilespmem:s6], [sflag:$0x1] =	stream.indirect.gather [hbm4b:s5+s6], $0x1, s2, s6, $0xb8;
	[tilespmem:$0x100] =	vst v63  }
0xb4: {  	_ =	swait.ge [sflag:s7], $0x80  }
0xb5: {  	[sflag:s7] =	ssyncset.done $0x0  }
0xb6: {  	[sflag:s7] =	ssyncadd.s32 $0xFFFFFF80  }
0xb7: {  	[hbm4b:s16+s2] =	stream.linear.scatter [tilespmem:s6], [sflag:$0x2], $0x80, $0x38;
	[tilespmem:$0x100] =	vst v63  }
0xb8: {  	_ =	swait.ge [sflag:s3], $0x80  }
0xb9: {  	[sflag:s3] =	ssyncset.done $0x0  }
0xba: {  	[sflag:s3] =	ssyncadd.s32 $0xFFFFFF80  }
0xbb: {  	[tilespmem:s2], [sflag:$0x2] =	stream.linear.gather [hbm4b:s17+s2], $0x80, $0x38;
	[tilespmem:$0x100] =	vst v63  }
0xbc: {  	_ =	swait.ge [sflag:s3], $0x80  }
0xbd: {  	[sflag:s3] =	ssyncset.done $0x0  }
0xbe: {  	[sflag:s3] =	ssyncadd.s32 $0xFFFFFF80  }
0xbf: {  	[tilespmem:s6], [sflag:$0x1] =	stream.indirect.gather [hbm4b:s5+s6], $0x1, s2, s6, $0xb8;
	[tilespmem:$0x100] =	vst v63  }
0xc0: {  	_ =	swait.ge [sflag:s7], $0x80  }
0xc1: {  	[sflag:s7] =	ssyncset.done $0x0  }
0xc2: {  	[sflag:s7] =	ssyncadd.s32 $0xFFFFFF80  }
0xc3: {  	[hbm4b:s18+s2] =	stream.linear.scatter [tilespmem:s6], [sflag:$0x2], $0x80, $0x38;
	[tilespmem:$0x100] =	vst v63  }
0xc4: {  	_ =	swait.ge [sflag:s3], $0x80  }
0xc5: {  	[sflag:s3] =	ssyncset.done $0x0  }
0xc6: {  	[sflag:s3] =	ssyncadd.s32 $0xFFFFFF80  }
0xc7: {  	[tilespmem:s2], [sflag:$0x2] =	stream.linear.gather [hbm4b:s19+s2], $0x80, $0x38;
	[tilespmem:$0x100] =	vst v63  }
0xc8: {  	_ =	swait.ge [sflag:s3], $0x80  }
0xc9: {  	[sflag:s3] =	ssyncset.done $0x0  }
0xca: {  	[sflag:s3] =	ssyncadd.s32 $0xFFFFFF80  }
0xcb: {  	[tilespmem:s6], [sflag:$0x1] =	stream.indirect.gather [hbm4b:s5+s6], $0x1, s2, s6, $0xb8;
	[tilespmem:$0x100] =	vst v63  }
0xcc: {  	_ =	swait.ge [sflag:s7], $0x80  }
0xcd: {  	[sflag:s7] =	ssyncset.done $0x0  }
0xce: {  	[sflag:s7] =	ssyncadd.s32 $0xFFFFFF80  }
0xcf: {  	[hbm4b:s20+s2] =	stream.linear.scatter [tilespmem:s6], [sflag:$0x2], $0x80, $0x38;
	[tilespmem:$0x100] =	vst v63  }
0xd0: {  	_ =	swait.ge [sflag:s3], $0x80  }
0xd1: {  	[sflag:s3] =	ssyncset.done $0x0  }
0xd2: {  	[sflag:s3] =	ssyncadd.s32 $0xFFFFFF80  }
0xd3: {  	[tilespmem:s2], [sflag:$0x2] =	stream.linear.gather [hbm4b:s21+s2], $0x80, $0x38;
	[tilespmem:$0x100] =	vst v63  }
0xd4: {  	_ =	swait.ge [sflag:s3], $0x80  }
0xd5: {  	[sflag:s3] =	ssyncset.done $0x0  }
0xd6: {  	[sflag:s3] =	ssyncadd.s32 $0xFFFFFF80  }
0xd7: {  	[tilespmem:s6], [sflag:$0x1] =	stream.indirect.gather [hbm4b:s5+s6], $0x1, s2, s6, $0xb8;
	[tilespmem:$0x100] =	vst v63  }
0xd8: {  	_ =	swait.ge [sflag:s7], $0x80  }
0xd9: {  	[sflag:s7] =	ssyncset.done $0x0  }
0xda: {  	[sflag:s7] =	ssyncadd.s32 $0xFFFFFF80  }
0xdb: {  	[hbm4b:s22+s2] =	stream.linear.scatter [tilespmem:s6], [sflag:$0x2], $0x80, $0x38;
	[tilespmem:$0x100] =	vst v63  }
0xdc: {  	_ =	swait.ge [sflag:s3], $0x80  }
0xdd: {  	[sflag:s3] =	ssyncset.done $0x0  }
0xde: {  	[sflag:s3] =	ssyncadd.s32 $0xFFFFFF80  }
0xdf: {  	[tilespmem:s2], [sflag:$0x2] =	stream.linear.gather [hbm4b:s23+s2], $0x80, $0x38;
	[tilespmem:$0x100] =	vst v63  }
0xe0: {  	_ =	swait.ge [sflag:s3], $0x80  }
0xe1: {  	[sflag:s3] =	ssyncset.done $0x0  }
0xe2: {  	[sflag:s3] =	ssyncadd.s32 $0xFFFFFF80  }
0xe3: {  	[tilespmem:s6], [sflag:$0x1] =	stream.indirect.gather [hbm4b:s5+s6], $0x1, s2, s6, $0xb8;
	[tilespmem:$0x100] =	vst v63  }
0xe4: {  	_ =	swait.ge [sflag:s7], $0x80  }
0xe5: {  	[sflag:s7] =	ssyncset.done $0x0  }
0xe6: {  	[sflag:s7] =	ssyncadd.s32 $0xFFFFFF80  }
0xe7: {  	[hbm4b:s24+s2] =	stream.linear.scatter [tilespmem:s6], [sflag:$0x2], $0x80, $0x38;
	[tilespmem:$0x100] =	vst v63  }
0xe8: {  	_ =	swait.ge [sflag:s3], $0x80  }
0xe9: {  	[sflag:s3] =	ssyncset.done $0x0  }
0xea: {  	[sflag:s3] =	ssyncadd.s32 $0xFFFFFF80  }
0xeb: {  	[tilespmem:s2], [sflag:$0x2] =	stream.linear.gather [hbm4b:s25+s2], $0x80, $0x38;
	[tilespmem:$0x100] =	vst v63  }
0xec: {  	_ =	swait.ge [sflag:s3], $0x80  }
0xed: {  	[sflag:s3] =	ssyncset.done $0x0  }
0xee: {  	[sflag:s3] =	ssyncadd.s32 $0xFFFFFF80  }
0xef: {  	[tilespmem:s6], [sflag:$0x1] =	stream.indirect.gather [hbm4b:s5+s6], $0x1, s2, s6, $0xb8;
	[tilespmem:$0x100] =	vst v63  }
0xf0: {  	_ =	swait.ge [sflag:s7], $0x80  }
.Ltmp1:
0xf1: {  	[sflag:s7] =	ssyncset.done $0x0;
	(pc) =	sbr.rel @p0 .LBB2_1-.Ltmp1, $4  }
0xf2: {  	[sflag:s7] =	ssyncadd.s32 $0xFFFFFF80  }
0xf3: {  	[hbm4b:s26+s2] =	stream.linear.scatter [tilespmem:s6], [sflag:$0x2], $0x80, $0x38;
	[tilespmem:$0x100] =	vst v63  }
0xf4: {  	_ =	swait.ge [sflag:s3], $0x80  }
0xf5: {  	[sflag:s3] =	ssyncset.done $0x0  }
.LBB2_2:
0xf6: {  	[sflag:s3] =	ssyncadd.s32 $0xFFFFFF80  }
0xf7: {  	_ =	sfence.sel $0x180000  }
0xf8: {  	[bflag:$0x0] =	sbarrier.arrive $0xFFFF  }
0xf9: {  	p0 =	sne.s32 s0, $0x0;
	_ =	strace $0x90000053  }
0xfa: {  	s0 =	sadd.s32 @!p0 $0x100000, s1;
	[bflag:$0x2] =	sbarrier.arrive $0xFFFF  }
0xfb: {  	[sflag:s0] =	ssyncadd.tile.s32 @!p0 $0x1;
	_ =	shalt  }
.Lfunc_end2:
_tile_overlayer_lowered:
.L_overlay_start_2:
0xfc: {  	(tag) =	ssettag $0x2  }
0xfd: {  	s0 =	rddreg [dreg:$0x0];
	s2 =	stileid.u32  }
0xfe: {  	s1 =	rddreg [dreg:$0x1];
	p0 =	sne.s32 s2, $0x0  }
0xff: {  	s3 =	rddreg [dreg:$0x2];
	[bflag:$0x3] =	sbarrier.arrive $0xFFFF;
	s2 =	simm.s32 @!p0 $0x1C02  }
0x100: {  	[timem:s3], [sflag:s2] =	dma.local @!p0 [hbm:s0], s1  }
0x101: {  	s0 =	simm.s32 @!p0 $0x2  }
0x102: {  	_ =	swait.ge @!p0 [sflag:s0], s1  }
0x103: {  	s1 =	ssub.s32 @!p0 $0x0, s1;
	[sflag:s0] =	ssyncset.done @!p0 $0x0  }
0x104: {  	[sflag:s0] =	ssyncadd.s32 @!p0 s1  }
0x105: {  	[bflag:$0x3] =	sbarrier.arrive $0xFFFF  }
0x106: {  	_ =	shalt  }

// kernel: kernel.27.cloned.1.call-start
scs
__scs_entry_jumppad:
0x0: {  	(pc) =	sbr.rel $0x88, $3  }
0x1: {  	(tag) =	ssettag $0x0;
	lr =	simm.s32 $0x1  }
0x2: {  	[smem:$0x3F98] =	sst lr;
	_ =	strace $0xD0000000  }
0x3: {  	_ = 	snop  }
0x4: {  	_ = 	snop  }
0x5: {  	_ = 	snop  }
0x6: {  	_ = 	snop  }
0x7: {  	_ = 	snop  }
__scs_overlays_trampoline_lowered:
0x8: {  	[smem:$0x3FA7] =	sst s0  }
0x9: {  	[smem:$0x3FA8] =	sst s1  }
0xa: {  	[smem:$0x3FA9] =	sst s2  }
0xb: {  	[smem:$0x3FAA] =	sst s3  }
0xc: {  	[smem:$0x3FAB] =	sst s4  }
0xd: {  	[smem:$0x3FAC] =	sst s5  }
0xe: {  	[smem:$0x3FAD] =	sst s6  }
0xf: {  	[smem:$0x3FAE] =	sst s7  }
0x10: {  	[smem:$0x3FAF] =	sst s8  }
0x11: {  	[smem:$0x3FB0] =	sst s9;
	s0 =	simm.s32 @!p0 $0x0  }
0x12: {  	s1 =	sld [smem:$0x3F96];
	s0 =	simm.s32 @p0 $0x1  }
0x13: {  	[smem:$0x3FB1] =	sst s0;
	s0 =	simm.s32 @!p1 $0x0  }
0x14: {  	s2 =	sld [smem:$0x3F95];
	s0 =	simm.s32 @p1 $0x1  }
0x15: {  	[smem:$0x3FB2] =	sst s0;
	s0 =	simm.s32 @!p2 $0x0  }
0x16: {  	s3 =	sld [smem:$0x3FDB];
	s0 =	simm.s32 @p2 $0x1  }
0x17: {  	s4 =	simm.s32 $0x1BF5;
	[smem:$0x3FB4] =	sst s0  }
0x18: {  	s0 =	sld [smem:$0x3F97];
	_ =	swait.ge [sflag:s4], $0x0  }
0x19: {  	s7 =	sld [smem:$0x3F98]  }
0x1a: {  	s8 =	sadd.s32 $0xFFFFE003, lr  }
0x1b: {  	s9 =	sadd.s32 $0xFFFFFEF7, lr;
	s5 =	simm.s32 $0xFFFFFFFF;
	p2 =	slt.u32 s8, $0xFFFFF086  }
0x1c: {  	p1 =	slt.u32 s9, $0xF7A;
	s5 =	simm.s32 @!p2 $0x0  }
0x1d: {  	s5 =	simm.s32 @p1 $0x1;
	p0 =	seq.s32 s7, s2  }
0x1e: {  	s7 =	smul.u32 @!p0 $0xF7A, s2;
	p2 =	seq.s32 @!p0 s5, $0x0  }
0x1f: {  	s9 =	smul.u32 $0xF7A, s1;
	s8 =	simm.s32 @!p0 $0x1BF5;
	p2 =	por !p2, p0  }
0x20: {  	[sflag:s8] =	ssyncset.s32 @!p0 $0xFFFFF086;
	s6 =	sadd.s32 @!p0 s3, s7;
	s7 =	simm.s32 @!p0 $0x108  }
0x21: {  	s3 =	sadd.s32 s3, s9;
	s6 =	sadd.s32 @!p0 $0x88, s6;
	s7 =	simm.s32 @p2 $0x1082  }
0x22: {  	[simem:s7], [sflag:s8] =	dma.local @!p0 [hbm:s6], $0xF7A  }
0x23: {  	s9 =	sor.u32 $0xD0000000, s2;
	s6 =	simm.s32 $0x108;
	_ =	swait.ge @!p0 [sflag:s8], $0x0  }
0x24: {  	s3 =	sadd.s32 $0x88, s3;
	s6 =	simm.s32 @!p1 $0x1082;
	[sflag:s4] =	ssyncset.s32 $0xFFFFF086  }
0x25: {  	[simem:s6], [sflag:s4] =	dma.local [hbm:s3], $0xF7A  }
0x26: {  	[smem:$0x3F98] =	sst s1;
	(tag) =	ssettag s2;
	_ =	strace s9  }
0x27: {  	s1 =	sld [smem:$0x3FA8]  }
0x28: {  	s2 =	sld [smem:$0x3FA9]  }
0x29: {  	s4 =	sld [smem:$0x3FAB]  }
0x2a: {  	p0 =	seq.s32 s5, $0x0;
	s5 =	sld [smem:$0x3FAC]  }
0x2b: {  	s6 =	sld [smem:$0x3FAD]  }
0x2c: {  	s7 =	sld [smem:$0x3FAE]  }
0x2d: {  	s3 =	simm.s32 $0x108;
	s8 =	sld [smem:$0x3FAF]  }
0x2e: {  	s3 =	simm.s32 @!p0 $0x1082;
	s9 =	sld [smem:$0x3FB0]  }
0x2f: {  	lr =	sadd.s32 s0, s3;
	s0 =	sld [smem:$0x3FA7]  }
0x30: {  	s3 =	sld [smem:$0x3FAA]  }
0x31: {  	[smem:$0x3FB3] =	sst s10  }
0x32: {  	s10 =	sld [smem:$0x3FB1];
	_ =	sdelay $0x3  }
0x33: {  	p0 =	seq.s32 s10, $0x1;
	s10 =	sld [smem:$0x3FB3];
	_ =	sdelay $0x3  }
0x34: {  	[smem:$0x3FB3] =	sst s10  }
0x35: {  	s10 =	sld [smem:$0x3FB2];
	_ =	sdelay $0x3  }
0x36: {  	p1 =	seq.s32 s10, $0x1;
	s10 =	sld [smem:$0x3FB3];
	_ =	sdelay $0x3  }
0x37: {  	[smem:$0x3FB3] =	sst s10  }
0x38: {  	s10 =	sld [smem:$0x3FB4]  }
0x39: {  	_ = 	snop;
	(pc) =	sbr.ind lr, $3  }
0x3a: {  	_ = 	snop  }
0x3b: {  	_ = 	snop  }
0x3c: {  	p2 =	seq.s32 s10, $0x1;
	s10 =	sld [smem:$0x3FB3]  }
0x3d: {  	_ =	shalt  }
0x3e: {  	_ =	shalt  }
0x3f: {  	_ =	shalt  }
0x40: {  	_ =	shalt  }
0x41: {  	_ =	shalt  }
0x42: {  	_ =	shalt  }
0x43: {  	_ =	shalt  }
0x44: {  	_ =	shalt  }
0x45: {  	_ =	shalt  }
0x46: {  	_ =	shalt  }
0x47: {  	_ =	shalt  }
0x48: {  	_ =	shalt  }
0x49: {  	_ =	shalt  }
0x4a: {  	_ =	shalt  }
0x4b: {  	_ =	shalt  }
0x4c: {  	_ =	shalt  }
0x4d: {  	_ =	shalt  }
0x4e: {  	_ =	shalt  }
0x4f: {  	_ =	shalt  }
0x50: {  	_ =	shalt  }
0x51: {  	_ =	shalt  }
0x52: {  	_ =	shalt  }
0x53: {  	_ =	shalt  }
0x54: {  	_ =	shalt  }
0x55: {  	_ =	shalt  }
0x56: {  	_ =	shalt  }
0x57: {  	_ =	shalt  }
0x58: {  	_ =	shalt  }
0x59: {  	_ =	shalt  }
0x5a: {  	_ =	shalt  }
0x5b: {  	_ =	shalt  }
0x5c: {  	_ =	shalt  }
0x5d: {  	_ =	shalt  }
0x5e: {  	_ =	shalt  }
0x5f: {  	_ =	shalt  }
0x60: {  	_ =	shalt  }
0x61: {  	_ =	shalt  }
0x62: {  	_ =	shalt  }
0x63: {  	_ =	shalt  }
0x64: {  	_ =	shalt  }
0x65: {  	_ =	shalt  }
0x66: {  	_ =	shalt  }
0x67: {  	_ =	shalt  }
0x68: {  	_ =	shalt  }
0x69: {  	_ =	shalt  }
0x6a: {  	_ =	shalt  }
0x6b: {  	_ =	shalt  }
0x6c: {  	_ =	shalt  }
0x6d: {  	_ =	shalt  }
0x6e: {  	_ =	shalt  }
0x6f: {  	_ =	shalt  }
0x70: {  	_ =	shalt  }
0x71: {  	_ =	shalt  }
0x72: {  	_ =	shalt  }
0x73: {  	_ =	shalt  }
0x74: {  	_ =	shalt  }
0x75: {  	_ =	shalt  }
0x76: {  	_ =	shalt  }
0x77: {  	_ =	shalt  }
0x78: {  	_ =	shalt  }
0x79: {  	_ =	shalt  }
0x7a: {  	_ =	shalt  }
0x7b: {  	_ =	shalt  }
0x7c: {  	_ =	shalt  }
0x7d: {  	_ =	shalt  }
0x7e: {  	_ =	shalt  }
0x7f: {  	_ =	shalt  }
0x80: {  	_ =	shalt  }
0x81: {  	_ =	shalt  }
0x82: {  	_ =	shalt  }
0x83: {  	_ =	shalt  }
0x84: {  	_ =	shalt  }
0x85: {  	_ =	shalt  }
0x86: {  	_ =	shalt  }
0x87: {  	_ =	shalt  }
.Lfunc_end0:
.L_simem_size_0:
called_computation.5_lowered:
.L_overlay_start_0:
0x88: {  	s2 =	sld [smem:$0x3FD9]  }
0x89: {  	s3 =	sld [smem:$0x3FFE];
	_ =	sdelay $0x1  }
0x8a: {  	s1 =	srdreg.scid  }
0x8b: {  	s0 =	sand.u32 $0x1, s1  }
0x8c: {  	s17 =	sshll.u32 s0, $0xA;
	s2 =	sadd.s32 s3, s2  }
0x8d: {  	s2 =	sadd.s32 s2, s17  }
0x8e: {  	[smem:$0x3FBF] =	sst s2  }
0x8f: {  	_ = 	snop  }
0x90: {  	s2 =	sld [smem:$0x3FD0];
	(tm) =	ssettm $0x1  }
0x91: {  	s18 =	sld [smem:$0x3FFB];
	_ =	sdelay $0x3  }
0x92: {  	_ =	strace s18  }
0x93: {  	s3 =	sld [smem:$0x3FFC];
	_ =	sdelay $0x3  }
0x94: {  	_ =	strace s3  }
0x95: {  	s3 =	sld [smem:$0x3FFD];
	_ =	sdelay $0x3  }
0x96: {  	_ =	strace s3  }
0x97: {  	_ =	strace $0x8FFFFFFF  }
0x98: {  	s19 =	sld [smem:$0x3FDB];
	_ =	sdelay $0x1  }
0x99: {  	s4 =	simm.s32 $_scs_section_size  }
0x9a: {  	s5 =	simm.s32 $_size__tile_overlayer_lowered;
	s6 =	simm.s32 $_tile_overlayer_lowered  }
0x9b: {  	s22 =	simm.s32 $0x1BFF;
	s21 =	sshll.u32 s6, $0x1;
	s3 =	sadd.s32 s4, s19  }
0x9c: {  	s7 =	simm.s32 $0x0;
	s20 =	sshll.u32 s5, $0x1;
	s5 =	sadd.s32 s21, s3  }
0x9d: {  	[timem:s7], [sflag:s22] =	dma.local [hbm:s5], s20  }
0x9e: {  	_ =	swait.ge [sflag:s22], s20  }
0x9f: {  	s4 =	ssub.s32 $0x0, s20;
	[sflag:s22] =	ssyncset.done $0x0  }
0xa0: {  	[sflag:s22] =	ssyncadd.s32 s4;
	_ =	sdelay $0x1  }
0xa1: {  	s23 =	simm.s32 $0x1B8B  }
0xa2: {  	_ =	swait.ge [sflag:s23], $0x1  }
0xa3: {  	[sflag:s23] =	ssyncset.done $0x0  }
0xa4: {  	s25 =	simm.s32 $0x1B8E;
	s24 =	sld [smem:$0x3FFE];
	[sflag:s23] =	ssyncadd.s32 $0xFFFFFFFF  }
0xa5: {  	s26 =	simm.s32 $execute0_lowered;
	[smem:$0x3FD2] =	sst s25  }
0xa6: {  	s5 =	sshll.u32 s26, $0x1;
	_ =	strace $0x80000055;
	[dreg:$0x1] =	wrdreg $0xFFFFFFFF  }
0xa7: {  	s28 =	simm.s32 $_size_execute0_lowered;
	s3 =	sadd.s32 s3, s5;
	[dreg:$0x0] =	wrdreg $0x0  }
0xa8: {  	s5 =	sshll.u32 s28, $0x1;
	[dreg:$0x2] =	wrdreg s3  }
0xa9: {  	[dreg:$0x3] =	wrdreg s5  }
0xaa: {  	[dreg:$0x4] =	wrdreg $0xC0  }
0xab: {  	_ =	task [dreg:s7], $0x5FFFF  }
0xac: {  	[dreg:$0x1] =	wrdreg $0xFFFFFFFF  }
0xad: {  	[dreg:$0x0] =	wrdreg $0x60  }
0xae: {  	[dreg:$0x2] =	wrdreg s24  }
0xaf: {  	[dreg:$0x3] =	wrdreg s2  }
0xb0: {  	[dreg:$0x4] =	wrdreg $0x9  }
0xb1: {  	_ =	task.clear_ibuf [dreg:s7], $0x5FFFF;
	_ =	strace $0x90000055  }
0xb2: {  	s29 =	simm.s32 $0x9;
	_ =	strace $0x80000057  }
0xb3: {  	_ =	swait.ge [sflag:s29], $0x1  }
0xb4: {  	[sflag:s29] =	ssyncadd.s32 $0xFFFFFFFF  }
0xb5: {  	_ =	strace $0x90000057  }
0xb6: {  	_ =	sfence  }
0xb7: {  	s30 =	sld [smem:$0x0];
	_ =	sdelay $0x2  }
0xb8: {  	s31 =	sshll.u32 s1, $0xD;
	s1 =	sshrl.u32 s1, $0x2  }
0xb9: {  	s3 =	sand.u32 $0x4000, s31;
	s1 =	sadd.s32 s1, s30  }
0xba: {  	s0 =	sor.u32 s3, s0;
	s1 =	sshll.u32 s1, $0x11  }
0xbb: {  	s0 =	sor.u32 s1, s0  }
0xbc: {  	s0 =	sadd.s32 $0x8F2B, s0  }
0xbd: {  	[sflag:s0] =	ssyncadd.remote.s32 $0x1  }
0xbe: {  	_ =	sfence.sel $0xFFFF  }
0xbf: {  	[dreg:$0x0] =	wrdreg $0xFFFFFFFF;
	(pc) =	sbr.abs _section_cstart, $3  }
0xc0: {  	[dreg:$0x1] =	wrdreg $0xFFFFFFFF  }
0xc1: {  	_ =	task.clear_ibuf [dreg:s7], $0x2FFFF;
	_ =	strace $0x9FFFFFFF  }
0xc2: {  	(tm) =	ssettm $0x7FFFFFFF  }
0xc3: {  	_ =	shalt  }
tec
execute0_lowered:
.L_overlay_start_1:
0x0: {  	(tag) =	ssettag $0x1  }
0x1: {  	s1 =	srdreg.scid  }
0x2: {  	s8 =	rddreg [dreg:$0x0];
	s0 =	stileid.u32  }
0x3: {  	s3 =	rddreg [dreg:$0x1];
	s2 =	simm.s32 $0x0;
	s6 =	sand.u32 $0x1, s1  }
0x4: {  	s5 =	sshll.u32 s0, $0x6;
	s1 =	rddreg [dreg:$0x2];
	s4 =	sshll.u32 s6, $0xA  }
0x5: {  	s7 =	simm.s32 $0x1;
	[smem:$0x7FF] =	sst s2;
	s9 =	sor.u32 s5, s4  }
0x6: {  	_ =	strace $0x80000056;
	s10 =	ssub.s32 $0x2, s6;
	s4 =	sshrl.u32 s9, $0x3  }
0x7: {  	s6 =	simm.s32 $0x40;
	s4 =	sadd.s32 s3, s4;
	s3 =	simm.s32 $0x2  }
0x8: {  	[tilespmem:s2], [sflag:$0x2] =	stream.linear.gather [hbm4b:s4+s2], $0x40, $0x38;
	[tilespmem:$0x1040] =	vst v63  }
0x9: {  	s5 =	sadd.s32 $0x6200, s8;
	s11 =	sshrl.u32 s10, $0x1;
	_ =	swait.ge [sflag:s3], $0x40  }
0xa: {  	s9 =	sshll.u32 s9, $0x3;
	s31 =	ssub.s32 s10, s11;
	[sflag:s3] =	ssyncset.done $0x0  }
0xb: {  	s8 =	sadd.s32 s9, s8;
	s9 =	smax.u32 s31, $0x1;
	[sflag:s3] =	ssyncadd.s32 $0xFFFFFFC0  }
0xc: {  	[tilespmem:s6], [sflag:$0x1] =	stream.indirect.gather [hbm4b:s5+s6], $0x40, s2, s6, $0xb8;
	[tilespmem:$0x1040] =	vst v63  }
0xd: {  	p0 =	sne.s32 s9, $0x1;
	_ =	swait.ge [sflag:s7], $0x1000  }
.Ltmp0:
0xe: {  	[sflag:s7] =	ssyncset.done $0x0;
	(pc) =	sbr.rel @!p0 .LBB2_2-.Ltmp0, $4  }
0xf: {  	s8 =	sadd.s32 $0x1A200, s8;
	[sflag:s7] =	ssyncadd.s32 $0xFFFFF000  }
0x10: {  	[hbm4b:s8+s2] =	stream.linear.scatter [tilespmem:s6], [sflag:$0x2], $0x1000, $0x38;
	[tilespmem:$0x1040] =	vst v63  }
0x11: {  	_ =	swait.ge [sflag:s3], $0x1000  }
0x12: {  	s9 =	sadd.s32 $0xFFFFFFFF, s9;
	[sflag:s3] =	ssyncset.done $0x0  }
.LBB2_1:
0x13: {  	p0 =	sne.s32 s9, $0x1;
	s9 =	sadd.s32 $0xFFFFFFFF, s9;
	[sflag:s3] =	ssyncadd.s32 $0xFFFFF000  }
0x14: {  	[tilespmem:s2], [sflag:$0x2] =	stream.linear.gather [hbm4b:s4+s2], $0x40, $0x38;
	[tilespmem:$0x1040] =	vst v63  }
0x15: {  	_ =	swait.ge [sflag:s3], $0x40  }
0x16: {  	[sflag:s3] =	ssyncset.done $0x0  }
0x17: {  	[sflag:s3] =	ssyncadd.s32 $0xFFFFFFC0  }
0x18: {  	[tilespmem:s6], [sflag:$0x1] =	stream.indirect.gather [hbm4b:s5+s6], $0x40, s2, s6, $0xb8;
	[tilespmem:$0x1040] =	vst v63  }
0x19: {  	_ =	swait.ge [sflag:s7], $0x1000  }
.Ltmp1:
0x1a: {  	[sflag:s7] =	ssyncset.done $0x0;
	(pc) =	sbr.rel @p0 .LBB2_1-.Ltmp1, $4  }
0x1b: {  	[sflag:s7] =	ssyncadd.s32 $0xFFFFF000  }
0x1c: {  	[hbm4b:s8+s2] =	stream.linear.scatter [tilespmem:s6], [sflag:$0x2], $0x1000, $0x38;
	[tilespmem:$0x1040] =	vst v63  }
0x1d: {  	_ =	swait.ge [sflag:s3], $0x1000  }
0x1e: {  	[sflag:s3] =	ssyncset.done $0x0  }
.LBB2_2:
0x1f: {  	[sflag:s3] =	ssyncadd.s32 $0xFFFFF000  }
0x20: {  	_ =	sfence.sel $0x180000  }
0x21: {  	[bflag:$0x0] =	sbarrier.arrive $0xFFFF  }
0x22: {  	p0 =	sne.s32 s0, $0x0;
	_ =	strace $0x90000056  }
0x23: {  	s0 =	sadd.s32 @!p0 $0x100000, s1;
	[bflag:$0x2] =	sbarrier.arrive $0xFFFF  }
0x24: {  	[sflag:s0] =	ssyncadd.tile.s32 @!p0 $0x1;
	_ =	shalt  }
.Lfunc_end2:
_tile_overlayer_lowered:
.L_overlay_start_2:
0x25: {  	(tag) =	ssettag $0x2  }
0x26: {  	s0 =	rddreg [dreg:$0x0];
	s2 =	stileid.u32  }
0x27: {  	s1 =	rddreg [dreg:$0x1];
	p0 =	sne.s32 s2, $0x0  }
0x28: {  	s3 =	rddreg [dreg:$0x2];
	[bflag:$0x3] =	sbarrier.arrive $0xFFFF;
	s2 =	simm.s32 @!p0 $0x1C02  }
0x29: {  	[timem:s3], [sflag:s2] =	dma.local @!p0 [hbm:s0], s1  }
0x2a: {  	s0 =	simm.s32 @!p0 $0x2  }
0x2b: {  	_ =	swait.ge @!p0 [sflag:s0], s1  }
0x2c: {  	s1 =	ssub.s32 @!p0 $0x0, s1;
	[sflag:s0] =	ssyncset.done @!p0 $0x0  }
0x2d: {  	[sflag:s0] =	ssyncadd.s32 @!p0 s1  }
0x2e: {  	[bflag:$0x3] =	sbarrier.arrive $0xFFFF  }
0x2f: {  	_ =	shalt  }

</sc_bundles>
